<compile_context>
chip_gen: v7x
topology: tpu7x:2x2x1
jax: 0.10.2.dev20260603
libtpu: 0.0.44.dev20260713+nightly
codegen_flags: <defaults>
</compile_context>

<pallas_src>
import jax
import jax.numpy as jnp
from jax import lax
from jax.experimental import pallas as pl
from jax.experimental.pallas import tpu as pltpu
from jax.experimental.pallas import tpu_sc as plsc

NUM_HYPEREDGES = 2500

_IB = 128
_K = 5
_ZR = 80


def _pad_len(n, mult):
    return ((n + mult - 1) // mult) * mult


def _make_sc_segsum(e_pad, out_rows, nc, ns, fh,
                    seg_rows=0, g_rows=0, with_degs=False,
                    table_rows=0):
    table_spmem = table_rows > 0
    blk = _K * _IB
    ppt = e_pad // ns
    chunks = ppt // blk

    mesh = plsc.VectorSubcoreMesh(core_axis_name="c", subcore_axis_name="s")

    o_stripe = out_rows // 16
    seg_stripe = seg_rows // 16 if with_degs else 0
    g_stripe = g_rows // 16 if with_degs else 0

    def body(table_hbm, gidx2_hbm, sidx2_hbm, graw2_hbm, z2d_hbm, z1d_hbm,
             ones_hbm, *refs):
        refs = list(refs)
        if with_degs:
            acc_out, segdeg_out, gdeg_out = refs[:3]
            del refs[:3]
        else:
            acc_out = refs.pop(0)
        acc_sh = refs.pop(0)
        if table_spmem:
            table_sh = refs.pop(0)
        if with_degs:
            segdeg_sh = refs.pop(0)
            gdeg_sh = refs.pop(0)
        g0_v, g1_v, s0_v, s1_v = refs[:4]
        del refs[:4]
        if with_degs:
            gr0_v, gr1_v = refs[:2]
            del refs[:2]
            grbuf = (gr0_v, gr1_v)
        r0_v, r1_v, stage_v = refs[:3]
        del refs[:3]
        if with_degs:
            stage1_v, ones_v, de_pub = refs[:3]
            del refs[:3]
        gsem0, gsem1, ssem0, ssem1 = refs
        gbuf = (g0_v, g1_v)
        sbuf = (s0_v, s1_v)
        rbuf = (r0_v, r1_v)
        gsem = (gsem0, gsem1)
        ssem = (ssem0, ssem1)
        c = lax.axis_index("c")
        s = lax.axis_index("s")
        pltpu.sync_copy(z2d_hbm.at[pl.ds(0, _ZR)], stage_v)
        for k in range(o_stripe // _ZR):
            pltpu.sync_copy(stage_v,
                            acc_sh.at[pl.ds(s * o_stripe + k * _ZR, _ZR)])
        if with_degs:
            pltpu.sync_copy(z1d_hbm.at[pl.ds(0, max(seg_stripe, g_stripe))],
                            stage1_v)
            pltpu.sync_copy(stage1_v.at[pl.ds(0, seg_stripe)],
                            segdeg_sh.at[pl.ds(s * seg_stripe, seg_stripe)])
            pltpu.sync_copy(stage1_v.at[pl.ds(0, g_stripe)],
                            gdeg_sh.at[pl.ds(s * g_stripe, g_stripe)])
            pltpu.sync_copy(ones_hbm, ones_v)
        if table_spmem:
            t_stripe = table_rows // 16
            for k in range(t_stripe // _ZR):
                pltpu.sync_copy(
                    table_hbm.at[c, pl.ds(s * t_stripe + k * _ZR, _ZR)],
                    stage_v)
                pltpu.sync_copy(
                    stage_v,
                    table_sh.at[pl.ds(s * t_stripe + k * _ZR, _ZR)])
        plsc.subcore_barrier()
        gsrc = table_sh if table_spmem else table_hbm.at[c]

        def load_and_fire(g, b):
            row0 = s * (ppt // _IB) + g * _K
            pltpu.sync_copy(gidx2_hbm.at[pl.ds(row0, _K)], gbuf[b])
            pltpu.sync_copy(sidx2_hbm.at[pl.ds(row0, _K)], sbuf[b])
            if with_degs:
                pltpu.sync_copy(graw2_hbm.at[pl.ds(row0, _K)], grbuf[b])
            for j in range(_K):
                pltpu.async_copy(gsrc.at[gbuf[b].at[j]],
                                 rbuf[b].at[pl.ds(j * _IB, _IB)], gsem[b])

        def drain_gathers(b):
            for j in range(_K):
                pltpu.make_async_copy(
                    gsrc.at[gbuf[b].at[j]],
                    rbuf[b].at[pl.ds(j * _IB, _IB)], gsem[b]).wait()

        def scatter(b):
            pend = []
            for j in range(_K):
                pend.append(pltpu.async_copy(
                    rbuf[b].at[pl.ds(j * _IB, _IB)],
                    acc_sh.at[sbuf[b].at[j]], ssem[b], add=True))
                if with_degs:
                    pend.append(pltpu.async_copy(
                        ones_v, segdeg_sh.at[sbuf[b].at[j]], ssem[b],
                        add=True))
                    pend.append(pltpu.async_copy(
                        ones_v, gdeg_sh.at[grbuf[b].at[j]], ssem[b],
                        add=True))
            for d in pend:
                d.wait()

        load_and_fire(0, 0)

        def pair(gg, carry):
            for b in range(2):
                g = 2 * gg + b
                gnext = jnp.minimum(g + 1, chunks - 1)
                load_and_fire(gnext, 1 - b)
                drain_gathers(b)
                scatter(b)
            return carry

        lax.fori_loop(0, chunks // 2, pair, 0)
        drain_gathers(0)
        plsc.subcore_barrier()
        if with_degs:
            pltpu.sync_copy(
                segdeg_sh.at[pl.ds(s * seg_stripe, seg_stripe)], de_pub)
        for k in range(o_stripe // _ZR):
            pltpu.sync_copy(
                acc_sh.at[pl.ds(s * o_stripe + k * _ZR, _ZR)], stage_v)
            if with_degs:
                def _nrow(r, carry, k=k):
                    d = de_pub[k * _ZR + r]
                    inv = 1.0 / jnp.maximum(d, 1.0)
                    for q in range(fh // 16):
                        stage_v[r, pl.ds(q * 16, 16)] = (
                            stage_v[r, pl.ds(q * 16, 16)] * inv)
                    return carry
                lax.fori_loop(0, _ZR, _nrow, 0)
            pltpu.sync_copy(
                stage_v,
                acc_out.at[c, pl.ds(s * o_stripe + k * _ZR, _ZR)])
        if with_degs:
            pltpu.sync_copy(
                segdeg_sh.at[pl.ds(s * seg_stripe, seg_stripe)],
                stage1_v.at[pl.ds(0, seg_stripe)])
            pltpu.sync_copy(
                stage1_v.at[pl.ds(0, seg_stripe)],
                segdeg_out.at[c, pl.ds(s * seg_stripe, seg_stripe)])
            pltpu.sync_copy(gdeg_sh.at[pl.ds(s * g_stripe, g_stripe)],
                            stage1_v.at[pl.ds(0, g_stripe)])
            pltpu.sync_copy(
                stage1_v.at[pl.ds(0, g_stripe)],
                gdeg_out.at[c, pl.ds(s * g_stripe, g_stripe)])

    out_type = [jax.ShapeDtypeStruct((nc, out_rows, fh), jnp.float32)]
    scratch = [pltpu.VMEM_SHARED((out_rows, fh), jnp.float32)]
    if table_spmem:
        scratch += [pltpu.VMEM_SHARED((table_rows, fh), jnp.float32)]
    if with_degs:
        out_type += [
            jax.ShapeDtypeStruct((nc, seg_rows, 16), jnp.float32),
            jax.ShapeDtypeStruct((nc, g_rows, 16), jnp.float32)]
        scratch += [pltpu.VMEM_SHARED((seg_rows, 16), jnp.float32),
                    pltpu.VMEM_SHARED((g_rows, 16), jnp.float32)]
    scratch += [pltpu.VMEM((_K, _IB), jnp.int32),
                pltpu.VMEM((_K, _IB), jnp.int32),
                pltpu.VMEM((_K, _IB), jnp.int32),
                pltpu.VMEM((_K, _IB), jnp.int32)]
    if with_degs:
        scratch += [pltpu.VMEM((_K, _IB), jnp.int32),
                    pltpu.VMEM((_K, _IB), jnp.int32)]
    scratch += [pltpu.VMEM((_K * _IB, fh), jnp.float32),
                pltpu.VMEM((_K * _IB, fh), jnp.float32),
                pltpu.VMEM((_ZR, fh), jnp.float32)]
    if with_degs:
        scratch += [
            pltpu.VMEM((max(seg_rows, g_rows) // 16, 16), jnp.float32),
            pltpu.VMEM((_IB, 16), jnp.float32),
            pltpu.VMEM((seg_rows // 16, 16), jnp.float32)]
    scratch += [pltpu.SemaphoreType.DMA, pltpu.SemaphoreType.DMA,
                pltpu.SemaphoreType.DMA, pltpu.SemaphoreType.DMA]

    return pl.kernel(body, mesh=mesh, out_type=out_type,
                     scratch_types=scratch,
                     compiler_params=pltpu.CompilerParams(
                         use_tc_tiling_on_sc=False))


def _finish_kernel(op0_ref, op1_ref, dn_ref, w_ref, b_ref, out_ref):
    inv = 1.0 / jnp.maximum(dn_ref[...], 1.0)
    x = jnp.concatenate([op0_ref[...], op1_ref[...]], axis=1) * inv
    out_ref[...] = jnp.dot(x, w_ref[...],
                           preferred_element_type=jnp.float32) + b_ref[...]


def kernel(node_features, hyperedge_index, W, b):
    n, feat = node_features.shape
    e = hyperedge_index.shape[1]
    m = NUM_HYPEREDGES

    info = plsc.get_sparse_core_info()
    nc, ns = info.num_cores, info.num_subcores
    fh = feat // nc

    n_pad = _pad_len(n + 1, 16 * _ZR)
    m_pad = _pad_len(m + 1, 16 * _ZR)
    e_pad = _pad_len(e, 2 * ns * _K * _IB)

    node_idx = hyperedge_index[0]
    hedge_idx = hyperedge_index[1]
    if e_pad != e:
        node_idx = jnp.pad(node_idx, (0, e_pad - e), constant_values=n)
        hedge_idx = jnp.pad(hedge_idx, (0, e_pad - e), constant_values=m)
    x_pad = jnp.pad(node_features, ((0, n_pad - n), (0, 0)))
    x_split = x_pad.reshape(n_pad, nc, fh).transpose(1, 0, 2)

    nidx_2d = node_idx.reshape(-1, _IB)
    hidx_2d = hedge_idx.reshape(-1, _IB)

    z2d = jnp.zeros((_ZR, fh), jnp.float32)
    z1d = jnp.zeros((max(n_pad, m_pad) // 16 + 8, 16), jnp.float32)
    ones_c = jnp.ones((_IB, 16), jnp.float32)

    seg1 = _make_sc_segsum(e_pad, m_pad, nc, ns, fh,
                           seg_rows=m_pad, g_rows=n_pad, with_degs=True)
    hp, _, dn3 = seg1(x_split, nidx_2d, hidx_2d, nidx_2d, z2d, z1d,
                      ones_c)
    dn = dn3[0, :, 0]
    hf_split = hp

    seg2 = _make_sc_segsum(e_pad, n_pad, nc, ns, fh)
    op = seg2(hf_split, hidx_2d, nidx_2d, nidx_2d[:1], z2d, z1d, ones_c)
    if isinstance(op, (list, tuple)):
        op = op[0]

    bn = 400 if n % 400 == 0 else n
    out = pl.pallas_call(
        _finish_kernel,
        grid=(n // bn,),
        in_specs=[
            pl.BlockSpec((bn, fh), lambda i: (i, 0)),
            pl.BlockSpec((bn, fh), lambda i: (i, 0)),
            pl.BlockSpec((bn, 1), lambda i: (i, 0)),
            pl.BlockSpec((feat, feat), lambda i: (0, 0)),
            pl.BlockSpec((1, feat), lambda i: (0, 0)),
        ],
        out_specs=pl.BlockSpec((bn, feat), lambda i: (i, 0)),
        out_shape=jax.ShapeDtypeStruct((n, feat), jnp.float32),
    )(op[0, :n], op[1, :n], dn[:n, None], W, b[None, :])
    return out

# --- scband reference (transcript-rebuilt; emitter-appended) ---
"""Pipeline reference for scband-heterogeneous-temporal-hypergraph-nn-50689204027485 (READ-ONLY COPY).

The authoritative reference and input builder live on the scoring server;
editing this copy changes nothing except your own understanding.
"""

import jax, jax.numpy as jnp
import numpy as np

N = 10000      # num nodes
M = 2500       # num hyperedges
E = 320000     # num (node, hyperedge) incidence pairs
D = 128        # feature dim (in_channels == out_channels)


def setup_inputs(seed: int = 0) -> dict:
    key = jax.random.key(seed)
    k1, k2, k3, k4 = jax.random.split(key, 4)
    node_features = jax.random.normal(k1, (N, D), dtype=jnp.float32)
    node_idx = jax.random.randint(k2, (E,), 0, N, dtype=jnp.int32)
    hedge_idx = jax.random.randint(k3, (E,), 0, M, dtype=jnp.int32)
    hyperedge_index = jnp.stack([node_idx, hedge_idx], axis=0)
    # learned params of the HGNN+ hypergraph convolution core
    W = jax.random.normal(k4, (D, D), dtype=jnp.float32) * (1.0 / np.sqrt(D))
    b = jnp.zeros((D,), dtype=jnp.float32)
    return {"node_features": node_features, "hyperedge_index": hyperedge_index, "W": W, "b": b}


def reference(node_features, hyperedge_index, W, b):
    """HGNN+ hypergraph convolution: node -> hyperedge aggregation, then
    hyperedge -> node propagation, with degree normalization (D^-1 H B^-1 H^T X Theta)."""
    node_idx = hyperedge_index[0]
    hedge_idx = hyperedge_index[1]
    xw = node_features @ W                                   # (N, D)
    ones = jnp.ones((node_idx.shape[0],), dtype=xw.dtype)
    de = jax.ops.segment_sum(ones, hedge_idx, num_segments=M)   # hyperedge degrees B
    dn = jax.ops.segment_sum(ones, node_idx, num_segments=N)    # node degrees D
    # node -> hyperedge (gather node msgs, scatter-add into hyperedges)
    hedge_feat = jax.ops.segment_sum(jnp.take(xw, node_idx, axis=0), hedge_idx, num_segments=M)
    hedge_feat = hedge_feat / jnp.maximum(de, 1.0)[:, None]
    # hyperedge -> node (gather hyperedge msgs, scatter-add into nodes)
    out = jax.ops.segment_sum(jnp.take(hedge_feat, hedge_idx, axis=0), node_idx, num_segments=N)
    out = out / jnp.maximum(dn, 1.0)[:, None]
    return out + b

if __name__ == "__main__":
    import jax
    _d = setup_inputs()
    print(jax.jit(kernel)(*tuple(_d.values())))

</pallas_src>

<mosaic_0001>
#map = affine_map<(d0, d1) -> (0, 0, 0)>
#map1 = affine_map<(d0, d1) -> (0, 0)>
module attributes {stable_mosaic.version = 14 : i64} {
  func.func @body(%arg0: i32, %arg1: i32, %arg2: memref<2x2560x64xf32, #tpu.memory_space<hbm>>, %arg3: memref<2560x128xi32, #tpu.memory_space<hbm>>, %arg4: memref<2560x128xi32, #tpu.memory_space<hbm>>, %arg5: memref<1x128xi32, #tpu.memory_space<hbm>>, %arg6: memref<80x64xf32, #tpu.memory_space<hbm>>, %arg7: memref<648x16xf32, #tpu.memory_space<hbm>>, %arg8: memref<128x16xf32, #tpu.memory_space<hbm>>, %arg9: memref<2x10240x64xf32, #tpu.memory_space<hbm>>, %arg10: memref<10240x64xf32, #tpu.memory_space<vmem_shared>>, %arg11: memref<5x128xi32, #tpu.memory_space<vmem>>, %arg12: memref<5x128xi32, #tpu.memory_space<vmem>>, %arg13: memref<5x128xi32, #tpu.memory_space<vmem>>, %arg14: memref<5x128xi32, #tpu.memory_space<vmem>>, %arg15: memref<640x64xf32, #tpu.memory_space<vmem>>, %arg16: memref<640x64xf32, #tpu.memory_space<vmem>>, %arg17: memref<80x64xf32, #tpu.memory_space<vmem>>, %arg18: memref<!tpu.dma_semaphore, #tpu.memory_space<semaphore_mem>>, %arg19: memref<!tpu.dma_semaphore, #tpu.memory_space<semaphore_mem>>, %arg20: memref<!tpu.dma_semaphore, #tpu.memory_space<semaphore_mem>>, %arg21: memref<!tpu.dma_semaphore, #tpu.memory_space<semaphore_mem>>) attributes {dimension_semantics = [#tpu.dimension_semantics<core_parallel>, #tpu.dimension_semantics<subcore_parallel>], iteration_bounds = array<i64: 2, 16>, scalar_prefetch = 0 : i64, scratch_operands = 12 : i64, tpu.core_type = #tpu.core_type<sc_vector_subcore>, window_params = [{transform_indices = #map}, {transform_indices = #map1}, {transform_indices = #map1}, {transform_indices = #map1}, {transform_indices = #map1}, {transform_indices = #map1}, {transform_indices = #map1}, {transform_indices = #map}]} {
    "tpu.region"() ({
      %run_scoped3A = tpu.sem_alloc : memref<!tpu.dma_semaphore, #tpu.memory_space<semaphore_mem>>
      %dma_start3A_242 = arith.constant 0 : i32
      %dma_start3A_243 = arith.constant 0 : i32
      %dma_start3A_244 = tpu.memref_slice %arg6[%dma_start3A_242, %dma_start3A_243] : memref<80x64xf32, #tpu.memory_space<hbm>> -> memref<80x64xf32, #tpu.memory_space<hbm>>
      %dma_start3A_245 = arith.constant 0 : i32
      %dma_start3A_246 = arith.constant 0 : i32
      %dma_start3A_247 = tpu.memref_slice %arg6[%dma_start3A_245, %dma_start3A_246] : memref<80x64xf32, #tpu.memory_space<hbm>> -> memref<80x64xf32, #tpu.memory_space<hbm>>
      tpu.enqueue_dma source(%dma_start3A_247 : memref<80x64xf32, #tpu.memory_space<hbm>>) target(%arg17 : memref<80x64xf32, #tpu.memory_space<vmem>>) target_semaphore(%run_scoped3A : memref<!tpu.dma_semaphore, #tpu.memory_space<semaphore_mem>>)
      %dma_wait3A_248 = arith.constant 0 : i32
      %dma_wait3A_249 = arith.constant 0 : i32
      %dma_wait3A_250 = tpu.memref_slice %arg6[%dma_wait3A_248, %dma_wait3A_249] : memref<80x64xf32, #tpu.memory_space<hbm>> -> memref<80x64xf32, #tpu.memory_space<hbm>>
      %dma_wait3A_251 = arith.constant 0 : i32
      %dma_wait3A_252 = arith.constant 0 : i32
      %dma_wait3A_253 = tpu.memref_slice %arg6[%dma_wait3A_251, %dma_wait3A_252] : memref<80x64xf32, #tpu.memory_space<hbm>> -> memref<80x64xf32, #tpu.memory_space<hbm>>
      tpu.wait_dma2 semaphore(%run_scoped3A : memref<!tpu.dma_semaphore, #tpu.memory_space<semaphore_mem>>) src(%dma_wait3A_253 : memref<80x64xf32, #tpu.memory_space<hbm>>) dst(%arg17 : memref<80x64xf32, #tpu.memory_space<vmem>>)
      tpu.yield
    }) : () -> ()
    %mul3A = arith.constant 640 : i32
    %mul3A_0 = arith.muli %arg1, %mul3A : i32
    %add3A = arith.constant 0 : i32
    %add3A_1 = arith.addi %mul3A_0, %add3A : i32
    "tpu.region"() ({
      %run_scoped3A = tpu.sem_alloc : memref<!tpu.dma_semaphore, #tpu.memory_space<semaphore_mem>>
      %dma_start3A_242 = arith.constant 0 : i32
      %dma_start3A_243 = tpu.memref_slice %arg10[%add3A_1, %dma_start3A_242] : memref<10240x64xf32, #tpu.memory_space<vmem_shared>> -> memref<80x64xf32, #tpu.memory_space<vmem_shared>>
      %dma_start3A_244 = arith.constant 0 : i32
      %dma_start3A_245 = tpu.memref_slice %arg10[%add3A_1, %dma_start3A_244] : memref<10240x64xf32, #tpu.memory_space<vmem_shared>> -> memref<80x64xf32, #tpu.memory_space<vmem_shared>>
      tpu.enqueue_dma source(%arg17 : memref<80x64xf32, #tpu.memory_space<vmem>>) target(%dma_start3A_245 : memref<80x64xf32, #tpu.memory_space<vmem_shared>>) target_semaphore(%run_scoped3A : memref<!tpu.dma_semaphore, #tpu.memory_space<semaphore_mem>>)
      %dma_wait3A_246 = arith.constant 0 : i32
      %dma_wait3A_247 = tpu.memref_slice %arg10[%add3A_1, %dma_wait3A_246] : memref<10240x64xf32, #tpu.memory_space<vmem_shared>> -> memref<80x64xf32, #tpu.memory_space<vmem_shared>>
      %dma_wait3A_248 = arith.constant 0 : i32
      %dma_wait3A_249 = tpu.memref_slice %arg10[%add3A_1, %dma_wait3A_248] : memref<10240x64xf32, #tpu.memory_space<vmem_shared>> -> memref<80x64xf32, #tpu.memory_space<vmem_shared>>
      tpu.wait_dma2 semaphore(%run_scoped3A : memref<!tpu.dma_semaphore, #tpu.memory_space<semaphore_mem>>) src(%arg17 : memref<80x64xf32, #tpu.memory_space<vmem>>) dst(%dma_wait3A_249 : memref<80x64xf32, #tpu.memory_space<vmem_shared>>)
      tpu.yield
    }) : () -> ()
    %mul3A_2 = arith.constant 640 : i32
    %mul3A_3 = arith.muli %arg1, %mul3A_2 : i32
    %add3A_4 = arith.constant 80 : i32
    %add3A_5 = arith.addi %mul3A_3, %add3A_4 : i32
    "tpu.region"() ({
      %run_scoped3A = tpu.sem_alloc : memref<!tpu.dma_semaphore, #tpu.memory_space<semaphore_mem>>
      %dma_start3A_242 = arith.constant 0 : i32
      %dma_start3A_243 = tpu.memref_slice %arg10[%add3A_5, %dma_start3A_242] : memref<10240x64xf32, #tpu.memory_space<vmem_shared>> -> memref<80x64xf32, #tpu.memory_space<vmem_shared>>
      %dma_start3A_244 = arith.constant 0 : i32
      %dma_start3A_245 = tpu.memref_slice %arg10[%add3A_5, %dma_start3A_244] : memref<10240x64xf32, #tpu.memory_space<vmem_shared>> -> memref<80x64xf32, #tpu.memory_space<vmem_shared>>
      tpu.enqueue_dma source(%arg17 : memref<80x64xf32, #tpu.memory_space<vmem>>) target(%dma_start3A_245 : memref<80x64xf32, #tpu.memory_space<vmem_shared>>) target_semaphore(%run_scoped3A : memref<!tpu.dma_semaphore, #tpu.memory_space<semaphore_mem>>)
      %dma_wait3A_246 = arith.constant 0 : i32
      %dma_wait3A_247 = tpu.memref_slice %arg10[%add3A_5, %dma_wait3A_246] : memref<10240x64xf32, #tpu.memory_space<vmem_shared>> -> memref<80x64xf32, #tpu.memory_space<vmem_shared>>
      %dma_wait3A_248 = arith.constant 0 : i32
      %dma_wait3A_249 = tpu.memref_slice %arg10[%add3A_5, %dma_wait3A_248] : memref<10240x64xf32, #tpu.memory_space<vmem_shared>> -> memref<80x64xf32, #tpu.memory_space<vmem_shared>>
      tpu.wait_dma2 semaphore(%run_scoped3A : memref<!tpu.dma_semaphore, #tpu.memory_space<semaphore_mem>>) src(%arg17 : memref<80x64xf32, #tpu.memory_space<vmem>>) dst(%dma_wait3A_249 : memref<80x64xf32, #tpu.memory_space<vmem_shared>>)
      tpu.yield
    }) : () -> ()
    %mul3A_6 = arith.constant 640 : i32
    %mul3A_7 = arith.muli %arg1, %mul3A_6 : i32
    %add3A_8 = arith.constant 160 : i32
    %add3A_9 = arith.addi %mul3A_7, %add3A_8 : i32
    "tpu.region"() ({
      %run_scoped3A = tpu.sem_alloc : memref<!tpu.dma_semaphore, #tpu.memory_space<semaphore_mem>>
      %dma_start3A_242 = arith.constant 0 : i32
      %dma_start3A_243 = tpu.memref_slice %arg10[%add3A_9, %dma_start3A_242] : memref<10240x64xf32, #tpu.memory_space<vmem_shared>> -> memref<80x64xf32, #tpu.memory_space<vmem_shared>>
      %dma_start3A_244 = arith.constant 0 : i32
      %dma_start3A_245 = tpu.memref_slice %arg10[%add3A_9, %dma_start3A_244] : memref<10240x64xf32, #tpu.memory_space<vmem_shared>> -> memref<80x64xf32, #tpu.memory_space<vmem_shared>>
      tpu.enqueue_dma source(%arg17 : memref<80x64xf32, #tpu.memory_space<vmem>>) target(%dma_start3A_245 : memref<80x64xf32, #tpu.memory_space<vmem_shared>>) target_semaphore(%run_scoped3A : memref<!tpu.dma_semaphore, #tpu.memory_space<semaphore_mem>>)
      %dma_wait3A_246 = arith.constant 0 : i32
      %dma_wait3A_247 = tpu.memref_slice %arg10[%add3A_9, %dma_wait3A_246] : memref<10240x64xf32, #tpu.memory_space<vmem_shared>> -> memref<80x64xf32, #tpu.memory_space<vmem_shared>>
      %dma_wait3A_248 = arith.constant 0 : i32
      %dma_wait3A_249 = tpu.memref_slice %arg10[%add3A_9, %dma_wait3A_248] : memref<10240x64xf32, #tpu.memory_space<vmem_shared>> -> memref<80x64xf32, #tpu.memory_space<vmem_shared>>
      tpu.wait_dma2 semaphore(%run_scoped3A : memref<!tpu.dma_semaphore, #tpu.memory_space<semaphore_mem>>) src(%arg17 : memref<80x64xf32, #tpu.memory_space<vmem>>) dst(%dma_wait3A_249 : memref<80x64xf32, #tpu.memory_space<vmem_shared>>)
      tpu.yield
    }) : () -> ()
    %mul3A_10 = arith.constant 640 : i32
    %mul3A_11 = arith.muli %arg1, %mul3A_10 : i32
    %add3A_12 = arith.constant 240 : i32
    %add3A_13 = arith.addi %mul3A_11, %add3A_12 : i32
    "tpu.region"() ({
      %run_scoped3A = tpu.sem_alloc : memref<!tpu.dma_semaphore, #tpu.memory_space<semaphore_mem>>
      %dma_start3A_242 = arith.constant 0 : i32
      %dma_start3A_243 = tpu.memref_slice %arg10[%add3A_13, %dma_start3A_242] : memref<10240x64xf32, #tpu.memory_space<vmem_shared>> -> memref<80x64xf32, #tpu.memory_space<vmem_shared>>
      %dma_start3A_244 = arith.constant 0 : i32
      %dma_start3A_245 = tpu.memref_slice %arg10[%add3A_13, %dma_start3A_244] : memref<10240x64xf32, #tpu.memory_space<vmem_shared>> -> memref<80x64xf32, #tpu.memory_space<vmem_shared>>
      tpu.enqueue_dma source(%arg17 : memref<80x64xf32, #tpu.memory_space<vmem>>) target(%dma_start3A_245 : memref<80x64xf32, #tpu.memory_space<vmem_shared>>) target_semaphore(%run_scoped3A : memref<!tpu.dma_semaphore, #tpu.memory_space<semaphore_mem>>)
      %dma_wait3A_246 = arith.constant 0 : i32
      %dma_wait3A_247 = tpu.memref_slice %arg10[%add3A_13, %dma_wait3A_246] : memref<10240x64xf32, #tpu.memory_space<vmem_shared>> -> memref<80x64xf32, #tpu.memory_space<vmem_shared>>
      %dma_wait3A_248 = arith.constant 0 : i32
      %dma_wait3A_249 = tpu.memref_slice %arg10[%add3A_13, %dma_wait3A_248] : memref<10240x64xf32, #tpu.memory_space<vmem_shared>> -> memref<80x64xf32, #tpu.memory_space<vmem_shared>>
      tpu.wait_dma2 semaphore(%run_scoped3A : memref<!tpu.dma_semaphore, #tpu.memory_space<semaphore_mem>>) src(%arg17 : memref<80x64xf32, #tpu.memory_space<vmem>>) dst(%dma_wait3A_249 : memref<80x64xf32, #tpu.memory_space<vmem_shared>>)
      tpu.yield
    }) : () -> ()
    %mul3A_14 = arith.constant 640 : i32
    %mul3A_15 = arith.muli %arg1, %mul3A_14 : i32
    %add3A_16 = arith.constant 320 : i32
    %add3A_17 = arith.addi %mul3A_15, %add3A_16 : i32
    "tpu.region"() ({
      %run_scoped3A = tpu.sem_alloc : memref<!tpu.dma_semaphore, #tpu.memory_space<semaphore_mem>>
      %dma_start3A_242 = arith.constant 0 : i32
      %dma_start3A_243 = tpu.memref_slice %arg10[%add3A_17, %dma_start3A_242] : memref<10240x64xf32, #tpu.memory_space<vmem_shared>> -> memref<80x64xf32, #tpu.memory_space<vmem_shared>>
      %dma_start3A_244 = arith.constant 0 : i32
      %dma_start3A_245 = tpu.memref_slice %arg10[%add3A_17, %dma_start3A_244] : memref<10240x64xf32, #tpu.memory_space<vmem_shared>> -> memref<80x64xf32, #tpu.memory_space<vmem_shared>>
      tpu.enqueue_dma source(%arg17 : memref<80x64xf32, #tpu.memory_space<vmem>>) target(%dma_start3A_245 : memref<80x64xf32, #tpu.memory_space<vmem_shared>>) target_semaphore(%run_scoped3A : memref<!tpu.dma_semaphore, #tpu.memory_space<semaphore_mem>>)
      %dma_wait3A_246 = arith.constant 0 : i32
      %dma_wait3A_247 = tpu.memref_slice %arg10[%add3A_17, %dma_wait3A_246] : memref<10240x64xf32, #tpu.memory_space<vmem_shared>> -> memref<80x64xf32, #tpu.memory_space<vmem_shared>>
      %dma_wait3A_248 = arith.constant 0 : i32
      %dma_wait3A_249 = tpu.memref_slice %arg10[%add3A_17, %dma_wait3A_248] : memref<10240x64xf32, #tpu.memory_space<vmem_shared>> -> memref<80x64xf32, #tpu.memory_space<vmem_shared>>
      tpu.wait_dma2 semaphore(%run_scoped3A : memref<!tpu.dma_semaphore, #tpu.memory_space<semaphore_mem>>) src(%arg17 : memref<80x64xf32, #tpu.memory_space<vmem>>) dst(%dma_wait3A_249 : memref<80x64xf32, #tpu.memory_space<vmem_shared>>)
      tpu.yield
    }) : () -> ()
    %mul3A_18 = arith.constant 640 : i32
    %mul3A_19 = arith.muli %arg1, %mul3A_18 : i32
    %add3A_20 = arith.constant 400 : i32
    %add3A_21 = arith.addi %mul3A_19, %add3A_20 : i32
    "tpu.region"() ({
      %run_scoped3A = tpu.sem_alloc : memref<!tpu.dma_semaphore, #tpu.memory_space<semaphore_mem>>
      %dma_start3A_242 = arith.constant 0 : i32
      %dma_start3A_243 = tpu.memref_slice %arg10[%add3A_21, %dma_start3A_242] : memref<10240x64xf32, #tpu.memory_space<vmem_shared>> -> memref<80x64xf32, #tpu.memory_space<vmem_shared>>
      %dma_start3A_244 = arith.constant 0 : i32
      %dma_start3A_245 = tpu.memref_slice %arg10[%add3A_21, %dma_start3A_244] : memref<10240x64xf32, #tpu.memory_space<vmem_shared>> -> memref<80x64xf32, #tpu.memory_space<vmem_shared>>
      tpu.enqueue_dma source(%arg17 : memref<80x64xf32, #tpu.memory_space<vmem>>) target(%dma_start3A_245 : memref<80x64xf32, #tpu.memory_space<vmem_shared>>) target_semaphore(%run_scoped3A : memref<!tpu.dma_semaphore, #tpu.memory_space<semaphore_mem>>)
      %dma_wait3A_246 = arith.constant 0 : i32
      %dma_wait3A_247 = tpu.memref_slice %arg10[%add3A_21, %dma_wait3A_246] : memref<10240x64xf32, #tpu.memory_space<vmem_shared>> -> memref<80x64xf32, #tpu.memory_space<vmem_shared>>
      %dma_wait3A_248 = arith.constant 0 : i32
      %dma_wait3A_249 = tpu.memref_slice %arg10[%add3A_21, %dma_wait3A_248] : memref<10240x64xf32, #tpu.memory_space<vmem_shared>> -> memref<80x64xf32, #tpu.memory_space<vmem_shared>>
      tpu.wait_dma2 semaphore(%run_scoped3A : memref<!tpu.dma_semaphore, #tpu.memory_space<semaphore_mem>>) src(%arg17 : memref<80x64xf32, #tpu.memory_space<vmem>>) dst(%dma_wait3A_249 : memref<80x64xf32, #tpu.memory_space<vmem_shared>>)
      tpu.yield
    }) : () -> ()
    %mul3A_22 = arith.constant 640 : i32
    %mul3A_23 = arith.muli %arg1, %mul3A_22 : i32
    %add3A_24 = arith.constant 480 : i32
    %add3A_25 = arith.addi %mul3A_23, %add3A_24 : i32
    "tpu.region"() ({
      %run_scoped3A = tpu.sem_alloc : memref<!tpu.dma_semaphore, #tpu.memory_space<semaphore_mem>>
      %dma_start3A_242 = arith.constant 0 : i32
      %dma_start3A_243 = tpu.memref_slice %arg10[%add3A_25, %dma_start3A_242] : memref<10240x64xf32, #tpu.memory_space<vmem_shared>> -> memref<80x64xf32, #tpu.memory_space<vmem_shared>>
      %dma_start3A_244 = arith.constant 0 : i32
      %dma_start3A_245 = tpu.memref_slice %arg10[%add3A_25, %dma_start3A_244] : memref<10240x64xf32, #tpu.memory_space<vmem_shared>> -> memref<80x64xf32, #tpu.memory_space<vmem_shared>>
      tpu.enqueue_dma source(%arg17 : memref<80x64xf32, #tpu.memory_space<vmem>>) target(%dma_start3A_245 : memref<80x64xf32, #tpu.memory_space<vmem_shared>>) target_semaphore(%run_scoped3A : memref<!tpu.dma_semaphore, #tpu.memory_space<semaphore_mem>>)
      %dma_wait3A_246 = arith.constant 0 : i32
      %dma_wait3A_247 = tpu.memref_slice %arg10[%add3A_25, %dma_wait3A_246] : memref<10240x64xf32, #tpu.memory_space<vmem_shared>> -> memref<80x64xf32, #tpu.memory_space<vmem_shared>>
      %dma_wait3A_248 = arith.constant 0 : i32
      %dma_wait3A_249 = tpu.memref_slice %arg10[%add3A_25, %dma_wait3A_248] : memref<10240x64xf32, #tpu.memory_space<vmem_shared>> -> memref<80x64xf32, #tpu.memory_space<vmem_shared>>
      tpu.wait_dma2 semaphore(%run_scoped3A : memref<!tpu.dma_semaphore, #tpu.memory_space<semaphore_mem>>) src(%arg17 : memref<80x64xf32, #tpu.memory_space<vmem>>) dst(%dma_wait3A_249 : memref<80x64xf32, #tpu.memory_space<vmem_shared>>)
      tpu.yield
    }) : () -> ()
    %mul3A_26 = arith.constant 640 : i32
    %mul3A_27 = arith.muli %arg1, %mul3A_26 : i32
    %add3A_28 = arith.constant 560 : i32
    %add3A_29 = arith.addi %mul3A_27, %add3A_28 : i32
    "tpu.region"() ({
      %run_scoped3A = tpu.sem_alloc : memref<!tpu.dma_semaphore, #tpu.memory_space<semaphore_mem>>
      %dma_start3A_242 = arith.constant 0 : i32
      %dma_start3A_243 = tpu.memref_slice %arg10[%add3A_29, %dma_start3A_242] : memref<10240x64xf32, #tpu.memory_space<vmem_shared>> -> memref<80x64xf32, #tpu.memory_space<vmem_shared>>
      %dma_start3A_244 = arith.constant 0 : i32
      %dma_start3A_245 = tpu.memref_slice %arg10[%add3A_29, %dma_start3A_244] : memref<10240x64xf32, #tpu.memory_space<vmem_shared>> -> memref<80x64xf32, #tpu.memory_space<vmem_shared>>
      tpu.enqueue_dma source(%arg17 : memref<80x64xf32, #tpu.memory_space<vmem>>) target(%dma_start3A_245 : memref<80x64xf32, #tpu.memory_space<vmem_shared>>) target_semaphore(%run_scoped3A : memref<!tpu.dma_semaphore, #tpu.memory_space<semaphore_mem>>)
      %dma_wait3A_246 = arith.constant 0 : i32
      %dma_wait3A_247 = tpu.memref_slice %arg10[%add3A_29, %dma_wait3A_246] : memref<10240x64xf32, #tpu.memory_space<vmem_shared>> -> memref<80x64xf32, #tpu.memory_space<vmem_shared>>
      %dma_wait3A_248 = arith.constant 0 : i32
      %dma_wait3A_249 = tpu.memref_slice %arg10[%add3A_29, %dma_wait3A_248] : memref<10240x64xf32, #tpu.memory_space<vmem_shared>> -> memref<80x64xf32, #tpu.memory_space<vmem_shared>>
      tpu.wait_dma2 semaphore(%run_scoped3A : memref<!tpu.dma_semaphore, #tpu.memory_space<semaphore_mem>>) src(%arg17 : memref<80x64xf32, #tpu.memory_space<vmem>>) dst(%dma_wait3A_249 : memref<80x64xf32, #tpu.memory_space<vmem_shared>>)
      tpu.yield
    }) : () -> ()
    %barrier3A = arith.constant 0 : index
    tpu.barrier barrier_id(%barrier3A)
    %mul3A_30 = arith.constant 160 : i32
    %mul3A_31 = arith.muli %arg1, %mul3A_30 : i32
    %add3A_32 = arith.constant 0 : i32
    %add3A_33 = arith.addi %mul3A_31, %add3A_32 : i32
    "tpu.region"() ({
      %run_scoped3A = tpu.sem_alloc : memref<!tpu.dma_semaphore, #tpu.memory_space<semaphore_mem>>
      %dma_start3A_242 = arith.constant 0 : i32
      %dma_start3A_243 = tpu.memref_slice %arg3[%add3A_33, %dma_start3A_242] : memref<2560x128xi32, #tpu.memory_space<hbm>> -> memref<5x128xi32, #tpu.memory_space<hbm>>
      %dma_start3A_244 = arith.constant 0 : i32
      %dma_start3A_245 = tpu.memref_slice %arg3[%add3A_33, %dma_start3A_244] : memref<2560x128xi32, #tpu.memory_space<hbm>> -> memref<5x128xi32, #tpu.memory_space<hbm>>
      tpu.enqueue_dma source(%dma_start3A_245 : memref<5x128xi32, #tpu.memory_space<hbm>>) target(%arg11 : memref<5x128xi32, #tpu.memory_space<vmem>>) target_semaphore(%run_scoped3A : memref<!tpu.dma_semaphore, #tpu.memory_space<semaphore_mem>>)
      %dma_wait3A_246 = arith.constant 0 : i32
      %dma_wait3A_247 = tpu.memref_slice %arg3[%add3A_33, %dma_wait3A_246] : memref<2560x128xi32, #tpu.memory_space<hbm>> -> memref<5x128xi32, #tpu.memory_space<hbm>>
      %dma_wait3A_248 = arith.constant 0 : i32
      %dma_wait3A_249 = tpu.memref_slice %arg3[%add3A_33, %dma_wait3A_248] : memref<2560x128xi32, #tpu.memory_space<hbm>> -> memref<5x128xi32, #tpu.memory_space<hbm>>
      tpu.wait_dma2 semaphore(%run_scoped3A : memref<!tpu.dma_semaphore, #tpu.memory_space<semaphore_mem>>) src(%dma_wait3A_249 : memref<5x128xi32, #tpu.memory_space<hbm>>) dst(%arg11 : memref<5x128xi32, #tpu.memory_space<vmem>>)
      tpu.yield
    }) : () -> ()
    "tpu.region"() ({
      %run_scoped3A = tpu.sem_alloc : memref<!tpu.dma_semaphore, #tpu.memory_space<semaphore_mem>>
      %dma_start3A_242 = arith.constant 0 : i32
      %dma_start3A_243 = tpu.memref_slice %arg4[%add3A_33, %dma_start3A_242] : memref<2560x128xi32, #tpu.memory_space<hbm>> -> memref<5x128xi32, #tpu.memory_space<hbm>>
      %dma_start3A_244 = arith.constant 0 : i32
      %dma_start3A_245 = tpu.memref_slice %arg4[%add3A_33, %dma_start3A_244] : memref<2560x128xi32, #tpu.memory_space<hbm>> -> memref<5x128xi32, #tpu.memory_space<hbm>>
      tpu.enqueue_dma source(%dma_start3A_245 : memref<5x128xi32, #tpu.memory_space<hbm>>) target(%arg13 : memref<5x128xi32, #tpu.memory_space<vmem>>) target_semaphore(%run_scoped3A : memref<!tpu.dma_semaphore, #tpu.memory_space<semaphore_mem>>)
      %dma_wait3A_246 = arith.constant 0 : i32
      %dma_wait3A_247 = tpu.memref_slice %arg4[%add3A_33, %dma_wait3A_246] : memref<2560x128xi32, #tpu.memory_space<hbm>> -> memref<5x128xi32, #tpu.memory_space<hbm>>
      %dma_wait3A_248 = arith.constant 0 : i32
      %dma_wait3A_249 = tpu.memref_slice %arg4[%add3A_33, %dma_wait3A_248] : memref<2560x128xi32, #tpu.memory_space<hbm>> -> memref<5x128xi32, #tpu.memory_space<hbm>>
      tpu.wait_dma2 semaphore(%run_scoped3A : memref<!tpu.dma_semaphore, #tpu.memory_space<semaphore_mem>>) src(%dma_wait3A_249 : memref<5x128xi32, #tpu.memory_space<hbm>>) dst(%arg13 : memref<5x128xi32, #tpu.memory_space<vmem>>)
      tpu.yield
    }) : () -> ()
    %dma_start3A = arith.constant 0 : i32
    %dma_start3A_34 = arith.constant 0 : i32
    %dma_start3A_35 = arith.constant 0 : i32
    %dma_start3A_36 = tpu.memref_slice %arg15[%dma_start3A_34, %dma_start3A_35] : memref<640x64xf32, #tpu.memory_space<vmem>> -> memref<128x64xf32, #tpu.memory_space<vmem>>
    %dma_start3A_37 = arith.constant 0 : i32
    %dma_start3A_38 = tpu.memref_slice %arg11[%dma_start3A, %dma_start3A_37] : memref<5x128xi32, #tpu.memory_space<vmem>> -> memref<1x128xi32, #tpu.memory_space<vmem>>
    %dma_start3A_39 = tpu.memref_squeeze %dma_start3A_38 : memref<1x128xi32, #tpu.memory_space<vmem>> -> memref<128xi32, #tpu.memory_space<vmem>>
    %dma_start3A_40 = arith.constant 0 : i32
    %dma_start3A_41 = arith.constant 0 : i32
    %dma_start3A_42 = tpu.memref_slice %arg2[%arg0, %dma_start3A_40, %dma_start3A_41] : memref<2x2560x64xf32, #tpu.memory_space<hbm>> -> memref<1x2560x64xf32, #tpu.memory_space<hbm>>
    %dma_start3A_43 = tpu.memref_squeeze %dma_start3A_42 : memref<1x2560x64xf32, #tpu.memory_space<hbm>> -> memref<2560x64xf32, #tpu.memory_space<hbm>>
    %dma_start3A_44 = arith.constant 0 : i32
    %dma_start3A_45 = arith.constant 0 : i32
    %dma_start3A_46 = tpu.memref_slice %dma_start3A_43[%dma_start3A_44, %dma_start3A_45] : memref<2560x64xf32, #tpu.memory_space<hbm>> -> memref<2560x64xf32, #tpu.memory_space<hbm>>
    tpu.enqueue_indirect_dma source(%dma_start3A_46 : memref<2560x64xf32, #tpu.memory_space<hbm>>) target(%dma_start3A_36 : memref<128x64xf32, #tpu.memory_space<vmem>>) offsets(%dma_start3A_39 : memref<128xi32, #tpu.memory_space<vmem>>) semaphore(%arg18 : memref<!tpu.dma_semaphore, #tpu.memory_space<semaphore_mem>>)
    %dma_start3A_47 = arith.constant 1 : i32
    %dma_start3A_48 = arith.constant 128 : i32
    %dma_start3A_49 = arith.constant 0 : i32
    %dma_start3A_50 = tpu.memref_slice %arg15[%dma_start3A_48, %dma_start3A_49] : memref<640x64xf32, #tpu.memory_space<vmem>> -> memref<128x64xf32, #tpu.memory_space<vmem>>
    %dma_start3A_51 = arith.constant 0 : i32
    %dma_start3A_52 = tpu.memref_slice %arg11[%dma_start3A_47, %dma_start3A_51] : memref<5x128xi32, #tpu.memory_space<vmem>> -> memref<1x128xi32, #tpu.memory_space<vmem>>
    %dma_start3A_53 = tpu.memref_squeeze %dma_start3A_52 : memref<1x128xi32, #tpu.memory_space<vmem>> -> memref<128xi32, #tpu.memory_space<vmem>>
    %dma_start3A_54 = arith.constant 0 : i32
    %dma_start3A_55 = arith.constant 0 : i32
    %dma_start3A_56 = tpu.memref_slice %arg2[%arg0, %dma_start3A_54, %dma_start3A_55] : memref<2x2560x64xf32, #tpu.memory_space<hbm>> -> memref<1x2560x64xf32, #tpu.memory_space<hbm>>
    %dma_start3A_57 = tpu.memref_squeeze %dma_start3A_56 : memref<1x2560x64xf32, #tpu.memory_space<hbm>> -> memref<2560x64xf32, #tpu.memory_space<hbm>>
    %dma_start3A_58 = arith.constant 0 : i32
    %dma_start3A_59 = arith.constant 0 : i32
    %dma_start3A_60 = tpu.memref_slice %dma_start3A_57[%dma_start3A_58, %dma_start3A_59] : memref<2560x64xf32, #tpu.memory_space<hbm>> -> memref<2560x64xf32, #tpu.memory_space<hbm>>
    tpu.enqueue_indirect_dma source(%dma_start3A_60 : memref<2560x64xf32, #tpu.memory_space<hbm>>) target(%dma_start3A_50 : memref<128x64xf32, #tpu.memory_space<vmem>>) offsets(%dma_start3A_53 : memref<128xi32, #tpu.memory_space<vmem>>) semaphore(%arg18 : memref<!tpu.dma_semaphore, #tpu.memory_space<semaphore_mem>>)
    %dma_start3A_61 = arith.constant 2 : i32
    %dma_start3A_62 = arith.constant 256 : i32
    %dma_start3A_63 = arith.constant 0 : i32
    %dma_start3A_64 = tpu.memref_slice %arg15[%dma_start3A_62, %dma_start3A_63] : memref<640x64xf32, #tpu.memory_space<vmem>> -> memref<128x64xf32, #tpu.memory_space<vmem>>
    %dma_start3A_65 = arith.constant 0 : i32
    %dma_start3A_66 = tpu.memref_slice %arg11[%dma_start3A_61, %dma_start3A_65] : memref<5x128xi32, #tpu.memory_space<vmem>> -> memref<1x128xi32, #tpu.memory_space<vmem>>
    %dma_start3A_67 = tpu.memref_squeeze %dma_start3A_66 : memref<1x128xi32, #tpu.memory_space<vmem>> -> memref<128xi32, #tpu.memory_space<vmem>>
    %dma_start3A_68 = arith.constant 0 : i32
    %dma_start3A_69 = arith.constant 0 : i32
    %dma_start3A_70 = tpu.memref_slice %arg2[%arg0, %dma_start3A_68, %dma_start3A_69] : memref<2x2560x64xf32, #tpu.memory_space<hbm>> -> memref<1x2560x64xf32, #tpu.memory_space<hbm>>
    %dma_start3A_71 = tpu.memref_squeeze %dma_start3A_70 : memref<1x2560x64xf32, #tpu.memory_space<hbm>> -> memref<2560x64xf32, #tpu.memory_space<hbm>>
    %dma_start3A_72 = arith.constant 0 : i32
    %dma_start3A_73 = arith.constant 0 : i32
    %dma_start3A_74 = tpu.memref_slice %dma_start3A_71[%dma_start3A_72, %dma_start3A_73] : memref<2560x64xf32, #tpu.memory_space<hbm>> -> memref<2560x64xf32, #tpu.memory_space<hbm>>
    tpu.enqueue_indirect_dma source(%dma_start3A_74 : memref<2560x64xf32, #tpu.memory_space<hbm>>) target(%dma_start3A_64 : memref<128x64xf32, #tpu.memory_space<vmem>>) offsets(%dma_start3A_67 : memref<128xi32, #tpu.memory_space<vmem>>) semaphore(%arg18 : memref<!tpu.dma_semaphore, #tpu.memory_space<semaphore_mem>>)
    %dma_start3A_75 = arith.constant 3 : i32
    %dma_start3A_76 = arith.constant 384 : i32
    %dma_start3A_77 = arith.constant 0 : i32
    %dma_start3A_78 = tpu.memref_slice %arg15[%dma_start3A_76, %dma_start3A_77] : memref<640x64xf32, #tpu.memory_space<vmem>> -> memref<128x64xf32, #tpu.memory_space<vmem>>
    %dma_start3A_79 = arith.constant 0 : i32
    %dma_start3A_80 = tpu.memref_slice %arg11[%dma_start3A_75, %dma_start3A_79] : memref<5x128xi32, #tpu.memory_space<vmem>> -> memref<1x128xi32, #tpu.memory_space<vmem>>
    %dma_start3A_81 = tpu.memref_squeeze %dma_start3A_80 : memref<1x128xi32, #tpu.memory_space<vmem>> -> memref<128xi32, #tpu.memory_space<vmem>>
    %dma_start3A_82 = arith.constant 0 : i32
    %dma_start3A_83 = arith.constant 0 : i32
    %dma_start3A_84 = tpu.memref_slice %arg2[%arg0, %dma_start3A_82, %dma_start3A_83] : memref<2x2560x64xf32, #tpu.memory_space<hbm>> -> memref<1x2560x64xf32, #tpu.memory_space<hbm>>
    %dma_start3A_85 = tpu.memref_squeeze %dma_start3A_84 : memref<1x2560x64xf32, #tpu.memory_space<hbm>> -> memref<2560x64xf32, #tpu.memory_space<hbm>>
    %dma_start3A_86 = arith.constant 0 : i32
    %dma_start3A_87 = arith.constant 0 : i32
    %dma_start3A_88 = tpu.memref_slice %dma_start3A_85[%dma_start3A_86, %dma_start3A_87] : memref<2560x64xf32, #tpu.memory_space<hbm>> -> memref<2560x64xf32, #tpu.memory_space<hbm>>
    tpu.enqueue_indirect_dma source(%dma_start3A_88 : memref<2560x64xf32, #tpu.memory_space<hbm>>) target(%dma_start3A_78 : memref<128x64xf32, #tpu.memory_space<vmem>>) offsets(%dma_start3A_81 : memref<128xi32, #tpu.memory_space<vmem>>) semaphore(%arg18 : memref<!tpu.dma_semaphore, #tpu.memory_space<semaphore_mem>>)
    %dma_start3A_89 = arith.constant 4 : i32
    %dma_start3A_90 = arith.constant 512 : i32
    %dma_start3A_91 = arith.constant 0 : i32
    %dma_start3A_92 = tpu.memref_slice %arg15[%dma_start3A_90, %dma_start3A_91] : memref<640x64xf32, #tpu.memory_space<vmem>> -> memref<128x64xf32, #tpu.memory_space<vmem>>
    %dma_start3A_93 = arith.constant 0 : i32
    %dma_start3A_94 = tpu.memref_slice %arg11[%dma_start3A_89, %dma_start3A_93] : memref<5x128xi32, #tpu.memory_space<vmem>> -> memref<1x128xi32, #tpu.memory_space<vmem>>
    %dma_start3A_95 = tpu.memref_squeeze %dma_start3A_94 : memref<1x128xi32, #tpu.memory_space<vmem>> -> memref<128xi32, #tpu.memory_space<vmem>>
    %dma_start3A_96 = arith.constant 0 : i32
    %dma_start3A_97 = arith.constant 0 : i32
    %dma_start3A_98 = tpu.memref_slice %arg2[%arg0, %dma_start3A_96, %dma_start3A_97] : memref<2x2560x64xf32, #tpu.memory_space<hbm>> -> memref<1x2560x64xf32, #tpu.memory_space<hbm>>
    %dma_start3A_99 = tpu.memref_squeeze %dma_start3A_98 : memref<1x2560x64xf32, #tpu.memory_space<hbm>> -> memref<2560x64xf32, #tpu.memory_space<hbm>>
    %dma_start3A_100 = arith.constant 0 : i32
    %dma_start3A_101 = arith.constant 0 : i32
    %dma_start3A_102 = tpu.memref_slice %dma_start3A_99[%dma_start3A_100, %dma_start3A_101] : memref<2560x64xf32, #tpu.memory_space<hbm>> -> memref<2560x64xf32, #tpu.memory_space<hbm>>
    tpu.enqueue_indirect_dma source(%dma_start3A_102 : memref<2560x64xf32, #tpu.memory_space<hbm>>) target(%dma_start3A_92 : memref<128x64xf32, #tpu.memory_space<vmem>>) offsets(%dma_start3A_95 : memref<128xi32, #tpu.memory_space<vmem>>) semaphore(%arg18 : memref<!tpu.dma_semaphore, #tpu.memory_space<semaphore_mem>>)
    %scan3A = arith.constant 0 : i32
    %scan3A_103 = arith.constant 0 : i32
    %scan3A_104 = arith.constant 16 : i32
    %scan3A_105 = arith.addi %scan3A_103, %scan3A_104 : i32
    %scan3A_106 = arith.constant 1 : i32
    scf.for %scan3A_242 = %scan3A_103 to %scan3A_105 step %scan3A_106  : i32 {
      %mul3A_243 = arith.constant 2 : i32
      %mul3A_244 = arith.muli %mul3A_243, %scan3A_242 : i32
      %add3A_245 = arith.constant 0 : i32
      %add3A_246 = arith.addi %mul3A_244, %add3A_245 : i32
      %add3A_247 = arith.constant 1 : i32
      %add3A_248 = arith.addi %add3A_246, %add3A_247 : i32
      %min3A = arith.constant 31 : i32
      %min3A_249 = arith.minsi %add3A_248, %min3A : i32
      %mul3A_250 = arith.constant 160 : i32
      %mul3A_251 = arith.muli %arg1, %mul3A_250 : i32
      %mul3A_252 = arith.constant 5 : i32
      %mul3A_253 = arith.muli %min3A_249, %mul3A_252 : i32
      %add3A_254 = arith.addi %mul3A_251, %mul3A_253 : i32
      "tpu.region"() ({
        %run_scoped3A = tpu.sem_alloc : memref<!tpu.dma_semaphore, #tpu.memory_space<semaphore_mem>>
        %dma_start3A_748 = arith.constant 0 : i32
        %dma_start3A_749 = tpu.memref_slice %arg3[%add3A_254, %dma_start3A_748] : memref<2560x128xi32, #tpu.memory_space<hbm>> -> memref<5x128xi32, #tpu.memory_space<hbm>>
        %dma_start3A_750 = arith.constant 0 : i32
        %dma_start3A_751 = tpu.memref_slice %arg3[%add3A_254, %dma_start3A_750] : memref<2560x128xi32, #tpu.memory_space<hbm>> -> memref<5x128xi32, #tpu.memory_space<hbm>>
        tpu.enqueue_dma source(%dma_start3A_751 : memref<5x128xi32, #tpu.memory_space<hbm>>) target(%arg12 : memref<5x128xi32, #tpu.memory_space<vmem>>) target_semaphore(%run_scoped3A : memref<!tpu.dma_semaphore, #tpu.memory_space<semaphore_mem>>)
        %dma_wait3A_752 = arith.constant 0 : i32
        %dma_wait3A_753 = tpu.memref_slice %arg3[%add3A_254, %dma_wait3A_752] : memref<2560x128xi32, #tpu.memory_space<hbm>> -> memref<5x128xi32, #tpu.memory_space<hbm>>
        %dma_wait3A_754 = arith.constant 0 : i32
        %dma_wait3A_755 = tpu.memref_slice %arg3[%add3A_254, %dma_wait3A_754] : memref<2560x128xi32, #tpu.memory_space<hbm>> -> memref<5x128xi32, #tpu.memory_space<hbm>>
        tpu.wait_dma2 semaphore(%run_scoped3A : memref<!tpu.dma_semaphore, #tpu.memory_space<semaphore_mem>>) src(%dma_wait3A_755 : memref<5x128xi32, #tpu.memory_space<hbm>>) dst(%arg12 : memref<5x128xi32, #tpu.memory_space<vmem>>)
        tpu.yield
      }) : () -> ()
      "tpu.region"() ({
        %run_scoped3A = tpu.sem_alloc : memref<!tpu.dma_semaphore, #tpu.memory_space<semaphore_mem>>
        %dma_start3A_748 = arith.constant 0 : i32
        %dma_start3A_749 = tpu.memref_slice %arg4[%add3A_254, %dma_start3A_748] : memref<2560x128xi32, #tpu.memory_space<hbm>> -> memref<5x128xi32, #tpu.memory_space<hbm>>
        %dma_start3A_750 = arith.constant 0 : i32
        %dma_start3A_751 = tpu.memref_slice %arg4[%add3A_254, %dma_start3A_750] : memref<2560x128xi32, #tpu.memory_space<hbm>> -> memref<5x128xi32, #tpu.memory_space<hbm>>
        tpu.enqueue_dma source(%dma_start3A_751 : memref<5x128xi32, #tpu.memory_space<hbm>>) target(%arg14 : memref<5x128xi32, #tpu.memory_space<vmem>>) target_semaphore(%run_scoped3A : memref<!tpu.dma_semaphore, #tpu.memory_space<semaphore_mem>>)
        %dma_wait3A_752 = arith.constant 0 : i32
        %dma_wait3A_753 = tpu.memref_slice %arg4[%add3A_254, %dma_wait3A_752] : memref<2560x128xi32, #tpu.memory_space<hbm>> -> memref<5x128xi32, #tpu.memory_space<hbm>>
        %dma_wait3A_754 = arith.constant 0 : i32
        %dma_wait3A_755 = tpu.memref_slice %arg4[%add3A_254, %dma_wait3A_754] : memref<2560x128xi32, #tpu.memory_space<hbm>> -> memref<5x128xi32, #tpu.memory_space<hbm>>
        tpu.wait_dma2 semaphore(%run_scoped3A : memref<!tpu.dma_semaphore, #tpu.memory_space<semaphore_mem>>) src(%dma_wait3A_755 : memref<5x128xi32, #tpu.memory_space<hbm>>) dst(%arg14 : memref<5x128xi32, #tpu.memory_space<vmem>>)
        tpu.yield
      }) : () -> ()
      %dma_start3A_255 = arith.constant 0 : i32
      %dma_start3A_256 = arith.constant 0 : i32
      %dma_start3A_257 = arith.constant 0 : i32
      %dma_start3A_258 = tpu.memref_slice %arg16[%dma_start3A_256, %dma_start3A_257] : memref<640x64xf32, #tpu.memory_space<vmem>> -> memref<128x64xf32, #tpu.memory_space<vmem>>
      %dma_start3A_259 = arith.constant 0 : i32
      %dma_start3A_260 = tpu.memref_slice %arg12[%dma_start3A_255, %dma_start3A_259] : memref<5x128xi32, #tpu.memory_space<vmem>> -> memref<1x128xi32, #tpu.memory_space<vmem>>
      %dma_start3A_261 = tpu.memref_squeeze %dma_start3A_260 : memref<1x128xi32, #tpu.memory_space<vmem>> -> memref<128xi32, #tpu.memory_space<vmem>>
      %dma_start3A_262 = arith.constant 0 : i32
      %dma_start3A_263 = arith.constant 0 : i32
      %dma_start3A_264 = tpu.memref_slice %arg2[%arg0, %dma_start3A_262, %dma_start3A_263] : memref<2x2560x64xf32, #tpu.memory_space<hbm>> -> memref<1x2560x64xf32, #tpu.memory_space<hbm>>
      %dma_start3A_265 = tpu.memref_squeeze %dma_start3A_264 : memref<1x2560x64xf32, #tpu.memory_space<hbm>> -> memref<2560x64xf32, #tpu.memory_space<hbm>>
      %dma_start3A_266 = arith.constant 0 : i32
      %dma_start3A_267 = arith.constant 0 : i32
      %dma_start3A_268 = tpu.memref_slice %dma_start3A_265[%dma_start3A_266, %dma_start3A_267] : memref<2560x64xf32, #tpu.memory_space<hbm>> -> memref<2560x64xf32, #tpu.memory_space<hbm>>
      tpu.enqueue_indirect_dma source(%dma_start3A_268 : memref<2560x64xf32, #tpu.memory_space<hbm>>) target(%dma_start3A_258 : memref<128x64xf32, #tpu.memory_space<vmem>>) offsets(%dma_start3A_261 : memref<128xi32, #tpu.memory_space<vmem>>) semaphore(%arg19 : memref<!tpu.dma_semaphore, #tpu.memory_space<semaphore_mem>>)
      %dma_start3A_269 = arith.constant 1 : i32
      %dma_start3A_270 = arith.constant 128 : i32
      %dma_start3A_271 = arith.constant 0 : i32
      %dma_start3A_272 = tpu.memref_slice %arg16[%dma_start3A_270, %dma_start3A_271] : memref<640x64xf32, #tpu.memory_space<vmem>> -> memref<128x64xf32, #tpu.memory_space<vmem>>
      %dma_start3A_273 = arith.constant 0 : i32
      %dma_start3A_274 = tpu.memref_slice %arg12[%dma_start3A_269, %dma_start3A_273] : memref<5x128xi32, #tpu.memory_space<vmem>> -> memref<1x128xi32, #tpu.memory_space<vmem>>
      %dma_start3A_275 = tpu.memref_squeeze %dma_start3A_274 : memref<1x128xi32, #tpu.memory_space<vmem>> -> memref<128xi32, #tpu.memory_space<vmem>>
      %dma_start3A_276 = arith.constant 0 : i32
      %dma_start3A_277 = arith.constant 0 : i32
      %dma_start3A_278 = tpu.memref_slice %arg2[%arg0, %dma_start3A_276, %dma_start3A_277] : memref<2x2560x64xf32, #tpu.memory_space<hbm>> -> memref<1x2560x64xf32, #tpu.memory_space<hbm>>
      %dma_start3A_279 = tpu.memref_squeeze %dma_start3A_278 : memref<1x2560x64xf32, #tpu.memory_space<hbm>> -> memref<2560x64xf32, #tpu.memory_space<hbm>>
      %dma_start3A_280 = arith.constant 0 : i32
      %dma_start3A_281 = arith.constant 0 : i32
      %dma_start3A_282 = tpu.memref_slice %dma_start3A_279[%dma_start3A_280, %dma_start3A_281] : memref<2560x64xf32, #tpu.memory_space<hbm>> -> memref<2560x64xf32, #tpu.memory_space<hbm>>
      tpu.enqueue_indirect_dma source(%dma_start3A_282 : memref<2560x64xf32, #tpu.memory_space<hbm>>) target(%dma_start3A_272 : memref<128x64xf32, #tpu.memory_space<vmem>>) offsets(%dma_start3A_275 : memref<128xi32, #tpu.memory_space<vmem>>) semaphore(%arg19 : memref<!tpu.dma_semaphore, #tpu.memory_space<semaphore_mem>>)
      %dma_start3A_283 = arith.constant 2 : i32
      %dma_start3A_284 = arith.constant 256 : i32
      %dma_start3A_285 = arith.constant 0 : i32
      %dma_start3A_286 = tpu.memref_slice %arg16[%dma_start3A_284, %dma_start3A_285] : memref<640x64xf32, #tpu.memory_space<vmem>> -> memref<128x64xf32, #tpu.memory_space<vmem>>
      %dma_start3A_287 = arith.constant 0 : i32
      %dma_start3A_288 = tpu.memref_slice %arg12[%dma_start3A_283, %dma_start3A_287] : memref<5x128xi32, #tpu.memory_space<vmem>> -> memref<1x128xi32, #tpu.memory_space<vmem>>
      %dma_start3A_289 = tpu.memref_squeeze %dma_start3A_288 : memref<1x128xi32, #tpu.memory_space<vmem>> -> memref<128xi32, #tpu.memory_space<vmem>>
      %dma_start3A_290 = arith.constant 0 : i32
      %dma_start3A_291 = arith.constant 0 : i32
      %dma_start3A_292 = tpu.memref_slice %arg2[%arg0, %dma_start3A_290, %dma_start3A_291] : memref<2x2560x64xf32, #tpu.memory_space<hbm>> -> memref<1x2560x64xf32, #tpu.memory_space<hbm>>
      %dma_start3A_293 = tpu.memref_squeeze %dma_start3A_292 : memref<1x2560x64xf32, #tpu.memory_space<hbm>> -> memref<2560x64xf32, #tpu.memory_space<hbm>>
      %dma_start3A_294 = arith.constant 0 : i32
      %dma_start3A_295 = arith.constant 0 : i32
      %dma_start3A_296 = tpu.memref_slice %dma_start3A_293[%dma_start3A_294, %dma_start3A_295] : memref<2560x64xf32, #tpu.memory_space<hbm>> -> memref<2560x64xf32, #tpu.memory_space<hbm>>
      tpu.enqueue_indirect_dma source(%dma_start3A_296 : memref<2560x64xf32, #tpu.memory_space<hbm>>) target(%dma_start3A_286 : memref<128x64xf32, #tpu.memory_space<vmem>>) offsets(%dma_start3A_289 : memref<128xi32, #tpu.memory_space<vmem>>) semaphore(%arg19 : memref<!tpu.dma_semaphore, #tpu.memory_space<semaphore_mem>>)
      %dma_start3A_297 = arith.constant 3 : i32
      %dma_start3A_298 = arith.constant 384 : i32
      %dma_start3A_299 = arith.constant 0 : i32
      %dma_start3A_300 = tpu.memref_slice %arg16[%dma_start3A_298, %dma_start3A_299] : memref<640x64xf32, #tpu.memory_space<vmem>> -> memref<128x64xf32, #tpu.memory_space<vmem>>
      %dma_start3A_301 = arith.constant 0 : i32
      %dma_start3A_302 = tpu.memref_slice %arg12[%dma_start3A_297, %dma_start3A_301] : memref<5x128xi32, #tpu.memory_space<vmem>> -> memref<1x128xi32, #tpu.memory_space<vmem>>
      %dma_start3A_303 = tpu.memref_squeeze %dma_start3A_302 : memref<1x128xi32, #tpu.memory_space<vmem>> -> memref<128xi32, #tpu.memory_space<vmem>>
      %dma_start3A_304 = arith.constant 0 : i32
      %dma_start3A_305 = arith.constant 0 : i32
      %dma_start3A_306 = tpu.memref_slice %arg2[%arg0, %dma_start3A_304, %dma_start3A_305] : memref<2x2560x64xf32, #tpu.memory_space<hbm>> -> memref<1x2560x64xf32, #tpu.memory_space<hbm>>
      %dma_start3A_307 = tpu.memref_squeeze %dma_start3A_306 : memref<1x2560x64xf32, #tpu.memory_space<hbm>> -> memref<2560x64xf32, #tpu.memory_space<hbm>>
      %dma_start3A_308 = arith.constant 0 : i32
      %dma_start3A_309 = arith.constant 0 : i32
      %dma_start3A_310 = tpu.memref_slice %dma_start3A_307[%dma_start3A_308, %dma_start3A_309] : memref<2560x64xf32, #tpu.memory_space<hbm>> -> memref<2560x64xf32, #tpu.memory_space<hbm>>
      tpu.enqueue_indirect_dma source(%dma_start3A_310 : memref<2560x64xf32, #tpu.memory_space<hbm>>) target(%dma_start3A_300 : memref<128x64xf32, #tpu.memory_space<vmem>>) offsets(%dma_start3A_303 : memref<128xi32, #tpu.memory_space<vmem>>) semaphore(%arg19 : memref<!tpu.dma_semaphore, #tpu.memory_space<semaphore_mem>>)
      %dma_start3A_311 = arith.constant 4 : i32
      %dma_start3A_312 = arith.constant 512 : i32
      %dma_start3A_313 = arith.constant 0 : i32
      %dma_start3A_314 = tpu.memref_slice %arg16[%dma_start3A_312, %dma_start3A_313] : memref<640x64xf32, #tpu.memory_space<vmem>> -> memref<128x64xf32, #tpu.memory_space<vmem>>
      %dma_start3A_315 = arith.constant 0 : i32
      %dma_start3A_316 = tpu.memref_slice %arg12[%dma_start3A_311, %dma_start3A_315] : memref<5x128xi32, #tpu.memory_space<vmem>> -> memref<1x128xi32, #tpu.memory_space<vmem>>
      %dma_start3A_317 = tpu.memref_squeeze %dma_start3A_316 : memref<1x128xi32, #tpu.memory_space<vmem>> -> memref<128xi32, #tpu.memory_space<vmem>>
      %dma_start3A_318 = arith.constant 0 : i32
      %dma_start3A_319 = arith.constant 0 : i32
      %dma_start3A_320 = tpu.memref_slice %arg2[%arg0, %dma_start3A_318, %dma_start3A_319] : memref<2x2560x64xf32, #tpu.memory_space<hbm>> -> memref<1x2560x64xf32, #tpu.memory_space<hbm>>
      %dma_start3A_321 = tpu.memref_squeeze %dma_start3A_320 : memref<1x2560x64xf32, #tpu.memory_space<hbm>> -> memref<2560x64xf32, #tpu.memory_space<hbm>>
      %dma_start3A_322 = arith.constant 0 : i32
      %dma_start3A_323 = arith.constant 0 : i32
      %dma_start3A_324 = tpu.memref_slice %dma_start3A_321[%dma_start3A_322, %dma_start3A_323] : memref<2560x64xf32, #tpu.memory_space<hbm>> -> memref<2560x64xf32, #tpu.memory_space<hbm>>
      tpu.enqueue_indirect_dma source(%dma_start3A_324 : memref<2560x64xf32, #tpu.memory_space<hbm>>) target(%dma_start3A_314 : memref<128x64xf32, #tpu.memory_space<vmem>>) offsets(%dma_start3A_317 : memref<128xi32, #tpu.memory_space<vmem>>) semaphore(%arg19 : memref<!tpu.dma_semaphore, #tpu.memory_space<semaphore_mem>>)
      %dma_wait3A_325 = arith.constant 0 : i32
      %dma_wait3A_326 = arith.constant 0 : i32
      %dma_wait3A_327 = arith.constant 0 : i32
      %dma_wait3A_328 = tpu.memref_slice %arg15[%dma_wait3A_326, %dma_wait3A_327] : memref<640x64xf32, #tpu.memory_space<vmem>> -> memref<128x64xf32, #tpu.memory_space<vmem>>
      %dma_wait3A_329 = arith.constant 0 : i32
      %dma_wait3A_330 = tpu.memref_slice %arg11[%dma_wait3A_325, %dma_wait3A_329] : memref<5x128xi32, #tpu.memory_space<vmem>> -> memref<1x128xi32, #tpu.memory_space<vmem>>
      %dma_wait3A_331 = tpu.memref_squeeze %dma_wait3A_330 : memref<1x128xi32, #tpu.memory_space<vmem>> -> memref<128xi32, #tpu.memory_space<vmem>>
      %dma_wait3A_332 = arith.constant 0 : i32
      %dma_wait3A_333 = arith.constant 0 : i32
      %dma_wait3A_334 = tpu.memref_slice %arg2[%arg0, %dma_wait3A_332, %dma_wait3A_333] : memref<2x2560x64xf32, #tpu.memory_space<hbm>> -> memref<1x2560x64xf32, #tpu.memory_space<hbm>>
      %dma_wait3A_335 = tpu.memref_squeeze %dma_wait3A_334 : memref<1x2560x64xf32, #tpu.memory_space<hbm>> -> memref<2560x64xf32, #tpu.memory_space<hbm>>
      %dma_wait3A_336 = arith.constant 0 : i32
      %dma_wait3A_337 = arith.constant 0 : i32
      %dma_wait3A_338 = tpu.memref_slice %dma_wait3A_335[%dma_wait3A_336, %dma_wait3A_337] : memref<2560x64xf32, #tpu.memory_space<hbm>> -> memref<2560x64xf32, #tpu.memory_space<hbm>>
      tpu.wait_indirect_dma semaphore(%arg18 : memref<!tpu.dma_semaphore, #tpu.memory_space<semaphore_mem>>) src(%dma_wait3A_338 : memref<2560x64xf32, #tpu.memory_space<hbm>>) dst(%dma_wait3A_328 : memref<128x64xf32, #tpu.memory_space<vmem>>)
      %dma_wait3A_339 = arith.constant 1 : i32
      %dma_wait3A_340 = arith.constant 128 : i32
      %dma_wait3A_341 = arith.constant 0 : i32
      %dma_wait3A_342 = tpu.memref_slice %arg15[%dma_wait3A_340, %dma_wait3A_341] : memref<640x64xf32, #tpu.memory_space<vmem>> -> memref<128x64xf32, #tpu.memory_space<vmem>>
      %dma_wait3A_343 = arith.constant 0 : i32
      %dma_wait3A_344 = tpu.memref_slice %arg11[%dma_wait3A_339, %dma_wait3A_343] : memref<5x128xi32, #tpu.memory_space<vmem>> -> memref<1x128xi32, #tpu.memory_space<vmem>>
      %dma_wait3A_345 = tpu.memref_squeeze %dma_wait3A_344 : memref<1x128xi32, #tpu.memory_space<vmem>> -> memref<128xi32, #tpu.memory_space<vmem>>
      %dma_wait3A_346 = arith.constant 0 : i32
      %dma_wait3A_347 = arith.constant 0 : i32
      %dma_wait3A_348 = tpu.memref_slice %arg2[%arg0, %dma_wait3A_346, %dma_wait3A_347] : memref<2x2560x64xf32, #tpu.memory_space<hbm>> -> memref<1x2560x64xf32, #tpu.memory_space<hbm>>
      %dma_wait3A_349 = tpu.memref_squeeze %dma_wait3A_348 : memref<1x2560x64xf32, #tpu.memory_space<hbm>> -> memref<2560x64xf32, #tpu.memory_space<hbm>>
      %dma_wait3A_350 = arith.constant 0 : i32
      %dma_wait3A_351 = arith.constant 0 : i32
      %dma_wait3A_352 = tpu.memref_slice %dma_wait3A_349[%dma_wait3A_350, %dma_wait3A_351] : memref<2560x64xf32, #tpu.memory_space<hbm>> -> memref<2560x64xf32, #tpu.memory_space<hbm>>
      tpu.wait_indirect_dma semaphore(%arg18 : memref<!tpu.dma_semaphore, #tpu.memory_space<semaphore_mem>>) src(%dma_wait3A_352 : memref<2560x64xf32, #tpu.memory_space<hbm>>) dst(%dma_wait3A_342 : memref<128x64xf32, #tpu.memory_space<vmem>>)
      %dma_wait3A_353 = arith.constant 2 : i32
      %dma_wait3A_354 = arith.constant 256 : i32
      %dma_wait3A_355 = arith.constant 0 : i32
      %dma_wait3A_356 = tpu.memref_slice %arg15[%dma_wait3A_354, %dma_wait3A_355] : memref<640x64xf32, #tpu.memory_space<vmem>> -> memref<128x64xf32, #tpu.memory_space<vmem>>
      %dma_wait3A_357 = arith.constant 0 : i32
      %dma_wait3A_358 = tpu.memref_slice %arg11[%dma_wait3A_353, %dma_wait3A_357] : memref<5x128xi32, #tpu.memory_space<vmem>> -> memref<1x128xi32, #tpu.memory_space<vmem>>
      %dma_wait3A_359 = tpu.memref_squeeze %dma_wait3A_358 : memref<1x128xi32, #tpu.memory_space<vmem>> -> memref<128xi32, #tpu.memory_space<vmem>>
      %dma_wait3A_360 = arith.constant 0 : i32
      %dma_wait3A_361 = arith.constant 0 : i32
      %dma_wait3A_362 = tpu.memref_slice %arg2[%arg0, %dma_wait3A_360, %dma_wait3A_361] : memref<2x2560x64xf32, #tpu.memory_space<hbm>> -> memref<1x2560x64xf32, #tpu.memory_space<hbm>>
      %dma_wait3A_363 = tpu.memref_squeeze %dma_wait3A_362 : memref<1x2560x64xf32, #tpu.memory_space<hbm>> -> memref<2560x64xf32, #tpu.memory_space<hbm>>
      %dma_wait3A_364 = arith.constant 0 : i32
      %dma_wait3A_365 = arith.constant 0 : i32
      %dma_wait3A_366 = tpu.memref_slice %dma_wait3A_363[%dma_wait3A_364, %dma_wait3A_365] : memref<2560x64xf32, #tpu.memory_space<hbm>> -> memref<2560x64xf32, #tpu.memory_space<hbm>>
      tpu.wait_indirect_dma semaphore(%arg18 : memref<!tpu.dma_semaphore, #tpu.memory_space<semaphore_mem>>) src(%dma_wait3A_366 : memref<2560x64xf32, #tpu.memory_space<hbm>>) dst(%dma_wait3A_356 : memref<128x64xf32, #tpu.memory_space<vmem>>)
      %dma_wait3A_367 = arith.constant 3 : i32
      %dma_wait3A_368 = arith.constant 384 : i32
      %dma_wait3A_369 = arith.constant 0 : i32
      %dma_wait3A_370 = tpu.memref_slice %arg15[%dma_wait3A_368, %dma_wait3A_369] : memref<640x64xf32, #tpu.memory_space<vmem>> -> memref<128x64xf32, #tpu.memory_space<vmem>>
      %dma_wait3A_371 = arith.constant 0 : i32
      %dma_wait3A_372 = tpu.memref_slice %arg11[%dma_wait3A_367, %dma_wait3A_371] : memref<5x128xi32, #tpu.memory_space<vmem>> -> memref<1x128xi32, #tpu.memory_space<vmem>>
      %dma_wait3A_373 = tpu.memref_squeeze %dma_wait3A_372 : memref<1x128xi32, #tpu.memory_space<vmem>> -> memref<128xi32, #tpu.memory_space<vmem>>
      %dma_wait3A_374 = arith.constant 0 : i32
      %dma_wait3A_375 = arith.constant 0 : i32
      %dma_wait3A_376 = tpu.memref_slice %arg2[%arg0, %dma_wait3A_374, %dma_wait3A_375] : memref<2x2560x64xf32, #tpu.memory_space<hbm>> -> memref<1x2560x64xf32, #tpu.memory_space<hbm>>
      %dma_wait3A_377 = tpu.memref_squeeze %dma_wait3A_376 : memref<1x2560x64xf32, #tpu.memory_space<hbm>> -> memref<2560x64xf32, #tpu.memory_space<hbm>>
      %dma_wait3A_378 = arith.constant 0 : i32
      %dma_wait3A_379 = arith.constant 0 : i32
      %dma_wait3A_380 = tpu.memref_slice %dma_wait3A_377[%dma_wait3A_378, %dma_wait3A_379] : memref<2560x64xf32, #tpu.memory_space<hbm>> -> memref<2560x64xf32, #tpu.memory_space<hbm>>
      tpu.wait_indirect_dma semaphore(%arg18 : memref<!tpu.dma_semaphore, #tpu.memory_space<semaphore_mem>>) src(%dma_wait3A_380 : memref<2560x64xf32, #tpu.memory_space<hbm>>) dst(%dma_wait3A_370 : memref<128x64xf32, #tpu.memory_space<vmem>>)
      %dma_wait3A_381 = arith.constant 4 : i32
      %dma_wait3A_382 = arith.constant 512 : i32
      %dma_wait3A_383 = arith.constant 0 : i32
      %dma_wait3A_384 = tpu.memref_slice %arg15[%dma_wait3A_382, %dma_wait3A_383] : memref<640x64xf32, #tpu.memory_space<vmem>> -> memref<128x64xf32, #tpu.memory_space<vmem>>
      %dma_wait3A_385 = arith.constant 0 : i32
      %dma_wait3A_386 = tpu.memref_slice %arg11[%dma_wait3A_381, %dma_wait3A_385] : memref<5x128xi32, #tpu.memory_space<vmem>> -> memref<1x128xi32, #tpu.memory_space<vmem>>
      %dma_wait3A_387 = tpu.memref_squeeze %dma_wait3A_386 : memref<1x128xi32, #tpu.memory_space<vmem>> -> memref<128xi32, #tpu.memory_space<vmem>>
      %dma_wait3A_388 = arith.constant 0 : i32
      %dma_wait3A_389 = arith.constant 0 : i32
      %dma_wait3A_390 = tpu.memref_slice %arg2[%arg0, %dma_wait3A_388, %dma_wait3A_389] : memref<2x2560x64xf32, #tpu.memory_space<hbm>> -> memref<1x2560x64xf32, #tpu.memory_space<hbm>>
      %dma_wait3A_391 = tpu.memref_squeeze %dma_wait3A_390 : memref<1x2560x64xf32, #tpu.memory_space<hbm>> -> memref<2560x64xf32, #tpu.memory_space<hbm>>
      %dma_wait3A_392 = arith.constant 0 : i32
      %dma_wait3A_393 = arith.constant 0 : i32
      %dma_wait3A_394 = tpu.memref_slice %dma_wait3A_391[%dma_wait3A_392, %dma_wait3A_393] : memref<2560x64xf32, #tpu.memory_space<hbm>> -> memref<2560x64xf32, #tpu.memory_space<hbm>>
      tpu.wait_indirect_dma semaphore(%arg18 : memref<!tpu.dma_semaphore, #tpu.memory_space<semaphore_mem>>) src(%dma_wait3A_394 : memref<2560x64xf32, #tpu.memory_space<hbm>>) dst(%dma_wait3A_384 : memref<128x64xf32, #tpu.memory_space<vmem>>)
      %dma_start3A_395 = arith.constant 0 : i32
      %dma_start3A_396 = arith.constant 0 : i32
      %dma_start3A_397 = arith.constant 0 : i32
      %dma_start3A_398 = tpu.memref_slice %arg15[%dma_start3A_396, %dma_start3A_397] : memref<640x64xf32, #tpu.memory_space<vmem>> -> memref<128x64xf32, #tpu.memory_space<vmem>>
      %dma_start3A_399 = arith.constant 0 : i32
      %dma_start3A_400 = tpu.memref_slice %arg13[%dma_start3A_395, %dma_start3A_399] : memref<5x128xi32, #tpu.memory_space<vmem>> -> memref<1x128xi32, #tpu.memory_space<vmem>>
      %dma_start3A_401 = tpu.memref_squeeze %dma_start3A_400 : memref<1x128xi32, #tpu.memory_space<vmem>> -> memref<128xi32, #tpu.memory_space<vmem>>
      %dma_start3A_402 = arith.constant 0 : i32
      %dma_start3A_403 = arith.constant 0 : i32
      %dma_start3A_404 = tpu.memref_slice %arg10[%dma_start3A_402, %dma_start3A_403] : memref<10240x64xf32, #tpu.memory_space<vmem_shared>> -> memref<10240x64xf32, #tpu.memory_space<vmem_shared>>
      tpu.enqueue_indirect_dma source(%dma_start3A_398 : memref<128x64xf32, #tpu.memory_space<vmem>>) target(%dma_start3A_404 : memref<10240x64xf32, #tpu.memory_space<vmem_shared>>) offsets(%dma_start3A_401 : memref<128xi32, #tpu.memory_space<vmem>>) semaphore(%arg20 : memref<!tpu.dma_semaphore, #tpu.memory_space<semaphore_mem>>) {add = true}
      %dma_start3A_405 = arith.constant 1 : i32
      %dma_start3A_406 = arith.constant 128 : i32
      %dma_start3A_407 = arith.constant 0 : i32
      %dma_start3A_408 = tpu.memref_slice %arg15[%dma_start3A_406, %dma_start3A_407] : memref<640x64xf32, #tpu.memory_space<vmem>> -> memref<128x64xf32, #tpu.memory_space<vmem>>
      %dma_start3A_409 = arith.constant 0 : i32
      %dma_start3A_410 = tpu.memref_slice %arg13[%dma_start3A_405, %dma_start3A_409] : memref<5x128xi32, #tpu.memory_space<vmem>> -> memref<1x128xi32, #tpu.memory_space<vmem>>
      %dma_start3A_411 = tpu.memref_squeeze %dma_start3A_410 : memref<1x128xi32, #tpu.memory_space<vmem>> -> memref<128xi32, #tpu.memory_space<vmem>>
      %dma_start3A_412 = arith.constant 0 : i32
      %dma_start3A_413 = arith.constant 0 : i32
      %dma_start3A_414 = tpu.memref_slice %arg10[%dma_start3A_412, %dma_start3A_413] : memref<10240x64xf32, #tpu.memory_space<vmem_shared>> -> memref<10240x64xf32, #tpu.memory_space<vmem_shared>>
      tpu.enqueue_indirect_dma source(%dma_start3A_408 : memref<128x64xf32, #tpu.memory_space<vmem>>) target(%dma_start3A_414 : memref<10240x64xf32, #tpu.memory_space<vmem_shared>>) offsets(%dma_start3A_411 : memref<128xi32, #tpu.memory_space<vmem>>) semaphore(%arg20 : memref<!tpu.dma_semaphore, #tpu.memory_space<semaphore_mem>>) {add = true}
      %dma_start3A_415 = arith.constant 2 : i32
      %dma_start3A_416 = arith.constant 256 : i32
      %dma_start3A_417 = arith.constant 0 : i32
      %dma_start3A_418 = tpu.memref_slice %arg15[%dma_start3A_416, %dma_start3A_417] : memref<640x64xf32, #tpu.memory_space<vmem>> -> memref<128x64xf32, #tpu.memory_space<vmem>>
      %dma_start3A_419 = arith.constant 0 : i32
      %dma_start3A_420 = tpu.memref_slice %arg13[%dma_start3A_415, %dma_start3A_419] : memref<5x128xi32, #tpu.memory_space<vmem>> -> memref<1x128xi32, #tpu.memory_space<vmem>>
      %dma_start3A_421 = tpu.memref_squeeze %dma_start3A_420 : memref<1x128xi32, #tpu.memory_space<vmem>> -> memref<128xi32, #tpu.memory_space<vmem>>
      %dma_start3A_422 = arith.constant 0 : i32
      %dma_start3A_423 = arith.constant 0 : i32
      %dma_start3A_424 = tpu.memref_slice %arg10[%dma_start3A_422, %dma_start3A_423] : memref<10240x64xf32, #tpu.memory_space<vmem_shared>> -> memref<10240x64xf32, #tpu.memory_space<vmem_shared>>
      tpu.enqueue_indirect_dma source(%dma_start3A_418 : memref<128x64xf32, #tpu.memory_space<vmem>>) target(%dma_start3A_424 : memref<10240x64xf32, #tpu.memory_space<vmem_shared>>) offsets(%dma_start3A_421 : memref<128xi32, #tpu.memory_space<vmem>>) semaphore(%arg20 : memref<!tpu.dma_semaphore, #tpu.memory_space<semaphore_mem>>) {add = true}
      %dma_start3A_425 = arith.constant 3 : i32
      %dma_start3A_426 = arith.constant 384 : i32
      %dma_start3A_427 = arith.constant 0 : i32
      %dma_start3A_428 = tpu.memref_slice %arg15[%dma_start3A_426, %dma_start3A_427] : memref<640x64xf32, #tpu.memory_space<vmem>> -> memref<128x64xf32, #tpu.memory_space<vmem>>
      %dma_start3A_429 = arith.constant 0 : i32
      %dma_start3A_430 = tpu.memref_slice %arg13[%dma_start3A_425, %dma_start3A_429] : memref<5x128xi32, #tpu.memory_space<vmem>> -> memref<1x128xi32, #tpu.memory_space<vmem>>
      %dma_start3A_431 = tpu.memref_squeeze %dma_start3A_430 : memref<1x128xi32, #tpu.memory_space<vmem>> -> memref<128xi32, #tpu.memory_space<vmem>>
      %dma_start3A_432 = arith.constant 0 : i32
      %dma_start3A_433 = arith.constant 0 : i32
      %dma_start3A_434 = tpu.memref_slice %arg10[%dma_start3A_432, %dma_start3A_433] : memref<10240x64xf32, #tpu.memory_space<vmem_shared>> -> memref<10240x64xf32, #tpu.memory_space<vmem_shared>>
      tpu.enqueue_indirect_dma source(%dma_start3A_428 : memref<128x64xf32, #tpu.memory_space<vmem>>) target(%dma_start3A_434 : memref<10240x64xf32, #tpu.memory_space<vmem_shared>>) offsets(%dma_start3A_431 : memref<128xi32, #tpu.memory_space<vmem>>) semaphore(%arg20 : memref<!tpu.dma_semaphore, #tpu.memory_space<semaphore_mem>>) {add = true}
      %dma_start3A_435 = arith.constant 4 : i32
      %dma_start3A_436 = arith.constant 512 : i32
      %dma_start3A_437 = arith.constant 0 : i32
      %dma_start3A_438 = tpu.memref_slice %arg15[%dma_start3A_436, %dma_start3A_437] : memref<640x64xf32, #tpu.memory_space<vmem>> -> memref<128x64xf32, #tpu.memory_space<vmem>>
      %dma_start3A_439 = arith.constant 0 : i32
      %dma_start3A_440 = tpu.memref_slice %arg13[%dma_start3A_435, %dma_start3A_439] : memref<5x128xi32, #tpu.memory_space<vmem>> -> memref<1x128xi32, #tpu.memory_space<vmem>>
      %dma_start3A_441 = tpu.memref_squeeze %dma_start3A_440 : memref<1x128xi32, #tpu.memory_space<vmem>> -> memref<128xi32, #tpu.memory_space<vmem>>
      %dma_start3A_442 = arith.constant 0 : i32
      %dma_start3A_443 = arith.constant 0 : i32
      %dma_start3A_444 = tpu.memref_slice %arg10[%dma_start3A_442, %dma_start3A_443] : memref<10240x64xf32, #tpu.memory_space<vmem_shared>> -> memref<10240x64xf32, #tpu.memory_space<vmem_shared>>
      tpu.enqueue_indirect_dma source(%dma_start3A_438 : memref<128x64xf32, #tpu.memory_space<vmem>>) target(%dma_start3A_444 : memref<10240x64xf32, #tpu.memory_space<vmem_shared>>) offsets(%dma_start3A_441 : memref<128xi32, #tpu.memory_space<vmem>>) semaphore(%arg20 : memref<!tpu.dma_semaphore, #tpu.memory_space<semaphore_mem>>) {add = true}
      %dma_wait3A_445 = arith.constant 0 : i32
      %dma_wait3A_446 = arith.constant 0 : i32
      %dma_wait3A_447 = arith.constant 0 : i32
      %dma_wait3A_448 = tpu.memref_slice %arg15[%dma_wait3A_446, %dma_wait3A_447] : memref<640x64xf32, #tpu.memory_space<vmem>> -> memref<128x64xf32, #tpu.memory_space<vmem>>
      %dma_wait3A_449 = arith.constant 0 : i32
      %dma_wait3A_450 = tpu.memref_slice %arg13[%dma_wait3A_445, %dma_wait3A_449] : memref<5x128xi32, #tpu.memory_space<vmem>> -> memref<1x128xi32, #tpu.memory_space<vmem>>
      %dma_wait3A_451 = tpu.memref_squeeze %dma_wait3A_450 : memref<1x128xi32, #tpu.memory_space<vmem>> -> memref<128xi32, #tpu.memory_space<vmem>>
      %dma_wait3A_452 = arith.constant 0 : i32
      %dma_wait3A_453 = arith.constant 0 : i32
      %dma_wait3A_454 = tpu.memref_slice %arg10[%dma_wait3A_452, %dma_wait3A_453] : memref<10240x64xf32, #tpu.memory_space<vmem_shared>> -> memref<10240x64xf32, #tpu.memory_space<vmem_shared>>
      tpu.wait_indirect_dma semaphore(%arg20 : memref<!tpu.dma_semaphore, #tpu.memory_space<semaphore_mem>>) src(%dma_wait3A_448 : memref<128x64xf32, #tpu.memory_space<vmem>>) dst(%dma_wait3A_454 : memref<10240x64xf32, #tpu.memory_space<vmem_shared>>)
      %dma_wait3A_455 = arith.constant 1 : i32
      %dma_wait3A_456 = arith.constant 128 : i32
      %dma_wait3A_457 = arith.constant 0 : i32
      %dma_wait3A_458 = tpu.memref_slice %arg15[%dma_wait3A_456, %dma_wait3A_457] : memref<640x64xf32, #tpu.memory_space<vmem>> -> memref<128x64xf32, #tpu.memory_space<vmem>>
      %dma_wait3A_459 = arith.constant 0 : i32
      %dma_wait3A_460 = tpu.memref_slice %arg13[%dma_wait3A_455, %dma_wait3A_459] : memref<5x128xi32, #tpu.memory_space<vmem>> -> memref<1x128xi32, #tpu.memory_space<vmem>>
      %dma_wait3A_461 = tpu.memref_squeeze %dma_wait3A_460 : memref<1x128xi32, #tpu.memory_space<vmem>> -> memref<128xi32, #tpu.memory_space<vmem>>
      %dma_wait3A_462 = arith.constant 0 : i32
      %dma_wait3A_463 = arith.constant 0 : i32
      %dma_wait3A_464 = tpu.memref_slice %arg10[%dma_wait3A_462, %dma_wait3A_463] : memref<10240x64xf32, #tpu.memory_space<vmem_shared>> -> memref<10240x64xf32, #tpu.memory_space<vmem_shared>>
      tpu.wait_indirect_dma semaphore(%arg20 : memref<!tpu.dma_semaphore, #tpu.memory_space<semaphore_mem>>) src(%dma_wait3A_458 : memref<128x64xf32, #tpu.memory_space<vmem>>) dst(%dma_wait3A_464 : memref<10240x64xf32, #tpu.memory_space<vmem_shared>>)
      %dma_wait3A_465 = arith.constant 2 : i32
      %dma_wait3A_466 = arith.constant 256 : i32
      %dma_wait3A_467 = arith.constant 0 : i32
      %dma_wait3A_468 = tpu.memref_slice %arg15[%dma_wait3A_466, %dma_wait3A_467] : memref<640x64xf32, #tpu.memory_space<vmem>> -> memref<128x64xf32, #tpu.memory_space<vmem>>
      %dma_wait3A_469 = arith.constant 0 : i32
      %dma_wait3A_470 = tpu.memref_slice %arg13[%dma_wait3A_465, %dma_wait3A_469] : memref<5x128xi32, #tpu.memory_space<vmem>> -> memref<1x128xi32, #tpu.memory_space<vmem>>
      %dma_wait3A_471 = tpu.memref_squeeze %dma_wait3A_470 : memref<1x128xi32, #tpu.memory_space<vmem>> -> memref<128xi32, #tpu.memory_space<vmem>>
      %dma_wait3A_472 = arith.constant 0 : i32
      %dma_wait3A_473 = arith.constant 0 : i32
      %dma_wait3A_474 = tpu.memref_slice %arg10[%dma_wait3A_472, %dma_wait3A_473] : memref<10240x64xf32, #tpu.memory_space<vmem_shared>> -> memref<10240x64xf32, #tpu.memory_space<vmem_shared>>
      tpu.wait_indirect_dma semaphore(%arg20 : memref<!tpu.dma_semaphore, #tpu.memory_space<semaphore_mem>>) src(%dma_wait3A_468 : memref<128x64xf32, #tpu.memory_space<vmem>>) dst(%dma_wait3A_474 : memref<10240x64xf32, #tpu.memory_space<vmem_shared>>)
      %dma_wait3A_475 = arith.constant 3 : i32
      %dma_wait3A_476 = arith.constant 384 : i32
      %dma_wait3A_477 = arith.constant 0 : i32
      %dma_wait3A_478 = tpu.memref_slice %arg15[%dma_wait3A_476, %dma_wait3A_477] : memref<640x64xf32, #tpu.memory_space<vmem>> -> memref<128x64xf32, #tpu.memory_space<vmem>>
      %dma_wait3A_479 = arith.constant 0 : i32
      %dma_wait3A_480 = tpu.memref_slice %arg13[%dma_wait3A_475, %dma_wait3A_479] : memref<5x128xi32, #tpu.memory_space<vmem>> -> memref<1x128xi32, #tpu.memory_space<vmem>>
      %dma_wait3A_481 = tpu.memref_squeeze %dma_wait3A_480 : memref<1x128xi32, #tpu.memory_space<vmem>> -> memref<128xi32, #tpu.memory_space<vmem>>
      %dma_wait3A_482 = arith.constant 0 : i32
      %dma_wait3A_483 = arith.constant 0 : i32
      %dma_wait3A_484 = tpu.memref_slice %arg10[%dma_wait3A_482, %dma_wait3A_483] : memref<10240x64xf32, #tpu.memory_space<vmem_shared>> -> memref<10240x64xf32, #tpu.memory_space<vmem_shared>>
      tpu.wait_indirect_dma semaphore(%arg20 : memref<!tpu.dma_semaphore, #tpu.memory_space<semaphore_mem>>) src(%dma_wait3A_478 : memref<128x64xf32, #tpu.memory_space<vmem>>) dst(%dma_wait3A_484 : memref<10240x64xf32, #tpu.memory_space<vmem_shared>>)
      %dma_wait3A_485 = arith.constant 4 : i32
      %dma_wait3A_486 = arith.constant 512 : i32
      %dma_wait3A_487 = arith.constant 0 : i32
      %dma_wait3A_488 = tpu.memref_slice %arg15[%dma_wait3A_486, %dma_wait3A_487] : memref<640x64xf32, #tpu.memory_space<vmem>> -> memref<128x64xf32, #tpu.memory_space<vmem>>
      %dma_wait3A_489 = arith.constant 0 : i32
      %dma_wait3A_490 = tpu.memref_slice %arg13[%dma_wait3A_485, %dma_wait3A_489] : memref<5x128xi32, #tpu.memory_space<vmem>> -> memref<1x128xi32, #tpu.memory_space<vmem>>
      %dma_wait3A_491 = tpu.memref_squeeze %dma_wait3A_490 : memref<1x128xi32, #tpu.memory_space<vmem>> -> memref<128xi32, #tpu.memory_space<vmem>>
      %dma_wait3A_492 = arith.constant 0 : i32
      %dma_wait3A_493 = arith.constant 0 : i32
      %dma_wait3A_494 = tpu.memref_slice %arg10[%dma_wait3A_492, %dma_wait3A_493] : memref<10240x64xf32, #tpu.memory_space<vmem_shared>> -> memref<10240x64xf32, #tpu.memory_space<vmem_shared>>
      tpu.wait_indirect_dma semaphore(%arg20 : memref<!tpu.dma_semaphore, #tpu.memory_space<semaphore_mem>>) src(%dma_wait3A_488 : memref<128x64xf32, #tpu.memory_space<vmem>>) dst(%dma_wait3A_494 : memref<10240x64xf32, #tpu.memory_space<vmem_shared>>)
      %mul3A_495 = arith.constant 2 : i32
      %mul3A_496 = arith.muli %mul3A_495, %scan3A_242 : i32
      %add3A_497 = arith.constant 1 : i32
      %add3A_498 = arith.addi %mul3A_496, %add3A_497 : i32
      %add3A_499 = arith.constant 1 : i32
      %add3A_500 = arith.addi %add3A_498, %add3A_499 : i32
      %min3A_501 = arith.constant 31 : i32
      %min3A_502 = arith.minsi %add3A_500, %min3A_501 : i32
      %mul3A_503 = arith.constant 160 : i32
      %mul3A_504 = arith.muli %arg1, %mul3A_503 : i32
      %mul3A_505 = arith.constant 5 : i32
      %mul3A_506 = arith.muli %min3A_502, %mul3A_505 : i32
      %add3A_507 = arith.addi %mul3A_504, %mul3A_506 : i32
      "tpu.region"() ({
        %run_scoped3A = tpu.sem_alloc : memref<!tpu.dma_semaphore, #tpu.memory_space<semaphore_mem>>
        %dma_start3A_748 = arith.constant 0 : i32
        %dma_start3A_749 = tpu.memref_slice %arg3[%add3A_507, %dma_start3A_748] : memref<2560x128xi32, #tpu.memory_space<hbm>> -> memref<5x128xi32, #tpu.memory_space<hbm>>
        %dma_start3A_750 = arith.constant 0 : i32
        %dma_start3A_751 = tpu.memref_slice %arg3[%add3A_507, %dma_start3A_750] : memref<2560x128xi32, #tpu.memory_space<hbm>> -> memref<5x128xi32, #tpu.memory_space<hbm>>
        tpu.enqueue_dma source(%dma_start3A_751 : memref<5x128xi32, #tpu.memory_space<hbm>>) target(%arg11 : memref<5x128xi32, #tpu.memory_space<vmem>>) target_semaphore(%run_scoped3A : memref<!tpu.dma_semaphore, #tpu.memory_space<semaphore_mem>>)
        %dma_wait3A_752 = arith.constant 0 : i32
        %dma_wait3A_753 = tpu.memref_slice %arg3[%add3A_507, %dma_wait3A_752] : memref<2560x128xi32, #tpu.memory_space<hbm>> -> memref<5x128xi32, #tpu.memory_space<hbm>>
        %dma_wait3A_754 = arith.constant 0 : i32
        %dma_wait3A_755 = tpu.memref_slice %arg3[%add3A_507, %dma_wait3A_754] : memref<2560x128xi32, #tpu.memory_space<hbm>> -> memref<5x128xi32, #tpu.memory_space<hbm>>
        tpu.wait_dma2 semaphore(%run_scoped3A : memref<!tpu.dma_semaphore, #tpu.memory_space<semaphore_mem>>) src(%dma_wait3A_755 : memref<5x128xi32, #tpu.memory_space<hbm>>) dst(%arg11 : memref<5x128xi32, #tpu.memory_space<vmem>>)
        tpu.yield
      }) : () -> ()
      "tpu.region"() ({
        %run_scoped3A = tpu.sem_alloc : memref<!tpu.dma_semaphore, #tpu.memory_space<semaphore_mem>>
        %dma_start3A_748 = arith.constant 0 : i32
        %dma_start3A_749 = tpu.memref_slice %arg4[%add3A_507, %dma_start3A_748] : memref<2560x128xi32, #tpu.memory_space<hbm>> -> memref<5x128xi32, #tpu.memory_space<hbm>>
        %dma_start3A_750 = arith.constant 0 : i32
        %dma_start3A_751 = tpu.memref_slice %arg4[%add3A_507, %dma_start3A_750] : memref<2560x128xi32, #tpu.memory_space<hbm>> -> memref<5x128xi32, #tpu.memory_space<hbm>>
        tpu.enqueue_dma source(%dma_start3A_751 : memref<5x128xi32, #tpu.memory_space<hbm>>) target(%arg13 : memref<5x128xi32, #tpu.memory_space<vmem>>) target_semaphore(%run_scoped3A : memref<!tpu.dma_semaphore, #tpu.memory_space<semaphore_mem>>)
        %dma_wait3A_752 = arith.constant 0 : i32
        %dma_wait3A_753 = tpu.memref_slice %arg4[%add3A_507, %dma_wait3A_752] : memref<2560x128xi32, #tpu.memory_space<hbm>> -> memref<5x128xi32, #tpu.memory_space<hbm>>
        %dma_wait3A_754 = arith.constant 0 : i32
        %dma_wait3A_755 = tpu.memref_slice %arg4[%add3A_507, %dma_wait3A_754] : memref<2560x128xi32, #tpu.memory_space<hbm>> -> memref<5x128xi32, #tpu.memory_space<hbm>>
        tpu.wait_dma2 semaphore(%run_scoped3A : memref<!tpu.dma_semaphore, #tpu.memory_space<semaphore_mem>>) src(%dma_wait3A_755 : memref<5x128xi32, #tpu.memory_space<hbm>>) dst(%arg13 : memref<5x128xi32, #tpu.memory_space<vmem>>)
        tpu.yield
      }) : () -> ()
      %dma_start3A_508 = arith.constant 0 : i32
      %dma_start3A_509 = arith.constant 0 : i32
      %dma_start3A_510 = arith.constant 0 : i32
      %dma_start3A_511 = tpu.memref_slice %arg15[%dma_start3A_509, %dma_start3A_510] : memref<640x64xf32, #tpu.memory_space<vmem>> -> memref<128x64xf32, #tpu.memory_space<vmem>>
      %dma_start3A_512 = arith.constant 0 : i32
      %dma_start3A_513 = tpu.memref_slice %arg11[%dma_start3A_508, %dma_start3A_512] : memref<5x128xi32, #tpu.memory_space<vmem>> -> memref<1x128xi32, #tpu.memory_space<vmem>>
      %dma_start3A_514 = tpu.memref_squeeze %dma_start3A_513 : memref<1x128xi32, #tpu.memory_space<vmem>> -> memref<128xi32, #tpu.memory_space<vmem>>
      %dma_start3A_515 = arith.constant 0 : i32
      %dma_start3A_516 = arith.constant 0 : i32
      %dma_start3A_517 = tpu.memref_slice %arg2[%arg0, %dma_start3A_515, %dma_start3A_516] : memref<2x2560x64xf32, #tpu.memory_space<hbm>> -> memref<1x2560x64xf32, #tpu.memory_space<hbm>>
      %dma_start3A_518 = tpu.memref_squeeze %dma_start3A_517 : memref<1x2560x64xf32, #tpu.memory_space<hbm>> -> memref<2560x64xf32, #tpu.memory_space<hbm>>
      %dma_start3A_519 = arith.constant 0 : i32
      %dma_start3A_520 = arith.constant 0 : i32
      %dma_start3A_521 = tpu.memref_slice %dma_start3A_518[%dma_start3A_519, %dma_start3A_520] : memref<2560x64xf32, #tpu.memory_space<hbm>> -> memref<2560x64xf32, #tpu.memory_space<hbm>>
      tpu.enqueue_indirect_dma source(%dma_start3A_521 : memref<2560x64xf32, #tpu.memory_space<hbm>>) target(%dma_start3A_511 : memref<128x64xf32, #tpu.memory_space<vmem>>) offsets(%dma_start3A_514 : memref<128xi32, #tpu.memory_space<vmem>>) semaphore(%arg18 : memref<!tpu.dma_semaphore, #tpu.memory_space<semaphore_mem>>)
      %dma_start3A_522 = arith.constant 1 : i32
      %dma_start3A_523 = arith.constant 128 : i32
      %dma_start3A_524 = arith.constant 0 : i32
      %dma_start3A_525 = tpu.memref_slice %arg15[%dma_start3A_523, %dma_start3A_524] : memref<640x64xf32, #tpu.memory_space<vmem>> -> memref<128x64xf32, #tpu.memory_space<vmem>>
      %dma_start3A_526 = arith.constant 0 : i32
      %dma_start3A_527 = tpu.memref_slice %arg11[%dma_start3A_522, %dma_start3A_526] : memref<5x128xi32, #tpu.memory_space<vmem>> -> memref<1x128xi32, #tpu.memory_space<vmem>>
      %dma_start3A_528 = tpu.memref_squeeze %dma_start3A_527 : memref<1x128xi32, #tpu.memory_space<vmem>> -> memref<128xi32, #tpu.memory_space<vmem>>
      %dma_start3A_529 = arith.constant 0 : i32
      %dma_start3A_530 = arith.constant 0 : i32
      %dma_start3A_531 = tpu.memref_slice %arg2[%arg0, %dma_start3A_529, %dma_start3A_530] : memref<2x2560x64xf32, #tpu.memory_space<hbm>> -> memref<1x2560x64xf32, #tpu.memory_space<hbm>>
      %dma_start3A_532 = tpu.memref_squeeze %dma_start3A_531 : memref<1x2560x64xf32, #tpu.memory_space<hbm>> -> memref<2560x64xf32, #tpu.memory_space<hbm>>
      %dma_start3A_533 = arith.constant 0 : i32
      %dma_start3A_534 = arith.constant 0 : i32
      %dma_start3A_535 = tpu.memref_slice %dma_start3A_532[%dma_start3A_533, %dma_start3A_534] : memref<2560x64xf32, #tpu.memory_space<hbm>> -> memref<2560x64xf32, #tpu.memory_space<hbm>>
      tpu.enqueue_indirect_dma source(%dma_start3A_535 : memref<2560x64xf32, #tpu.memory_space<hbm>>) target(%dma_start3A_525 : memref<128x64xf32, #tpu.memory_space<vmem>>) offsets(%dma_start3A_528 : memref<128xi32, #tpu.memory_space<vmem>>) semaphore(%arg18 : memref<!tpu.dma_semaphore, #tpu.memory_space<semaphore_mem>>)
      %dma_start3A_536 = arith.constant 2 : i32
      %dma_start3A_537 = arith.constant 256 : i32
      %dma_start3A_538 = arith.constant 0 : i32
      %dma_start3A_539 = tpu.memref_slice %arg15[%dma_start3A_537, %dma_start3A_538] : memref<640x64xf32, #tpu.memory_space<vmem>> -> memref<128x64xf32, #tpu.memory_space<vmem>>
      %dma_start3A_540 = arith.constant 0 : i32
      %dma_start3A_541 = tpu.memref_slice %arg11[%dma_start3A_536, %dma_start3A_540] : memref<5x128xi32, #tpu.memory_space<vmem>> -> memref<1x128xi32, #tpu.memory_space<vmem>>
      %dma_start3A_542 = tpu.memref_squeeze %dma_start3A_541 : memref<1x128xi32, #tpu.memory_space<vmem>> -> memref<128xi32, #tpu.memory_space<vmem>>
      %dma_start3A_543 = arith.constant 0 : i32
      %dma_start3A_544 = arith.constant 0 : i32
      %dma_start3A_545 = tpu.memref_slice %arg2[%arg0, %dma_start3A_543, %dma_start3A_544] : memref<2x2560x64xf32, #tpu.memory_space<hbm>> -> memref<1x2560x64xf32, #tpu.memory_space<hbm>>
      %dma_start3A_546 = tpu.memref_squeeze %dma_start3A_545 : memref<1x2560x64xf32, #tpu.memory_space<hbm>> -> memref<2560x64xf32, #tpu.memory_space<hbm>>
      %dma_start3A_547 = arith.constant 0 : i32
      %dma_start3A_548 = arith.constant 0 : i32
      %dma_start3A_549 = tpu.memref_slice %dma_start3A_546[%dma_start3A_547, %dma_start3A_548] : memref<2560x64xf32, #tpu.memory_space<hbm>> -> memref<2560x64xf32, #tpu.memory_space<hbm>>
      tpu.enqueue_indirect_dma source(%dma_start3A_549 : memref<2560x64xf32, #tpu.memory_space<hbm>>) target(%dma_start3A_539 : memref<128x64xf32, #tpu.memory_space<vmem>>) offsets(%dma_start3A_542 : memref<128xi32, #tpu.memory_space<vmem>>) semaphore(%arg18 : memref<!tpu.dma_semaphore, #tpu.memory_space<semaphore_mem>>)
      %dma_start3A_550 = arith.constant 3 : i32
      %dma_start3A_551 = arith.constant 384 : i32
      %dma_start3A_552 = arith.constant 0 : i32
      %dma_start3A_553 = tpu.memref_slice %arg15[%dma_start3A_551, %dma_start3A_552] : memref<640x64xf32, #tpu.memory_space<vmem>> -> memref<128x64xf32, #tpu.memory_space<vmem>>
      %dma_start3A_554 = arith.constant 0 : i32
      %dma_start3A_555 = tpu.memref_slice %arg11[%dma_start3A_550, %dma_start3A_554] : memref<5x128xi32, #tpu.memory_space<vmem>> -> memref<1x128xi32, #tpu.memory_space<vmem>>
      %dma_start3A_556 = tpu.memref_squeeze %dma_start3A_555 : memref<1x128xi32, #tpu.memory_space<vmem>> -> memref<128xi32, #tpu.memory_space<vmem>>
      %dma_start3A_557 = arith.constant 0 : i32
      %dma_start3A_558 = arith.constant 0 : i32
      %dma_start3A_559 = tpu.memref_slice %arg2[%arg0, %dma_start3A_557, %dma_start3A_558] : memref<2x2560x64xf32, #tpu.memory_space<hbm>> -> memref<1x2560x64xf32, #tpu.memory_space<hbm>>
      %dma_start3A_560 = tpu.memref_squeeze %dma_start3A_559 : memref<1x2560x64xf32, #tpu.memory_space<hbm>> -> memref<2560x64xf32, #tpu.memory_space<hbm>>
      %dma_start3A_561 = arith.constant 0 : i32
      %dma_start3A_562 = arith.constant 0 : i32
      %dma_start3A_563 = tpu.memref_slice %dma_start3A_560[%dma_start3A_561, %dma_start3A_562] : memref<2560x64xf32, #tpu.memory_space<hbm>> -> memref<2560x64xf32, #tpu.memory_space<hbm>>
      tpu.enqueue_indirect_dma source(%dma_start3A_563 : memref<2560x64xf32, #tpu.memory_space<hbm>>) target(%dma_start3A_553 : memref<128x64xf32, #tpu.memory_space<vmem>>) offsets(%dma_start3A_556 : memref<128xi32, #tpu.memory_space<vmem>>) semaphore(%arg18 : memref<!tpu.dma_semaphore, #tpu.memory_space<semaphore_mem>>)
      %dma_start3A_564 = arith.constant 4 : i32
      %dma_start3A_565 = arith.constant 512 : i32
      %dma_start3A_566 = arith.constant 0 : i32
      %dma_start3A_567 = tpu.memref_slice %arg15[%dma_start3A_565, %dma_start3A_566] : memref<640x64xf32, #tpu.memory_space<vmem>> -> memref<128x64xf32, #tpu.memory_space<vmem>>
      %dma_start3A_568 = arith.constant 0 : i32
      %dma_start3A_569 = tpu.memref_slice %arg11[%dma_start3A_564, %dma_start3A_568] : memref<5x128xi32, #tpu.memory_space<vmem>> -> memref<1x128xi32, #tpu.memory_space<vmem>>
      %dma_start3A_570 = tpu.memref_squeeze %dma_start3A_569 : memref<1x128xi32, #tpu.memory_space<vmem>> -> memref<128xi32, #tpu.memory_space<vmem>>
      %dma_start3A_571 = arith.constant 0 : i32
      %dma_start3A_572 = arith.constant 0 : i32
      %dma_start3A_573 = tpu.memref_slice %arg2[%arg0, %dma_start3A_571, %dma_start3A_572] : memref<2x2560x64xf32, #tpu.memory_space<hbm>> -> memref<1x2560x64xf32, #tpu.memory_space<hbm>>
      %dma_start3A_574 = tpu.memref_squeeze %dma_start3A_573 : memref<1x2560x64xf32, #tpu.memory_space<hbm>> -> memref<2560x64xf32, #tpu.memory_space<hbm>>
      %dma_start3A_575 = arith.constant 0 : i32
      %dma_start3A_576 = arith.constant 0 : i32
      %dma_start3A_577 = tpu.memref_slice %dma_start3A_574[%dma_start3A_575, %dma_start3A_576] : memref<2560x64xf32, #tpu.memory_space<hbm>> -> memref<2560x64xf32, #tpu.memory_space<hbm>>
      tpu.enqueue_indirect_dma source(%dma_start3A_577 : memref<2560x64xf32, #tpu.memory_space<hbm>>) target(%dma_start3A_567 : memref<128x64xf32, #tpu.memory_space<vmem>>) offsets(%dma_start3A_570 : memref<128xi32, #tpu.memory_space<vmem>>) semaphore(%arg18 : memref<!tpu.dma_semaphore, #tpu.memory_space<semaphore_mem>>)
      %dma_wait3A_578 = arith.constant 0 : i32
      %dma_wait3A_579 = arith.constant 0 : i32
      %dma_wait3A_580 = arith.constant 0 : i32
      %dma_wait3A_581 = tpu.memref_slice %arg16[%dma_wait3A_579, %dma_wait3A_580] : memref<640x64xf32, #tpu.memory_space<vmem>> -> memref<128x64xf32, #tpu.memory_space<vmem>>
      %dma_wait3A_582 = arith.constant 0 : i32
      %dma_wait3A_583 = tpu.memref_slice %arg12[%dma_wait3A_578, %dma_wait3A_582] : memref<5x128xi32, #tpu.memory_space<vmem>> -> memref<1x128xi32, #tpu.memory_space<vmem>>
      %dma_wait3A_584 = tpu.memref_squeeze %dma_wait3A_583 : memref<1x128xi32, #tpu.memory_space<vmem>> -> memref<128xi32, #tpu.memory_space<vmem>>
      %dma_wait3A_585 = arith.constant 0 : i32
      %dma_wait3A_586 = arith.constant 0 : i32
      %dma_wait3A_587 = tpu.memref_slice %arg2[%arg0, %dma_wait3A_585, %dma_wait3A_586] : memref<2x2560x64xf32, #tpu.memory_space<hbm>> -> memref<1x2560x64xf32, #tpu.memory_space<hbm>>
      %dma_wait3A_588 = tpu.memref_squeeze %dma_wait3A_587 : memref<1x2560x64xf32, #tpu.memory_space<hbm>> -> memref<2560x64xf32, #tpu.memory_space<hbm>>
      %dma_wait3A_589 = arith.constant 0 : i32
      %dma_wait3A_590 = arith.constant 0 : i32
      %dma_wait3A_591 = tpu.memref_slice %dma_wait3A_588[%dma_wait3A_589, %dma_wait3A_590] : memref<2560x64xf32, #tpu.memory_space<hbm>> -> memref<2560x64xf32, #tpu.memory_space<hbm>>
      tpu.wait_indirect_dma semaphore(%arg19 : memref<!tpu.dma_semaphore, #tpu.memory_space<semaphore_mem>>) src(%dma_wait3A_591 : memref<2560x64xf32, #tpu.memory_space<hbm>>) dst(%dma_wait3A_581 : memref<128x64xf32, #tpu.memory_space<vmem>>)
      %dma_wait3A_592 = arith.constant 1 : i32
      %dma_wait3A_593 = arith.constant 128 : i32
      %dma_wait3A_594 = arith.constant 0 : i32
      %dma_wait3A_595 = tpu.memref_slice %arg16[%dma_wait3A_593, %dma_wait3A_594] : memref<640x64xf32, #tpu.memory_space<vmem>> -> memref<128x64xf32, #tpu.memory_space<vmem>>
      %dma_wait3A_596 = arith.constant 0 : i32
      %dma_wait3A_597 = tpu.memref_slice %arg12[%dma_wait3A_592, %dma_wait3A_596] : memref<5x128xi32, #tpu.memory_space<vmem>> -> memref<1x128xi32, #tpu.memory_space<vmem>>
      %dma_wait3A_598 = tpu.memref_squeeze %dma_wait3A_597 : memref<1x128xi32, #tpu.memory_space<vmem>> -> memref<128xi32, #tpu.memory_space<vmem>>
      %dma_wait3A_599 = arith.constant 0 : i32
      %dma_wait3A_600 = arith.constant 0 : i32
      %dma_wait3A_601 = tpu.memref_slice %arg2[%arg0, %dma_wait3A_599, %dma_wait3A_600] : memref<2x2560x64xf32, #tpu.memory_space<hbm>> -> memref<1x2560x64xf32, #tpu.memory_space<hbm>>
      %dma_wait3A_602 = tpu.memref_squeeze %dma_wait3A_601 : memref<1x2560x64xf32, #tpu.memory_space<hbm>> -> memref<2560x64xf32, #tpu.memory_space<hbm>>
      %dma_wait3A_603 = arith.constant 0 : i32
      %dma_wait3A_604 = arith.constant 0 : i32
      %dma_wait3A_605 = tpu.memref_slice %dma_wait3A_602[%dma_wait3A_603, %dma_wait3A_604] : memref<2560x64xf32, #tpu.memory_space<hbm>> -> memref<2560x64xf32, #tpu.memory_space<hbm>>
      tpu.wait_indirect_dma semaphore(%arg19 : memref<!tpu.dma_semaphore, #tpu.memory_space<semaphore_mem>>) src(%dma_wait3A_605 : memref<2560x64xf32, #tpu.memory_space<hbm>>) dst(%dma_wait3A_595 : memref<128x64xf32, #tpu.memory_space<vmem>>)
      %dma_wait3A_606 = arith.constant 2 : i32
      %dma_wait3A_607 = arith.constant 256 : i32
      %dma_wait3A_608 = arith.constant 0 : i32
      %dma_wait3A_609 = tpu.memref_slice %arg16[%dma_wait3A_607, %dma_wait3A_608] : memref<640x64xf32, #tpu.memory_space<vmem>> -> memref<128x64xf32, #tpu.memory_space<vmem>>
      %dma_wait3A_610 = arith.constant 0 : i32
      %dma_wait3A_611 = tpu.memref_slice %arg12[%dma_wait3A_606, %dma_wait3A_610] : memref<5x128xi32, #tpu.memory_space<vmem>> -> memref<1x128xi32, #tpu.memory_space<vmem>>
      %dma_wait3A_612 = tpu.memref_squeeze %dma_wait3A_611 : memref<1x128xi32, #tpu.memory_space<vmem>> -> memref<128xi32, #tpu.memory_space<vmem>>
      %dma_wait3A_613 = arith.constant 0 : i32
      %dma_wait3A_614 = arith.constant 0 : i32
      %dma_wait3A_615 = tpu.memref_slice %arg2[%arg0, %dma_wait3A_613, %dma_wait3A_614] : memref<2x2560x64xf32, #tpu.memory_space<hbm>> -> memref<1x2560x64xf32, #tpu.memory_space<hbm>>
      %dma_wait3A_616 = tpu.memref_squeeze %dma_wait3A_615 : memref<1x2560x64xf32, #tpu.memory_space<hbm>> -> memref<2560x64xf32, #tpu.memory_space<hbm>>
      %dma_wait3A_617 = arith.constant 0 : i32
      %dma_wait3A_618 = arith.constant 0 : i32
      %dma_wait3A_619 = tpu.memref_slice %dma_wait3A_616[%dma_wait3A_617, %dma_wait3A_618] : memref<2560x64xf32, #tpu.memory_space<hbm>> -> memref<2560x64xf32, #tpu.memory_space<hbm>>
      tpu.wait_indirect_dma semaphore(%arg19 : memref<!tpu.dma_semaphore, #tpu.memory_space<semaphore_mem>>) src(%dma_wait3A_619 : memref<2560x64xf32, #tpu.memory_space<hbm>>) dst(%dma_wait3A_609 : memref<128x64xf32, #tpu.memory_space<vmem>>)
      %dma_wait3A_620 = arith.constant 3 : i32
      %dma_wait3A_621 = arith.constant 384 : i32
      %dma_wait3A_622 = arith.constant 0 : i32
      %dma_wait3A_623 = tpu.memref_slice %arg16[%dma_wait3A_621, %dma_wait3A_622] : memref<640x64xf32, #tpu.memory_space<vmem>> -> memref<128x64xf32, #tpu.memory_space<vmem>>
      %dma_wait3A_624 = arith.constant 0 : i32
      %dma_wait3A_625 = tpu.memref_slice %arg12[%dma_wait3A_620, %dma_wait3A_624] : memref<5x128xi32, #tpu.memory_space<vmem>> -> memref<1x128xi32, #tpu.memory_space<vmem>>
      %dma_wait3A_626 = tpu.memref_squeeze %dma_wait3A_625 : memref<1x128xi32, #tpu.memory_space<vmem>> -> memref<128xi32, #tpu.memory_space<vmem>>
      %dma_wait3A_627 = arith.constant 0 : i32
      %dma_wait3A_628 = arith.constant 0 : i32
      %dma_wait3A_629 = tpu.memref_slice %arg2[%arg0, %dma_wait3A_627, %dma_wait3A_628] : memref<2x2560x64xf32, #tpu.memory_space<hbm>> -> memref<1x2560x64xf32, #tpu.memory_space<hbm>>
      %dma_wait3A_630 = tpu.memref_squeeze %dma_wait3A_629 : memref<1x2560x64xf32, #tpu.memory_space<hbm>> -> memref<2560x64xf32, #tpu.memory_space<hbm>>
      %dma_wait3A_631 = arith.constant 0 : i32
      %dma_wait3A_632 = arith.constant 0 : i32
      %dma_wait3A_633 = tpu.memref_slice %dma_wait3A_630[%dma_wait3A_631, %dma_wait3A_632] : memref<2560x64xf32, #tpu.memory_space<hbm>> -> memref<2560x64xf32, #tpu.memory_space<hbm>>
      tpu.wait_indirect_dma semaphore(%arg19 : memref<!tpu.dma_semaphore, #tpu.memory_space<semaphore_mem>>) src(%dma_wait3A_633 : memref<2560x64xf32, #tpu.memory_space<hbm>>) dst(%dma_wait3A_623 : memref<128x64xf32, #tpu.memory_space<vmem>>)
      %dma_wait3A_634 = arith.constant 4 : i32
      %dma_wait3A_635 = arith.constant 512 : i32
      %dma_wait3A_636 = arith.constant 0 : i32
      %dma_wait3A_637 = tpu.memref_slice %arg16[%dma_wait3A_635, %dma_wait3A_636] : memref<640x64xf32, #tpu.memory_space<vmem>> -> memref<128x64xf32, #tpu.memory_space<vmem>>
      %dma_wait3A_638 = arith.constant 0 : i32
      %dma_wait3A_639 = tpu.memref_slice %arg12[%dma_wait3A_634, %dma_wait3A_638] : memref<5x128xi32, #tpu.memory_space<vmem>> -> memref<1x128xi32, #tpu.memory_space<vmem>>
      %dma_wait3A_640 = tpu.memref_squeeze %dma_wait3A_639 : memref<1x128xi32, #tpu.memory_space<vmem>> -> memref<128xi32, #tpu.memory_space<vmem>>
      %dma_wait3A_641 = arith.constant 0 : i32
      %dma_wait3A_642 = arith.constant 0 : i32
      %dma_wait3A_643 = tpu.memref_slice %arg2[%arg0, %dma_wait3A_641, %dma_wait3A_642] : memref<2x2560x64xf32, #tpu.memory_space<hbm>> -> memref<1x2560x64xf32, #tpu.memory_space<hbm>>
      %dma_wait3A_644 = tpu.memref_squeeze %dma_wait3A_643 : memref<1x2560x64xf32, #tpu.memory_space<hbm>> -> memref<2560x64xf32, #tpu.memory_space<hbm>>
      %dma_wait3A_645 = arith.constant 0 : i32
      %dma_wait3A_646 = arith.constant 0 : i32
      %dma_wait3A_647 = tpu.memref_slice %dma_wait3A_644[%dma_wait3A_645, %dma_wait3A_646] : memref<2560x64xf32, #tpu.memory_space<hbm>> -> memref<2560x64xf32, #tpu.memory_space<hbm>>
      tpu.wait_indirect_dma semaphore(%arg19 : memref<!tpu.dma_semaphore, #tpu.memory_space<semaphore_mem>>) src(%dma_wait3A_647 : memref<2560x64xf32, #tpu.memory_space<hbm>>) dst(%dma_wait3A_637 : memref<128x64xf32, #tpu.memory_space<vmem>>)
      %dma_start3A_648 = arith.constant 0 : i32
      %dma_start3A_649 = arith.constant 0 : i32
      %dma_start3A_650 = arith.constant 0 : i32
      %dma_start3A_651 = tpu.memref_slice %arg16[%dma_start3A_649, %dma_start3A_650] : memref<640x64xf32, #tpu.memory_space<vmem>> -> memref<128x64xf32, #tpu.memory_space<vmem>>
      %dma_start3A_652 = arith.constant 0 : i32
      %dma_start3A_653 = tpu.memref_slice %arg14[%dma_start3A_648, %dma_start3A_652] : memref<5x128xi32, #tpu.memory_space<vmem>> -> memref<1x128xi32, #tpu.memory_space<vmem>>
      %dma_start3A_654 = tpu.memref_squeeze %dma_start3A_653 : memref<1x128xi32, #tpu.memory_space<vmem>> -> memref<128xi32, #tpu.memory_space<vmem>>
      %dma_start3A_655 = arith.constant 0 : i32
      %dma_start3A_656 = arith.constant 0 : i32
      %dma_start3A_657 = tpu.memref_slice %arg10[%dma_start3A_655, %dma_start3A_656] : memref<10240x64xf32, #tpu.memory_space<vmem_shared>> -> memref<10240x64xf32, #tpu.memory_space<vmem_shared>>
      tpu.enqueue_indirect_dma source(%dma_start3A_651 : memref<128x64xf32, #tpu.memory_space<vmem>>) target(%dma_start3A_657 : memref<10240x64xf32, #tpu.memory_space<vmem_shared>>) offsets(%dma_start3A_654 : memref<128xi32, #tpu.memory_space<vmem>>) semaphore(%arg21 : memref<!tpu.dma_semaphore, #tpu.memory_space<semaphore_mem>>) {add = true}
      %dma_start3A_658 = arith.constant 1 : i32
      %dma_start3A_659 = arith.constant 128 : i32
      %dma_start3A_660 = arith.constant 0 : i32
      %dma_start3A_661 = tpu.memref_slice %arg16[%dma_start3A_659, %dma_start3A_660] : memref<640x64xf32, #tpu.memory_space<vmem>> -> memref<128x64xf32, #tpu.memory_space<vmem>>
      %dma_start3A_662 = arith.constant 0 : i32
      %dma_start3A_663 = tpu.memref_slice %arg14[%dma_start3A_658, %dma_start3A_662] : memref<5x128xi32, #tpu.memory_space<vmem>> -> memref<1x128xi32, #tpu.memory_space<vmem>>
      %dma_start3A_664 = tpu.memref_squeeze %dma_start3A_663 : memref<1x128xi32, #tpu.memory_space<vmem>> -> memref<128xi32, #tpu.memory_space<vmem>>
      %dma_start3A_665 = arith.constant 0 : i32
      %dma_start3A_666 = arith.constant 0 : i32
      %dma_start3A_667 = tpu.memref_slice %arg10[%dma_start3A_665, %dma_start3A_666] : memref<10240x64xf32, #tpu.memory_space<vmem_shared>> -> memref<10240x64xf32, #tpu.memory_space<vmem_shared>>
      tpu.enqueue_indirect_dma source(%dma_start3A_661 : memref<128x64xf32, #tpu.memory_space<vmem>>) target(%dma_start3A_667 : memref<10240x64xf32, #tpu.memory_space<vmem_shared>>) offsets(%dma_start3A_664 : memref<128xi32, #tpu.memory_space<vmem>>) semaphore(%arg21 : memref<!tpu.dma_semaphore, #tpu.memory_space<semaphore_mem>>) {add = true}
      %dma_start3A_668 = arith.constant 2 : i32
      %dma_start3A_669 = arith.constant 256 : i32
      %dma_start3A_670 = arith.constant 0 : i32
      %dma_start3A_671 = tpu.memref_slice %arg16[%dma_start3A_669, %dma_start3A_670] : memref<640x64xf32, #tpu.memory_space<vmem>> -> memref<128x64xf32, #tpu.memory_space<vmem>>
      %dma_start3A_672 = arith.constant 0 : i32
      %dma_start3A_673 = tpu.memref_slice %arg14[%dma_start3A_668, %dma_start3A_672] : memref<5x128xi32, #tpu.memory_space<vmem>> -> memref<1x128xi32, #tpu.memory_space<vmem>>
      %dma_start3A_674 = tpu.memref_squeeze %dma_start3A_673 : memref<1x128xi32, #tpu.memory_space<vmem>> -> memref<128xi32, #tpu.memory_space<vmem>>
      %dma_start3A_675 = arith.constant 0 : i32
      %dma_start3A_676 = arith.constant 0 : i32
      %dma_start3A_677 = tpu.memref_slice %arg10[%dma_start3A_675, %dma_start3A_676] : memref<10240x64xf32, #tpu.memory_space<vmem_shared>> -> memref<10240x64xf32, #tpu.memory_space<vmem_shared>>
      tpu.enqueue_indirect_dma source(%dma_start3A_671 : memref<128x64xf32, #tpu.memory_space<vmem>>) target(%dma_start3A_677 : memref<10240x64xf32, #tpu.memory_space<vmem_shared>>) offsets(%dma_start3A_674 : memref<128xi32, #tpu.memory_space<vmem>>) semaphore(%arg21 : memref<!tpu.dma_semaphore, #tpu.memory_space<semaphore_mem>>) {add = true}
      %dma_start3A_678 = arith.constant 3 : i32
      %dma_start3A_679 = arith.constant 384 : i32
      %dma_start3A_680 = arith.constant 0 : i32
      %dma_start3A_681 = tpu.memref_slice %arg16[%dma_start3A_679, %dma_start3A_680] : memref<640x64xf32, #tpu.memory_space<vmem>> -> memref<128x64xf32, #tpu.memory_space<vmem>>
      %dma_start3A_682 = arith.constant 0 : i32
      %dma_start3A_683 = tpu.memref_slice %arg14[%dma_start3A_678, %dma_start3A_682] : memref<5x128xi32, #tpu.memory_space<vmem>> -> memref<1x128xi32, #tpu.memory_space<vmem>>
      %dma_start3A_684 = tpu.memref_squeeze %dma_start3A_683 : memref<1x128xi32, #tpu.memory_space<vmem>> -> memref<128xi32, #tpu.memory_space<vmem>>
      %dma_start3A_685 = arith.constant 0 : i32
      %dma_start3A_686 = arith.constant 0 : i32
      %dma_start3A_687 = tpu.memref_slice %arg10[%dma_start3A_685, %dma_start3A_686] : memref<10240x64xf32, #tpu.memory_space<vmem_shared>> -> memref<10240x64xf32, #tpu.memory_space<vmem_shared>>
      tpu.enqueue_indirect_dma source(%dma_start3A_681 : memref<128x64xf32, #tpu.memory_space<vmem>>) target(%dma_start3A_687 : memref<10240x64xf32, #tpu.memory_space<vmem_shared>>) offsets(%dma_start3A_684 : memref<128xi32, #tpu.memory_space<vmem>>) semaphore(%arg21 : memref<!tpu.dma_semaphore, #tpu.memory_space<semaphore_mem>>) {add = true}
      %dma_start3A_688 = arith.constant 4 : i32
      %dma_start3A_689 = arith.constant 512 : i32
      %dma_start3A_690 = arith.constant 0 : i32
      %dma_start3A_691 = tpu.memref_slice %arg16[%dma_start3A_689, %dma_start3A_690] : memref<640x64xf32, #tpu.memory_space<vmem>> -> memref<128x64xf32, #tpu.memory_space<vmem>>
      %dma_start3A_692 = arith.constant 0 : i32
      %dma_start3A_693 = tpu.memref_slice %arg14[%dma_start3A_688, %dma_start3A_692] : memref<5x128xi32, #tpu.memory_space<vmem>> -> memref<1x128xi32, #tpu.memory_space<vmem>>
      %dma_start3A_694 = tpu.memref_squeeze %dma_start3A_693 : memref<1x128xi32, #tpu.memory_space<vmem>> -> memref<128xi32, #tpu.memory_space<vmem>>
      %dma_start3A_695 = arith.constant 0 : i32
      %dma_start3A_696 = arith.constant 0 : i32
      %dma_start3A_697 = tpu.memref_slice %arg10[%dma_start3A_695, %dma_start3A_696] : memref<10240x64xf32, #tpu.memory_space<vmem_shared>> -> memref<10240x64xf32, #tpu.memory_space<vmem_shared>>
      tpu.enqueue_indirect_dma source(%dma_start3A_691 : memref<128x64xf32, #tpu.memory_space<vmem>>) target(%dma_start3A_697 : memref<10240x64xf32, #tpu.memory_space<vmem_shared>>) offsets(%dma_start3A_694 : memref<128xi32, #tpu.memory_space<vmem>>) semaphore(%arg21 : memref<!tpu.dma_semaphore, #tpu.memory_space<semaphore_mem>>) {add = true}
      %dma_wait3A_698 = arith.constant 0 : i32
      %dma_wait3A_699 = arith.constant 0 : i32
      %dma_wait3A_700 = arith.constant 0 : i32
      %dma_wait3A_701 = tpu.memref_slice %arg16[%dma_wait3A_699, %dma_wait3A_700] : memref<640x64xf32, #tpu.memory_space<vmem>> -> memref<128x64xf32, #tpu.memory_space<vmem>>
      %dma_wait3A_702 = arith.constant 0 : i32
      %dma_wait3A_703 = tpu.memref_slice %arg14[%dma_wait3A_698, %dma_wait3A_702] : memref<5x128xi32, #tpu.memory_space<vmem>> -> memref<1x128xi32, #tpu.memory_space<vmem>>
      %dma_wait3A_704 = tpu.memref_squeeze %dma_wait3A_703 : memref<1x128xi32, #tpu.memory_space<vmem>> -> memref<128xi32, #tpu.memory_space<vmem>>
      %dma_wait3A_705 = arith.constant 0 : i32
      %dma_wait3A_706 = arith.constant 0 : i32
      %dma_wait3A_707 = tpu.memref_slice %arg10[%dma_wait3A_705, %dma_wait3A_706] : memref<10240x64xf32, #tpu.memory_space<vmem_shared>> -> memref<10240x64xf32, #tpu.memory_space<vmem_shared>>
      tpu.wait_indirect_dma semaphore(%arg21 : memref<!tpu.dma_semaphore, #tpu.memory_space<semaphore_mem>>) src(%dma_wait3A_701 : memref<128x64xf32, #tpu.memory_space<vmem>>) dst(%dma_wait3A_707 : memref<10240x64xf32, #tpu.memory_space<vmem_shared>>)
      %dma_wait3A_708 = arith.constant 1 : i32
      %dma_wait3A_709 = arith.constant 128 : i32
      %dma_wait3A_710 = arith.constant 0 : i32
      %dma_wait3A_711 = tpu.memref_slice %arg16[%dma_wait3A_709, %dma_wait3A_710] : memref<640x64xf32, #tpu.memory_space<vmem>> -> memref<128x64xf32, #tpu.memory_space<vmem>>
      %dma_wait3A_712 = arith.constant 0 : i32
      %dma_wait3A_713 = tpu.memref_slice %arg14[%dma_wait3A_708, %dma_wait3A_712] : memref<5x128xi32, #tpu.memory_space<vmem>> -> memref<1x128xi32, #tpu.memory_space<vmem>>
      %dma_wait3A_714 = tpu.memref_squeeze %dma_wait3A_713 : memref<1x128xi32, #tpu.memory_space<vmem>> -> memref<128xi32, #tpu.memory_space<vmem>>
      %dma_wait3A_715 = arith.constant 0 : i32
      %dma_wait3A_716 = arith.constant 0 : i32
      %dma_wait3A_717 = tpu.memref_slice %arg10[%dma_wait3A_715, %dma_wait3A_716] : memref<10240x64xf32, #tpu.memory_space<vmem_shared>> -> memref<10240x64xf32, #tpu.memory_space<vmem_shared>>
      tpu.wait_indirect_dma semaphore(%arg21 : memref<!tpu.dma_semaphore, #tpu.memory_space<semaphore_mem>>) src(%dma_wait3A_711 : memref<128x64xf32, #tpu.memory_space<vmem>>) dst(%dma_wait3A_717 : memref<10240x64xf32, #tpu.memory_space<vmem_shared>>)
      %dma_wait3A_718 = arith.constant 2 : i32
      %dma_wait3A_719 = arith.constant 256 : i32
      %dma_wait3A_720 = arith.constant 0 : i32
      %dma_wait3A_721 = tpu.memref_slice %arg16[%dma_wait3A_719, %dma_wait3A_720] : memref<640x64xf32, #tpu.memory_space<vmem>> -> memref<128x64xf32, #tpu.memory_space<vmem>>
      %dma_wait3A_722 = arith.constant 0 : i32
      %dma_wait3A_723 = tpu.memref_slice %arg14[%dma_wait3A_718, %dma_wait3A_722] : memref<5x128xi32, #tpu.memory_space<vmem>> -> memref<1x128xi32, #tpu.memory_space<vmem>>
      %dma_wait3A_724 = tpu.memref_squeeze %dma_wait3A_723 : memref<1x128xi32, #tpu.memory_space<vmem>> -> memref<128xi32, #tpu.memory_space<vmem>>
      %dma_wait3A_725 = arith.constant 0 : i32
      %dma_wait3A_726 = arith.constant 0 : i32
      %dma_wait3A_727 = tpu.memref_slice %arg10[%dma_wait3A_725, %dma_wait3A_726] : memref<10240x64xf32, #tpu.memory_space<vmem_shared>> -> memref<10240x64xf32, #tpu.memory_space<vmem_shared>>
      tpu.wait_indirect_dma semaphore(%arg21 : memref<!tpu.dma_semaphore, #tpu.memory_space<semaphore_mem>>) src(%dma_wait3A_721 : memref<128x64xf32, #tpu.memory_space<vmem>>) dst(%dma_wait3A_727 : memref<10240x64xf32, #tpu.memory_space<vmem_shared>>)
      %dma_wait3A_728 = arith.constant 3 : i32
      %dma_wait3A_729 = arith.constant 384 : i32
      %dma_wait3A_730 = arith.constant 0 : i32
      %dma_wait3A_731 = tpu.memref_slice %arg16[%dma_wait3A_729, %dma_wait3A_730] : memref<640x64xf32, #tpu.memory_space<vmem>> -> memref<128x64xf32, #tpu.memory_space<vmem>>
      %dma_wait3A_732 = arith.constant 0 : i32
      %dma_wait3A_733 = tpu.memref_slice %arg14[%dma_wait3A_728, %dma_wait3A_732] : memref<5x128xi32, #tpu.memory_space<vmem>> -> memref<1x128xi32, #tpu.memory_space<vmem>>
      %dma_wait3A_734 = tpu.memref_squeeze %dma_wait3A_733 : memref<1x128xi32, #tpu.memory_space<vmem>> -> memref<128xi32, #tpu.memory_space<vmem>>
      %dma_wait3A_735 = arith.constant 0 : i32
      %dma_wait3A_736 = arith.constant 0 : i32
      %dma_wait3A_737 = tpu.memref_slice %arg10[%dma_wait3A_735, %dma_wait3A_736] : memref<10240x64xf32, #tpu.memory_space<vmem_shared>> -> memref<10240x64xf32, #tpu.memory_space<vmem_shared>>
      tpu.wait_indirect_dma semaphore(%arg21 : memref<!tpu.dma_semaphore, #tpu.memory_space<semaphore_mem>>) src(%dma_wait3A_731 : memref<128x64xf32, #tpu.memory_space<vmem>>) dst(%dma_wait3A_737 : memref<10240x64xf32, #tpu.memory_space<vmem_shared>>)
      %dma_wait3A_738 = arith.constant 4 : i32
      %dma_wait3A_739 = arith.constant 512 : i32
      %dma_wait3A_740 = arith.constant 0 : i32
      %dma_wait3A_741 = tpu.memref_slice %arg16[%dma_wait3A_739, %dma_wait3A_740] : memref<640x64xf32, #tpu.memory_space<vmem>> -> memref<128x64xf32, #tpu.memory_space<vmem>>
      %dma_wait3A_742 = arith.constant 0 : i32
      %dma_wait3A_743 = tpu.memref_slice %arg14[%dma_wait3A_738, %dma_wait3A_742] : memref<5x128xi32, #tpu.memory_space<vmem>> -> memref<1x128xi32, #tpu.memory_space<vmem>>
      %dma_wait3A_744 = tpu.memref_squeeze %dma_wait3A_743 : memref<1x128xi32, #tpu.memory_space<vmem>> -> memref<128xi32, #tpu.memory_space<vmem>>
      %dma_wait3A_745 = arith.constant 0 : i32
      %dma_wait3A_746 = arith.constant 0 : i32
      %dma_wait3A_747 = tpu.memref_slice %arg10[%dma_wait3A_745, %dma_wait3A_746] : memref<10240x64xf32, #tpu.memory_space<vmem_shared>> -> memref<10240x64xf32, #tpu.memory_space<vmem_shared>>
      tpu.wait_indirect_dma semaphore(%arg21 : memref<!tpu.dma_semaphore, #tpu.memory_space<semaphore_mem>>) src(%dma_wait3A_741 : memref<128x64xf32, #tpu.memory_space<vmem>>) dst(%dma_wait3A_747 : memref<10240x64xf32, #tpu.memory_space<vmem_shared>>)
    }
    %scan3A_107 = arith.constant 16 : i32
    %dma_wait3A = arith.constant 0 : i32
    %dma_wait3A_108 = arith.constant 0 : i32
    %dma_wait3A_109 = arith.constant 0 : i32
    %dma_wait3A_110 = tpu.memref_slice %arg15[%dma_wait3A_108, %dma_wait3A_109] : memref<640x64xf32, #tpu.memory_space<vmem>> -> memref<128x64xf32, #tpu.memory_space<vmem>>
    %dma_wait3A_111 = arith.constant 0 : i32
    %dma_wait3A_112 = tpu.memref_slice %arg11[%dma_wait3A, %dma_wait3A_111] : memref<5x128xi32, #tpu.memory_space<vmem>> -> memref<1x128xi32, #tpu.memory_space<vmem>>
    %dma_wait3A_113 = tpu.memref_squeeze %dma_wait3A_112 : memref<1x128xi32, #tpu.memory_space<vmem>> -> memref<128xi32, #tpu.memory_space<vmem>>
    %dma_wait3A_114 = arith.constant 0 : i32
    %dma_wait3A_115 = arith.constant 0 : i32
    %dma_wait3A_116 = tpu.memref_slice %arg2[%arg0, %dma_wait3A_114, %dma_wait3A_115] : memref<2x2560x64xf32, #tpu.memory_space<hbm>> -> memref<1x2560x64xf32, #tpu.memory_space<hbm>>
    %dma_wait3A_117 = tpu.memref_squeeze %dma_wait3A_116 : memref<1x2560x64xf32, #tpu.memory_space<hbm>> -> memref<2560x64xf32, #tpu.memory_space<hbm>>
    %dma_wait3A_118 = arith.constant 0 : i32
    %dma_wait3A_119 = arith.constant 0 : i32
    %dma_wait3A_120 = tpu.memref_slice %dma_wait3A_117[%dma_wait3A_118, %dma_wait3A_119] : memref<2560x64xf32, #tpu.memory_space<hbm>> -> memref<2560x64xf32, #tpu.memory_space<hbm>>
    tpu.wait_indirect_dma semaphore(%arg18 : memref<!tpu.dma_semaphore, #tpu.memory_space<semaphore_mem>>) src(%dma_wait3A_120 : memref<2560x64xf32, #tpu.memory_space<hbm>>) dst(%dma_wait3A_110 : memref<128x64xf32, #tpu.memory_space<vmem>>)
    %dma_wait3A_121 = arith.constant 1 : i32
    %dma_wait3A_122 = arith.constant 128 : i32
    %dma_wait3A_123 = arith.constant 0 : i32
    %dma_wait3A_124 = tpu.memref_slice %arg15[%dma_wait3A_122, %dma_wait3A_123] : memref<640x64xf32, #tpu.memory_space<vmem>> -> memref<128x64xf32, #tpu.memory_space<vmem>>
    %dma_wait3A_125 = arith.constant 0 : i32
    %dma_wait3A_126 = tpu.memref_slice %arg11[%dma_wait3A_121, %dma_wait3A_125] : memref<5x128xi32, #tpu.memory_space<vmem>> -> memref<1x128xi32, #tpu.memory_space<vmem>>
    %dma_wait3A_127 = tpu.memref_squeeze %dma_wait3A_126 : memref<1x128xi32, #tpu.memory_space<vmem>> -> memref<128xi32, #tpu.memory_space<vmem>>
    %dma_wait3A_128 = arith.constant 0 : i32
    %dma_wait3A_129 = arith.constant 0 : i32
    %dma_wait3A_130 = tpu.memref_slice %arg2[%arg0, %dma_wait3A_128, %dma_wait3A_129] : memref<2x2560x64xf32, #tpu.memory_space<hbm>> -> memref<1x2560x64xf32, #tpu.memory_space<hbm>>
    %dma_wait3A_131 = tpu.memref_squeeze %dma_wait3A_130 : memref<1x2560x64xf32, #tpu.memory_space<hbm>> -> memref<2560x64xf32, #tpu.memory_space<hbm>>
    %dma_wait3A_132 = arith.constant 0 : i32
    %dma_wait3A_133 = arith.constant 0 : i32
    %dma_wait3A_134 = tpu.memref_slice %dma_wait3A_131[%dma_wait3A_132, %dma_wait3A_133] : memref<2560x64xf32, #tpu.memory_space<hbm>> -> memref<2560x64xf32, #tpu.memory_space<hbm>>
    tpu.wait_indirect_dma semaphore(%arg18 : memref<!tpu.dma_semaphore, #tpu.memory_space<semaphore_mem>>) src(%dma_wait3A_134 : memref<2560x64xf32, #tpu.memory_space<hbm>>) dst(%dma_wait3A_124 : memref<128x64xf32, #tpu.memory_space<vmem>>)
    %dma_wait3A_135 = arith.constant 2 : i32
    %dma_wait3A_136 = arith.constant 256 : i32
    %dma_wait3A_137 = arith.constant 0 : i32
    %dma_wait3A_138 = tpu.memref_slice %arg15[%dma_wait3A_136, %dma_wait3A_137] : memref<640x64xf32, #tpu.memory_space<vmem>> -> memref<128x64xf32, #tpu.memory_space<vmem>>
    %dma_wait3A_139 = arith.constant 0 : i32
    %dma_wait3A_140 = tpu.memref_slice %arg11[%dma_wait3A_135, %dma_wait3A_139] : memref<5x128xi32, #tpu.memory_space<vmem>> -> memref<1x128xi32, #tpu.memory_space<vmem>>
    %dma_wait3A_141 = tpu.memref_squeeze %dma_wait3A_140 : memref<1x128xi32, #tpu.memory_space<vmem>> -> memref<128xi32, #tpu.memory_space<vmem>>
    %dma_wait3A_142 = arith.constant 0 : i32
    %dma_wait3A_143 = arith.constant 0 : i32
    %dma_wait3A_144 = tpu.memref_slice %arg2[%arg0, %dma_wait3A_142, %dma_wait3A_143] : memref<2x2560x64xf32, #tpu.memory_space<hbm>> -> memref<1x2560x64xf32, #tpu.memory_space<hbm>>
    %dma_wait3A_145 = tpu.memref_squeeze %dma_wait3A_144 : memref<1x2560x64xf32, #tpu.memory_space<hbm>> -> memref<2560x64xf32, #tpu.memory_space<hbm>>
    %dma_wait3A_146 = arith.constant 0 : i32
    %dma_wait3A_147 = arith.constant 0 : i32
    %dma_wait3A_148 = tpu.memref_slice %dma_wait3A_145[%dma_wait3A_146, %dma_wait3A_147] : memref<2560x64xf32, #tpu.memory_space<hbm>> -> memref<2560x64xf32, #tpu.memory_space<hbm>>
    tpu.wait_indirect_dma semaphore(%arg18 : memref<!tpu.dma_semaphore, #tpu.memory_space<semaphore_mem>>) src(%dma_wait3A_148 : memref<2560x64xf32, #tpu.memory_space<hbm>>) dst(%dma_wait3A_138 : memref<128x64xf32, #tpu.memory_space<vmem>>)
    %dma_wait3A_149 = arith.constant 3 : i32
    %dma_wait3A_150 = arith.constant 384 : i32
    %dma_wait3A_151 = arith.constant 0 : i32
    %dma_wait3A_152 = tpu.memref_slice %arg15[%dma_wait3A_150, %dma_wait3A_151] : memref<640x64xf32, #tpu.memory_space<vmem>> -> memref<128x64xf32, #tpu.memory_space<vmem>>
    %dma_wait3A_153 = arith.constant 0 : i32
    %dma_wait3A_154 = tpu.memref_slice %arg11[%dma_wait3A_149, %dma_wait3A_153] : memref<5x128xi32, #tpu.memory_space<vmem>> -> memref<1x128xi32, #tpu.memory_space<vmem>>
    %dma_wait3A_155 = tpu.memref_squeeze %dma_wait3A_154 : memref<1x128xi32, #tpu.memory_space<vmem>> -> memref<128xi32, #tpu.memory_space<vmem>>
    %dma_wait3A_156 = arith.constant 0 : i32
    %dma_wait3A_157 = arith.constant 0 : i32
    %dma_wait3A_158 = tpu.memref_slice %arg2[%arg0, %dma_wait3A_156, %dma_wait3A_157] : memref<2x2560x64xf32, #tpu.memory_space<hbm>> -> memref<1x2560x64xf32, #tpu.memory_space<hbm>>
    %dma_wait3A_159 = tpu.memref_squeeze %dma_wait3A_158 : memref<1x2560x64xf32, #tpu.memory_space<hbm>> -> memref<2560x64xf32, #tpu.memory_space<hbm>>
    %dma_wait3A_160 = arith.constant 0 : i32
    %dma_wait3A_161 = arith.constant 0 : i32
    %dma_wait3A_162 = tpu.memref_slice %dma_wait3A_159[%dma_wait3A_160, %dma_wait3A_161] : memref<2560x64xf32, #tpu.memory_space<hbm>> -> memref<2560x64xf32, #tpu.memory_space<hbm>>
    tpu.wait_indirect_dma semaphore(%arg18 : memref<!tpu.dma_semaphore, #tpu.memory_space<semaphore_mem>>) src(%dma_wait3A_162 : memref<2560x64xf32, #tpu.memory_space<hbm>>) dst(%dma_wait3A_152 : memref<128x64xf32, #tpu.memory_space<vmem>>)
    %dma_wait3A_163 = arith.constant 4 : i32
    %dma_wait3A_164 = arith.constant 512 : i32
    %dma_wait3A_165 = arith.constant 0 : i32
    %dma_wait3A_166 = tpu.memref_slice %arg15[%dma_wait3A_164, %dma_wait3A_165] : memref<640x64xf32, #tpu.memory_space<vmem>> -> memref<128x64xf32, #tpu.memory_space<vmem>>
    %dma_wait3A_167 = arith.constant 0 : i32
    %dma_wait3A_168 = tpu.memref_slice %arg11[%dma_wait3A_163, %dma_wait3A_167] : memref<5x128xi32, #tpu.memory_space<vmem>> -> memref<1x128xi32, #tpu.memory_space<vmem>>
    %dma_wait3A_169 = tpu.memref_squeeze %dma_wait3A_168 : memref<1x128xi32, #tpu.memory_space<vmem>> -> memref<128xi32, #tpu.memory_space<vmem>>
    %dma_wait3A_170 = arith.constant 0 : i32
    %dma_wait3A_171 = arith.constant 0 : i32
    %dma_wait3A_172 = tpu.memref_slice %arg2[%arg0, %dma_wait3A_170, %dma_wait3A_171] : memref<2x2560x64xf32, #tpu.memory_space<hbm>> -> memref<1x2560x64xf32, #tpu.memory_space<hbm>>
    %dma_wait3A_173 = tpu.memref_squeeze %dma_wait3A_172 : memref<1x2560x64xf32, #tpu.memory_space<hbm>> -> memref<2560x64xf32, #tpu.memory_space<hbm>>
    %dma_wait3A_174 = arith.constant 0 : i32
    %dma_wait3A_175 = arith.constant 0 : i32
    %dma_wait3A_176 = tpu.memref_slice %dma_wait3A_173[%dma_wait3A_174, %dma_wait3A_175] : memref<2560x64xf32, #tpu.memory_space<hbm>> -> memref<2560x64xf32, #tpu.memory_space<hbm>>
    tpu.wait_indirect_dma semaphore(%arg18 : memref<!tpu.dma_semaphore, #tpu.memory_space<semaphore_mem>>) src(%dma_wait3A_176 : memref<2560x64xf32, #tpu.memory_space<hbm>>) dst(%dma_wait3A_166 : memref<128x64xf32, #tpu.memory_space<vmem>>)
    %barrier3A_177 = arith.constant 0 : index
    tpu.barrier barrier_id(%barrier3A_177)
    %mul3A_178 = arith.constant 640 : i32
    %mul3A_179 = arith.muli %arg1, %mul3A_178 : i32
    %add3A_180 = arith.constant 0 : i32
    %add3A_181 = arith.addi %mul3A_179, %add3A_180 : i32
    "tpu.region"() ({
      %run_scoped3A = tpu.sem_alloc : memref<!tpu.dma_semaphore, #tpu.memory_space<semaphore_mem>>
      %dma_start3A_242 = arith.constant 0 : i32
      %dma_start3A_243 = tpu.memref_slice %arg10[%add3A_181, %dma_start3A_242] : memref<10240x64xf32, #tpu.memory_space<vmem_shared>> -> memref<80x64xf32, #tpu.memory_space<vmem_shared>>
      %dma_start3A_244 = arith.constant 0 : i32
      %dma_start3A_245 = tpu.memref_slice %arg10[%add3A_181, %dma_start3A_244] : memref<10240x64xf32, #tpu.memory_space<vmem_shared>> -> memref<80x64xf32, #tpu.memory_space<vmem_shared>>
      tpu.enqueue_dma source(%dma_start3A_245 : memref<80x64xf32, #tpu.memory_space<vmem_shared>>) target(%arg17 : memref<80x64xf32, #tpu.memory_space<vmem>>) target_semaphore(%run_scoped3A : memref<!tpu.dma_semaphore, #tpu.memory_space<semaphore_mem>>)
      %dma_wait3A_246 = arith.constant 0 : i32
      %dma_wait3A_247 = tpu.memref_slice %arg10[%add3A_181, %dma_wait3A_246] : memref<10240x64xf32, #tpu.memory_space<vmem_shared>> -> memref<80x64xf32, #tpu.memory_space<vmem_shared>>
      %dma_wait3A_248 = arith.constant 0 : i32
      %dma_wait3A_249 = tpu.memref_slice %arg10[%add3A_181, %dma_wait3A_248] : memref<10240x64xf32, #tpu.memory_space<vmem_shared>> -> memref<80x64xf32, #tpu.memory_space<vmem_shared>>
      tpu.wait_dma2 semaphore(%run_scoped3A : memref<!tpu.dma_semaphore, #tpu.memory_space<semaphore_mem>>) src(%dma_wait3A_249 : memref<80x64xf32, #tpu.memory_space<vmem_shared>>) dst(%arg17 : memref<80x64xf32, #tpu.memory_space<vmem>>)
      tpu.yield
    }) : () -> ()
    %mul3A_182 = arith.constant 640 : i32
    %mul3A_183 = arith.muli %arg1, %mul3A_182 : i32
    %add3A_184 = arith.constant 0 : i32
    %add3A_185 = arith.addi %mul3A_183, %add3A_184 : i32
    "tpu.region"() ({
      %run_scoped3A = tpu.sem_alloc : memref<!tpu.dma_semaphore, #tpu.memory_space<semaphore_mem>>
      %dma_start3A_242 = arith.constant 0 : i32
      %dma_start3A_243 = tpu.memref_slice %arg9[%arg0, %add3A_185, %dma_start3A_242] : memref<2x10240x64xf32, #tpu.memory_space<hbm>> -> memref<1x80x64xf32, #tpu.memory_space<hbm>>
      %dma_start3A_244 = tpu.memref_squeeze %dma_start3A_243 : memref<1x80x64xf32, #tpu.memory_space<hbm>> -> memref<80x64xf32, #tpu.memory_space<hbm>>
      %dma_start3A_245 = arith.constant 0 : i32
      %dma_start3A_246 = tpu.memref_slice %arg9[%arg0, %add3A_185, %dma_start3A_245] : memref<2x10240x64xf32, #tpu.memory_space<hbm>> -> memref<1x80x64xf32, #tpu.memory_space<hbm>>
      %dma_start3A_247 = tpu.memref_squeeze %dma_start3A_246 : memref<1x80x64xf32, #tpu.memory_space<hbm>> -> memref<80x64xf32, #tpu.memory_space<hbm>>
      tpu.enqueue_dma source(%arg17 : memref<80x64xf32, #tpu.memory_space<vmem>>) target(%dma_start3A_247 : memref<80x64xf32, #tpu.memory_space<hbm>>) target_semaphore(%run_scoped3A : memref<!tpu.dma_semaphore, #tpu.memory_space<semaphore_mem>>)
      %dma_wait3A_248 = arith.constant 0 : i32
      %dma_wait3A_249 = tpu.memref_slice %arg9[%arg0, %add3A_185, %dma_wait3A_248] : memref<2x10240x64xf32, #tpu.memory_space<hbm>> -> memref<1x80x64xf32, #tpu.memory_space<hbm>>
      %dma_wait3A_250 = tpu.memref_squeeze %dma_wait3A_249 : memref<1x80x64xf32, #tpu.memory_space<hbm>> -> memref<80x64xf32, #tpu.memory_space<hbm>>
      %dma_wait3A_251 = arith.constant 0 : i32
      %dma_wait3A_252 = tpu.memref_slice %arg9[%arg0, %add3A_185, %dma_wait3A_251] : memref<2x10240x64xf32, #tpu.memory_space<hbm>> -> memref<1x80x64xf32, #tpu.memory_space<hbm>>
      %dma_wait3A_253 = tpu.memref_squeeze %dma_wait3A_252 : memref<1x80x64xf32, #tpu.memory_space<hbm>> -> memref<80x64xf32, #tpu.memory_space<hbm>>
      tpu.wait_dma2 semaphore(%run_scoped3A : memref<!tpu.dma_semaphore, #tpu.memory_space<semaphore_mem>>) src(%arg17 : memref<80x64xf32, #tpu.memory_space<vmem>>) dst(%dma_wait3A_253 : memref<80x64xf32, #tpu.memory_space<hbm>>)
      tpu.yield
    }) : () -> ()
    %mul3A_186 = arith.constant 640 : i32
    %mul3A_187 = arith.muli %arg1, %mul3A_186 : i32
    %add3A_188 = arith.constant 80 : i32
    %add3A_189 = arith.addi %mul3A_187, %add3A_188 : i32
    "tpu.region"() ({
      %run_scoped3A = tpu.sem_alloc : memref<!tpu.dma_semaphore, #tpu.memory_space<semaphore_mem>>
      %dma_start3A_242 = arith.constant 0 : i32
      %dma_start3A_243 = tpu.memref_slice %arg10[%add3A_189, %dma_start3A_242] : memref<10240x64xf32, #tpu.memory_space<vmem_shared>> -> memref<80x64xf32, #tpu.memory_space<vmem_shared>>
      %dma_start3A_244 = arith.constant 0 : i32
      %dma_start3A_245 = tpu.memref_slice %arg10[%add3A_189, %dma_start3A_244] : memref<10240x64xf32, #tpu.memory_space<vmem_shared>> -> memref<80x64xf32, #tpu.memory_space<vmem_shared>>
      tpu.enqueue_dma source(%dma_start3A_245 : memref<80x64xf32, #tpu.memory_space<vmem_shared>>) target(%arg17 : memref<80x64xf32, #tpu.memory_space<vmem>>) target_semaphore(%run_scoped3A : memref<!tpu.dma_semaphore, #tpu.memory_space<semaphore_mem>>)
      %dma_wait3A_246 = arith.constant 0 : i32
      %dma_wait3A_247 = tpu.memref_slice %arg10[%add3A_189, %dma_wait3A_246] : memref<10240x64xf32, #tpu.memory_space<vmem_shared>> -> memref<80x64xf32, #tpu.memory_space<vmem_shared>>
      %dma_wait3A_248 = arith.constant 0 : i32
      %dma_wait3A_249 = tpu.memref_slice %arg10[%add3A_189, %dma_wait3A_248] : memref<10240x64xf32, #tpu.memory_space<vmem_shared>> -> memref<80x64xf32, #tpu.memory_space<vmem_shared>>
      tpu.wait_dma2 semaphore(%run_scoped3A : memref<!tpu.dma_semaphore, #tpu.memory_space<semaphore_mem>>) src(%dma_wait3A_249 : memref<80x64xf32, #tpu.memory_space<vmem_shared>>) dst(%arg17 : memref<80x64xf32, #tpu.memory_space<vmem>>)
      tpu.yield
    }) : () -> ()
    %mul3A_190 = arith.constant 640 : i32
    %mul3A_191 = arith.muli %arg1, %mul3A_190 : i32
    %add3A_192 = arith.constant 80 : i32
    %add3A_193 = arith.addi %mul3A_191, %add3A_192 : i32
    "tpu.region"() ({
      %run_scoped3A = tpu.sem_alloc : memref<!tpu.dma_semaphore, #tpu.memory_space<semaphore_mem>>
      %dma_start3A_242 = arith.constant 0 : i32
      %dma_start3A_243 = tpu.memref_slice %arg9[%arg0, %add3A_193, %dma_start3A_242] : memref<2x10240x64xf32, #tpu.memory_space<hbm>> -> memref<1x80x64xf32, #tpu.memory_space<hbm>>
      %dma_start3A_244 = tpu.memref_squeeze %dma_start3A_243 : memref<1x80x64xf32, #tpu.memory_space<hbm>> -> memref<80x64xf32, #tpu.memory_space<hbm>>
      %dma_start3A_245 = arith.constant 0 : i32
      %dma_start3A_246 = tpu.memref_slice %arg9[%arg0, %add3A_193, %dma_start3A_245] : memref<2x10240x64xf32, #tpu.memory_space<hbm>> -> memref<1x80x64xf32, #tpu.memory_space<hbm>>
      %dma_start3A_247 = tpu.memref_squeeze %dma_start3A_246 : memref<1x80x64xf32, #tpu.memory_space<hbm>> -> memref<80x64xf32, #tpu.memory_space<hbm>>
      tpu.enqueue_dma source(%arg17 : memref<80x64xf32, #tpu.memory_space<vmem>>) target(%dma_start3A_247 : memref<80x64xf32, #tpu.memory_space<hbm>>) target_semaphore(%run_scoped3A : memref<!tpu.dma_semaphore, #tpu.memory_space<semaphore_mem>>)
      %dma_wait3A_248 = arith.constant 0 : i32
      %dma_wait3A_249 = tpu.memref_slice %arg9[%arg0, %add3A_193, %dma_wait3A_248] : memref<2x10240x64xf32, #tpu.memory_space<hbm>> -> memref<1x80x64xf32, #tpu.memory_space<hbm>>
      %dma_wait3A_250 = tpu.memref_squeeze %dma_wait3A_249 : memref<1x80x64xf32, #tpu.memory_space<hbm>> -> memref<80x64xf32, #tpu.memory_space<hbm>>
      %dma_wait3A_251 = arith.constant 0 : i32
      %dma_wait3A_252 = tpu.memref_slice %arg9[%arg0, %add3A_193, %dma_wait3A_251] : memref<2x10240x64xf32, #tpu.memory_space<hbm>> -> memref<1x80x64xf32, #tpu.memory_space<hbm>>
      %dma_wait3A_253 = tpu.memref_squeeze %dma_wait3A_252 : memref<1x80x64xf32, #tpu.memory_space<hbm>> -> memref<80x64xf32, #tpu.memory_space<hbm>>
      tpu.wait_dma2 semaphore(%run_scoped3A : memref<!tpu.dma_semaphore, #tpu.memory_space<semaphore_mem>>) src(%arg17 : memref<80x64xf32, #tpu.memory_space<vmem>>) dst(%dma_wait3A_253 : memref<80x64xf32, #tpu.memory_space<hbm>>)
      tpu.yield
    }) : () -> ()
    %mul3A_194 = arith.constant 640 : i32
    %mul3A_195 = arith.muli %arg1, %mul3A_194 : i32
    %add3A_196 = arith.constant 160 : i32
    %add3A_197 = arith.addi %mul3A_195, %add3A_196 : i32
    "tpu.region"() ({
      %run_scoped3A = tpu.sem_alloc : memref<!tpu.dma_semaphore, #tpu.memory_space<semaphore_mem>>
      %dma_start3A_242 = arith.constant 0 : i32
      %dma_start3A_243 = tpu.memref_slice %arg10[%add3A_197, %dma_start3A_242] : memref<10240x64xf32, #tpu.memory_space<vmem_shared>> -> memref<80x64xf32, #tpu.memory_space<vmem_shared>>
      %dma_start3A_244 = arith.constant 0 : i32
      %dma_start3A_245 = tpu.memref_slice %arg10[%add3A_197, %dma_start3A_244] : memref<10240x64xf32, #tpu.memory_space<vmem_shared>> -> memref<80x64xf32, #tpu.memory_space<vmem_shared>>
      tpu.enqueue_dma source(%dma_start3A_245 : memref<80x64xf32, #tpu.memory_space<vmem_shared>>) target(%arg17 : memref<80x64xf32, #tpu.memory_space<vmem>>) target_semaphore(%run_scoped3A : memref<!tpu.dma_semaphore, #tpu.memory_space<semaphore_mem>>)
      %dma_wait3A_246 = arith.constant 0 : i32
      %dma_wait3A_247 = tpu.memref_slice %arg10[%add3A_197, %dma_wait3A_246] : memref<10240x64xf32, #tpu.memory_space<vmem_shared>> -> memref<80x64xf32, #tpu.memory_space<vmem_shared>>
      %dma_wait3A_248 = arith.constant 0 : i32
      %dma_wait3A_249 = tpu.memref_slice %arg10[%add3A_197, %dma_wait3A_248] : memref<10240x64xf32, #tpu.memory_space<vmem_shared>> -> memref<80x64xf32, #tpu.memory_space<vmem_shared>>
      tpu.wait_dma2 semaphore(%run_scoped3A : memref<!tpu.dma_semaphore, #tpu.memory_space<semaphore_mem>>) src(%dma_wait3A_249 : memref<80x64xf32, #tpu.memory_space<vmem_shared>>) dst(%arg17 : memref<80x64xf32, #tpu.memory_space<vmem>>)
      tpu.yield
    }) : () -> ()
    %mul3A_198 = arith.constant 640 : i32
    %mul3A_199 = arith.muli %arg1, %mul3A_198 : i32
    %add3A_200 = arith.constant 160 : i32
    %add3A_201 = arith.addi %mul3A_199, %add3A_200 : i32
    "tpu.region"() ({
      %run_scoped3A = tpu.sem_alloc : memref<!tpu.dma_semaphore, #tpu.memory_space<semaphore_mem>>
      %dma_start3A_242 = arith.constant 0 : i32
      %dma_start3A_243 = tpu.memref_slice %arg9[%arg0, %add3A_201, %dma_start3A_242] : memref<2x10240x64xf32, #tpu.memory_space<hbm>> -> memref<1x80x64xf32, #tpu.memory_space<hbm>>
      %dma_start3A_244 = tpu.memref_squeeze %dma_start3A_243 : memref<1x80x64xf32, #tpu.memory_space<hbm>> -> memref<80x64xf32, #tpu.memory_space<hbm>>
      %dma_start3A_245 = arith.constant 0 : i32
      %dma_start3A_246 = tpu.memref_slice %arg9[%arg0, %add3A_201, %dma_start3A_245] : memref<2x10240x64xf32, #tpu.memory_space<hbm>> -> memref<1x80x64xf32, #tpu.memory_space<hbm>>
      %dma_start3A_247 = tpu.memref_squeeze %dma_start3A_246 : memref<1x80x64xf32, #tpu.memory_space<hbm>> -> memref<80x64xf32, #tpu.memory_space<hbm>>
      tpu.enqueue_dma source(%arg17 : memref<80x64xf32, #tpu.memory_space<vmem>>) target(%dma_start3A_247 : memref<80x64xf32, #tpu.memory_space<hbm>>) target_semaphore(%run_scoped3A : memref<!tpu.dma_semaphore, #tpu.memory_space<semaphore_mem>>)
      %dma_wait3A_248 = arith.constant 0 : i32
      %dma_wait3A_249 = tpu.memref_slice %arg9[%arg0, %add3A_201, %dma_wait3A_248] : memref<2x10240x64xf32, #tpu.memory_space<hbm>> -> memref<1x80x64xf32, #tpu.memory_space<hbm>>
      %dma_wait3A_250 = tpu.memref_squeeze %dma_wait3A_249 : memref<1x80x64xf32, #tpu.memory_space<hbm>> -> memref<80x64xf32, #tpu.memory_space<hbm>>
      %dma_wait3A_251 = arith.constant 0 : i32
      %dma_wait3A_252 = tpu.memref_slice %arg9[%arg0, %add3A_201, %dma_wait3A_251] : memref<2x10240x64xf32, #tpu.memory_space<hbm>> -> memref<1x80x64xf32, #tpu.memory_space<hbm>>
      %dma_wait3A_253 = tpu.memref_squeeze %dma_wait3A_252 : memref<1x80x64xf32, #tpu.memory_space<hbm>> -> memref<80x64xf32, #tpu.memory_space<hbm>>
      tpu.wait_dma2 semaphore(%run_scoped3A : memref<!tpu.dma_semaphore, #tpu.memory_space<semaphore_mem>>) src(%arg17 : memref<80x64xf32, #tpu.memory_space<vmem>>) dst(%dma_wait3A_253 : memref<80x64xf32, #tpu.memory_space<hbm>>)
      tpu.yield
    }) : () -> ()
    %mul3A_202 = arith.constant 640 : i32
    %mul3A_203 = arith.muli %arg1, %mul3A_202 : i32
    %add3A_204 = arith.constant 240 : i32
    %add3A_205 = arith.addi %mul3A_203, %add3A_204 : i32
    "tpu.region"() ({
      %run_scoped3A = tpu.sem_alloc : memref<!tpu.dma_semaphore, #tpu.memory_space<semaphore_mem>>
      %dma_start3A_242 = arith.constant 0 : i32
      %dma_start3A_243 = tpu.memref_slice %arg10[%add3A_205, %dma_start3A_242] : memref<10240x64xf32, #tpu.memory_space<vmem_shared>> -> memref<80x64xf32, #tpu.memory_space<vmem_shared>>
      %dma_start3A_244 = arith.constant 0 : i32
      %dma_start3A_245 = tpu.memref_slice %arg10[%add3A_205, %dma_start3A_244] : memref<10240x64xf32, #tpu.memory_space<vmem_shared>> -> memref<80x64xf32, #tpu.memory_space<vmem_shared>>
      tpu.enqueue_dma source(%dma_start3A_245 : memref<80x64xf32, #tpu.memory_space<vmem_shared>>) target(%arg17 : memref<80x64xf32, #tpu.memory_space<vmem>>) target_semaphore(%run_scoped3A : memref<!tpu.dma_semaphore, #tpu.memory_space<semaphore_mem>>)
      %dma_wait3A_246 = arith.constant 0 : i32
      %dma_wait3A_247 = tpu.memref_slice %arg10[%add3A_205, %dma_wait3A_246] : memref<10240x64xf32, #tpu.memory_space<vmem_shared>> -> memref<80x64xf32, #tpu.memory_space<vmem_shared>>
      %dma_wait3A_248 = arith.constant 0 : i32
      %dma_wait3A_249 = tpu.memref_slice %arg10[%add3A_205, %dma_wait3A_248] : memref<10240x64xf32, #tpu.memory_space<vmem_shared>> -> memref<80x64xf32, #tpu.memory_space<vmem_shared>>
      tpu.wait_dma2 semaphore(%run_scoped3A : memref<!tpu.dma_semaphore, #tpu.memory_space<semaphore_mem>>) src(%dma_wait3A_249 : memref<80x64xf32, #tpu.memory_space<vmem_shared>>) dst(%arg17 : memref<80x64xf32, #tpu.memory_space<vmem>>)
      tpu.yield
    }) : () -> ()
    %mul3A_206 = arith.constant 640 : i32
    %mul3A_207 = arith.muli %arg1, %mul3A_206 : i32
    %add3A_208 = arith.constant 240 : i32
    %add3A_209 = arith.addi %mul3A_207, %add3A_208 : i32
    "tpu.region"() ({
      %run_scoped3A = tpu.sem_alloc : memref<!tpu.dma_semaphore, #tpu.memory_space<semaphore_mem>>
      %dma_start3A_242 = arith.constant 0 : i32
      %dma_start3A_243 = tpu.memref_slice %arg9[%arg0, %add3A_209, %dma_start3A_242] : memref<2x10240x64xf32, #tpu.memory_space<hbm>> -> memref<1x80x64xf32, #tpu.memory_space<hbm>>
      %dma_start3A_244 = tpu.memref_squeeze %dma_start3A_243 : memref<1x80x64xf32, #tpu.memory_space<hbm>> -> memref<80x64xf32, #tpu.memory_space<hbm>>
      %dma_start3A_245 = arith.constant 0 : i32
      %dma_start3A_246 = tpu.memref_slice %arg9[%arg0, %add3A_209, %dma_start3A_245] : memref<2x10240x64xf32, #tpu.memory_space<hbm>> -> memref<1x80x64xf32, #tpu.memory_space<hbm>>
      %dma_start3A_247 = tpu.memref_squeeze %dma_start3A_246 : memref<1x80x64xf32, #tpu.memory_space<hbm>> -> memref<80x64xf32, #tpu.memory_space<hbm>>
      tpu.enqueue_dma source(%arg17 : memref<80x64xf32, #tpu.memory_space<vmem>>) target(%dma_start3A_247 : memref<80x64xf32, #tpu.memory_space<hbm>>) target_semaphore(%run_scoped3A : memref<!tpu.dma_semaphore, #tpu.memory_space<semaphore_mem>>)
      %dma_wait3A_248 = arith.constant 0 : i32
      %dma_wait3A_249 = tpu.memref_slice %arg9[%arg0, %add3A_209, %dma_wait3A_248] : memref<2x10240x64xf32, #tpu.memory_space<hbm>> -> memref<1x80x64xf32, #tpu.memory_space<hbm>>
      %dma_wait3A_250 = tpu.memref_squeeze %dma_wait3A_249 : memref<1x80x64xf32, #tpu.memory_space<hbm>> -> memref<80x64xf32, #tpu.memory_space<hbm>>
      %dma_wait3A_251 = arith.constant 0 : i32
      %dma_wait3A_252 = tpu.memref_slice %arg9[%arg0, %add3A_209, %dma_wait3A_251] : memref<2x10240x64xf32, #tpu.memory_space<hbm>> -> memref<1x80x64xf32, #tpu.memory_space<hbm>>
      %dma_wait3A_253 = tpu.memref_squeeze %dma_wait3A_252 : memref<1x80x64xf32, #tpu.memory_space<hbm>> -> memref<80x64xf32, #tpu.memory_space<hbm>>
      tpu.wait_dma2 semaphore(%run_scoped3A : memref<!tpu.dma_semaphore, #tpu.memory_space<semaphore_mem>>) src(%arg17 : memref<80x64xf32, #tpu.memory_space<vmem>>) dst(%dma_wait3A_253 : memref<80x64xf32, #tpu.memory_space<hbm>>)
      tpu.yield
    }) : () -> ()
    %mul3A_210 = arith.constant 640 : i32
    %mul3A_211 = arith.muli %arg1, %mul3A_210 : i32
    %add3A_212 = arith.constant 320 : i32
    %add3A_213 = arith.addi %mul3A_211, %add3A_212 : i32
    "tpu.region"() ({
      %run_scoped3A = tpu.sem_alloc : memref<!tpu.dma_semaphore, #tpu.memory_space<semaphore_mem>>
      %dma_start3A_242 = arith.constant 0 : i32
      %dma_start3A_243 = tpu.memref_slice %arg10[%add3A_213, %dma_start3A_242] : memref<10240x64xf32, #tpu.memory_space<vmem_shared>> -> memref<80x64xf32, #tpu.memory_space<vmem_shared>>
      %dma_start3A_244 = arith.constant 0 : i32
      %dma_start3A_245 = tpu.memref_slice %arg10[%add3A_213, %dma_start3A_244] : memref<10240x64xf32, #tpu.memory_space<vmem_shared>> -> memref<80x64xf32, #tpu.memory_space<vmem_shared>>
      tpu.enqueue_dma source(%dma_start3A_245 : memref<80x64xf32, #tpu.memory_space<vmem_shared>>) target(%arg17 : memref<80x64xf32, #tpu.memory_space<vmem>>) target_semaphore(%run_scoped3A : memref<!tpu.dma_semaphore, #tpu.memory_space<semaphore_mem>>)
      %dma_wait3A_246 = arith.constant 0 : i32
      %dma_wait3A_247 = tpu.memref_slice %arg10[%add3A_213, %dma_wait3A_246] : memref<10240x64xf32, #tpu.memory_space<vmem_shared>> -> memref<80x64xf32, #tpu.memory_space<vmem_shared>>
      %dma_wait3A_248 = arith.constant 0 : i32
      %dma_wait3A_249 = tpu.memref_slice %arg10[%add3A_213, %dma_wait3A_248] : memref<10240x64xf32, #tpu.memory_space<vmem_shared>> -> memref<80x64xf32, #tpu.memory_space<vmem_shared>>
      tpu.wait_dma2 semaphore(%run_scoped3A : memref<!tpu.dma_semaphore, #tpu.memory_space<semaphore_mem>>) src(%dma_wait3A_249 : memref<80x64xf32, #tpu.memory_space<vmem_shared>>) dst(%arg17 : memref<80x64xf32, #tpu.memory_space<vmem>>)
      tpu.yield
    }) : () -> ()
    %mul3A_214 = arith.constant 640 : i32
    %mul3A_215 = arith.muli %arg1, %mul3A_214 : i32
    %add3A_216 = arith.constant 320 : i32
    %add3A_217 = arith.addi %mul3A_215, %add3A_216 : i32
    "tpu.region"() ({
      %run_scoped3A = tpu.sem_alloc : memref<!tpu.dma_semaphore, #tpu.memory_space<semaphore_mem>>
      %dma_start3A_242 = arith.constant 0 : i32
      %dma_start3A_243 = tpu.memref_slice %arg9[%arg0, %add3A_217, %dma_start3A_242] : memref<2x10240x64xf32, #tpu.memory_space<hbm>> -> memref<1x80x64xf32, #tpu.memory_space<hbm>>
      %dma_start3A_244 = tpu.memref_squeeze %dma_start3A_243 : memref<1x80x64xf32, #tpu.memory_space<hbm>> -> memref<80x64xf32, #tpu.memory_space<hbm>>
      %dma_start3A_245 = arith.constant 0 : i32
      %dma_start3A_246 = tpu.memref_slice %arg9[%arg0, %add3A_217, %dma_start3A_245] : memref<2x10240x64xf32, #tpu.memory_space<hbm>> -> memref<1x80x64xf32, #tpu.memory_space<hbm>>
      %dma_start3A_247 = tpu.memref_squeeze %dma_start3A_246 : memref<1x80x64xf32, #tpu.memory_space<hbm>> -> memref<80x64xf32, #tpu.memory_space<hbm>>
      tpu.enqueue_dma source(%arg17 : memref<80x64xf32, #tpu.memory_space<vmem>>) target(%dma_start3A_247 : memref<80x64xf32, #tpu.memory_space<hbm>>) target_semaphore(%run_scoped3A : memref<!tpu.dma_semaphore, #tpu.memory_space<semaphore_mem>>)
      %dma_wait3A_248 = arith.constant 0 : i32
      %dma_wait3A_249 = tpu.memref_slice %arg9[%arg0, %add3A_217, %dma_wait3A_248] : memref<2x10240x64xf32, #tpu.memory_space<hbm>> -> memref<1x80x64xf32, #tpu.memory_space<hbm>>
      %dma_wait3A_250 = tpu.memref_squeeze %dma_wait3A_249 : memref<1x80x64xf32, #tpu.memory_space<hbm>> -> memref<80x64xf32, #tpu.memory_space<hbm>>
      %dma_wait3A_251 = arith.constant 0 : i32
      %dma_wait3A_252 = tpu.memref_slice %arg9[%arg0, %add3A_217, %dma_wait3A_251] : memref<2x10240x64xf32, #tpu.memory_space<hbm>> -> memref<1x80x64xf32, #tpu.memory_space<hbm>>
      %dma_wait3A_253 = tpu.memref_squeeze %dma_wait3A_252 : memref<1x80x64xf32, #tpu.memory_space<hbm>> -> memref<80x64xf32, #tpu.memory_space<hbm>>
      tpu.wait_dma2 semaphore(%run_scoped3A : memref<!tpu.dma_semaphore, #tpu.memory_space<semaphore_mem>>) src(%arg17 : memref<80x64xf32, #tpu.memory_space<vmem>>) dst(%dma_wait3A_253 : memref<80x64xf32, #tpu.memory_space<hbm>>)
      tpu.yield
    }) : () -> ()
    %mul3A_218 = arith.constant 640 : i32
    %mul3A_219 = arith.muli %arg1, %mul3A_218 : i32
    %add3A_220 = arith.constant 400 : i32
    %add3A_221 = arith.addi %mul3A_219, %add3A_220 : i32
    "tpu.region"() ({
      %run_scoped3A = tpu.sem_alloc : memref<!tpu.dma_semaphore, #tpu.memory_space<semaphore_mem>>
      %dma_start3A_242 = arith.constant 0 : i32
      %dma_start3A_243 = tpu.memref_slice %arg10[%add3A_221, %dma_start3A_242] : memref<10240x64xf32, #tpu.memory_space<vmem_shared>> -> memref<80x64xf32, #tpu.memory_space<vmem_shared>>
      %dma_start3A_244 = arith.constant 0 : i32
      %dma_start3A_245 = tpu.memref_slice %arg10[%add3A_221, %dma_start3A_244] : memref<10240x64xf32, #tpu.memory_space<vmem_shared>> -> memref<80x64xf32, #tpu.memory_space<vmem_shared>>
      tpu.enqueue_dma source(%dma_start3A_245 : memref<80x64xf32, #tpu.memory_space<vmem_shared>>) target(%arg17 : memref<80x64xf32, #tpu.memory_space<vmem>>) target_semaphore(%run_scoped3A : memref<!tpu.dma_semaphore, #tpu.memory_space<semaphore_mem>>)
      %dma_wait3A_246 = arith.constant 0 : i32
      %dma_wait3A_247 = tpu.memref_slice %arg10[%add3A_221, %dma_wait3A_246] : memref<10240x64xf32, #tpu.memory_space<vmem_shared>> -> memref<80x64xf32, #tpu.memory_space<vmem_shared>>
      %dma_wait3A_248 = arith.constant 0 : i32
      %dma_wait3A_249 = tpu.memref_slice %arg10[%add3A_221, %dma_wait3A_248] : memref<10240x64xf32, #tpu.memory_space<vmem_shared>> -> memref<80x64xf32, #tpu.memory_space<vmem_shared>>
      tpu.wait_dma2 semaphore(%run_scoped3A : memref<!tpu.dma_semaphore, #tpu.memory_space<semaphore_mem>>) src(%dma_wait3A_249 : memref<80x64xf32, #tpu.memory_space<vmem_shared>>) dst(%arg17 : memref<80x64xf32, #tpu.memory_space<vmem>>)
      tpu.yield
    }) : () -> ()
    %mul3A_222 = arith.constant 640 : i32
    %mul3A_223 = arith.muli %arg1, %mul3A_222 : i32
    %add3A_224 = arith.constant 400 : i32
    %add3A_225 = arith.addi %mul3A_223, %add3A_224 : i32
    "tpu.region"() ({
      %run_scoped3A = tpu.sem_alloc : memref<!tpu.dma_semaphore, #tpu.memory_space<semaphore_mem>>
      %dma_start3A_242 = arith.constant 0 : i32
      %dma_start3A_243 = tpu.memref_slice %arg9[%arg0, %add3A_225, %dma_start3A_242] : memref<2x10240x64xf32, #tpu.memory_space<hbm>> -> memref<1x80x64xf32, #tpu.memory_space<hbm>>
      %dma_start3A_244 = tpu.memref_squeeze %dma_start3A_243 : memref<1x80x64xf32, #tpu.memory_space<hbm>> -> memref<80x64xf32, #tpu.memory_space<hbm>>
      %dma_start3A_245 = arith.constant 0 : i32
      %dma_start3A_246 = tpu.memref_slice %arg9[%arg0, %add3A_225, %dma_start3A_245] : memref<2x10240x64xf32, #tpu.memory_space<hbm>> -> memref<1x80x64xf32, #tpu.memory_space<hbm>>
      %dma_start3A_247 = tpu.memref_squeeze %dma_start3A_246 : memref<1x80x64xf32, #tpu.memory_space<hbm>> -> memref<80x64xf32, #tpu.memory_space<hbm>>
      tpu.enqueue_dma source(%arg17 : memref<80x64xf32, #tpu.memory_space<vmem>>) target(%dma_start3A_247 : memref<80x64xf32, #tpu.memory_space<hbm>>) target_semaphore(%run_scoped3A : memref<!tpu.dma_semaphore, #tpu.memory_space<semaphore_mem>>)
      %dma_wait3A_248 = arith.constant 0 : i32
      %dma_wait3A_249 = tpu.memref_slice %arg9[%arg0, %add3A_225, %dma_wait3A_248] : memref<2x10240x64xf32, #tpu.memory_space<hbm>> -> memref<1x80x64xf32, #tpu.memory_space<hbm>>
      %dma_wait3A_250 = tpu.memref_squeeze %dma_wait3A_249 : memref<1x80x64xf32, #tpu.memory_space<hbm>> -> memref<80x64xf32, #tpu.memory_space<hbm>>
      %dma_wait3A_251 = arith.constant 0 : i32
      %dma_wait3A_252 = tpu.memref_slice %arg9[%arg0, %add3A_225, %dma_wait3A_251] : memref<2x10240x64xf32, #tpu.memory_space<hbm>> -> memref<1x80x64xf32, #tpu.memory_space<hbm>>
      %dma_wait3A_253 = tpu.memref_squeeze %dma_wait3A_252 : memref<1x80x64xf32, #tpu.memory_space<hbm>> -> memref<80x64xf32, #tpu.memory_space<hbm>>
      tpu.wait_dma2 semaphore(%run_scoped3A : memref<!tpu.dma_semaphore, #tpu.memory_space<semaphore_mem>>) src(%arg17 : memref<80x64xf32, #tpu.memory_space<vmem>>) dst(%dma_wait3A_253 : memref<80x64xf32, #tpu.memory_space<hbm>>)
      tpu.yield
    }) : () -> ()
    %mul3A_226 = arith.constant 640 : i32
    %mul3A_227 = arith.muli %arg1, %mul3A_226 : i32
    %add3A_228 = arith.constant 480 : i32
    %add3A_229 = arith.addi %mul3A_227, %add3A_228 : i32
    "tpu.region"() ({
      %run_scoped3A = tpu.sem_alloc : memref<!tpu.dma_semaphore, #tpu.memory_space<semaphore_mem>>
      %dma_start3A_242 = arith.constant 0 : i32
      %dma_start3A_243 = tpu.memref_slice %arg10[%add3A_229, %dma_start3A_242] : memref<10240x64xf32, #tpu.memory_space<vmem_shared>> -> memref<80x64xf32, #tpu.memory_space<vmem_shared>>
      %dma_start3A_244 = arith.constant 0 : i32
      %dma_start3A_245 = tpu.memref_slice %arg10[%add3A_229, %dma_start3A_244] : memref<10240x64xf32, #tpu.memory_space<vmem_shared>> -> memref<80x64xf32, #tpu.memory_space<vmem_shared>>
      tpu.enqueue_dma source(%dma_start3A_245 : memref<80x64xf32, #tpu.memory_space<vmem_shared>>) target(%arg17 : memref<80x64xf32, #tpu.memory_space<vmem>>) target_semaphore(%run_scoped3A : memref<!tpu.dma_semaphore, #tpu.memory_space<semaphore_mem>>)
      %dma_wait3A_246 = arith.constant 0 : i32
      %dma_wait3A_247 = tpu.memref_slice %arg10[%add3A_229, %dma_wait3A_246] : memref<10240x64xf32, #tpu.memory_space<vmem_shared>> -> memref<80x64xf32, #tpu.memory_space<vmem_shared>>
      %dma_wait3A_248 = arith.constant 0 : i32
      %dma_wait3A_249 = tpu.memref_slice %arg10[%add3A_229, %dma_wait3A_248] : memref<10240x64xf32, #tpu.memory_space<vmem_shared>> -> memref<80x64xf32, #tpu.memory_space<vmem_shared>>
      tpu.wait_dma2 semaphore(%run_scoped3A : memref<!tpu.dma_semaphore, #tpu.memory_space<semaphore_mem>>) src(%dma_wait3A_249 : memref<80x64xf32, #tpu.memory_space<vmem_shared>>) dst(%arg17 : memref<80x64xf32, #tpu.memory_space<vmem>>)
      tpu.yield
    }) : () -> ()
    %mul3A_230 = arith.constant 640 : i32
    %mul3A_231 = arith.muli %arg1, %mul3A_230 : i32
    %add3A_232 = arith.constant 480 : i32
    %add3A_233 = arith.addi %mul3A_231, %add3A_232 : i32
    "tpu.region"() ({
      %run_scoped3A = tpu.sem_alloc : memref<!tpu.dma_semaphore, #tpu.memory_space<semaphore_mem>>
      %dma_start3A_242 = arith.constant 0 : i32
      %dma_start3A_243 = tpu.memref_slice %arg9[%arg0, %add3A_233, %dma_start3A_242] : memref<2x10240x64xf32, #tpu.memory_space<hbm>> -> memref<1x80x64xf32, #tpu.memory_space<hbm>>
      %dma_start3A_244 = tpu.memref_squeeze %dma_start3A_243 : memref<1x80x64xf32, #tpu.memory_space<hbm>> -> memref<80x64xf32, #tpu.memory_space<hbm>>
      %dma_start3A_245 = arith.constant 0 : i32
      %dma_start3A_246 = tpu.memref_slice %arg9[%arg0, %add3A_233, %dma_start3A_245] : memref<2x10240x64xf32, #tpu.memory_space<hbm>> -> memref<1x80x64xf32, #tpu.memory_space<hbm>>
      %dma_start3A_247 = tpu.memref_squeeze %dma_start3A_246 : memref<1x80x64xf32, #tpu.memory_space<hbm>> -> memref<80x64xf32, #tpu.memory_space<hbm>>
      tpu.enqueue_dma source(%arg17 : memref<80x64xf32, #tpu.memory_space<vmem>>) target(%dma_start3A_247 : memref<80x64xf32, #tpu.memory_space<hbm>>) target_semaphore(%run_scoped3A : memref<!tpu.dma_semaphore, #tpu.memory_space<semaphore_mem>>)
      %dma_wait3A_248 = arith.constant 0 : i32
      %dma_wait3A_249 = tpu.memref_slice %arg9[%arg0, %add3A_233, %dma_wait3A_248] : memref<2x10240x64xf32, #tpu.memory_space<hbm>> -> memref<1x80x64xf32, #tpu.memory_space<hbm>>
      %dma_wait3A_250 = tpu.memref_squeeze %dma_wait3A_249 : memref<1x80x64xf32, #tpu.memory_space<hbm>> -> memref<80x64xf32, #tpu.memory_space<hbm>>
      %dma_wait3A_251 = arith.constant 0 : i32
      %dma_wait3A_252 = tpu.memref_slice %arg9[%arg0, %add3A_233, %dma_wait3A_251] : memref<2x10240x64xf32, #tpu.memory_space<hbm>> -> memref<1x80x64xf32, #tpu.memory_space<hbm>>
      %dma_wait3A_253 = tpu.memref_squeeze %dma_wait3A_252 : memref<1x80x64xf32, #tpu.memory_space<hbm>> -> memref<80x64xf32, #tpu.memory_space<hbm>>
      tpu.wait_dma2 semaphore(%run_scoped3A : memref<!tpu.dma_semaphore, #tpu.memory_space<semaphore_mem>>) src(%arg17 : memref<80x64xf32, #tpu.memory_space<vmem>>) dst(%dma_wait3A_253 : memref<80x64xf32, #tpu.memory_space<hbm>>)
      tpu.yield
    }) : () -> ()
    %mul3A_234 = arith.constant 640 : i32
    %mul3A_235 = arith.muli %arg1, %mul3A_234 : i32
    %add3A_236 = arith.constant 560 : i32
    %add3A_237 = arith.addi %mul3A_235, %add3A_236 : i32
    "tpu.region"() ({
      %run_scoped3A = tpu.sem_alloc : memref<!tpu.dma_semaphore, #tpu.memory_space<semaphore_mem>>
      %dma_start3A_242 = arith.constant 0 : i32
      %dma_start3A_243 = tpu.memref_slice %arg10[%add3A_237, %dma_start3A_242] : memref<10240x64xf32, #tpu.memory_space<vmem_shared>> -> memref<80x64xf32, #tpu.memory_space<vmem_shared>>
      %dma_start3A_244 = arith.constant 0 : i32
      %dma_start3A_245 = tpu.memref_slice %arg10[%add3A_237, %dma_start3A_244] : memref<10240x64xf32, #tpu.memory_space<vmem_shared>> -> memref<80x64xf32, #tpu.memory_space<vmem_shared>>
      tpu.enqueue_dma source(%dma_start3A_245 : memref<80x64xf32, #tpu.memory_space<vmem_shared>>) target(%arg17 : memref<80x64xf32, #tpu.memory_space<vmem>>) target_semaphore(%run_scoped3A : memref<!tpu.dma_semaphore, #tpu.memory_space<semaphore_mem>>)
      %dma_wait3A_246 = arith.constant 0 : i32
      %dma_wait3A_247 = tpu.memref_slice %arg10[%add3A_237, %dma_wait3A_246] : memref<10240x64xf32, #tpu.memory_space<vmem_shared>> -> memref<80x64xf32, #tpu.memory_space<vmem_shared>>
      %dma_wait3A_248 = arith.constant 0 : i32
      %dma_wait3A_249 = tpu.memref_slice %arg10[%add3A_237, %dma_wait3A_248] : memref<10240x64xf32, #tpu.memory_space<vmem_shared>> -> memref<80x64xf32, #tpu.memory_space<vmem_shared>>
      tpu.wait_dma2 semaphore(%run_scoped3A : memref<!tpu.dma_semaphore, #tpu.memory_space<semaphore_mem>>) src(%dma_wait3A_249 : memref<80x64xf32, #tpu.memory_space<vmem_shared>>) dst(%arg17 : memref<80x64xf32, #tpu.memory_space<vmem>>)
      tpu.yield
    }) : () -> ()
    %mul3A_238 = arith.constant 640 : i32
    %mul3A_239 = arith.muli %arg1, %mul3A_238 : i32
    %add3A_240 = arith.constant 560 : i32
    %add3A_241 = arith.addi %mul3A_239, %add3A_240 : i32
    "tpu.region"() ({
      %run_scoped3A = tpu.sem_alloc : memref<!tpu.dma_semaphore, #tpu.memory_space<semaphore_mem>>
      %dma_start3A_242 = arith.constant 0 : i32
      %dma_start3A_243 = tpu.memref_slice %arg9[%arg0, %add3A_241, %dma_start3A_242] : memref<2x10240x64xf32, #tpu.memory_space<hbm>> -> memref<1x80x64xf32, #tpu.memory_space<hbm>>
      %dma_start3A_244 = tpu.memref_squeeze %dma_start3A_243 : memref<1x80x64xf32, #tpu.memory_space<hbm>> -> memref<80x64xf32, #tpu.memory_space<hbm>>
      %dma_start3A_245 = arith.constant 0 : i32
      %dma_start3A_246 = tpu.memref_slice %arg9[%arg0, %add3A_241, %dma_start3A_245] : memref<2x10240x64xf32, #tpu.memory_space<hbm>> -> memref<1x80x64xf32, #tpu.memory_space<hbm>>
      %dma_start3A_247 = tpu.memref_squeeze %dma_start3A_246 : memref<1x80x64xf32, #tpu.memory_space<hbm>> -> memref<80x64xf32, #tpu.memory_space<hbm>>
      tpu.enqueue_dma source(%arg17 : memref<80x64xf32, #tpu.memory_space<vmem>>) target(%dma_start3A_247 : memref<80x64xf32, #tpu.memory_space<hbm>>) target_semaphore(%run_scoped3A : memref<!tpu.dma_semaphore, #tpu.memory_space<semaphore_mem>>)
      %dma_wait3A_248 = arith.constant 0 : i32
      %dma_wait3A_249 = tpu.memref_slice %arg9[%arg0, %add3A_241, %dma_wait3A_248] : memref<2x10240x64xf32, #tpu.memory_space<hbm>> -> memref<1x80x64xf32, #tpu.memory_space<hbm>>
      %dma_wait3A_250 = tpu.memref_squeeze %dma_wait3A_249 : memref<1x80x64xf32, #tpu.memory_space<hbm>> -> memref<80x64xf32, #tpu.memory_space<hbm>>
      %dma_wait3A_251 = arith.constant 0 : i32
      %dma_wait3A_252 = tpu.memref_slice %arg9[%arg0, %add3A_241, %dma_wait3A_251] : memref<2x10240x64xf32, #tpu.memory_space<hbm>> -> memref<1x80x64xf32, #tpu.memory_space<hbm>>
      %dma_wait3A_253 = tpu.memref_squeeze %dma_wait3A_252 : memref<1x80x64xf32, #tpu.memory_space<hbm>> -> memref<80x64xf32, #tpu.memory_space<hbm>>
      tpu.wait_dma2 semaphore(%run_scoped3A : memref<!tpu.dma_semaphore, #tpu.memory_space<semaphore_mem>>) src(%arg17 : memref<80x64xf32, #tpu.memory_space<vmem>>) dst(%dma_wait3A_253 : memref<80x64xf32, #tpu.memory_space<hbm>>)
      tpu.yield
    }) : () -> ()
    return
  }
}

#map = affine_map<(d0, d1) -> (0, 0, 0)>
#map1 = affine_map<(d0, d1) -> (0, 0)>
module attributes {stable_mosaic.version = 14 : i64} {
  func.func @body(%arg0: i32, %arg1: i32, %arg2: memref<2x10240x64xf32, #tpu.memory_space<hbm>>, %arg3: memref<2560x128xi32, #tpu.memory_space<hbm>>, %arg4: memref<2560x128xi32, #tpu.memory_space<hbm>>, %arg5: memref<2560x128xi32, #tpu.memory_space<hbm>>, %arg6: memref<80x64xf32, #tpu.memory_space<hbm>>, %arg7: memref<648x16xf32, #tpu.memory_space<hbm>>, %arg8: memref<128x16xf32, #tpu.memory_space<hbm>>, %arg9: memref<2x2560x64xf32, #tpu.memory_space<hbm>>, %arg10: memref<2x2560x16xf32, #tpu.memory_space<hbm>>, %arg11: memref<2x10240x16xf32, #tpu.memory_space<hbm>>, %arg12: memref<2560x64xf32, #tpu.memory_space<vmem_shared>>, %arg13: memref<2560x16xf32, #tpu.memory_space<vmem_shared>>, %arg14: memref<10240x16xf32, #tpu.memory_space<vmem_shared>>, %arg15: memref<5x128xi32, #tpu.memory_space<vmem>>, %arg16: memref<5x128xi32, #tpu.memory_space<vmem>>, %arg17: memref<5x128xi32, #tpu.memory_space<vmem>>, %arg18: memref<5x128xi32, #tpu.memory_space<vmem>>, %arg19: memref<5x128xi32, #tpu.memory_space<vmem>>, %arg20: memref<5x128xi32, #tpu.memory_space<vmem>>, %arg21: memref<640x64xf32, #tpu.memory_space<vmem>>, %arg22: memref<640x64xf32, #tpu.memory_space<vmem>>, %arg23: memref<80x64xf32, #tpu.memory_space<vmem>>, %arg24: memref<640x16xf32, #tpu.memory_space<vmem>>, %arg25: memref<128x16xf32, #tpu.memory_space<vmem>>, %arg26: memref<160x16xf32, #tpu.memory_space<vmem>>, %arg27: memref<!tpu.dma_semaphore, #tpu.memory_space<semaphore_mem>>, %arg28: memref<!tpu.dma_semaphore, #tpu.memory_space<semaphore_mem>>, %arg29: memref<!tpu.dma_semaphore, #tpu.memory_space<semaphore_mem>>, %arg30: memref<!tpu.dma_semaphore, #tpu.memory_space<semaphore_mem>>) attributes {dimension_semantics = [#tpu.dimension_semantics<core_parallel>, #tpu.dimension_semantics<subcore_parallel>], iteration_bounds = array<i64: 2, 16>, scalar_prefetch = 0 : i64, scratch_operands = 19 : i64, tpu.core_type = #tpu.core_type<sc_vector_subcore>, window_params = [{transform_indices = #map}, {transform_indices = #map1}, {transform_indices = #map1}, {transform_indices = #map1}, {transform_indices = #map1}, {transform_indices = #map1}, {transform_indices = #map1}, {transform_indices = #map}, {transform_indices = #map}, {transform_indices = #map}]} {
    "tpu.region"() ({
      %run_scoped3A = tpu.sem_alloc : memref<!tpu.dma_semaphore, #tpu.memory_space<semaphore_mem>>
      %dma_start3A_196 = arith.constant 0 : i32
      %dma_start3A_197 = arith.constant 0 : i32
      %dma_start3A_198 = tpu.memref_slice %arg6[%dma_start3A_196, %dma_start3A_197] : memref<80x64xf32, #tpu.memory_space<hbm>> -> memref<80x64xf32, #tpu.memory_space<hbm>>
      %dma_start3A_199 = arith.constant 0 : i32
      %dma_start3A_200 = arith.constant 0 : i32
      %dma_start3A_201 = tpu.memref_slice %arg6[%dma_start3A_199, %dma_start3A_200] : memref<80x64xf32, #tpu.memory_space<hbm>> -> memref<80x64xf32, #tpu.memory_space<hbm>>
      tpu.enqueue_dma source(%dma_start3A_201 : memref<80x64xf32, #tpu.memory_space<hbm>>) target(%arg23 : memref<80x64xf32, #tpu.memory_space<vmem>>) target_semaphore(%run_scoped3A : memref<!tpu.dma_semaphore, #tpu.memory_space<semaphore_mem>>)
      %dma_wait3A_202 = arith.constant 0 : i32
      %dma_wait3A_203 = arith.constant 0 : i32
      %dma_wait3A_204 = tpu.memref_slice %arg6[%dma_wait3A_202, %dma_wait3A_203] : memref<80x64xf32, #tpu.memory_space<hbm>> -> memref<80x64xf32, #tpu.memory_space<hbm>>
      %dma_wait3A_205 = arith.constant 0 : i32
      %dma_wait3A_206 = arith.constant 0 : i32
      %dma_wait3A_207 = tpu.memref_slice %arg6[%dma_wait3A_205, %dma_wait3A_206] : memref<80x64xf32, #tpu.memory_space<hbm>> -> memref<80x64xf32, #tpu.memory_space<hbm>>
      tpu.wait_dma2 semaphore(%run_scoped3A : memref<!tpu.dma_semaphore, #tpu.memory_space<semaphore_mem>>) src(%dma_wait3A_207 : memref<80x64xf32, #tpu.memory_space<hbm>>) dst(%arg23 : memref<80x64xf32, #tpu.memory_space<vmem>>)
      tpu.yield
    }) : () -> ()
    %mul3A = arith.constant 160 : i32
    %mul3A_0 = arith.muli %arg1, %mul3A : i32
    %add3A = arith.constant 0 : i32
    %add3A_1 = arith.addi %mul3A_0, %add3A : i32
    "tpu.region"() ({
      %run_scoped3A = tpu.sem_alloc : memref<!tpu.dma_semaphore, #tpu.memory_space<semaphore_mem>>
      %dma_start3A_196 = arith.constant 0 : i32
      %dma_start3A_197 = tpu.memref_slice %arg12[%add3A_1, %dma_start3A_196] : memref<2560x64xf32, #tpu.memory_space<vmem_shared>> -> memref<80x64xf32, #tpu.memory_space<vmem_shared>>
      %dma_start3A_198 = arith.constant 0 : i32
      %dma_start3A_199 = tpu.memref_slice %arg12[%add3A_1, %dma_start3A_198] : memref<2560x64xf32, #tpu.memory_space<vmem_shared>> -> memref<80x64xf32, #tpu.memory_space<vmem_shared>>
      tpu.enqueue_dma source(%arg23 : memref<80x64xf32, #tpu.memory_space<vmem>>) target(%dma_start3A_199 : memref<80x64xf32, #tpu.memory_space<vmem_shared>>) target_semaphore(%run_scoped3A : memref<!tpu.dma_semaphore, #tpu.memory_space<semaphore_mem>>)
      %dma_wait3A_200 = arith.constant 0 : i32
      %dma_wait3A_201 = tpu.memref_slice %arg12[%add3A_1, %dma_wait3A_200] : memref<2560x64xf32, #tpu.memory_space<vmem_shared>> -> memref<80x64xf32, #tpu.memory_space<vmem_shared>>
      %dma_wait3A_202 = arith.constant 0 : i32
      %dma_wait3A_203 = tpu.memref_slice %arg12[%add3A_1, %dma_wait3A_202] : memref<2560x64xf32, #tpu.memory_space<vmem_shared>> -> memref<80x64xf32, #tpu.memory_space<vmem_shared>>
      tpu.wait_dma2 semaphore(%run_scoped3A : memref<!tpu.dma_semaphore, #tpu.memory_space<semaphore_mem>>) src(%arg23 : memref<80x64xf32, #tpu.memory_space<vmem>>) dst(%dma_wait3A_203 : memref<80x64xf32, #tpu.memory_space<vmem_shared>>)
      tpu.yield
    }) : () -> ()
    %mul3A_2 = arith.constant 160 : i32
    %mul3A_3 = arith.muli %arg1, %mul3A_2 : i32
    %add3A_4 = arith.constant 80 : i32
    %add3A_5 = arith.addi %mul3A_3, %add3A_4 : i32
    "tpu.region"() ({
      %run_scoped3A = tpu.sem_alloc : memref<!tpu.dma_semaphore, #tpu.memory_space<semaphore_mem>>
      %dma_start3A_196 = arith.constant 0 : i32
      %dma_start3A_197 = tpu.memref_slice %arg12[%add3A_5, %dma_start3A_196] : memref<2560x64xf32, #tpu.memory_space<vmem_shared>> -> memref<80x64xf32, #tpu.memory_space<vmem_shared>>
      %dma_start3A_198 = arith.constant 0 : i32
      %dma_start3A_199 = tpu.memref_slice %arg12[%add3A_5, %dma_start3A_198] : memref<2560x64xf32, #tpu.memory_space<vmem_shared>> -> memref<80x64xf32, #tpu.memory_space<vmem_shared>>
      tpu.enqueue_dma source(%arg23 : memref<80x64xf32, #tpu.memory_space<vmem>>) target(%dma_start3A_199 : memref<80x64xf32, #tpu.memory_space<vmem_shared>>) target_semaphore(%run_scoped3A : memref<!tpu.dma_semaphore, #tpu.memory_space<semaphore_mem>>)
      %dma_wait3A_200 = arith.constant 0 : i32
      %dma_wait3A_201 = tpu.memref_slice %arg12[%add3A_5, %dma_wait3A_200] : memref<2560x64xf32, #tpu.memory_space<vmem_shared>> -> memref<80x64xf32, #tpu.memory_space<vmem_shared>>
      %dma_wait3A_202 = arith.constant 0 : i32
      %dma_wait3A_203 = tpu.memref_slice %arg12[%add3A_5, %dma_wait3A_202] : memref<2560x64xf32, #tpu.memory_space<vmem_shared>> -> memref<80x64xf32, #tpu.memory_space<vmem_shared>>
      tpu.wait_dma2 semaphore(%run_scoped3A : memref<!tpu.dma_semaphore, #tpu.memory_space<semaphore_mem>>) src(%arg23 : memref<80x64xf32, #tpu.memory_space<vmem>>) dst(%dma_wait3A_203 : memref<80x64xf32, #tpu.memory_space<vmem_shared>>)
      tpu.yield
    }) : () -> ()
    "tpu.region"() ({
      %run_scoped3A = tpu.sem_alloc : memref<!tpu.dma_semaphore, #tpu.memory_space<semaphore_mem>>
      %dma_start3A_196 = arith.constant 0 : i32
      %dma_start3A_197 = arith.constant 0 : i32
      %dma_start3A_198 = tpu.memref_slice %arg7[%dma_start3A_196, %dma_start3A_197] : memref<648x16xf32, #tpu.memory_space<hbm>> -> memref<640x16xf32, #tpu.memory_space<hbm>>
      %dma_start3A_199 = arith.constant 0 : i32
      %dma_start3A_200 = arith.constant 0 : i32
      %dma_start3A_201 = tpu.memref_slice %arg7[%dma_start3A_199, %dma_start3A_200] : memref<648x16xf32, #tpu.memory_space<hbm>> -> memref<640x16xf32, #tpu.memory_space<hbm>>
      tpu.enqueue_dma source(%dma_start3A_201 : memref<640x16xf32, #tpu.memory_space<hbm>>) target(%arg24 : memref<640x16xf32, #tpu.memory_space<vmem>>) target_semaphore(%run_scoped3A : memref<!tpu.dma_semaphore, #tpu.memory_space<semaphore_mem>>)
      %dma_wait3A_202 = arith.constant 0 : i32
      %dma_wait3A_203 = arith.constant 0 : i32
      %dma_wait3A_204 = tpu.memref_slice %arg7[%dma_wait3A_202, %dma_wait3A_203] : memref<648x16xf32, #tpu.memory_space<hbm>> -> memref<640x16xf32, #tpu.memory_space<hbm>>
      %dma_wait3A_205 = arith.constant 0 : i32
      %dma_wait3A_206 = arith.constant 0 : i32
      %dma_wait3A_207 = tpu.memref_slice %arg7[%dma_wait3A_205, %dma_wait3A_206] : memref<648x16xf32, #tpu.memory_space<hbm>> -> memref<640x16xf32, #tpu.memory_space<hbm>>
      tpu.wait_dma2 semaphore(%run_scoped3A : memref<!tpu.dma_semaphore, #tpu.memory_space<semaphore_mem>>) src(%dma_wait3A_207 : memref<640x16xf32, #tpu.memory_space<hbm>>) dst(%arg24 : memref<640x16xf32, #tpu.memory_space<vmem>>)
      tpu.yield
    }) : () -> ()
    %mul3A_6 = arith.constant 160 : i32
    %mul3A_7 = arith.muli %arg1, %mul3A_6 : i32
    "tpu.region"() ({
      %run_scoped3A = tpu.sem_alloc : memref<!tpu.dma_semaphore, #tpu.memory_space<semaphore_mem>>
      %dma_start3A_196 = arith.constant 0 : i32
      %dma_start3A_197 = arith.constant 0 : i32
      %dma_start3A_198 = tpu.memref_slice %arg24[%dma_start3A_196, %dma_start3A_197] : memref<640x16xf32, #tpu.memory_space<vmem>> -> memref<160x16xf32, #tpu.memory_space<vmem>>
      %dma_start3A_199 = arith.constant 0 : i32
      %dma_start3A_200 = tpu.memref_slice %arg13[%mul3A_7, %dma_start3A_199] : memref<2560x16xf32, #tpu.memory_space<vmem_shared>> -> memref<160x16xf32, #tpu.memory_space<vmem_shared>>
      %dma_start3A_201 = arith.constant 0 : i32
      %dma_start3A_202 = tpu.memref_slice %arg13[%mul3A_7, %dma_start3A_201] : memref<2560x16xf32, #tpu.memory_space<vmem_shared>> -> memref<160x16xf32, #tpu.memory_space<vmem_shared>>
      %dma_start3A_203 = arith.constant 0 : i32
      %dma_start3A_204 = arith.constant 0 : i32
      %dma_start3A_205 = tpu.memref_slice %arg24[%dma_start3A_203, %dma_start3A_204] : memref<640x16xf32, #tpu.memory_space<vmem>> -> memref<160x16xf32, #tpu.memory_space<vmem>>
      tpu.enqueue_dma source(%dma_start3A_205 : memref<160x16xf32, #tpu.memory_space<vmem>>) target(%dma_start3A_202 : memref<160x16xf32, #tpu.memory_space<vmem_shared>>) target_semaphore(%run_scoped3A : memref<!tpu.dma_semaphore, #tpu.memory_space<semaphore_mem>>)
      %dma_wait3A_206 = arith.constant 0 : i32
      %dma_wait3A_207 = arith.constant 0 : i32
      %dma_wait3A_208 = tpu.memref_slice %arg24[%dma_wait3A_206, %dma_wait3A_207] : memref<640x16xf32, #tpu.memory_space<vmem>> -> memref<160x16xf32, #tpu.memory_space<vmem>>
      %dma_wait3A_209 = arith.constant 0 : i32
      %dma_wait3A_210 = tpu.memref_slice %arg13[%mul3A_7, %dma_wait3A_209] : memref<2560x16xf32, #tpu.memory_space<vmem_shared>> -> memref<160x16xf32, #tpu.memory_space<vmem_shared>>
      %dma_wait3A_211 = arith.constant 0 : i32
      %dma_wait3A_212 = tpu.memref_slice %arg13[%mul3A_7, %dma_wait3A_211] : memref<2560x16xf32, #tpu.memory_space<vmem_shared>> -> memref<160x16xf32, #tpu.memory_space<vmem_shared>>
      %dma_wait3A_213 = arith.constant 0 : i32
      %dma_wait3A_214 = arith.constant 0 : i32
      %dma_wait3A_215 = tpu.memref_slice %arg24[%dma_wait3A_213, %dma_wait3A_214] : memref<640x16xf32, #tpu.memory_space<vmem>> -> memref<160x16xf32, #tpu.memory_space<vmem>>
      tpu.wait_dma2 semaphore(%run_scoped3A : memref<!tpu.dma_semaphore, #tpu.memory_space<semaphore_mem>>) src(%dma_wait3A_215 : memref<160x16xf32, #tpu.memory_space<vmem>>) dst(%dma_wait3A_212 : memref<160x16xf32, #tpu.memory_space<vmem_shared>>)
      tpu.yield
    }) : () -> ()
    %mul3A_8 = arith.constant 640 : i32
    %mul3A_9 = arith.muli %arg1, %mul3A_8 : i32
    "tpu.region"() ({
      %run_scoped3A = tpu.sem_alloc : memref<!tpu.dma_semaphore, #tpu.memory_space<semaphore_mem>>
      %dma_start3A_196 = arith.constant 0 : i32
      %dma_start3A_197 = arith.constant 0 : i32
      %dma_start3A_198 = tpu.memref_slice %arg24[%dma_start3A_196, %dma_start3A_197] : memref<640x16xf32, #tpu.memory_space<vmem>> -> memref<640x16xf32, #tpu.memory_space<vmem>>
      %dma_start3A_199 = arith.constant 0 : i32
      %dma_start3A_200 = tpu.memref_slice %arg14[%mul3A_9, %dma_start3A_199] : memref<10240x16xf32, #tpu.memory_space<vmem_shared>> -> memref<640x16xf32, #tpu.memory_space<vmem_shared>>
      %dma_start3A_201 = arith.constant 0 : i32
      %dma_start3A_202 = tpu.memref_slice %arg14[%mul3A_9, %dma_start3A_201] : memref<10240x16xf32, #tpu.memory_space<vmem_shared>> -> memref<640x16xf32, #tpu.memory_space<vmem_shared>>
      %dma_start3A_203 = arith.constant 0 : i32
      %dma_start3A_204 = arith.constant 0 : i32
      %dma_start3A_205 = tpu.memref_slice %arg24[%dma_start3A_203, %dma_start3A_204] : memref<640x16xf32, #tpu.memory_space<vmem>> -> memref<640x16xf32, #tpu.memory_space<vmem>>
      tpu.enqueue_dma source(%dma_start3A_205 : memref<640x16xf32, #tpu.memory_space<vmem>>) target(%dma_start3A_202 : memref<640x16xf32, #tpu.memory_space<vmem_shared>>) target_semaphore(%run_scoped3A : memref<!tpu.dma_semaphore, #tpu.memory_space<semaphore_mem>>)
      %dma_wait3A_206 = arith.constant 0 : i32
      %dma_wait3A_207 = arith.constant 0 : i32
      %dma_wait3A_208 = tpu.memref_slice %arg24[%dma_wait3A_206, %dma_wait3A_207] : memref<640x16xf32, #tpu.memory_space<vmem>> -> memref<640x16xf32, #tpu.memory_space<vmem>>
      %dma_wait3A_209 = arith.constant 0 : i32
      %dma_wait3A_210 = tpu.memref_slice %arg14[%mul3A_9, %dma_wait3A_209] : memref<10240x16xf32, #tpu.memory_space<vmem_shared>> -> memref<640x16xf32, #tpu.memory_space<vmem_shared>>
      %dma_wait3A_211 = arith.constant 0 : i32
      %dma_wait3A_212 = tpu.memref_slice %arg14[%mul3A_9, %dma_wait3A_211] : memref<10240x16xf32, #tpu.memory_space<vmem_shared>> -> memref<640x16xf32, #tpu.memory_space<vmem_shared>>
      %dma_wait3A_213 = arith.constant 0 : i32
      %dma_wait3A_214 = arith.constant 0 : i32
      %dma_wait3A_215 = tpu.memref_slice %arg24[%dma_wait3A_213, %dma_wait3A_214] : memref<640x16xf32, #tpu.memory_space<vmem>> -> memref<640x16xf32, #tpu.memory_space<vmem>>
      tpu.wait_dma2 semaphore(%run_scoped3A : memref<!tpu.dma_semaphore, #tpu.memory_space<semaphore_mem>>) src(%dma_wait3A_215 : memref<640x16xf32, #tpu.memory_space<vmem>>) dst(%dma_wait3A_212 : memref<640x16xf32, #tpu.memory_space<vmem_shared>>)
      tpu.yield
    }) : () -> ()
    "tpu.region"() ({
      %run_scoped3A = tpu.sem_alloc : memref<!tpu.dma_semaphore, #tpu.memory_space<semaphore_mem>>
      tpu.enqueue_dma source(%arg8 : memref<128x16xf32, #tpu.memory_space<hbm>>) target(%arg25 : memref<128x16xf32, #tpu.memory_space<vmem>>) target_semaphore(%run_scoped3A : memref<!tpu.dma_semaphore, #tpu.memory_space<semaphore_mem>>)
      tpu.wait_dma2 semaphore(%run_scoped3A : memref<!tpu.dma_semaphore, #tpu.memory_space<semaphore_mem>>) src(%arg8 : memref<128x16xf32, #tpu.memory_space<hbm>>) dst(%arg25 : memref<128x16xf32, #tpu.memory_space<vmem>>)
      tpu.yield
    }) : () -> ()
    %barrier3A = arith.constant 0 : index
    tpu.barrier barrier_id(%barrier3A)
    %mul3A_10 = arith.constant 160 : i32
    %mul3A_11 = arith.muli %arg1, %mul3A_10 : i32
    %add3A_12 = arith.constant 0 : i32
    %add3A_13 = arith.addi %mul3A_11, %add3A_12 : i32
    "tpu.region"() ({
      %run_scoped3A = tpu.sem_alloc : memref<!tpu.dma_semaphore, #tpu.memory_space<semaphore_mem>>
      %dma_start3A_196 = arith.constant 0 : i32
      %dma_start3A_197 = tpu.memref_slice %arg3[%add3A_13, %dma_start3A_196] : memref<2560x128xi32, #tpu.memory_space<hbm>> -> memref<5x128xi32, #tpu.memory_space<hbm>>
      %dma_start3A_198 = arith.constant 0 : i32
      %dma_start3A_199 = tpu.memref_slice %arg3[%add3A_13, %dma_start3A_198] : memref<2560x128xi32, #tpu.memory_space<hbm>> -> memref<5x128xi32, #tpu.memory_space<hbm>>
      tpu.enqueue_dma source(%dma_start3A_199 : memref<5x128xi32, #tpu.memory_space<hbm>>) target(%arg15 : memref<5x128xi32, #tpu.memory_space<vmem>>) target_semaphore(%run_scoped3A : memref<!tpu.dma_semaphore, #tpu.memory_space<semaphore_mem>>)
      %dma_wait3A_200 = arith.constant 0 : i32
      %dma_wait3A_201 = tpu.memref_slice %arg3[%add3A_13, %dma_wait3A_200] : memref<2560x128xi32, #tpu.memory_space<hbm>> -> memref<5x128xi32, #tpu.memory_space<hbm>>
      %dma_wait3A_202 = arith.constant 0 : i32
      %dma_wait3A_203 = tpu.memref_slice %arg3[%add3A_13, %dma_wait3A_202] : memref<2560x128xi32, #tpu.memory_space<hbm>> -> memref<5x128xi32, #tpu.memory_space<hbm>>
      tpu.wait_dma2 semaphore(%run_scoped3A : memref<!tpu.dma_semaphore, #tpu.memory_space<semaphore_mem>>) src(%dma_wait3A_203 : memref<5x128xi32, #tpu.memory_space<hbm>>) dst(%arg15 : memref<5x128xi32, #tpu.memory_space<vmem>>)
      tpu.yield
    }) : () -> ()
    "tpu.region"() ({
      %run_scoped3A = tpu.sem_alloc : memref<!tpu.dma_semaphore, #tpu.memory_space<semaphore_mem>>
      %dma_start3A_196 = arith.constant 0 : i32
      %dma_start3A_197 = tpu.memref_slice %arg4[%add3A_13, %dma_start3A_196] : memref<2560x128xi32, #tpu.memory_space<hbm>> -> memref<5x128xi32, #tpu.memory_space<hbm>>
      %dma_start3A_198 = arith.constant 0 : i32
      %dma_start3A_199 = tpu.memref_slice %arg4[%add3A_13, %dma_start3A_198] : memref<2560x128xi32, #tpu.memory_space<hbm>> -> memref<5x128xi32, #tpu.memory_space<hbm>>
      tpu.enqueue_dma source(%dma_start3A_199 : memref<5x128xi32, #tpu.memory_space<hbm>>) target(%arg17 : memref<5x128xi32, #tpu.memory_space<vmem>>) target_semaphore(%run_scoped3A : memref<!tpu.dma_semaphore, #tpu.memory_space<semaphore_mem>>)
      %dma_wait3A_200 = arith.constant 0 : i32
      %dma_wait3A_201 = tpu.memref_slice %arg4[%add3A_13, %dma_wait3A_200] : memref<2560x128xi32, #tpu.memory_space<hbm>> -> memref<5x128xi32, #tpu.memory_space<hbm>>
      %dma_wait3A_202 = arith.constant 0 : i32
      %dma_wait3A_203 = tpu.memref_slice %arg4[%add3A_13, %dma_wait3A_202] : memref<2560x128xi32, #tpu.memory_space<hbm>> -> memref<5x128xi32, #tpu.memory_space<hbm>>
      tpu.wait_dma2 semaphore(%run_scoped3A : memref<!tpu.dma_semaphore, #tpu.memory_space<semaphore_mem>>) src(%dma_wait3A_203 : memref<5x128xi32, #tpu.memory_space<hbm>>) dst(%arg17 : memref<5x128xi32, #tpu.memory_space<vmem>>)
      tpu.yield
    }) : () -> ()
    "tpu.region"() ({
      %run_scoped3A = tpu.sem_alloc : memref<!tpu.dma_semaphore, #tpu.memory_space<semaphore_mem>>
      %dma_start3A_196 = arith.constant 0 : i32
      %dma_start3A_197 = tpu.memref_slice %arg5[%add3A_13, %dma_start3A_196] : memref<2560x128xi32, #tpu.memory_space<hbm>> -> memref<5x128xi32, #tpu.memory_space<hbm>>
      %dma_start3A_198 = arith.constant 0 : i32
      %dma_start3A_199 = tpu.memref_slice %arg5[%add3A_13, %dma_start3A_198] : memref<2560x128xi32, #tpu.memory_space<hbm>> -> memref<5x128xi32, #tpu.memory_space<hbm>>
      tpu.enqueue_dma source(%dma_start3A_199 : memref<5x128xi32, #tpu.memory_space<hbm>>) target(%arg19 : memref<5x128xi32, #tpu.memory_space<vmem>>) target_semaphore(%run_scoped3A : memref<!tpu.dma_semaphore, #tpu.memory_space<semaphore_mem>>)
      %dma_wait3A_200 = arith.constant 0 : i32
      %dma_wait3A_201 = tpu.memref_slice %arg5[%add3A_13, %dma_wait3A_200] : memref<2560x128xi32, #tpu.memory_space<hbm>> -> memref<5x128xi32, #tpu.memory_space<hbm>>
      %dma_wait3A_202 = arith.constant 0 : i32
      %dma_wait3A_203 = tpu.memref_slice %arg5[%add3A_13, %dma_wait3A_202] : memref<2560x128xi32, #tpu.memory_space<hbm>> -> memref<5x128xi32, #tpu.memory_space<hbm>>
      tpu.wait_dma2 semaphore(%run_scoped3A : memref<!tpu.dma_semaphore, #tpu.memory_space<semaphore_mem>>) src(%dma_wait3A_203 : memref<5x128xi32, #tpu.memory_space<hbm>>) dst(%arg19 : memref<5x128xi32, #tpu.memory_space<vmem>>)
      tpu.yield
    }) : () -> ()
    %dma_start3A = arith.constant 0 : i32
    %dma_start3A_14 = arith.constant 0 : i32
    %dma_start3A_15 = arith.constant 0 : i32
    %dma_start3A_16 = tpu.memref_slice %arg21[%dma_start3A_14, %dma_start3A_15] : memref<640x64xf32, #tpu.memory_space<vmem>> -> memref<128x64xf32, #tpu.memory_space<vmem>>
    %dma_start3A_17 = arith.constant 0 : i32
    %dma_start3A_18 = tpu.memref_slice %arg15[%dma_start3A, %dma_start3A_17] : memref<5x128xi32, #tpu.memory_space<vmem>> -> memref<1x128xi32, #tpu.memory_space<vmem>>
    %dma_start3A_19 = tpu.memref_squeeze %dma_start3A_18 : memref<1x128xi32, #tpu.memory_space<vmem>> -> memref<128xi32, #tpu.memory_space<vmem>>
    %dma_start3A_20 = arith.constant 0 : i32
    %dma_start3A_21 = arith.constant 0 : i32
    %dma_start3A_22 = tpu.memref_slice %arg2[%arg0, %dma_start3A_20, %dma_start3A_21] : memref<2x10240x64xf32, #tpu.memory_space<hbm>> -> memref<1x10240x64xf32, #tpu.memory_space<hbm>>
    %dma_start3A_23 = tpu.memref_squeeze %dma_start3A_22 : memref<1x10240x64xf32, #tpu.memory_space<hbm>> -> memref<10240x64xf32, #tpu.memory_space<hbm>>
    %dma_start3A_24 = arith.constant 0 : i32
    %dma_start3A_25 = arith.constant 0 : i32
    %dma_start3A_26 = tpu.memref_slice %dma_start3A_23[%dma_start3A_24, %dma_start3A_25] : memref<10240x64xf32, #tpu.memory_space<hbm>> -> memref<10240x64xf32, #tpu.memory_space<hbm>>
    tpu.enqueue_indirect_dma source(%dma_start3A_26 : memref<10240x64xf32, #tpu.memory_space<hbm>>) target(%dma_start3A_16 : memref<128x64xf32, #tpu.memory_space<vmem>>) offsets(%dma_start3A_19 : memref<128xi32, #tpu.memory_space<vmem>>) semaphore(%arg27 : memref<!tpu.dma_semaphore, #tpu.memory_space<semaphore_mem>>)
    %dma_start3A_27 = arith.constant 1 : i32
    %dma_start3A_28 = arith.constant 128 : i32
    %dma_start3A_29 = arith.constant 0 : i32
    %dma_start3A_30 = tpu.memref_slice %arg21[%dma_start3A_28, %dma_start3A_29] : memref<640x64xf32, #tpu.memory_space<vmem>> -> memref<128x64xf32, #tpu.memory_space<vmem>>
    %dma_start3A_31 = arith.constant 0 : i32
    %dma_start3A_32 = tpu.memref_slice %arg15[%dma_start3A_27, %dma_start3A_31] : memref<5x128xi32, #tpu.memory_space<vmem>> -> memref<1x128xi32, #tpu.memory_space<vmem>>
    %dma_start3A_33 = tpu.memref_squeeze %dma_start3A_32 : memref<1x128xi32, #tpu.memory_space<vmem>> -> memref<128xi32, #tpu.memory_space<vmem>>
    %dma_start3A_34 = arith.constant 0 : i32
    %dma_start3A_35 = arith.constant 0 : i32
    %dma_start3A_36 = tpu.memref_slice %arg2[%arg0, %dma_start3A_34, %dma_start3A_35] : memref<2x10240x64xf32, #tpu.memory_space<hbm>> -> memref<1x10240x64xf32, #tpu.memory_space<hbm>>
    %dma_start3A_37 = tpu.memref_squeeze %dma_start3A_36 : memref<1x10240x64xf32, #tpu.memory_space<hbm>> -> memref<10240x64xf32, #tpu.memory_space<hbm>>
    %dma_start3A_38 = arith.constant 0 : i32
    %dma_start3A_39 = arith.constant 0 : i32
    %dma_start3A_40 = tpu.memref_slice %dma_start3A_37[%dma_start3A_38, %dma_start3A_39] : memref<10240x64xf32, #tpu.memory_space<hbm>> -> memref<10240x64xf32, #tpu.memory_space<hbm>>
    tpu.enqueue_indirect_dma source(%dma_start3A_40 : memref<10240x64xf32, #tpu.memory_space<hbm>>) target(%dma_start3A_30 : memref<128x64xf32, #tpu.memory_space<vmem>>) offsets(%dma_start3A_33 : memref<128xi32, #tpu.memory_space<vmem>>) semaphore(%arg27 : memref<!tpu.dma_semaphore, #tpu.memory_space<semaphore_mem>>)
    %dma_start3A_41 = arith.constant 2 : i32
    %dma_start3A_42 = arith.constant 256 : i32
    %dma_start3A_43 = arith.constant 0 : i32
    %dma_start3A_44 = tpu.memref_slice %arg21[%dma_start3A_42, %dma_start3A_43] : memref<640x64xf32, #tpu.memory_space<vmem>> -> memref<128x64xf32, #tpu.memory_space<vmem>>
    %dma_start3A_45 = arith.constant 0 : i32
    %dma_start3A_46 = tpu.memref_slice %arg15[%dma_start3A_41, %dma_start3A_45] : memref<5x128xi32, #tpu.memory_space<vmem>> -> memref<1x128xi32, #tpu.memory_space<vmem>>
    %dma_start3A_47 = tpu.memref_squeeze %dma_start3A_46 : memref<1x128xi32, #tpu.memory_space<vmem>> -> memref<128xi32, #tpu.memory_space<vmem>>
    %dma_start3A_48 = arith.constant 0 : i32
    %dma_start3A_49 = arith.constant 0 : i32
    %dma_start3A_50 = tpu.memref_slice %arg2[%arg0, %dma_start3A_48, %dma_start3A_49] : memref<2x10240x64xf32, #tpu.memory_space<hbm>> -> memref<1x10240x64xf32, #tpu.memory_space<hbm>>
    %dma_start3A_51 = tpu.memref_squeeze %dma_start3A_50 : memref<1x10240x64xf32, #tpu.memory_space<hbm>> -> memref<10240x64xf32, #tpu.memory_space<hbm>>
    %dma_start3A_52 = arith.constant 0 : i32
    %dma_start3A_53 = arith.constant 0 : i32
    %dma_start3A_54 = tpu.memref_slice %dma_start3A_51[%dma_start3A_52, %dma_start3A_53] : memref<10240x64xf32, #tpu.memory_space<hbm>> -> memref<10240x64xf32, #tpu.memory_space<hbm>>
    tpu.enqueue_indirect_dma source(%dma_start3A_54 : memref<10240x64xf32, #tpu.memory_space<hbm>>) target(%dma_start3A_44 : memref<128x64xf32, #tpu.memory_space<vmem>>) offsets(%dma_start3A_47 : memref<128xi32, #tpu.memory_space<vmem>>) semaphore(%arg27 : memref<!tpu.dma_semaphore, #tpu.memory_space<semaphore_mem>>)
    %dma_start3A_55 = arith.constant 3 : i32
    %dma_start3A_56 = arith.constant 384 : i32
    %dma_start3A_57 = arith.constant 0 : i32
    %dma_start3A_58 = tpu.memref_slice %arg21[%dma_start3A_56, %dma_start3A_57] : memref<640x64xf32, #tpu.memory_space<vmem>> -> memref<128x64xf32, #tpu.memory_space<vmem>>
    %dma_start3A_59 = arith.constant 0 : i32
    %dma_start3A_60 = tpu.memref_slice %arg15[%dma_start3A_55, %dma_start3A_59] : memref<5x128xi32, #tpu.memory_space<vmem>> -> memref<1x128xi32, #tpu.memory_space<vmem>>
    %dma_start3A_61 = tpu.memref_squeeze %dma_start3A_60 : memref<1x128xi32, #tpu.memory_space<vmem>> -> memref<128xi32, #tpu.memory_space<vmem>>
    %dma_start3A_62 = arith.constant 0 : i32
    %dma_start3A_63 = arith.constant 0 : i32
    %dma_start3A_64 = tpu.memref_slice %arg2[%arg0, %dma_start3A_62, %dma_start3A_63] : memref<2x10240x64xf32, #tpu.memory_space<hbm>> -> memref<1x10240x64xf32, #tpu.memory_space<hbm>>
    %dma_start3A_65 = tpu.memref_squeeze %dma_start3A_64 : memref<1x10240x64xf32, #tpu.memory_space<hbm>> -> memref<10240x64xf32, #tpu.memory_space<hbm>>
    %dma_start3A_66 = arith.constant 0 : i32
    %dma_start3A_67 = arith.constant 0 : i32
    %dma_start3A_68 = tpu.memref_slice %dma_start3A_65[%dma_start3A_66, %dma_start3A_67] : memref<10240x64xf32, #tpu.memory_space<hbm>> -> memref<10240x64xf32, #tpu.memory_space<hbm>>
    tpu.enqueue_indirect_dma source(%dma_start3A_68 : memref<10240x64xf32, #tpu.memory_space<hbm>>) target(%dma_start3A_58 : memref<128x64xf32, #tpu.memory_space<vmem>>) offsets(%dma_start3A_61 : memref<128xi32, #tpu.memory_space<vmem>>) semaphore(%arg27 : memref<!tpu.dma_semaphore, #tpu.memory_space<semaphore_mem>>)
    %dma_start3A_69 = arith.constant 4 : i32
    %dma_start3A_70 = arith.constant 512 : i32
    %dma_start3A_71 = arith.constant 0 : i32
    %dma_start3A_72 = tpu.memref_slice %arg21[%dma_start3A_70, %dma_start3A_71] : memref<640x64xf32, #tpu.memory_space<vmem>> -> memref<128x64xf32, #tpu.memory_space<vmem>>
    %dma_start3A_73 = arith.constant 0 : i32
    %dma_start3A_74 = tpu.memref_slice %arg15[%dma_start3A_69, %dma_start3A_73] : memref<5x128xi32, #tpu.memory_space<vmem>> -> memref<1x128xi32, #tpu.memory_space<vmem>>
    %dma_start3A_75 = tpu.memref_squeeze %dma_start3A_74 : memref<1x128xi32, #tpu.memory_space<vmem>> -> memref<128xi32, #tpu.memory_space<vmem>>
    %dma_start3A_76 = arith.constant 0 : i32
    %dma_start3A_77 = arith.constant 0 : i32
    %dma_start3A_78 = tpu.memref_slice %arg2[%arg0, %dma_start3A_76, %dma_start3A_77] : memref<2x10240x64xf32, #tpu.memory_space<hbm>> -> memref<1x10240x64xf32, #tpu.memory_space<hbm>>
    %dma_start3A_79 = tpu.memref_squeeze %dma_start3A_78 : memref<1x10240x64xf32, #tpu.memory_space<hbm>> -> memref<10240x64xf32, #tpu.memory_space<hbm>>
    %dma_start3A_80 = arith.constant 0 : i32
    %dma_start3A_81 = arith.constant 0 : i32
    %dma_start3A_82 = tpu.memref_slice %dma_start3A_79[%dma_start3A_80, %dma_start3A_81] : memref<10240x64xf32, #tpu.memory_space<hbm>> -> memref<10240x64xf32, #tpu.memory_space<hbm>>
    tpu.enqueue_indirect_dma source(%dma_start3A_82 : memref<10240x64xf32, #tpu.memory_space<hbm>>) target(%dma_start3A_72 : memref<128x64xf32, #tpu.memory_space<vmem>>) offsets(%dma_start3A_75 : memref<128xi32, #tpu.memory_space<vmem>>) semaphore(%arg27 : memref<!tpu.dma_semaphore, #tpu.memory_space<semaphore_mem>>)
    %scan3A = arith.constant 0 : i32
    %scan3A_83 = arith.constant 0 : i32
    %scan3A_84 = arith.constant 16 : i32
    %scan3A_85 = arith.addi %scan3A_83, %scan3A_84 : i32
    %scan3A_86 = arith.constant 1 : i32
    scf.for %scan3A_196 = %scan3A_83 to %scan3A_85 step %scan3A_86  : i32 {
      %mul3A_197 = arith.constant 2 : i32
      %mul3A_198 = arith.muli %mul3A_197, %scan3A_196 : i32
      %add3A_199 = arith.constant 0 : i32
      %add3A_200 = arith.addi %mul3A_198, %add3A_199 : i32
      %add3A_201 = arith.constant 1 : i32
      %add3A_202 = arith.addi %add3A_200, %add3A_201 : i32
      %min3A = arith.constant 31 : i32
      %min3A_203 = arith.minsi %add3A_202, %min3A : i32
      %mul3A_204 = arith.constant 160 : i32
      %mul3A_205 = arith.muli %arg1, %mul3A_204 : i32
      %mul3A_206 = arith.constant 5 : i32
      %mul3A_207 = arith.muli %min3A_203, %mul3A_206 : i32
      %add3A_208 = arith.addi %mul3A_205, %mul3A_207 : i32
      "tpu.region"() ({
        %run_scoped3A = tpu.sem_alloc : memref<!tpu.dma_semaphore, #tpu.memory_space<semaphore_mem>>
        %dma_start3A_982 = arith.constant 0 : i32
        %dma_start3A_983 = tpu.memref_slice %arg3[%add3A_208, %dma_start3A_982] : memref<2560x128xi32, #tpu.memory_space<hbm>> -> memref<5x128xi32, #tpu.memory_space<hbm>>
        %dma_start3A_984 = arith.constant 0 : i32
        %dma_start3A_985 = tpu.memref_slice %arg3[%add3A_208, %dma_start3A_984] : memref<2560x128xi32, #tpu.memory_space<hbm>> -> memref<5x128xi32, #tpu.memory_space<hbm>>
        tpu.enqueue_dma source(%dma_start3A_985 : memref<5x128xi32, #tpu.memory_space<hbm>>) target(%arg16 : memref<5x128xi32, #tpu.memory_space<vmem>>) target_semaphore(%run_scoped3A : memref<!tpu.dma_semaphore, #tpu.memory_space<semaphore_mem>>)
        %dma_wait3A_986 = arith.constant 0 : i32
        %dma_wait3A_987 = tpu.memref_slice %arg3[%add3A_208, %dma_wait3A_986] : memref<2560x128xi32, #tpu.memory_space<hbm>> -> memref<5x128xi32, #tpu.memory_space<hbm>>
        %dma_wait3A_988 = arith.constant 0 : i32
        %dma_wait3A_989 = tpu.memref_slice %arg3[%add3A_208, %dma_wait3A_988] : memref<2560x128xi32, #tpu.memory_space<hbm>> -> memref<5x128xi32, #tpu.memory_space<hbm>>
        tpu.wait_dma2 semaphore(%run_scoped3A : memref<!tpu.dma_semaphore, #tpu.memory_space<semaphore_mem>>) src(%dma_wait3A_989 : memref<5x128xi32, #tpu.memory_space<hbm>>) dst(%arg16 : memref<5x128xi32, #tpu.memory_space<vmem>>)
        tpu.yield
      }) : () -> ()
      "tpu.region"() ({
        %run_scoped3A = tpu.sem_alloc : memref<!tpu.dma_semaphore, #tpu.memory_space<semaphore_mem>>
        %dma_start3A_982 = arith.constant 0 : i32
        %dma_start3A_983 = tpu.memref_slice %arg4[%add3A_208, %dma_start3A_982] : memref<2560x128xi32, #tpu.memory_space<hbm>> -> memref<5x128xi32, #tpu.memory_space<hbm>>
        %dma_start3A_984 = arith.constant 0 : i32
        %dma_start3A_985 = tpu.memref_slice %arg4[%add3A_208, %dma_start3A_984] : memref<2560x128xi32, #tpu.memory_space<hbm>> -> memref<5x128xi32, #tpu.memory_space<hbm>>
        tpu.enqueue_dma source(%dma_start3A_985 : memref<5x128xi32, #tpu.memory_space<hbm>>) target(%arg18 : memref<5x128xi32, #tpu.memory_space<vmem>>) target_semaphore(%run_scoped3A : memref<!tpu.dma_semaphore, #tpu.memory_space<semaphore_mem>>)
        %dma_wait3A_986 = arith.constant 0 : i32
        %dma_wait3A_987 = tpu.memref_slice %arg4[%add3A_208, %dma_wait3A_986] : memref<2560x128xi32, #tpu.memory_space<hbm>> -> memref<5x128xi32, #tpu.memory_space<hbm>>
        %dma_wait3A_988 = arith.constant 0 : i32
        %dma_wait3A_989 = tpu.memref_slice %arg4[%add3A_208, %dma_wait3A_988] : memref<2560x128xi32, #tpu.memory_space<hbm>> -> memref<5x128xi32, #tpu.memory_space<hbm>>
        tpu.wait_dma2 semaphore(%run_scoped3A : memref<!tpu.dma_semaphore, #tpu.memory_space<semaphore_mem>>) src(%dma_wait3A_989 : memref<5x128xi32, #tpu.memory_space<hbm>>) dst(%arg18 : memref<5x128xi32, #tpu.memory_space<vmem>>)
        tpu.yield
      }) : () -> ()
      "tpu.region"() ({
        %run_scoped3A = tpu.sem_alloc : memref<!tpu.dma_semaphore, #tpu.memory_space<semaphore_mem>>
        %dma_start3A_982 = arith.constant 0 : i32
        %dma_start3A_983 = tpu.memref_slice %arg5[%add3A_208, %dma_start3A_982] : memref<2560x128xi32, #tpu.memory_space<hbm>> -> memref<5x128xi32, #tpu.memory_space<hbm>>
        %dma_start3A_984 = arith.constant 0 : i32
        %dma_start3A_985 = tpu.memref_slice %arg5[%add3A_208, %dma_start3A_984] : memref<2560x128xi32, #tpu.memory_space<hbm>> -> memref<5x128xi32, #tpu.memory_space<hbm>>
        tpu.enqueue_dma source(%dma_start3A_985 : memref<5x128xi32, #tpu.memory_space<hbm>>) target(%arg20 : memref<5x128xi32, #tpu.memory_space<vmem>>) target_semaphore(%run_scoped3A : memref<!tpu.dma_semaphore, #tpu.memory_space<semaphore_mem>>)
        %dma_wait3A_986 = arith.constant 0 : i32
        %dma_wait3A_987 = tpu.memref_slice %arg5[%add3A_208, %dma_wait3A_986] : memref<2560x128xi32, #tpu.memory_space<hbm>> -> memref<5x128xi32, #tpu.memory_space<hbm>>
        %dma_wait3A_988 = arith.constant 0 : i32
        %dma_wait3A_989 = tpu.memref_slice %arg5[%add3A_208, %dma_wait3A_988] : memref<2560x128xi32, #tpu.memory_space<hbm>> -> memref<5x128xi32, #tpu.memory_space<hbm>>
        tpu.wait_dma2 semaphore(%run_scoped3A : memref<!tpu.dma_semaphore, #tpu.memory_space<semaphore_mem>>) src(%dma_wait3A_989 : memref<5x128xi32, #tpu.memory_space<hbm>>) dst(%arg20 : memref<5x128xi32, #tpu.memory_space<vmem>>)
        tpu.yield
      }) : () -> ()
      %dma_start3A_209 = arith.constant 0 : i32
      %dma_start3A_210 = arith.constant 0 : i32
      %dma_start3A_211 = arith.constant 0 : i32
      %dma_start3A_212 = tpu.memref_slice %arg22[%dma_start3A_210, %dma_start3A_211] : memref<640x64xf32, #tpu.memory_space<vmem>> -> memref<128x64xf32, #tpu.memory_space<vmem>>
      %dma_start3A_213 = arith.constant 0 : i32
      %dma_start3A_214 = tpu.memref_slice %arg16[%dma_start3A_209, %dma_start3A_213] : memref<5x128xi32, #tpu.memory_space<vmem>> -> memref<1x128xi32, #tpu.memory_space<vmem>>
      %dma_start3A_215 = tpu.memref_squeeze %dma_start3A_214 : memref<1x128xi32, #tpu.memory_space<vmem>> -> memref<128xi32, #tpu.memory_space<vmem>>
      %dma_start3A_216 = arith.constant 0 : i32
      %dma_start3A_217 = arith.constant 0 : i32
      %dma_start3A_218 = tpu.memref_slice %arg2[%arg0, %dma_start3A_216, %dma_start3A_217] : memref<2x10240x64xf32, #tpu.memory_space<hbm>> -> memref<1x10240x64xf32, #tpu.memory_space<hbm>>
      %dma_start3A_219 = tpu.memref_squeeze %dma_start3A_218 : memref<1x10240x64xf32, #tpu.memory_space<hbm>> -> memref<10240x64xf32, #tpu.memory_space<hbm>>
      %dma_start3A_220 = arith.constant 0 : i32
      %dma_start3A_221 = arith.constant 0 : i32
      %dma_start3A_222 = tpu.memref_slice %dma_start3A_219[%dma_start3A_220, %dma_start3A_221] : memref<10240x64xf32, #tpu.memory_space<hbm>> -> memref<10240x64xf32, #tpu.memory_space<hbm>>
      tpu.enqueue_indirect_dma source(%dma_start3A_222 : memref<10240x64xf32, #tpu.memory_space<hbm>>) target(%dma_start3A_212 : memref<128x64xf32, #tpu.memory_space<vmem>>) offsets(%dma_start3A_215 : memref<128xi32, #tpu.memory_space<vmem>>) semaphore(%arg28 : memref<!tpu.dma_semaphore, #tpu.memory_space<semaphore_mem>>)
      %dma_start3A_223 = arith.constant 1 : i32
      %dma_start3A_224 = arith.constant 128 : i32
      %dma_start3A_225 = arith.constant 0 : i32
      %dma_start3A_226 = tpu.memref_slice %arg22[%dma_start3A_224, %dma_start3A_225] : memref<640x64xf32, #tpu.memory_space<vmem>> -> memref<128x64xf32, #tpu.memory_space<vmem>>
      %dma_start3A_227 = arith.constant 0 : i32
      %dma_start3A_228 = tpu.memref_slice %arg16[%dma_start3A_223, %dma_start3A_227] : memref<5x128xi32, #tpu.memory_space<vmem>> -> memref<1x128xi32, #tpu.memory_space<vmem>>
      %dma_start3A_229 = tpu.memref_squeeze %dma_start3A_228 : memref<1x128xi32, #tpu.memory_space<vmem>> -> memref<128xi32, #tpu.memory_space<vmem>>
      %dma_start3A_230 = arith.constant 0 : i32
      %dma_start3A_231 = arith.constant 0 : i32
      %dma_start3A_232 = tpu.memref_slice %arg2[%arg0, %dma_start3A_230, %dma_start3A_231] : memref<2x10240x64xf32, #tpu.memory_space<hbm>> -> memref<1x10240x64xf32, #tpu.memory_space<hbm>>
      %dma_start3A_233 = tpu.memref_squeeze %dma_start3A_232 : memref<1x10240x64xf32, #tpu.memory_space<hbm>> -> memref<10240x64xf32, #tpu.memory_space<hbm>>
      %dma_start3A_234 = arith.constant 0 : i32
      %dma_start3A_235 = arith.constant 0 : i32
      %dma_start3A_236 = tpu.memref_slice %dma_start3A_233[%dma_start3A_234, %dma_start3A_235] : memref<10240x64xf32, #tpu.memory_space<hbm>> -> memref<10240x64xf32, #tpu.memory_space<hbm>>
      tpu.enqueue_indirect_dma source(%dma_start3A_236 : memref<10240x64xf32, #tpu.memory_space<hbm>>) target(%dma_start3A_226 : memref<128x64xf32, #tpu.memory_space<vmem>>) offsets(%dma_start3A_229 : memref<128xi32, #tpu.memory_space<vmem>>) semaphore(%arg28 : memref<!tpu.dma_semaphore, #tpu.memory_space<semaphore_mem>>)
      %dma_start3A_237 = arith.constant 2 : i32
      %dma_start3A_238 = arith.constant 256 : i32
      %dma_start3A_239 = arith.constant 0 : i32
      %dma_start3A_240 = tpu.memref_slice %arg22[%dma_start3A_238, %dma_start3A_239] : memref<640x64xf32, #tpu.memory_space<vmem>> -> memref<128x64xf32, #tpu.memory_space<vmem>>
      %dma_start3A_241 = arith.constant 0 : i32
      %dma_start3A_242 = tpu.memref_slice %arg16[%dma_start3A_237, %dma_start3A_241] : memref<5x128xi32, #tpu.memory_space<vmem>> -> memref<1x128xi32, #tpu.memory_space<vmem>>
      %dma_start3A_243 = tpu.memref_squeeze %dma_start3A_242 : memref<1x128xi32, #tpu.memory_space<vmem>> -> memref<128xi32, #tpu.memory_space<vmem>>
      %dma_start3A_244 = arith.constant 0 : i32
      %dma_start3A_245 = arith.constant 0 : i32
      %dma_start3A_246 = tpu.memref_slice %arg2[%arg0, %dma_start3A_244, %dma_start3A_245] : memref<2x10240x64xf32, #tpu.memory_space<hbm>> -> memref<1x10240x64xf32, #tpu.memory_space<hbm>>
      %dma_start3A_247 = tpu.memref_squeeze %dma_start3A_246 : memref<1x10240x64xf32, #tpu.memory_space<hbm>> -> memref<10240x64xf32, #tpu.memory_space<hbm>>
      %dma_start3A_248 = arith.constant 0 : i32
      %dma_start3A_249 = arith.constant 0 : i32
      %dma_start3A_250 = tpu.memref_slice %dma_start3A_247[%dma_start3A_248, %dma_start3A_249] : memref<10240x64xf32, #tpu.memory_space<hbm>> -> memref<10240x64xf32, #tpu.memory_space<hbm>>
      tpu.enqueue_indirect_dma source(%dma_start3A_250 : memref<10240x64xf32, #tpu.memory_space<hbm>>) target(%dma_start3A_240 : memref<128x64xf32, #tpu.memory_space<vmem>>) offsets(%dma_start3A_243 : memref<128xi32, #tpu.memory_space<vmem>>) semaphore(%arg28 : memref<!tpu.dma_semaphore, #tpu.memory_space<semaphore_mem>>)
      %dma_start3A_251 = arith.constant 3 : i32
      %dma_start3A_252 = arith.constant 384 : i32
      %dma_start3A_253 = arith.constant 0 : i32
      %dma_start3A_254 = tpu.memref_slice %arg22[%dma_start3A_252, %dma_start3A_253] : memref<640x64xf32, #tpu.memory_space<vmem>> -> memref<128x64xf32, #tpu.memory_space<vmem>>
      %dma_start3A_255 = arith.constant 0 : i32
      %dma_start3A_256 = tpu.memref_slice %arg16[%dma_start3A_251, %dma_start3A_255] : memref<5x128xi32, #tpu.memory_space<vmem>> -> memref<1x128xi32, #tpu.memory_space<vmem>>
      %dma_start3A_257 = tpu.memref_squeeze %dma_start3A_256 : memref<1x128xi32, #tpu.memory_space<vmem>> -> memref<128xi32, #tpu.memory_space<vmem>>
      %dma_start3A_258 = arith.constant 0 : i32
      %dma_start3A_259 = arith.constant 0 : i32
      %dma_start3A_260 = tpu.memref_slice %arg2[%arg0, %dma_start3A_258, %dma_start3A_259] : memref<2x10240x64xf32, #tpu.memory_space<hbm>> -> memref<1x10240x64xf32, #tpu.memory_space<hbm>>
      %dma_start3A_261 = tpu.memref_squeeze %dma_start3A_260 : memref<1x10240x64xf32, #tpu.memory_space<hbm>> -> memref<10240x64xf32, #tpu.memory_space<hbm>>
      %dma_start3A_262 = arith.constant 0 : i32
      %dma_start3A_263 = arith.constant 0 : i32
      %dma_start3A_264 = tpu.memref_slice %dma_start3A_261[%dma_start3A_262, %dma_start3A_263] : memref<10240x64xf32, #tpu.memory_space<hbm>> -> memref<10240x64xf32, #tpu.memory_space<hbm>>
      tpu.enqueue_indirect_dma source(%dma_start3A_264 : memref<10240x64xf32, #tpu.memory_space<hbm>>) target(%dma_start3A_254 : memref<128x64xf32, #tpu.memory_space<vmem>>) offsets(%dma_start3A_257 : memref<128xi32, #tpu.memory_space<vmem>>) semaphore(%arg28 : memref<!tpu.dma_semaphore, #tpu.memory_space<semaphore_mem>>)
      %dma_start3A_265 = arith.constant 4 : i32
      %dma_start3A_266 = arith.constant 512 : i32
      %dma_start3A_267 = arith.constant 0 : i32
      %dma_start3A_268 = tpu.memref_slice %arg22[%dma_start3A_266, %dma_start3A_267] : memref<640x64xf32, #tpu.memory_space<vmem>> -> memref<128x64xf32, #tpu.memory_space<vmem>>
      %dma_start3A_269 = arith.constant 0 : i32
      %dma_start3A_270 = tpu.memref_slice %arg16[%dma_start3A_265, %dma_start3A_269] : memref<5x128xi32, #tpu.memory_space<vmem>> -> memref<1x128xi32, #tpu.memory_space<vmem>>
      %dma_start3A_271 = tpu.memref_squeeze %dma_start3A_270 : memref<1x128xi32, #tpu.memory_space<vmem>> -> memref<128xi32, #tpu.memory_space<vmem>>
      %dma_start3A_272 = arith.constant 0 : i32
      %dma_start3A_273 = arith.constant 0 : i32
      %dma_start3A_274 = tpu.memref_slice %arg2[%arg0, %dma_start3A_272, %dma_start3A_273] : memref<2x10240x64xf32, #tpu.memory_space<hbm>> -> memref<1x10240x64xf32, #tpu.memory_space<hbm>>
      %dma_start3A_275 = tpu.memref_squeeze %dma_start3A_274 : memref<1x10240x64xf32, #tpu.memory_space<hbm>> -> memref<10240x64xf32, #tpu.memory_space<hbm>>
      %dma_start3A_276 = arith.constant 0 : i32
      %dma_start3A_277 = arith.constant 0 : i32
      %dma_start3A_278 = tpu.memref_slice %dma_start3A_275[%dma_start3A_276, %dma_start3A_277] : memref<10240x64xf32, #tpu.memory_space<hbm>> -> memref<10240x64xf32, #tpu.memory_space<hbm>>
      tpu.enqueue_indirect_dma source(%dma_start3A_278 : memref<10240x64xf32, #tpu.memory_space<hbm>>) target(%dma_start3A_268 : memref<128x64xf32, #tpu.memory_space<vmem>>) offsets(%dma_start3A_271 : memref<128xi32, #tpu.memory_space<vmem>>) semaphore(%arg28 : memref<!tpu.dma_semaphore, #tpu.memory_space<semaphore_mem>>)
      %dma_wait3A_279 = arith.constant 0 : i32
      %dma_wait3A_280 = arith.constant 0 : i32
      %dma_wait3A_281 = arith.constant 0 : i32
      %dma_wait3A_282 = tpu.memref_slice %arg21[%dma_wait3A_280, %dma_wait3A_281] : memref<640x64xf32, #tpu.memory_space<vmem>> -> memref<128x64xf32, #tpu.memory_space<vmem>>
      %dma_wait3A_283 = arith.constant 0 : i32
      %dma_wait3A_284 = tpu.memref_slice %arg15[%dma_wait3A_279, %dma_wait3A_283] : memref<5x128xi32, #tpu.memory_space<vmem>> -> memref<1x128xi32, #tpu.memory_space<vmem>>
      %dma_wait3A_285 = tpu.memref_squeeze %dma_wait3A_284 : memref<1x128xi32, #tpu.memory_space<vmem>> -> memref<128xi32, #tpu.memory_space<vmem>>
      %dma_wait3A_286 = arith.constant 0 : i32
      %dma_wait3A_287 = arith.constant 0 : i32
      %dma_wait3A_288 = tpu.memref_slice %arg2[%arg0, %dma_wait3A_286, %dma_wait3A_287] : memref<2x10240x64xf32, #tpu.memory_space<hbm>> -> memref<1x10240x64xf32, #tpu.memory_space<hbm>>
      %dma_wait3A_289 = tpu.memref_squeeze %dma_wait3A_288 : memref<1x10240x64xf32, #tpu.memory_space<hbm>> -> memref<10240x64xf32, #tpu.memory_space<hbm>>
      %dma_wait3A_290 = arith.constant 0 : i32
      %dma_wait3A_291 = arith.constant 0 : i32
      %dma_wait3A_292 = tpu.memref_slice %dma_wait3A_289[%dma_wait3A_290, %dma_wait3A_291] : memref<10240x64xf32, #tpu.memory_space<hbm>> -> memref<10240x64xf32, #tpu.memory_space<hbm>>
      tpu.wait_indirect_dma semaphore(%arg27 : memref<!tpu.dma_semaphore, #tpu.memory_space<semaphore_mem>>) src(%dma_wait3A_292 : memref<10240x64xf32, #tpu.memory_space<hbm>>) dst(%dma_wait3A_282 : memref<128x64xf32, #tpu.memory_space<vmem>>)
      %dma_wait3A_293 = arith.constant 1 : i32
      %dma_wait3A_294 = arith.constant 128 : i32
      %dma_wait3A_295 = arith.constant 0 : i32
      %dma_wait3A_296 = tpu.memref_slice %arg21[%dma_wait3A_294, %dma_wait3A_295] : memref<640x64xf32, #tpu.memory_space<vmem>> -> memref<128x64xf32, #tpu.memory_space<vmem>>
      %dma_wait3A_297 = arith.constant 0 : i32
      %dma_wait3A_298 = tpu.memref_slice %arg15[%dma_wait3A_293, %dma_wait3A_297] : memref<5x128xi32, #tpu.memory_space<vmem>> -> memref<1x128xi32, #tpu.memory_space<vmem>>
      %dma_wait3A_299 = tpu.memref_squeeze %dma_wait3A_298 : memref<1x128xi32, #tpu.memory_space<vmem>> -> memref<128xi32, #tpu.memory_space<vmem>>
      %dma_wait3A_300 = arith.constant 0 : i32
      %dma_wait3A_301 = arith.constant 0 : i32
      %dma_wait3A_302 = tpu.memref_slice %arg2[%arg0, %dma_wait3A_300, %dma_wait3A_301] : memref<2x10240x64xf32, #tpu.memory_space<hbm>> -> memref<1x10240x64xf32, #tpu.memory_space<hbm>>
      %dma_wait3A_303 = tpu.memref_squeeze %dma_wait3A_302 : memref<1x10240x64xf32, #tpu.memory_space<hbm>> -> memref<10240x64xf32, #tpu.memory_space<hbm>>
      %dma_wait3A_304 = arith.constant 0 : i32
      %dma_wait3A_305 = arith.constant 0 : i32
      %dma_wait3A_306 = tpu.memref_slice %dma_wait3A_303[%dma_wait3A_304, %dma_wait3A_305] : memref<10240x64xf32, #tpu.memory_space<hbm>> -> memref<10240x64xf32, #tpu.memory_space<hbm>>
      tpu.wait_indirect_dma semaphore(%arg27 : memref<!tpu.dma_semaphore, #tpu.memory_space<semaphore_mem>>) src(%dma_wait3A_306 : memref<10240x64xf32, #tpu.memory_space<hbm>>) dst(%dma_wait3A_296 : memref<128x64xf32, #tpu.memory_space<vmem>>)
      %dma_wait3A_307 = arith.constant 2 : i32
      %dma_wait3A_308 = arith.constant 256 : i32
      %dma_wait3A_309 = arith.constant 0 : i32
      %dma_wait3A_310 = tpu.memref_slice %arg21[%dma_wait3A_308, %dma_wait3A_309] : memref<640x64xf32, #tpu.memory_space<vmem>> -> memref<128x64xf32, #tpu.memory_space<vmem>>
      %dma_wait3A_311 = arith.constant 0 : i32
      %dma_wait3A_312 = tpu.memref_slice %arg15[%dma_wait3A_307, %dma_wait3A_311] : memref<5x128xi32, #tpu.memory_space<vmem>> -> memref<1x128xi32, #tpu.memory_space<vmem>>
      %dma_wait3A_313 = tpu.memref_squeeze %dma_wait3A_312 : memref<1x128xi32, #tpu.memory_space<vmem>> -> memref<128xi32, #tpu.memory_space<vmem>>
      %dma_wait3A_314 = arith.constant 0 : i32
      %dma_wait3A_315 = arith.constant 0 : i32
      %dma_wait3A_316 = tpu.memref_slice %arg2[%arg0, %dma_wait3A_314, %dma_wait3A_315] : memref<2x10240x64xf32, #tpu.memory_space<hbm>> -> memref<1x10240x64xf32, #tpu.memory_space<hbm>>
      %dma_wait3A_317 = tpu.memref_squeeze %dma_wait3A_316 : memref<1x10240x64xf32, #tpu.memory_space<hbm>> -> memref<10240x64xf32, #tpu.memory_space<hbm>>
      %dma_wait3A_318 = arith.constant 0 : i32
      %dma_wait3A_319 = arith.constant 0 : i32
      %dma_wait3A_320 = tpu.memref_slice %dma_wait3A_317[%dma_wait3A_318, %dma_wait3A_319] : memref<10240x64xf32, #tpu.memory_space<hbm>> -> memref<10240x64xf32, #tpu.memory_space<hbm>>
      tpu.wait_indirect_dma semaphore(%arg27 : memref<!tpu.dma_semaphore, #tpu.memory_space<semaphore_mem>>) src(%dma_wait3A_320 : memref<10240x64xf32, #tpu.memory_space<hbm>>) dst(%dma_wait3A_310 : memref<128x64xf32, #tpu.memory_space<vmem>>)
      %dma_wait3A_321 = arith.constant 3 : i32
      %dma_wait3A_322 = arith.constant 384 : i32
      %dma_wait3A_323 = arith.constant 0 : i32
      %dma_wait3A_324 = tpu.memref_slice %arg21[%dma_wait3A_322, %dma_wait3A_323] : memref<640x64xf32, #tpu.memory_space<vmem>> -> memref<128x64xf32, #tpu.memory_space<vmem>>
      %dma_wait3A_325 = arith.constant 0 : i32
      %dma_wait3A_326 = tpu.memref_slice %arg15[%dma_wait3A_321, %dma_wait3A_325] : memref<5x128xi32, #tpu.memory_space<vmem>> -> memref<1x128xi32, #tpu.memory_space<vmem>>
      %dma_wait3A_327 = tpu.memref_squeeze %dma_wait3A_326 : memref<1x128xi32, #tpu.memory_space<vmem>> -> memref<128xi32, #tpu.memory_space<vmem>>
      %dma_wait3A_328 = arith.constant 0 : i32
      %dma_wait3A_329 = arith.constant 0 : i32
      %dma_wait3A_330 = tpu.memref_slice %arg2[%arg0, %dma_wait3A_328, %dma_wait3A_329] : memref<2x10240x64xf32, #tpu.memory_space<hbm>> -> memref<1x10240x64xf32, #tpu.memory_space<hbm>>
      %dma_wait3A_331 = tpu.memref_squeeze %dma_wait3A_330 : memref<1x10240x64xf32, #tpu.memory_space<hbm>> -> memref<10240x64xf32, #tpu.memory_space<hbm>>
      %dma_wait3A_332 = arith.constant 0 : i32
      %dma_wait3A_333 = arith.constant 0 : i32
      %dma_wait3A_334 = tpu.memref_slice %dma_wait3A_331[%dma_wait3A_332, %dma_wait3A_333] : memref<10240x64xf32, #tpu.memory_space<hbm>> -> memref<10240x64xf32, #tpu.memory_space<hbm>>
      tpu.wait_indirect_dma semaphore(%arg27 : memref<!tpu.dma_semaphore, #tpu.memory_space<semaphore_mem>>) src(%dma_wait3A_334 : memref<10240x64xf32, #tpu.memory_space<hbm>>) dst(%dma_wait3A_324 : memref<128x64xf32, #tpu.memory_space<vmem>>)
      %dma_wait3A_335 = arith.constant 4 : i32
      %dma_wait3A_336 = arith.constant 512 : i32
      %dma_wait3A_337 = arith.constant 0 : i32
      %dma_wait3A_338 = tpu.memref_slice %arg21[%dma_wait3A_336, %dma_wait3A_337] : memref<640x64xf32, #tpu.memory_space<vmem>> -> memref<128x64xf32, #tpu.memory_space<vmem>>
      %dma_wait3A_339 = arith.constant 0 : i32
      %dma_wait3A_340 = tpu.memref_slice %arg15[%dma_wait3A_335, %dma_wait3A_339] : memref<5x128xi32, #tpu.memory_space<vmem>> -> memref<1x128xi32, #tpu.memory_space<vmem>>
      %dma_wait3A_341 = tpu.memref_squeeze %dma_wait3A_340 : memref<1x128xi32, #tpu.memory_space<vmem>> -> memref<128xi32, #tpu.memory_space<vmem>>
      %dma_wait3A_342 = arith.constant 0 : i32
      %dma_wait3A_343 = arith.constant 0 : i32
      %dma_wait3A_344 = tpu.memref_slice %arg2[%arg0, %dma_wait3A_342, %dma_wait3A_343] : memref<2x10240x64xf32, #tpu.memory_space<hbm>> -> memref<1x10240x64xf32, #tpu.memory_space<hbm>>
      %dma_wait3A_345 = tpu.memref_squeeze %dma_wait3A_344 : memref<1x10240x64xf32, #tpu.memory_space<hbm>> -> memref<10240x64xf32, #tpu.memory_space<hbm>>
      %dma_wait3A_346 = arith.constant 0 : i32
      %dma_wait3A_347 = arith.constant 0 : i32
      %dma_wait3A_348 = tpu.memref_slice %dma_wait3A_345[%dma_wait3A_346, %dma_wait3A_347] : memref<10240x64xf32, #tpu.memory_space<hbm>> -> memref<10240x64xf32, #tpu.memory_space<hbm>>
      tpu.wait_indirect_dma semaphore(%arg27 : memref<!tpu.dma_semaphore, #tpu.memory_space<semaphore_mem>>) src(%dma_wait3A_348 : memref<10240x64xf32, #tpu.memory_space<hbm>>) dst(%dma_wait3A_338 : memref<128x64xf32, #tpu.memory_space<vmem>>)
      %dma_start3A_349 = arith.constant 0 : i32
      %dma_start3A_350 = arith.constant 0 : i32
      %dma_start3A_351 = arith.constant 0 : i32
      %dma_start3A_352 = tpu.memref_slice %arg21[%dma_start3A_350, %dma_start3A_351] : memref<640x64xf32, #tpu.memory_space<vmem>> -> memref<128x64xf32, #tpu.memory_space<vmem>>
      %dma_start3A_353 = arith.constant 0 : i32
      %dma_start3A_354 = tpu.memref_slice %arg17[%dma_start3A_349, %dma_start3A_353] : memref<5x128xi32, #tpu.memory_space<vmem>> -> memref<1x128xi32, #tpu.memory_space<vmem>>
      %dma_start3A_355 = tpu.memref_squeeze %dma_start3A_354 : memref<1x128xi32, #tpu.memory_space<vmem>> -> memref<128xi32, #tpu.memory_space<vmem>>
      %dma_start3A_356 = arith.constant 0 : i32
      %dma_start3A_357 = arith.constant 0 : i32
      %dma_start3A_358 = tpu.memref_slice %arg12[%dma_start3A_356, %dma_start3A_357] : memref<2560x64xf32, #tpu.memory_space<vmem_shared>> -> memref<2560x64xf32, #tpu.memory_space<vmem_shared>>
      tpu.enqueue_indirect_dma source(%dma_start3A_352 : memref<128x64xf32, #tpu.memory_space<vmem>>) target(%dma_start3A_358 : memref<2560x64xf32, #tpu.memory_space<vmem_shared>>) offsets(%dma_start3A_355 : memref<128xi32, #tpu.memory_space<vmem>>) semaphore(%arg29 : memref<!tpu.dma_semaphore, #tpu.memory_space<semaphore_mem>>) {add = true}
      %dma_start3A_359 = arith.constant 0 : i32
      %dma_start3A_360 = arith.constant 0 : i32
      %dma_start3A_361 = tpu.memref_slice %arg17[%dma_start3A_359, %dma_start3A_360] : memref<5x128xi32, #tpu.memory_space<vmem>> -> memref<1x128xi32, #tpu.memory_space<vmem>>
      %dma_start3A_362 = tpu.memref_squeeze %dma_start3A_361 : memref<1x128xi32, #tpu.memory_space<vmem>> -> memref<128xi32, #tpu.memory_space<vmem>>
      %dma_start3A_363 = arith.constant 0 : i32
      %dma_start3A_364 = arith.constant 0 : i32
      %dma_start3A_365 = tpu.memref_slice %arg13[%dma_start3A_363, %dma_start3A_364] : memref<2560x16xf32, #tpu.memory_space<vmem_shared>> -> memref<2560x16xf32, #tpu.memory_space<vmem_shared>>
      tpu.enqueue_indirect_dma source(%arg25 : memref<128x16xf32, #tpu.memory_space<vmem>>) target(%dma_start3A_365 : memref<2560x16xf32, #tpu.memory_space<vmem_shared>>) offsets(%dma_start3A_362 : memref<128xi32, #tpu.memory_space<vmem>>) semaphore(%arg29 : memref<!tpu.dma_semaphore, #tpu.memory_space<semaphore_mem>>) {add = true}
      %dma_start3A_366 = arith.constant 0 : i32
      %dma_start3A_367 = arith.constant 0 : i32
      %dma_start3A_368 = tpu.memref_slice %arg19[%dma_start3A_366, %dma_start3A_367] : memref<5x128xi32, #tpu.memory_space<vmem>> -> memref<1x128xi32, #tpu.memory_space<vmem>>
      %dma_start3A_369 = tpu.memref_squeeze %dma_start3A_368 : memref<1x128xi32, #tpu.memory_space<vmem>> -> memref<128xi32, #tpu.memory_space<vmem>>
      %dma_start3A_370 = arith.constant 0 : i32
      %dma_start3A_371 = arith.constant 0 : i32
      %dma_start3A_372 = tpu.memref_slice %arg14[%dma_start3A_370, %dma_start3A_371] : memref<10240x16xf32, #tpu.memory_space<vmem_shared>> -> memref<10240x16xf32, #tpu.memory_space<vmem_shared>>
      tpu.enqueue_indirect_dma source(%arg25 : memref<128x16xf32, #tpu.memory_space<vmem>>) target(%dma_start3A_372 : memref<10240x16xf32, #tpu.memory_space<vmem_shared>>) offsets(%dma_start3A_369 : memref<128xi32, #tpu.memory_space<vmem>>) semaphore(%arg29 : memref<!tpu.dma_semaphore, #tpu.memory_space<semaphore_mem>>) {add = true}
      %dma_start3A_373 = arith.constant 1 : i32
      %dma_start3A_374 = arith.constant 128 : i32
      %dma_start3A_375 = arith.constant 0 : i32
      %dma_start3A_376 = tpu.memref_slice %arg21[%dma_start3A_374, %dma_start3A_375] : memref<640x64xf32, #tpu.memory_space<vmem>> -> memref<128x64xf32, #tpu.memory_space<vmem>>
      %dma_start3A_377 = arith.constant 0 : i32
      %dma_start3A_378 = tpu.memref_slice %arg17[%dma_start3A_373, %dma_start3A_377] : memref<5x128xi32, #tpu.memory_space<vmem>> -> memref<1x128xi32, #tpu.memory_space<vmem>>
      %dma_start3A_379 = tpu.memref_squeeze %dma_start3A_378 : memref<1x128xi32, #tpu.memory_space<vmem>> -> memref<128xi32, #tpu.memory_space<vmem>>
      %dma_start3A_380 = arith.constant 0 : i32
      %dma_start3A_381 = arith.constant 0 : i32
      %dma_start3A_382 = tpu.memref_slice %arg12[%dma_start3A_380, %dma_start3A_381] : memref<2560x64xf32, #tpu.memory_space<vmem_shared>> -> memref<2560x64xf32, #tpu.memory_space<vmem_shared>>
      tpu.enqueue_indirect_dma source(%dma_start3A_376 : memref<128x64xf32, #tpu.memory_space<vmem>>) target(%dma_start3A_382 : memref<2560x64xf32, #tpu.memory_space<vmem_shared>>) offsets(%dma_start3A_379 : memref<128xi32, #tpu.memory_space<vmem>>) semaphore(%arg29 : memref<!tpu.dma_semaphore, #tpu.memory_space<semaphore_mem>>) {add = true}
      %dma_start3A_383 = arith.constant 1 : i32
      %dma_start3A_384 = arith.constant 0 : i32
      %dma_start3A_385 = tpu.memref_slice %arg17[%dma_start3A_383, %dma_start3A_384] : memref<5x128xi32, #tpu.memory_space<vmem>> -> memref<1x128xi32, #tpu.memory_space<vmem>>
      %dma_start3A_386 = tpu.memref_squeeze %dma_start3A_385 : memref<1x128xi32, #tpu.memory_space<vmem>> -> memref<128xi32, #tpu.memory_space<vmem>>
      %dma_start3A_387 = arith.constant 0 : i32
      %dma_start3A_388 = arith.constant 0 : i32
      %dma_start3A_389 = tpu.memref_slice %arg13[%dma_start3A_387, %dma_start3A_388] : memref<2560x16xf32, #tpu.memory_space<vmem_shared>> -> memref<2560x16xf32, #tpu.memory_space<vmem_shared>>
      tpu.enqueue_indirect_dma source(%arg25 : memref<128x16xf32, #tpu.memory_space<vmem>>) target(%dma_start3A_389 : memref<2560x16xf32, #tpu.memory_space<vmem_shared>>) offsets(%dma_start3A_386 : memref<128xi32, #tpu.memory_space<vmem>>) semaphore(%arg29 : memref<!tpu.dma_semaphore, #tpu.memory_space<semaphore_mem>>) {add = true}
      %dma_start3A_390 = arith.constant 1 : i32
      %dma_start3A_391 = arith.constant 0 : i32
      %dma_start3A_392 = tpu.memref_slice %arg19[%dma_start3A_390, %dma_start3A_391] : memref<5x128xi32, #tpu.memory_space<vmem>> -> memref<1x128xi32, #tpu.memory_space<vmem>>
      %dma_start3A_393 = tpu.memref_squeeze %dma_start3A_392 : memref<1x128xi32, #tpu.memory_space<vmem>> -> memref<128xi32, #tpu.memory_space<vmem>>
      %dma_start3A_394 = arith.constant 0 : i32
      %dma_start3A_395 = arith.constant 0 : i32
      %dma_start3A_396 = tpu.memref_slice %arg14[%dma_start3A_394, %dma_start3A_395] : memref<10240x16xf32, #tpu.memory_space<vmem_shared>> -> memref<10240x16xf32, #tpu.memory_space<vmem_shared>>
      tpu.enqueue_indirect_dma source(%arg25 : memref<128x16xf32, #tpu.memory_space<vmem>>) target(%dma_start3A_396 : memref<10240x16xf32, #tpu.memory_space<vmem_shared>>) offsets(%dma_start3A_393 : memref<128xi32, #tpu.memory_space<vmem>>) semaphore(%arg29 : memref<!tpu.dma_semaphore, #tpu.memory_space<semaphore_mem>>) {add = true}
      %dma_start3A_397 = arith.constant 2 : i32
      %dma_start3A_398 = arith.constant 256 : i32
      %dma_start3A_399 = arith.constant 0 : i32
      %dma_start3A_400 = tpu.memref_slice %arg21[%dma_start3A_398, %dma_start3A_399] : memref<640x64xf32, #tpu.memory_space<vmem>> -> memref<128x64xf32, #tpu.memory_space<vmem>>
      %dma_start3A_401 = arith.constant 0 : i32
      %dma_start3A_402 = tpu.memref_slice %arg17[%dma_start3A_397, %dma_start3A_401] : memref<5x128xi32, #tpu.memory_space<vmem>> -> memref<1x128xi32, #tpu.memory_space<vmem>>
      %dma_start3A_403 = tpu.memref_squeeze %dma_start3A_402 : memref<1x128xi32, #tpu.memory_space<vmem>> -> memref<128xi32, #tpu.memory_space<vmem>>
      %dma_start3A_404 = arith.constant 0 : i32
      %dma_start3A_405 = arith.constant 0 : i32
      %dma_start3A_406 = tpu.memref_slice %arg12[%dma_start3A_404, %dma_start3A_405] : memref<2560x64xf32, #tpu.memory_space<vmem_shared>> -> memref<2560x64xf32, #tpu.memory_space<vmem_shared>>
      tpu.enqueue_indirect_dma source(%dma_start3A_400 : memref<128x64xf32, #tpu.memory_space<vmem>>) target(%dma_start3A_406 : memref<2560x64xf32, #tpu.memory_space<vmem_shared>>) offsets(%dma_start3A_403 : memref<128xi32, #tpu.memory_space<vmem>>) semaphore(%arg29 : memref<!tpu.dma_semaphore, #tpu.memory_space<semaphore_mem>>) {add = true}
      %dma_start3A_407 = arith.constant 2 : i32
      %dma_start3A_408 = arith.constant 0 : i32
      %dma_start3A_409 = tpu.memref_slice %arg17[%dma_start3A_407, %dma_start3A_408] : memref<5x128xi32, #tpu.memory_space<vmem>> -> memref<1x128xi32, #tpu.memory_space<vmem>>
      %dma_start3A_410 = tpu.memref_squeeze %dma_start3A_409 : memref<1x128xi32, #tpu.memory_space<vmem>> -> memref<128xi32, #tpu.memory_space<vmem>>
      %dma_start3A_411 = arith.constant 0 : i32
      %dma_start3A_412 = arith.constant 0 : i32
      %dma_start3A_413 = tpu.memref_slice %arg13[%dma_start3A_411, %dma_start3A_412] : memref<2560x16xf32, #tpu.memory_space<vmem_shared>> -> memref<2560x16xf32, #tpu.memory_space<vmem_shared>>
      tpu.enqueue_indirect_dma source(%arg25 : memref<128x16xf32, #tpu.memory_space<vmem>>) target(%dma_start3A_413 : memref<2560x16xf32, #tpu.memory_space<vmem_shared>>) offsets(%dma_start3A_410 : memref<128xi32, #tpu.memory_space<vmem>>) semaphore(%arg29 : memref<!tpu.dma_semaphore, #tpu.memory_space<semaphore_mem>>) {add = true}
      %dma_start3A_414 = arith.constant 2 : i32
      %dma_start3A_415 = arith.constant 0 : i32
      %dma_start3A_416 = tpu.memref_slice %arg19[%dma_start3A_414, %dma_start3A_415] : memref<5x128xi32, #tpu.memory_space<vmem>> -> memref<1x128xi32, #tpu.memory_space<vmem>>
      %dma_start3A_417 = tpu.memref_squeeze %dma_start3A_416 : memref<1x128xi32, #tpu.memory_space<vmem>> -> memref<128xi32, #tpu.memory_space<vmem>>
      %dma_start3A_418 = arith.constant 0 : i32
      %dma_start3A_419 = arith.constant 0 : i32
      %dma_start3A_420 = tpu.memref_slice %arg14[%dma_start3A_418, %dma_start3A_419] : memref<10240x16xf32, #tpu.memory_space<vmem_shared>> -> memref<10240x16xf32, #tpu.memory_space<vmem_shared>>
      tpu.enqueue_indirect_dma source(%arg25 : memref<128x16xf32, #tpu.memory_space<vmem>>) target(%dma_start3A_420 : memref<10240x16xf32, #tpu.memory_space<vmem_shared>>) offsets(%dma_start3A_417 : memref<128xi32, #tpu.memory_space<vmem>>) semaphore(%arg29 : memref<!tpu.dma_semaphore, #tpu.memory_space<semaphore_mem>>) {add = true}
      %dma_start3A_421 = arith.constant 3 : i32
      %dma_start3A_422 = arith.constant 384 : i32
      %dma_start3A_423 = arith.constant 0 : i32
      %dma_start3A_424 = tpu.memref_slice %arg21[%dma_start3A_422, %dma_start3A_423] : memref<640x64xf32, #tpu.memory_space<vmem>> -> memref<128x64xf32, #tpu.memory_space<vmem>>
      %dma_start3A_425 = arith.constant 0 : i32
      %dma_start3A_426 = tpu.memref_slice %arg17[%dma_start3A_421, %dma_start3A_425] : memref<5x128xi32, #tpu.memory_space<vmem>> -> memref<1x128xi32, #tpu.memory_space<vmem>>
      %dma_start3A_427 = tpu.memref_squeeze %dma_start3A_426 : memref<1x128xi32, #tpu.memory_space<vmem>> -> memref<128xi32, #tpu.memory_space<vmem>>
      %dma_start3A_428 = arith.constant 0 : i32
      %dma_start3A_429 = arith.constant 0 : i32
      %dma_start3A_430 = tpu.memref_slice %arg12[%dma_start3A_428, %dma_start3A_429] : memref<2560x64xf32, #tpu.memory_space<vmem_shared>> -> memref<2560x64xf32, #tpu.memory_space<vmem_shared>>
      tpu.enqueue_indirect_dma source(%dma_start3A_424 : memref<128x64xf32, #tpu.memory_space<vmem>>) target(%dma_start3A_430 : memref<2560x64xf32, #tpu.memory_space<vmem_shared>>) offsets(%dma_start3A_427 : memref<128xi32, #tpu.memory_space<vmem>>) semaphore(%arg29 : memref<!tpu.dma_semaphore, #tpu.memory_space<semaphore_mem>>) {add = true}
      %dma_start3A_431 = arith.constant 3 : i32
      %dma_start3A_432 = arith.constant 0 : i32
      %dma_start3A_433 = tpu.memref_slice %arg17[%dma_start3A_431, %dma_start3A_432] : memref<5x128xi32, #tpu.memory_space<vmem>> -> memref<1x128xi32, #tpu.memory_space<vmem>>
      %dma_start3A_434 = tpu.memref_squeeze %dma_start3A_433 : memref<1x128xi32, #tpu.memory_space<vmem>> -> memref<128xi32, #tpu.memory_space<vmem>>
      %dma_start3A_435 = arith.constant 0 : i32
      %dma_start3A_436 = arith.constant 0 : i32
      %dma_start3A_437 = tpu.memref_slice %arg13[%dma_start3A_435, %dma_start3A_436] : memref<2560x16xf32, #tpu.memory_space<vmem_shared>> -> memref<2560x16xf32, #tpu.memory_space<vmem_shared>>
      tpu.enqueue_indirect_dma source(%arg25 : memref<128x16xf32, #tpu.memory_space<vmem>>) target(%dma_start3A_437 : memref<2560x16xf32, #tpu.memory_space<vmem_shared>>) offsets(%dma_start3A_434 : memref<128xi32, #tpu.memory_space<vmem>>) semaphore(%arg29 : memref<!tpu.dma_semaphore, #tpu.memory_space<semaphore_mem>>) {add = true}
      %dma_start3A_438 = arith.constant 3 : i32
      %dma_start3A_439 = arith.constant 0 : i32
      %dma_start3A_440 = tpu.memref_slice %arg19[%dma_start3A_438, %dma_start3A_439] : memref<5x128xi32, #tpu.memory_space<vmem>> -> memref<1x128xi32, #tpu.memory_space<vmem>>
      %dma_start3A_441 = tpu.memref_squeeze %dma_start3A_440 : memref<1x128xi32, #tpu.memory_space<vmem>> -> memref<128xi32, #tpu.memory_space<vmem>>
      %dma_start3A_442 = arith.constant 0 : i32
      %dma_start3A_443 = arith.constant 0 : i32
      %dma_start3A_444 = tpu.memref_slice %arg14[%dma_start3A_442, %dma_start3A_443] : memref<10240x16xf32, #tpu.memory_space<vmem_shared>> -> memref<10240x16xf32, #tpu.memory_space<vmem_shared>>
      tpu.enqueue_indirect_dma source(%arg25 : memref<128x16xf32, #tpu.memory_space<vmem>>) target(%dma_start3A_444 : memref<10240x16xf32, #tpu.memory_space<vmem_shared>>) offsets(%dma_start3A_441 : memref<128xi32, #tpu.memory_space<vmem>>) semaphore(%arg29 : memref<!tpu.dma_semaphore, #tpu.memory_space<semaphore_mem>>) {add = true}
      %dma_start3A_445 = arith.constant 4 : i32
      %dma_start3A_446 = arith.constant 512 : i32
      %dma_start3A_447 = arith.constant 0 : i32
      %dma_start3A_448 = tpu.memref_slice %arg21[%dma_start3A_446, %dma_start3A_447] : memref<640x64xf32, #tpu.memory_space<vmem>> -> memref<128x64xf32, #tpu.memory_space<vmem>>
      %dma_start3A_449 = arith.constant 0 : i32
      %dma_start3A_450 = tpu.memref_slice %arg17[%dma_start3A_445, %dma_start3A_449] : memref<5x128xi32, #tpu.memory_space<vmem>> -> memref<1x128xi32, #tpu.memory_space<vmem>>
      %dma_start3A_451 = tpu.memref_squeeze %dma_start3A_450 : memref<1x128xi32, #tpu.memory_space<vmem>> -> memref<128xi32, #tpu.memory_space<vmem>>
      %dma_start3A_452 = arith.constant 0 : i32
      %dma_start3A_453 = arith.constant 0 : i32
      %dma_start3A_454 = tpu.memref_slice %arg12[%dma_start3A_452, %dma_start3A_453] : memref<2560x64xf32, #tpu.memory_space<vmem_shared>> -> memref<2560x64xf32, #tpu.memory_space<vmem_shared>>
      tpu.enqueue_indirect_dma source(%dma_start3A_448 : memref<128x64xf32, #tpu.memory_space<vmem>>) target(%dma_start3A_454 : memref<2560x64xf32, #tpu.memory_space<vmem_shared>>) offsets(%dma_start3A_451 : memref<128xi32, #tpu.memory_space<vmem>>) semaphore(%arg29 : memref<!tpu.dma_semaphore, #tpu.memory_space<semaphore_mem>>) {add = true}
      %dma_start3A_455 = arith.constant 4 : i32
      %dma_start3A_456 = arith.constant 0 : i32
      %dma_start3A_457 = tpu.memref_slice %arg17[%dma_start3A_455, %dma_start3A_456] : memref<5x128xi32, #tpu.memory_space<vmem>> -> memref<1x128xi32, #tpu.memory_space<vmem>>
      %dma_start3A_458 = tpu.memref_squeeze %dma_start3A_457 : memref<1x128xi32, #tpu.memory_space<vmem>> -> memref<128xi32, #tpu.memory_space<vmem>>
      %dma_start3A_459 = arith.constant 0 : i32
      %dma_start3A_460 = arith.constant 0 : i32
      %dma_start3A_461 = tpu.memref_slice %arg13[%dma_start3A_459, %dma_start3A_460] : memref<2560x16xf32, #tpu.memory_space<vmem_shared>> -> memref<2560x16xf32, #tpu.memory_space<vmem_shared>>
      tpu.enqueue_indirect_dma source(%arg25 : memref<128x16xf32, #tpu.memory_space<vmem>>) target(%dma_start3A_461 : memref<2560x16xf32, #tpu.memory_space<vmem_shared>>) offsets(%dma_start3A_458 : memref<128xi32, #tpu.memory_space<vmem>>) semaphore(%arg29 : memref<!tpu.dma_semaphore, #tpu.memory_space<semaphore_mem>>) {add = true}
      %dma_start3A_462 = arith.constant 4 : i32
      %dma_start3A_463 = arith.constant 0 : i32
      %dma_start3A_464 = tpu.memref_slice %arg19[%dma_start3A_462, %dma_start3A_463] : memref<5x128xi32, #tpu.memory_space<vmem>> -> memref<1x128xi32, #tpu.memory_space<vmem>>
      %dma_start3A_465 = tpu.memref_squeeze %dma_start3A_464 : memref<1x128xi32, #tpu.memory_space<vmem>> -> memref<128xi32, #tpu.memory_space<vmem>>
      %dma_start3A_466 = arith.constant 0 : i32
      %dma_start3A_467 = arith.constant 0 : i32
      %dma_start3A_468 = tpu.memref_slice %arg14[%dma_start3A_466, %dma_start3A_467] : memref<10240x16xf32, #tpu.memory_space<vmem_shared>> -> memref<10240x16xf32, #tpu.memory_space<vmem_shared>>
      tpu.enqueue_indirect_dma source(%arg25 : memref<128x16xf32, #tpu.memory_space<vmem>>) target(%dma_start3A_468 : memref<10240x16xf32, #tpu.memory_space<vmem_shared>>) offsets(%dma_start3A_465 : memref<128xi32, #tpu.memory_space<vmem>>) semaphore(%arg29 : memref<!tpu.dma_semaphore, #tpu.memory_space<semaphore_mem>>) {add = true}
      %dma_wait3A_469 = arith.constant 0 : i32
      %dma_wait3A_470 = arith.constant 0 : i32
      %dma_wait3A_471 = arith.constant 0 : i32
      %dma_wait3A_472 = tpu.memref_slice %arg21[%dma_wait3A_470, %dma_wait3A_471] : memref<640x64xf32, #tpu.memory_space<vmem>> -> memref<128x64xf32, #tpu.memory_space<vmem>>
      %dma_wait3A_473 = arith.constant 0 : i32
      %dma_wait3A_474 = tpu.memref_slice %arg17[%dma_wait3A_469, %dma_wait3A_473] : memref<5x128xi32, #tpu.memory_space<vmem>> -> memref<1x128xi32, #tpu.memory_space<vmem>>
      %dma_wait3A_475 = tpu.memref_squeeze %dma_wait3A_474 : memref<1x128xi32, #tpu.memory_space<vmem>> -> memref<128xi32, #tpu.memory_space<vmem>>
      %dma_wait3A_476 = arith.constant 0 : i32
      %dma_wait3A_477 = arith.constant 0 : i32
      %dma_wait3A_478 = tpu.memref_slice %arg12[%dma_wait3A_476, %dma_wait3A_477] : memref<2560x64xf32, #tpu.memory_space<vmem_shared>> -> memref<2560x64xf32, #tpu.memory_space<vmem_shared>>
      tpu.wait_indirect_dma semaphore(%arg29 : memref<!tpu.dma_semaphore, #tpu.memory_space<semaphore_mem>>) src(%dma_wait3A_472 : memref<128x64xf32, #tpu.memory_space<vmem>>) dst(%dma_wait3A_478 : memref<2560x64xf32, #tpu.memory_space<vmem_shared>>)
      %dma_wait3A_479 = arith.constant 0 : i32
      %dma_wait3A_480 = arith.constant 0 : i32
      %dma_wait3A_481 = tpu.memref_slice %arg17[%dma_wait3A_479, %dma_wait3A_480] : memref<5x128xi32, #tpu.memory_space<vmem>> -> memref<1x128xi32, #tpu.memory_space<vmem>>
      %dma_wait3A_482 = tpu.memref_squeeze %dma_wait3A_481 : memref<1x128xi32, #tpu.memory_space<vmem>> -> memref<128xi32, #tpu.memory_space<vmem>>
      %dma_wait3A_483 = arith.constant 0 : i32
      %dma_wait3A_484 = arith.constant 0 : i32
      %dma_wait3A_485 = tpu.memref_slice %arg13[%dma_wait3A_483, %dma_wait3A_484] : memref<2560x16xf32, #tpu.memory_space<vmem_shared>> -> memref<2560x16xf32, #tpu.memory_space<vmem_shared>>
      tpu.wait_indirect_dma semaphore(%arg29 : memref<!tpu.dma_semaphore, #tpu.memory_space<semaphore_mem>>) src(%arg25 : memref<128x16xf32, #tpu.memory_space<vmem>>) dst(%dma_wait3A_485 : memref<2560x16xf32, #tpu.memory_space<vmem_shared>>)
      %dma_wait3A_486 = arith.constant 0 : i32
      %dma_wait3A_487 = arith.constant 0 : i32
      %dma_wait3A_488 = tpu.memref_slice %arg19[%dma_wait3A_486, %dma_wait3A_487] : memref<5x128xi32, #tpu.memory_space<vmem>> -> memref<1x128xi32, #tpu.memory_space<vmem>>
      %dma_wait3A_489 = tpu.memref_squeeze %dma_wait3A_488 : memref<1x128xi32, #tpu.memory_space<vmem>> -> memref<128xi32, #tpu.memory_space<vmem>>
      %dma_wait3A_490 = arith.constant 0 : i32
      %dma_wait3A_491 = arith.constant 0 : i32
      %dma_wait3A_492 = tpu.memref_slice %arg14[%dma_wait3A_490, %dma_wait3A_491] : memref<10240x16xf32, #tpu.memory_space<vmem_shared>> -> memref<10240x16xf32, #tpu.memory_space<vmem_shared>>
      tpu.wait_indirect_dma semaphore(%arg29 : memref<!tpu.dma_semaphore, #tpu.memory_space<semaphore_mem>>) src(%arg25 : memref<128x16xf32, #tpu.memory_space<vmem>>) dst(%dma_wait3A_492 : memref<10240x16xf32, #tpu.memory_space<vmem_shared>>)
      %dma_wait3A_493 = arith.constant 1 : i32
      %dma_wait3A_494 = arith.constant 128 : i32
      %dma_wait3A_495 = arith.constant 0 : i32
      %dma_wait3A_496 = tpu.memref_slice %arg21[%dma_wait3A_494, %dma_wait3A_495] : memref<640x64xf32, #tpu.memory_space<vmem>> -> memref<128x64xf32, #tpu.memory_space<vmem>>
      %dma_wait3A_497 = arith.constant 0 : i32
      %dma_wait3A_498 = tpu.memref_slice %arg17[%dma_wait3A_493, %dma_wait3A_497] : memref<5x128xi32, #tpu.memory_space<vmem>> -> memref<1x128xi32, #tpu.memory_space<vmem>>
      %dma_wait3A_499 = tpu.memref_squeeze %dma_wait3A_498 : memref<1x128xi32, #tpu.memory_space<vmem>> -> memref<128xi32, #tpu.memory_space<vmem>>
      %dma_wait3A_500 = arith.constant 0 : i32
      %dma_wait3A_501 = arith.constant 0 : i32
      %dma_wait3A_502 = tpu.memref_slice %arg12[%dma_wait3A_500, %dma_wait3A_501] : memref<2560x64xf32, #tpu.memory_space<vmem_shared>> -> memref<2560x64xf32, #tpu.memory_space<vmem_shared>>
      tpu.wait_indirect_dma semaphore(%arg29 : memref<!tpu.dma_semaphore, #tpu.memory_space<semaphore_mem>>) src(%dma_wait3A_496 : memref<128x64xf32, #tpu.memory_space<vmem>>) dst(%dma_wait3A_502 : memref<2560x64xf32, #tpu.memory_space<vmem_shared>>)
      %dma_wait3A_503 = arith.constant 1 : i32
      %dma_wait3A_504 = arith.constant 0 : i32
      %dma_wait3A_505 = tpu.memref_slice %arg17[%dma_wait3A_503, %dma_wait3A_504] : memref<5x128xi32, #tpu.memory_space<vmem>> -> memref<1x128xi32, #tpu.memory_space<vmem>>
      %dma_wait3A_506 = tpu.memref_squeeze %dma_wait3A_505 : memref<1x128xi32, #tpu.memory_space<vmem>> -> memref<128xi32, #tpu.memory_space<vmem>>
      %dma_wait3A_507 = arith.constant 0 : i32
      %dma_wait3A_508 = arith.constant 0 : i32
      %dma_wait3A_509 = tpu.memref_slice %arg13[%dma_wait3A_507, %dma_wait3A_508] : memref<2560x16xf32, #tpu.memory_space<vmem_shared>> -> memref<2560x16xf32, #tpu.memory_space<vmem_shared>>
      tpu.wait_indirect_dma semaphore(%arg29 : memref<!tpu.dma_semaphore, #tpu.memory_space<semaphore_mem>>) src(%arg25 : memref<128x16xf32, #tpu.memory_space<vmem>>) dst(%dma_wait3A_509 : memref<2560x16xf32, #tpu.memory_space<vmem_shared>>)
      %dma_wait3A_510 = arith.constant 1 : i32
      %dma_wait3A_511 = arith.constant 0 : i32
      %dma_wait3A_512 = tpu.memref_slice %arg19[%dma_wait3A_510, %dma_wait3A_511] : memref<5x128xi32, #tpu.memory_space<vmem>> -> memref<1x128xi32, #tpu.memory_space<vmem>>
      %dma_wait3A_513 = tpu.memref_squeeze %dma_wait3A_512 : memref<1x128xi32, #tpu.memory_space<vmem>> -> memref<128xi32, #tpu.memory_space<vmem>>
      %dma_wait3A_514 = arith.constant 0 : i32
      %dma_wait3A_515 = arith.constant 0 : i32
      %dma_wait3A_516 = tpu.memref_slice %arg14[%dma_wait3A_514, %dma_wait3A_515] : memref<10240x16xf32, #tpu.memory_space<vmem_shared>> -> memref<10240x16xf32, #tpu.memory_space<vmem_shared>>
      tpu.wait_indirect_dma semaphore(%arg29 : memref<!tpu.dma_semaphore, #tpu.memory_space<semaphore_mem>>) src(%arg25 : memref<128x16xf32, #tpu.memory_space<vmem>>) dst(%dma_wait3A_516 : memref<10240x16xf32, #tpu.memory_space<vmem_shared>>)
      %dma_wait3A_517 = arith.constant 2 : i32
      %dma_wait3A_518 = arith.constant 256 : i32
      %dma_wait3A_519 = arith.constant 0 : i32
      %dma_wait3A_520 = tpu.memref_slice %arg21[%dma_wait3A_518, %dma_wait3A_519] : memref<640x64xf32, #tpu.memory_space<vmem>> -> memref<128x64xf32, #tpu.memory_space<vmem>>
      %dma_wait3A_521 = arith.constant 0 : i32
      %dma_wait3A_522 = tpu.memref_slice %arg17[%dma_wait3A_517, %dma_wait3A_521] : memref<5x128xi32, #tpu.memory_space<vmem>> -> memref<1x128xi32, #tpu.memory_space<vmem>>
      %dma_wait3A_523 = tpu.memref_squeeze %dma_wait3A_522 : memref<1x128xi32, #tpu.memory_space<vmem>> -> memref<128xi32, #tpu.memory_space<vmem>>
      %dma_wait3A_524 = arith.constant 0 : i32
      %dma_wait3A_525 = arith.constant 0 : i32
      %dma_wait3A_526 = tpu.memref_slice %arg12[%dma_wait3A_524, %dma_wait3A_525] : memref<2560x64xf32, #tpu.memory_space<vmem_shared>> -> memref<2560x64xf32, #tpu.memory_space<vmem_shared>>
      tpu.wait_indirect_dma semaphore(%arg29 : memref<!tpu.dma_semaphore, #tpu.memory_space<semaphore_mem>>) src(%dma_wait3A_520 : memref<128x64xf32, #tpu.memory_space<vmem>>) dst(%dma_wait3A_526 : memref<2560x64xf32, #tpu.memory_space<vmem_shared>>)
      %dma_wait3A_527 = arith.constant 2 : i32
      %dma_wait3A_528 = arith.constant 0 : i32
      %dma_wait3A_529 = tpu.memref_slice %arg17[%dma_wait3A_527, %dma_wait3A_528] : memref<5x128xi32, #tpu.memory_space<vmem>> -> memref<1x128xi32, #tpu.memory_space<vmem>>
      %dma_wait3A_530 = tpu.memref_squeeze %dma_wait3A_529 : memref<1x128xi32, #tpu.memory_space<vmem>> -> memref<128xi32, #tpu.memory_space<vmem>>
      %dma_wait3A_531 = arith.constant 0 : i32
      %dma_wait3A_532 = arith.constant 0 : i32
      %dma_wait3A_533 = tpu.memref_slice %arg13[%dma_wait3A_531, %dma_wait3A_532] : memref<2560x16xf32, #tpu.memory_space<vmem_shared>> -> memref<2560x16xf32, #tpu.memory_space<vmem_shared>>
      tpu.wait_indirect_dma semaphore(%arg29 : memref<!tpu.dma_semaphore, #tpu.memory_space<semaphore_mem>>) src(%arg25 : memref<128x16xf32, #tpu.memory_space<vmem>>) dst(%dma_wait3A_533 : memref<2560x16xf32, #tpu.memory_space<vmem_shared>>)
      %dma_wait3A_534 = arith.constant 2 : i32
      %dma_wait3A_535 = arith.constant 0 : i32
      %dma_wait3A_536 = tpu.memref_slice %arg19[%dma_wait3A_534, %dma_wait3A_535] : memref<5x128xi32, #tpu.memory_space<vmem>> -> memref<1x128xi32, #tpu.memory_space<vmem>>
      %dma_wait3A_537 = tpu.memref_squeeze %dma_wait3A_536 : memref<1x128xi32, #tpu.memory_space<vmem>> -> memref<128xi32, #tpu.memory_space<vmem>>
      %dma_wait3A_538 = arith.constant 0 : i32
      %dma_wait3A_539 = arith.constant 0 : i32
      %dma_wait3A_540 = tpu.memref_slice %arg14[%dma_wait3A_538, %dma_wait3A_539] : memref<10240x16xf32, #tpu.memory_space<vmem_shared>> -> memref<10240x16xf32, #tpu.memory_space<vmem_shared>>
      tpu.wait_indirect_dma semaphore(%arg29 : memref<!tpu.dma_semaphore, #tpu.memory_space<semaphore_mem>>) src(%arg25 : memref<128x16xf32, #tpu.memory_space<vmem>>) dst(%dma_wait3A_540 : memref<10240x16xf32, #tpu.memory_space<vmem_shared>>)
      %dma_wait3A_541 = arith.constant 3 : i32
      %dma_wait3A_542 = arith.constant 384 : i32
      %dma_wait3A_543 = arith.constant 0 : i32
      %dma_wait3A_544 = tpu.memref_slice %arg21[%dma_wait3A_542, %dma_wait3A_543] : memref<640x64xf32, #tpu.memory_space<vmem>> -> memref<128x64xf32, #tpu.memory_space<vmem>>
      %dma_wait3A_545 = arith.constant 0 : i32
      %dma_wait3A_546 = tpu.memref_slice %arg17[%dma_wait3A_541, %dma_wait3A_545] : memref<5x128xi32, #tpu.memory_space<vmem>> -> memref<1x128xi32, #tpu.memory_space<vmem>>
      %dma_wait3A_547 = tpu.memref_squeeze %dma_wait3A_546 : memref<1x128xi32, #tpu.memory_space<vmem>> -> memref<128xi32, #tpu.memory_space<vmem>>
      %dma_wait3A_548 = arith.constant 0 : i32
      %dma_wait3A_549 = arith.constant 0 : i32
      %dma_wait3A_550 = tpu.memref_slice %arg12[%dma_wait3A_548, %dma_wait3A_549] : memref<2560x64xf32, #tpu.memory_space<vmem_shared>> -> memref<2560x64xf32, #tpu.memory_space<vmem_shared>>
      tpu.wait_indirect_dma semaphore(%arg29 : memref<!tpu.dma_semaphore, #tpu.memory_space<semaphore_mem>>) src(%dma_wait3A_544 : memref<128x64xf32, #tpu.memory_space<vmem>>) dst(%dma_wait3A_550 : memref<2560x64xf32, #tpu.memory_space<vmem_shared>>)
      %dma_wait3A_551 = arith.constant 3 : i32
      %dma_wait3A_552 = arith.constant 0 : i32
      %dma_wait3A_553 = tpu.memref_slice %arg17[%dma_wait3A_551, %dma_wait3A_552] : memref<5x128xi32, #tpu.memory_space<vmem>> -> memref<1x128xi32, #tpu.memory_space<vmem>>
      %dma_wait3A_554 = tpu.memref_squeeze %dma_wait3A_553 : memref<1x128xi32, #tpu.memory_space<vmem>> -> memref<128xi32, #tpu.memory_space<vmem>>
      %dma_wait3A_555 = arith.constant 0 : i32
      %dma_wait3A_556 = arith.constant 0 : i32
      %dma_wait3A_557 = tpu.memref_slice %arg13[%dma_wait3A_555, %dma_wait3A_556] : memref<2560x16xf32, #tpu.memory_space<vmem_shared>> -> memref<2560x16xf32, #tpu.memory_space<vmem_shared>>
      tpu.wait_indirect_dma semaphore(%arg29 : memref<!tpu.dma_semaphore, #tpu.memory_space<semaphore_mem>>) src(%arg25 : memref<128x16xf32, #tpu.memory_space<vmem>>) dst(%dma_wait3A_557 : memref<2560x16xf32, #tpu.memory_space<vmem_shared>>)
      %dma_wait3A_558 = arith.constant 3 : i32
      %dma_wait3A_559 = arith.constant 0 : i32
      %dma_wait3A_560 = tpu.memref_slice %arg19[%dma_wait3A_558, %dma_wait3A_559] : memref<5x128xi32, #tpu.memory_space<vmem>> -> memref<1x128xi32, #tpu.memory_space<vmem>>
      %dma_wait3A_561 = tpu.memref_squeeze %dma_wait3A_560 : memref<1x128xi32, #tpu.memory_space<vmem>> -> memref<128xi32, #tpu.memory_space<vmem>>
      %dma_wait3A_562 = arith.constant 0 : i32
      %dma_wait3A_563 = arith.constant 0 : i32
      %dma_wait3A_564 = tpu.memref_slice %arg14[%dma_wait3A_562, %dma_wait3A_563] : memref<10240x16xf32, #tpu.memory_space<vmem_shared>> -> memref<10240x16xf32, #tpu.memory_space<vmem_shared>>
      tpu.wait_indirect_dma semaphore(%arg29 : memref<!tpu.dma_semaphore, #tpu.memory_space<semaphore_mem>>) src(%arg25 : memref<128x16xf32, #tpu.memory_space<vmem>>) dst(%dma_wait3A_564 : memref<10240x16xf32, #tpu.memory_space<vmem_shared>>)
      %dma_wait3A_565 = arith.constant 4 : i32
      %dma_wait3A_566 = arith.constant 512 : i32
      %dma_wait3A_567 = arith.constant 0 : i32
      %dma_wait3A_568 = tpu.memref_slice %arg21[%dma_wait3A_566, %dma_wait3A_567] : memref<640x64xf32, #tpu.memory_space<vmem>> -> memref<128x64xf32, #tpu.memory_space<vmem>>
      %dma_wait3A_569 = arith.constant 0 : i32
      %dma_wait3A_570 = tpu.memref_slice %arg17[%dma_wait3A_565, %dma_wait3A_569] : memref<5x128xi32, #tpu.memory_space<vmem>> -> memref<1x128xi32, #tpu.memory_space<vmem>>
      %dma_wait3A_571 = tpu.memref_squeeze %dma_wait3A_570 : memref<1x128xi32, #tpu.memory_space<vmem>> -> memref<128xi32, #tpu.memory_space<vmem>>
      %dma_wait3A_572 = arith.constant 0 : i32
      %dma_wait3A_573 = arith.constant 0 : i32
      %dma_wait3A_574 = tpu.memref_slice %arg12[%dma_wait3A_572, %dma_wait3A_573] : memref<2560x64xf32, #tpu.memory_space<vmem_shared>> -> memref<2560x64xf32, #tpu.memory_space<vmem_shared>>
      tpu.wait_indirect_dma semaphore(%arg29 : memref<!tpu.dma_semaphore, #tpu.memory_space<semaphore_mem>>) src(%dma_wait3A_568 : memref<128x64xf32, #tpu.memory_space<vmem>>) dst(%dma_wait3A_574 : memref<2560x64xf32, #tpu.memory_space<vmem_shared>>)
      %dma_wait3A_575 = arith.constant 4 : i32
      %dma_wait3A_576 = arith.constant 0 : i32
      %dma_wait3A_577 = tpu.memref_slice %arg17[%dma_wait3A_575, %dma_wait3A_576] : memref<5x128xi32, #tpu.memory_space<vmem>> -> memref<1x128xi32, #tpu.memory_space<vmem>>
      %dma_wait3A_578 = tpu.memref_squeeze %dma_wait3A_577 : memref<1x128xi32, #tpu.memory_space<vmem>> -> memref<128xi32, #tpu.memory_space<vmem>>
      %dma_wait3A_579 = arith.constant 0 : i32
      %dma_wait3A_580 = arith.constant 0 : i32
      %dma_wait3A_581 = tpu.memref_slice %arg13[%dma_wait3A_579, %dma_wait3A_580] : memref<2560x16xf32, #tpu.memory_space<vmem_shared>> -> memref<2560x16xf32, #tpu.memory_space<vmem_shared>>
      tpu.wait_indirect_dma semaphore(%arg29 : memref<!tpu.dma_semaphore, #tpu.memory_space<semaphore_mem>>) src(%arg25 : memref<128x16xf32, #tpu.memory_space<vmem>>) dst(%dma_wait3A_581 : memref<2560x16xf32, #tpu.memory_space<vmem_shared>>)
      %dma_wait3A_582 = arith.constant 4 : i32
      %dma_wait3A_583 = arith.constant 0 : i32
      %dma_wait3A_584 = tpu.memref_slice %arg19[%dma_wait3A_582, %dma_wait3A_583] : memref<5x128xi32, #tpu.memory_space<vmem>> -> memref<1x128xi32, #tpu.memory_space<vmem>>
      %dma_wait3A_585 = tpu.memref_squeeze %dma_wait3A_584 : memref<1x128xi32, #tpu.memory_space<vmem>> -> memref<128xi32, #tpu.memory_space<vmem>>
      %dma_wait3A_586 = arith.constant 0 : i32
      %dma_wait3A_587 = arith.constant 0 : i32
      %dma_wait3A_588 = tpu.memref_slice %arg14[%dma_wait3A_586, %dma_wait3A_587] : memref<10240x16xf32, #tpu.memory_space<vmem_shared>> -> memref<10240x16xf32, #tpu.memory_space<vmem_shared>>
      tpu.wait_indirect_dma semaphore(%arg29 : memref<!tpu.dma_semaphore, #tpu.memory_space<semaphore_mem>>) src(%arg25 : memref<128x16xf32, #tpu.memory_space<vmem>>) dst(%dma_wait3A_588 : memref<10240x16xf32, #tpu.memory_space<vmem_shared>>)
      %mul3A_589 = arith.constant 2 : i32
      %mul3A_590 = arith.muli %mul3A_589, %scan3A_196 : i32
      %add3A_591 = arith.constant 1 : i32
      %add3A_592 = arith.addi %mul3A_590, %add3A_591 : i32
      %add3A_593 = arith.constant 1 : i32
      %add3A_594 = arith.addi %add3A_592, %add3A_593 : i32
      %min3A_595 = arith.constant 31 : i32
      %min3A_596 = arith.minsi %add3A_594, %min3A_595 : i32
      %mul3A_597 = arith.constant 160 : i32
      %mul3A_598 = arith.muli %arg1, %mul3A_597 : i32
      %mul3A_599 = arith.constant 5 : i32
      %mul3A_600 = arith.muli %min3A_596, %mul3A_599 : i32
      %add3A_601 = arith.addi %mul3A_598, %mul3A_600 : i32
      "tpu.region"() ({
        %run_scoped3A = tpu.sem_alloc : memref<!tpu.dma_semaphore, #tpu.memory_space<semaphore_mem>>
        %dma_start3A_982 = arith.constant 0 : i32
        %dma_start3A_983 = tpu.memref_slice %arg3[%add3A_601, %dma_start3A_982] : memref<2560x128xi32, #tpu.memory_space<hbm>> -> memref<5x128xi32, #tpu.memory_space<hbm>>
        %dma_start3A_984 = arith.constant 0 : i32
        %dma_start3A_985 = tpu.memref_slice %arg3[%add3A_601, %dma_start3A_984] : memref<2560x128xi32, #tpu.memory_space<hbm>> -> memref<5x128xi32, #tpu.memory_space<hbm>>
        tpu.enqueue_dma source(%dma_start3A_985 : memref<5x128xi32, #tpu.memory_space<hbm>>) target(%arg15 : memref<5x128xi32, #tpu.memory_space<vmem>>) target_semaphore(%run_scoped3A : memref<!tpu.dma_semaphore, #tpu.memory_space<semaphore_mem>>)
        %dma_wait3A_986 = arith.constant 0 : i32
        %dma_wait3A_987 = tpu.memref_slice %arg3[%add3A_601, %dma_wait3A_986] : memref<2560x128xi32, #tpu.memory_space<hbm>> -> memref<5x128xi32, #tpu.memory_space<hbm>>
        %dma_wait3A_988 = arith.constant 0 : i32
        %dma_wait3A_989 = tpu.memref_slice %arg3[%add3A_601, %dma_wait3A_988] : memref<2560x128xi32, #tpu.memory_space<hbm>> -> memref<5x128xi32, #tpu.memory_space<hbm>>
        tpu.wait_dma2 semaphore(%run_scoped3A : memref<!tpu.dma_semaphore, #tpu.memory_space<semaphore_mem>>) src(%dma_wait3A_989 : memref<5x128xi32, #tpu.memory_space<hbm>>) dst(%arg15 : memref<5x128xi32, #tpu.memory_space<vmem>>)
        tpu.yield
      }) : () -> ()
      "tpu.region"() ({
        %run_scoped3A = tpu.sem_alloc : memref<!tpu.dma_semaphore, #tpu.memory_space<semaphore_mem>>
        %dma_start3A_982 = arith.constant 0 : i32
        %dma_start3A_983 = tpu.memref_slice %arg4[%add3A_601, %dma_start3A_982] : memref<2560x128xi32, #tpu.memory_space<hbm>> -> memref<5x128xi32, #tpu.memory_space<hbm>>
        %dma_start3A_984 = arith.constant 0 : i32
        %dma_start3A_985 = tpu.memref_slice %arg4[%add3A_601, %dma_start3A_984] : memref<2560x128xi32, #tpu.memory_space<hbm>> -> memref<5x128xi32, #tpu.memory_space<hbm>>
        tpu.enqueue_dma source(%dma_start3A_985 : memref<5x128xi32, #tpu.memory_space<hbm>>) target(%arg17 : memref<5x128xi32, #tpu.memory_space<vmem>>) target_semaphore(%run_scoped3A : memref<!tpu.dma_semaphore, #tpu.memory_space<semaphore_mem>>)
        %dma_wait3A_986 = arith.constant 0 : i32
        %dma_wait3A_987 = tpu.memref_slice %arg4[%add3A_601, %dma_wait3A_986] : memref<2560x128xi32, #tpu.memory_space<hbm>> -> memref<5x128xi32, #tpu.memory_space<hbm>>
        %dma_wait3A_988 = arith.constant 0 : i32
        %dma_wait3A_989 = tpu.memref_slice %arg4[%add3A_601, %dma_wait3A_988] : memref<2560x128xi32, #tpu.memory_space<hbm>> -> memref<5x128xi32, #tpu.memory_space<hbm>>
        tpu.wait_dma2 semaphore(%run_scoped3A : memref<!tpu.dma_semaphore, #tpu.memory_space<semaphore_mem>>) src(%dma_wait3A_989 : memref<5x128xi32, #tpu.memory_space<hbm>>) dst(%arg17 : memref<5x128xi32, #tpu.memory_space<vmem>>)
        tpu.yield
      }) : () -> ()
      "tpu.region"() ({
        %run_scoped3A = tpu.sem_alloc : memref<!tpu.dma_semaphore, #tpu.memory_space<semaphore_mem>>
        %dma_start3A_982 = arith.constant 0 : i32
        %dma_start3A_983 = tpu.memref_slice %arg5[%add3A_601, %dma_start3A_982] : memref<2560x128xi32, #tpu.memory_space<hbm>> -> memref<5x128xi32, #tpu.memory_space<hbm>>
        %dma_start3A_984 = arith.constant 0 : i32
        %dma_start3A_985 = tpu.memref_slice %arg5[%add3A_601, %dma_start3A_984] : memref<2560x128xi32, #tpu.memory_space<hbm>> -> memref<5x128xi32, #tpu.memory_space<hbm>>
        tpu.enqueue_dma source(%dma_start3A_985 : memref<5x128xi32, #tpu.memory_space<hbm>>) target(%arg19 : memref<5x128xi32, #tpu.memory_space<vmem>>) target_semaphore(%run_scoped3A : memref<!tpu.dma_semaphore, #tpu.memory_space<semaphore_mem>>)
        %dma_wait3A_986 = arith.constant 0 : i32
        %dma_wait3A_987 = tpu.memref_slice %arg5[%add3A_601, %dma_wait3A_986] : memref<2560x128xi32, #tpu.memory_space<hbm>> -> memref<5x128xi32, #tpu.memory_space<hbm>>
        %dma_wait3A_988 = arith.constant 0 : i32
        %dma_wait3A_989 = tpu.memref_slice %arg5[%add3A_601, %dma_wait3A_988] : memref<2560x128xi32, #tpu.memory_space<hbm>> -> memref<5x128xi32, #tpu.memory_space<hbm>>
        tpu.wait_dma2 semaphore(%run_scoped3A : memref<!tpu.dma_semaphore, #tpu.memory_space<semaphore_mem>>) src(%dma_wait3A_989 : memref<5x128xi32, #tpu.memory_space<hbm>>) dst(%arg19 : memref<5x128xi32, #tpu.memory_space<vmem>>)
        tpu.yield
      }) : () -> ()
      %dma_start3A_602 = arith.constant 0 : i32
      %dma_start3A_603 = arith.constant 0 : i32
      %dma_start3A_604 = arith.constant 0 : i32
      %dma_start3A_605 = tpu.memref_slice %arg21[%dma_start3A_603, %dma_start3A_604] : memref<640x64xf32, #tpu.memory_space<vmem>> -> memref<128x64xf32, #tpu.memory_space<vmem>>
      %dma_start3A_606 = arith.constant 0 : i32
      %dma_start3A_607 = tpu.memref_slice %arg15[%dma_start3A_602, %dma_start3A_606] : memref<5x128xi32, #tpu.memory_space<vmem>> -> memref<1x128xi32, #tpu.memory_space<vmem>>
      %dma_start3A_608 = tpu.memref_squeeze %dma_start3A_607 : memref<1x128xi32, #tpu.memory_space<vmem>> -> memref<128xi32, #tpu.memory_space<vmem>>
      %dma_start3A_609 = arith.constant 0 : i32
      %dma_start3A_610 = arith.constant 0 : i32
      %dma_start3A_611 = tpu.memref_slice %arg2[%arg0, %dma_start3A_609, %dma_start3A_610] : memref<2x10240x64xf32, #tpu.memory_space<hbm>> -> memref<1x10240x64xf32, #tpu.memory_space<hbm>>
      %dma_start3A_612 = tpu.memref_squeeze %dma_start3A_611 : memref<1x10240x64xf32, #tpu.memory_space<hbm>> -> memref<10240x64xf32, #tpu.memory_space<hbm>>
      %dma_start3A_613 = arith.constant 0 : i32
      %dma_start3A_614 = arith.constant 0 : i32
      %dma_start3A_615 = tpu.memref_slice %dma_start3A_612[%dma_start3A_613, %dma_start3A_614] : memref<10240x64xf32, #tpu.memory_space<hbm>> -> memref<10240x64xf32, #tpu.memory_space<hbm>>
      tpu.enqueue_indirect_dma source(%dma_start3A_615 : memref<10240x64xf32, #tpu.memory_space<hbm>>) target(%dma_start3A_605 : memref<128x64xf32, #tpu.memory_space<vmem>>) offsets(%dma_start3A_608 : memref<128xi32, #tpu.memory_space<vmem>>) semaphore(%arg27 : memref<!tpu.dma_semaphore, #tpu.memory_space<semaphore_mem>>)
      %dma_start3A_616 = arith.constant 1 : i32
      %dma_start3A_617 = arith.constant 128 : i32
      %dma_start3A_618 = arith.constant 0 : i32
      %dma_start3A_619 = tpu.memref_slice %arg21[%dma_start3A_617, %dma_start3A_618] : memref<640x64xf32, #tpu.memory_space<vmem>> -> memref<128x64xf32, #tpu.memory_space<vmem>>
      %dma_start3A_620 = arith.constant 0 : i32
      %dma_start3A_621 = tpu.memref_slice %arg15[%dma_start3A_616, %dma_start3A_620] : memref<5x128xi32, #tpu.memory_space<vmem>> -> memref<1x128xi32, #tpu.memory_space<vmem>>
      %dma_start3A_622 = tpu.memref_squeeze %dma_start3A_621 : memref<1x128xi32, #tpu.memory_space<vmem>> -> memref<128xi32, #tpu.memory_space<vmem>>
      %dma_start3A_623 = arith.constant 0 : i32
      %dma_start3A_624 = arith.constant 0 : i32
      %dma_start3A_625 = tpu.memref_slice %arg2[%arg0, %dma_start3A_623, %dma_start3A_624] : memref<2x10240x64xf32, #tpu.memory_space<hbm>> -> memref<1x10240x64xf32, #tpu.memory_space<hbm>>
      %dma_start3A_626 = tpu.memref_squeeze %dma_start3A_625 : memref<1x10240x64xf32, #tpu.memory_space<hbm>> -> memref<10240x64xf32, #tpu.memory_space<hbm>>
      %dma_start3A_627 = arith.constant 0 : i32
      %dma_start3A_628 = arith.constant 0 : i32
      %dma_start3A_629 = tpu.memref_slice %dma_start3A_626[%dma_start3A_627, %dma_start3A_628] : memref<10240x64xf32, #tpu.memory_space<hbm>> -> memref<10240x64xf32, #tpu.memory_space<hbm>>
      tpu.enqueue_indirect_dma source(%dma_start3A_629 : memref<10240x64xf32, #tpu.memory_space<hbm>>) target(%dma_start3A_619 : memref<128x64xf32, #tpu.memory_space<vmem>>) offsets(%dma_start3A_622 : memref<128xi32, #tpu.memory_space<vmem>>) semaphore(%arg27 : memref<!tpu.dma_semaphore, #tpu.memory_space<semaphore_mem>>)
      %dma_start3A_630 = arith.constant 2 : i32
      %dma_start3A_631 = arith.constant 256 : i32
      %dma_start3A_632 = arith.constant 0 : i32
      %dma_start3A_633 = tpu.memref_slice %arg21[%dma_start3A_631, %dma_start3A_632] : memref<640x64xf32, #tpu.memory_space<vmem>> -> memref<128x64xf32, #tpu.memory_space<vmem>>
      %dma_start3A_634 = arith.constant 0 : i32
      %dma_start3A_635 = tpu.memref_slice %arg15[%dma_start3A_630, %dma_start3A_634] : memref<5x128xi32, #tpu.memory_space<vmem>> -> memref<1x128xi32, #tpu.memory_space<vmem>>
      %dma_start3A_636 = tpu.memref_squeeze %dma_start3A_635 : memref<1x128xi32, #tpu.memory_space<vmem>> -> memref<128xi32, #tpu.memory_space<vmem>>
      %dma_start3A_637 = arith.constant 0 : i32
      %dma_start3A_638 = arith.constant 0 : i32
      %dma_start3A_639 = tpu.memref_slice %arg2[%arg0, %dma_start3A_637, %dma_start3A_638] : memref<2x10240x64xf32, #tpu.memory_space<hbm>> -> memref<1x10240x64xf32, #tpu.memory_space<hbm>>
      %dma_start3A_640 = tpu.memref_squeeze %dma_start3A_639 : memref<1x10240x64xf32, #tpu.memory_space<hbm>> -> memref<10240x64xf32, #tpu.memory_space<hbm>>
      %dma_start3A_641 = arith.constant 0 : i32
      %dma_start3A_642 = arith.constant 0 : i32
      %dma_start3A_643 = tpu.memref_slice %dma_start3A_640[%dma_start3A_641, %dma_start3A_642] : memref<10240x64xf32, #tpu.memory_space<hbm>> -> memref<10240x64xf32, #tpu.memory_space<hbm>>
      tpu.enqueue_indirect_dma source(%dma_start3A_643 : memref<10240x64xf32, #tpu.memory_space<hbm>>) target(%dma_start3A_633 : memref<128x64xf32, #tpu.memory_space<vmem>>) offsets(%dma_start3A_636 : memref<128xi32, #tpu.memory_space<vmem>>) semaphore(%arg27 : memref<!tpu.dma_semaphore, #tpu.memory_space<semaphore_mem>>)
      %dma_start3A_644 = arith.constant 3 : i32
      %dma_start3A_645 = arith.constant 384 : i32
      %dma_start3A_646 = arith.constant 0 : i32
      %dma_start3A_647 = tpu.memref_slice %arg21[%dma_start3A_645, %dma_start3A_646] : memref<640x64xf32, #tpu.memory_space<vmem>> -> memref<128x64xf32, #tpu.memory_space<vmem>>
      %dma_start3A_648 = arith.constant 0 : i32
      %dma_start3A_649 = tpu.memref_slice %arg15[%dma_start3A_644, %dma_start3A_648] : memref<5x128xi32, #tpu.memory_space<vmem>> -> memref<1x128xi32, #tpu.memory_space<vmem>>
      %dma_start3A_650 = tpu.memref_squeeze %dma_start3A_649 : memref<1x128xi32, #tpu.memory_space<vmem>> -> memref<128xi32, #tpu.memory_space<vmem>>
      %dma_start3A_651 = arith.constant 0 : i32
      %dma_start3A_652 = arith.constant 0 : i32
      %dma_start3A_653 = tpu.memref_slice %arg2[%arg0, %dma_start3A_651, %dma_start3A_652] : memref<2x10240x64xf32, #tpu.memory_space<hbm>> -> memref<1x10240x64xf32, #tpu.memory_space<hbm>>
      %dma_start3A_654 = tpu.memref_squeeze %dma_start3A_653 : memref<1x10240x64xf32, #tpu.memory_space<hbm>> -> memref<10240x64xf32, #tpu.memory_space<hbm>>
      %dma_start3A_655 = arith.constant 0 : i32
      %dma_start3A_656 = arith.constant 0 : i32
      %dma_start3A_657 = tpu.memref_slice %dma_start3A_654[%dma_start3A_655, %dma_start3A_656] : memref<10240x64xf32, #tpu.memory_space<hbm>> -> memref<10240x64xf32, #tpu.memory_space<hbm>>
      tpu.enqueue_indirect_dma source(%dma_start3A_657 : memref<10240x64xf32, #tpu.memory_space<hbm>>) target(%dma_start3A_647 : memref<128x64xf32, #tpu.memory_space<vmem>>) offsets(%dma_start3A_650 : memref<128xi32, #tpu.memory_space<vmem>>) semaphore(%arg27 : memref<!tpu.dma_semaphore, #tpu.memory_space<semaphore_mem>>)
      %dma_start3A_658 = arith.constant 4 : i32
      %dma_start3A_659 = arith.constant 512 : i32
      %dma_start3A_660 = arith.constant 0 : i32
      %dma_start3A_661 = tpu.memref_slice %arg21[%dma_start3A_659, %dma_start3A_660] : memref<640x64xf32, #tpu.memory_space<vmem>> -> memref<128x64xf32, #tpu.memory_space<vmem>>
      %dma_start3A_662 = arith.constant 0 : i32
      %dma_start3A_663 = tpu.memref_slice %arg15[%dma_start3A_658, %dma_start3A_662] : memref<5x128xi32, #tpu.memory_space<vmem>> -> memref<1x128xi32, #tpu.memory_space<vmem>>
      %dma_start3A_664 = tpu.memref_squeeze %dma_start3A_663 : memref<1x128xi32, #tpu.memory_space<vmem>> -> memref<128xi32, #tpu.memory_space<vmem>>
      %dma_start3A_665 = arith.constant 0 : i32
      %dma_start3A_666 = arith.constant 0 : i32
      %dma_start3A_667 = tpu.memref_slice %arg2[%arg0, %dma_start3A_665, %dma_start3A_666] : memref<2x10240x64xf32, #tpu.memory_space<hbm>> -> memref<1x10240x64xf32, #tpu.memory_space<hbm>>
      %dma_start3A_668 = tpu.memref_squeeze %dma_start3A_667 : memref<1x10240x64xf32, #tpu.memory_space<hbm>> -> memref<10240x64xf32, #tpu.memory_space<hbm>>
      %dma_start3A_669 = arith.constant 0 : i32
      %dma_start3A_670 = arith.constant 0 : i32
      %dma_start3A_671 = tpu.memref_slice %dma_start3A_668[%dma_start3A_669, %dma_start3A_670] : memref<10240x64xf32, #tpu.memory_space<hbm>> -> memref<10240x64xf32, #tpu.memory_space<hbm>>
      tpu.enqueue_indirect_dma source(%dma_start3A_671 : memref<10240x64xf32, #tpu.memory_space<hbm>>) target(%dma_start3A_661 : memref<128x64xf32, #tpu.memory_space<vmem>>) offsets(%dma_start3A_664 : memref<128xi32, #tpu.memory_space<vmem>>) semaphore(%arg27 : memref<!tpu.dma_semaphore, #tpu.memory_space<semaphore_mem>>)
      %dma_wait3A_672 = arith.constant 0 : i32
      %dma_wait3A_673 = arith.constant 0 : i32
      %dma_wait3A_674 = arith.constant 0 : i32
      %dma_wait3A_675 = tpu.memref_slice %arg22[%dma_wait3A_673, %dma_wait3A_674] : memref<640x64xf32, #tpu.memory_space<vmem>> -> memref<128x64xf32, #tpu.memory_space<vmem>>
      %dma_wait3A_676 = arith.constant 0 : i32
      %dma_wait3A_677 = tpu.memref_slice %arg16[%dma_wait3A_672, %dma_wait3A_676] : memref<5x128xi32, #tpu.memory_space<vmem>> -> memref<1x128xi32, #tpu.memory_space<vmem>>
      %dma_wait3A_678 = tpu.memref_squeeze %dma_wait3A_677 : memref<1x128xi32, #tpu.memory_space<vmem>> -> memref<128xi32, #tpu.memory_space<vmem>>
      %dma_wait3A_679 = arith.constant 0 : i32
      %dma_wait3A_680 = arith.constant 0 : i32
      %dma_wait3A_681 = tpu.memref_slice %arg2[%arg0, %dma_wait3A_679, %dma_wait3A_680] : memref<2x10240x64xf32, #tpu.memory_space<hbm>> -> memref<1x10240x64xf32, #tpu.memory_space<hbm>>
      %dma_wait3A_682 = tpu.memref_squeeze %dma_wait3A_681 : memref<1x10240x64xf32, #tpu.memory_space<hbm>> -> memref<10240x64xf32, #tpu.memory_space<hbm>>
      %dma_wait3A_683 = arith.constant 0 : i32
      %dma_wait3A_684 = arith.constant 0 : i32
      %dma_wait3A_685 = tpu.memref_slice %dma_wait3A_682[%dma_wait3A_683, %dma_wait3A_684] : memref<10240x64xf32, #tpu.memory_space<hbm>> -> memref<10240x64xf32, #tpu.memory_space<hbm>>
      tpu.wait_indirect_dma semaphore(%arg28 : memref<!tpu.dma_semaphore, #tpu.memory_space<semaphore_mem>>) src(%dma_wait3A_685 : memref<10240x64xf32, #tpu.memory_space<hbm>>) dst(%dma_wait3A_675 : memref<128x64xf32, #tpu.memory_space<vmem>>)
      %dma_wait3A_686 = arith.constant 1 : i32
      %dma_wait3A_687 = arith.constant 128 : i32
      %dma_wait3A_688 = arith.constant 0 : i32
      %dma_wait3A_689 = tpu.memref_slice %arg22[%dma_wait3A_687, %dma_wait3A_688] : memref<640x64xf32, #tpu.memory_space<vmem>> -> memref<128x64xf32, #tpu.memory_space<vmem>>
      %dma_wait3A_690 = arith.constant 0 : i32
      %dma_wait3A_691 = tpu.memref_slice %arg16[%dma_wait3A_686, %dma_wait3A_690] : memref<5x128xi32, #tpu.memory_space<vmem>> -> memref<1x128xi32, #tpu.memory_space<vmem>>
      %dma_wait3A_692 = tpu.memref_squeeze %dma_wait3A_691 : memref<1x128xi32, #tpu.memory_space<vmem>> -> memref<128xi32, #tpu.memory_space<vmem>>
      %dma_wait3A_693 = arith.constant 0 : i32
      %dma_wait3A_694 = arith.constant 0 : i32
      %dma_wait3A_695 = tpu.memref_slice %arg2[%arg0, %dma_wait3A_693, %dma_wait3A_694] : memref<2x10240x64xf32, #tpu.memory_space<hbm>> -> memref<1x10240x64xf32, #tpu.memory_space<hbm>>
      %dma_wait3A_696 = tpu.memref_squeeze %dma_wait3A_695 : memref<1x10240x64xf32, #tpu.memory_space<hbm>> -> memref<10240x64xf32, #tpu.memory_space<hbm>>
      %dma_wait3A_697 = arith.constant 0 : i32
      %dma_wait3A_698 = arith.constant 0 : i32
      %dma_wait3A_699 = tpu.memref_slice %dma_wait3A_696[%dma_wait3A_697, %dma_wait3A_698] : memref<10240x64xf32, #tpu.memory_space<hbm>> -> memref<10240x64xf32, #tpu.memory_space<hbm>>
      tpu.wait_indirect_dma semaphore(%arg28 : memref<!tpu.dma_semaphore, #tpu.memory_space<semaphore_mem>>) src(%dma_wait3A_699 : memref<10240x64xf32, #tpu.memory_space<hbm>>) dst(%dma_wait3A_689 : memref<128x64xf32, #tpu.memory_space<vmem>>)
      %dma_wait3A_700 = arith.constant 2 : i32
      %dma_wait3A_701 = arith.constant 256 : i32
      %dma_wait3A_702 = arith.constant 0 : i32
      %dma_wait3A_703 = tpu.memref_slice %arg22[%dma_wait3A_701, %dma_wait3A_702] : memref<640x64xf32, #tpu.memory_space<vmem>> -> memref<128x64xf32, #tpu.memory_space<vmem>>
      %dma_wait3A_704 = arith.constant 0 : i32
      %dma_wait3A_705 = tpu.memref_slice %arg16[%dma_wait3A_700, %dma_wait3A_704] : memref<5x128xi32, #tpu.memory_space<vmem>> -> memref<1x128xi32, #tpu.memory_space<vmem>>
      %dma_wait3A_706 = tpu.memref_squeeze %dma_wait3A_705 : memref<1x128xi32, #tpu.memory_space<vmem>> -> memref<128xi32, #tpu.memory_space<vmem>>
      %dma_wait3A_707 = arith.constant 0 : i32
      %dma_wait3A_708 = arith.constant 0 : i32
      %dma_wait3A_709 = tpu.memref_slice %arg2[%arg0, %dma_wait3A_707, %dma_wait3A_708] : memref<2x10240x64xf32, #tpu.memory_space<hbm>> -> memref<1x10240x64xf32, #tpu.memory_space<hbm>>
      %dma_wait3A_710 = tpu.memref_squeeze %dma_wait3A_709 : memref<1x10240x64xf32, #tpu.memory_space<hbm>> -> memref<10240x64xf32, #tpu.memory_space<hbm>>
      %dma_wait3A_711 = arith.constant 0 : i32
      %dma_wait3A_712 = arith.constant 0 : i32
      %dma_wait3A_713 = tpu.memref_slice %dma_wait3A_710[%dma_wait3A_711, %dma_wait3A_712] : memref<10240x64xf32, #tpu.memory_space<hbm>> -> memref<10240x64xf32, #tpu.memory_space<hbm>>
      tpu.wait_indirect_dma semaphore(%arg28 : memref<!tpu.dma_semaphore, #tpu.memory_space<semaphore_mem>>) src(%dma_wait3A_713 : memref<10240x64xf32, #tpu.memory_space<hbm>>) dst(%dma_wait3A_703 : memref<128x64xf32, #tpu.memory_space<vmem>>)
      %dma_wait3A_714 = arith.constant 3 : i32
      %dma_wait3A_715 = arith.constant 384 : i32
      %dma_wait3A_716 = arith.constant 0 : i32
      %dma_wait3A_717 = tpu.memref_slice %arg22[%dma_wait3A_715, %dma_wait3A_716] : memref<640x64xf32, #tpu.memory_space<vmem>> -> memref<128x64xf32, #tpu.memory_space<vmem>>
      %dma_wait3A_718 = arith.constant 0 : i32
      %dma_wait3A_719 = tpu.memref_slice %arg16[%dma_wait3A_714, %dma_wait3A_718] : memref<5x128xi32, #tpu.memory_space<vmem>> -> memref<1x128xi32, #tpu.memory_space<vmem>>
      %dma_wait3A_720 = tpu.memref_squeeze %dma_wait3A_719 : memref<1x128xi32, #tpu.memory_space<vmem>> -> memref<128xi32, #tpu.memory_space<vmem>>
      %dma_wait3A_721 = arith.constant 0 : i32
      %dma_wait3A_722 = arith.constant 0 : i32
      %dma_wait3A_723 = tpu.memref_slice %arg2[%arg0, %dma_wait3A_721, %dma_wait3A_722] : memref<2x10240x64xf32, #tpu.memory_space<hbm>> -> memref<1x10240x64xf32, #tpu.memory_space<hbm>>
      %dma_wait3A_724 = tpu.memref_squeeze %dma_wait3A_723 : memref<1x10240x64xf32, #tpu.memory_space<hbm>> -> memref<10240x64xf32, #tpu.memory_space<hbm>>
      %dma_wait3A_725 = arith.constant 0 : i32
      %dma_wait3A_726 = arith.constant 0 : i32
      %dma_wait3A_727 = tpu.memref_slice %dma_wait3A_724[%dma_wait3A_725, %dma_wait3A_726] : memref<10240x64xf32, #tpu.memory_space<hbm>> -> memref<10240x64xf32, #tpu.memory_space<hbm>>
      tpu.wait_indirect_dma semaphore(%arg28 : memref<!tpu.dma_semaphore, #tpu.memory_space<semaphore_mem>>) src(%dma_wait3A_727 : memref<10240x64xf32, #tpu.memory_space<hbm>>) dst(%dma_wait3A_717 : memref<128x64xf32, #tpu.memory_space<vmem>>)
      %dma_wait3A_728 = arith.constant 4 : i32
      %dma_wait3A_729 = arith.constant 512 : i32
      %dma_wait3A_730 = arith.constant 0 : i32
      %dma_wait3A_731 = tpu.memref_slice %arg22[%dma_wait3A_729, %dma_wait3A_730] : memref<640x64xf32, #tpu.memory_space<vmem>> -> memref<128x64xf32, #tpu.memory_space<vmem>>
      %dma_wait3A_732 = arith.constant 0 : i32
      %dma_wait3A_733 = tpu.memref_slice %arg16[%dma_wait3A_728, %dma_wait3A_732] : memref<5x128xi32, #tpu.memory_space<vmem>> -> memref<1x128xi32, #tpu.memory_space<vmem>>
      %dma_wait3A_734 = tpu.memref_squeeze %dma_wait3A_733 : memref<1x128xi32, #tpu.memory_space<vmem>> -> memref<128xi32, #tpu.memory_space<vmem>>
      %dma_wait3A_735 = arith.constant 0 : i32
      %dma_wait3A_736 = arith.constant 0 : i32
      %dma_wait3A_737 = tpu.memref_slice %arg2[%arg0, %dma_wait3A_735, %dma_wait3A_736] : memref<2x10240x64xf32, #tpu.memory_space<hbm>> -> memref<1x10240x64xf32, #tpu.memory_space<hbm>>
      %dma_wait3A_738 = tpu.memref_squeeze %dma_wait3A_737 : memref<1x10240x64xf32, #tpu.memory_space<hbm>> -> memref<10240x64xf32, #tpu.memory_space<hbm>>
      %dma_wait3A_739 = arith.constant 0 : i32
      %dma_wait3A_740 = arith.constant 0 : i32
      %dma_wait3A_741 = tpu.memref_slice %dma_wait3A_738[%dma_wait3A_739, %dma_wait3A_740] : memref<10240x64xf32, #tpu.memory_space<hbm>> -> memref<10240x64xf32, #tpu.memory_space<hbm>>
      tpu.wait_indirect_dma semaphore(%arg28 : memref<!tpu.dma_semaphore, #tpu.memory_space<semaphore_mem>>) src(%dma_wait3A_741 : memref<10240x64xf32, #tpu.memory_space<hbm>>) dst(%dma_wait3A_731 : memref<128x64xf32, #tpu.memory_space<vmem>>)
      %dma_start3A_742 = arith.constant 0 : i32
      %dma_start3A_743 = arith.constant 0 : i32
      %dma_start3A_744 = arith.constant 0 : i32
      %dma_start3A_745 = tpu.memref_slice %arg22[%dma_start3A_743, %dma_start3A_744] : memref<640x64xf32, #tpu.memory_space<vmem>> -> memref<128x64xf32, #tpu.memory_space<vmem>>
      %dma_start3A_746 = arith.constant 0 : i32
      %dma_start3A_747 = tpu.memref_slice %arg18[%dma_start3A_742, %dma_start3A_746] : memref<5x128xi32, #tpu.memory_space<vmem>> -> memref<1x128xi32, #tpu.memory_space<vmem>>
      %dma_start3A_748 = tpu.memref_squeeze %dma_start3A_747 : memref<1x128xi32, #tpu.memory_space<vmem>> -> memref<128xi32, #tpu.memory_space<vmem>>
      %dma_start3A_749 = arith.constant 0 : i32
      %dma_start3A_750 = arith.constant 0 : i32
      %dma_start3A_751 = tpu.memref_slice %arg12[%dma_start3A_749, %dma_start3A_750] : memref<2560x64xf32, #tpu.memory_space<vmem_shared>> -> memref<2560x64xf32, #tpu.memory_space<vmem_shared>>
      tpu.enqueue_indirect_dma source(%dma_start3A_745 : memref<128x64xf32, #tpu.memory_space<vmem>>) target(%dma_start3A_751 : memref<2560x64xf32, #tpu.memory_space<vmem_shared>>) offsets(%dma_start3A_748 : memref<128xi32, #tpu.memory_space<vmem>>) semaphore(%arg30 : memref<!tpu.dma_semaphore, #tpu.memory_space<semaphore_mem>>) {add = true}
      %dma_start3A_752 = arith.constant 0 : i32
      %dma_start3A_753 = arith.constant 0 : i32
      %dma_start3A_754 = tpu.memref_slice %arg18[%dma_start3A_752, %dma_start3A_753] : memref<5x128xi32, #tpu.memory_space<vmem>> -> memref<1x128xi32, #tpu.memory_space<vmem>>
      %dma_start3A_755 = tpu.memref_squeeze %dma_start3A_754 : memref<1x128xi32, #tpu.memory_space<vmem>> -> memref<128xi32, #tpu.memory_space<vmem>>
      %dma_start3A_756 = arith.constant 0 : i32
      %dma_start3A_757 = arith.constant 0 : i32
      %dma_start3A_758 = tpu.memref_slice %arg13[%dma_start3A_756, %dma_start3A_757] : memref<2560x16xf32, #tpu.memory_space<vmem_shared>> -> memref<2560x16xf32, #tpu.memory_space<vmem_shared>>
      tpu.enqueue_indirect_dma source(%arg25 : memref<128x16xf32, #tpu.memory_space<vmem>>) target(%dma_start3A_758 : memref<2560x16xf32, #tpu.memory_space<vmem_shared>>) offsets(%dma_start3A_755 : memref<128xi32, #tpu.memory_space<vmem>>) semaphore(%arg30 : memref<!tpu.dma_semaphore, #tpu.memory_space<semaphore_mem>>) {add = true}
      %dma_start3A_759 = arith.constant 0 : i32
      %dma_start3A_760 = arith.constant 0 : i32
      %dma_start3A_761 = tpu.memref_slice %arg20[%dma_start3A_759, %dma_start3A_760] : memref<5x128xi32, #tpu.memory_space<vmem>> -> memref<1x128xi32, #tpu.memory_space<vmem>>
      %dma_start3A_762 = tpu.memref_squeeze %dma_start3A_761 : memref<1x128xi32, #tpu.memory_space<vmem>> -> memref<128xi32, #tpu.memory_space<vmem>>
      %dma_start3A_763 = arith.constant 0 : i32
      %dma_start3A_764 = arith.constant 0 : i32
      %dma_start3A_765 = tpu.memref_slice %arg14[%dma_start3A_763, %dma_start3A_764] : memref<10240x16xf32, #tpu.memory_space<vmem_shared>> -> memref<10240x16xf32, #tpu.memory_space<vmem_shared>>
      tpu.enqueue_indirect_dma source(%arg25 : memref<128x16xf32, #tpu.memory_space<vmem>>) target(%dma_start3A_765 : memref<10240x16xf32, #tpu.memory_space<vmem_shared>>) offsets(%dma_start3A_762 : memref<128xi32, #tpu.memory_space<vmem>>) semaphore(%arg30 : memref<!tpu.dma_semaphore, #tpu.memory_space<semaphore_mem>>) {add = true}
      %dma_start3A_766 = arith.constant 1 : i32
      %dma_start3A_767 = arith.constant 128 : i32
      %dma_start3A_768 = arith.constant 0 : i32
      %dma_start3A_769 = tpu.memref_slice %arg22[%dma_start3A_767, %dma_start3A_768] : memref<640x64xf32, #tpu.memory_space<vmem>> -> memref<128x64xf32, #tpu.memory_space<vmem>>
      %dma_start3A_770 = arith.constant 0 : i32
      %dma_start3A_771 = tpu.memref_slice %arg18[%dma_start3A_766, %dma_start3A_770] : memref<5x128xi32, #tpu.memory_space<vmem>> -> memref<1x128xi32, #tpu.memory_space<vmem>>
      %dma_start3A_772 = tpu.memref_squeeze %dma_start3A_771 : memref<1x128xi32, #tpu.memory_space<vmem>> -> memref<128xi32, #tpu.memory_space<vmem>>
      %dma_start3A_773 = arith.constant 0 : i32
      %dma_start3A_774 = arith.constant 0 : i32
      %dma_start3A_775 = tpu.memref_slice %arg12[%dma_start3A_773, %dma_start3A_774] : memref<2560x64xf32, #tpu.memory_space<vmem_shared>> -> memref<2560x64xf32, #tpu.memory_space<vmem_shared>>
      tpu.enqueue_indirect_dma source(%dma_start3A_769 : memref<128x64xf32, #tpu.memory_space<vmem>>) target(%dma_start3A_775 : memref<2560x64xf32, #tpu.memory_space<vmem_shared>>) offsets(%dma_start3A_772 : memref<128xi32, #tpu.memory_space<vmem>>) semaphore(%arg30 : memref<!tpu.dma_semaphore, #tpu.memory_space<semaphore_mem>>) {add = true}
      %dma_start3A_776 = arith.constant 1 : i32
      %dma_start3A_777 = arith.constant 0 : i32
      %dma_start3A_778 = tpu.memref_slice %arg18[%dma_start3A_776, %dma_start3A_777] : memref<5x128xi32, #tpu.memory_space<vmem>> -> memref<1x128xi32, #tpu.memory_space<vmem>>
      %dma_start3A_779 = tpu.memref_squeeze %dma_start3A_778 : memref<1x128xi32, #tpu.memory_space<vmem>> -> memref<128xi32, #tpu.memory_space<vmem>>
      %dma_start3A_780 = arith.constant 0 : i32
      %dma_start3A_781 = arith.constant 0 : i32
      %dma_start3A_782 = tpu.memref_slice %arg13[%dma_start3A_780, %dma_start3A_781] : memref<2560x16xf32, #tpu.memory_space<vmem_shared>> -> memref<2560x16xf32, #tpu.memory_space<vmem_shared>>
      tpu.enqueue_indirect_dma source(%arg25 : memref<128x16xf32, #tpu.memory_space<vmem>>) target(%dma_start3A_782 : memref<2560x16xf32, #tpu.memory_space<vmem_shared>>) offsets(%dma_start3A_779 : memref<128xi32, #tpu.memory_space<vmem>>) semaphore(%arg30 : memref<!tpu.dma_semaphore, #tpu.memory_space<semaphore_mem>>) {add = true}
      %dma_start3A_783 = arith.constant 1 : i32
      %dma_start3A_784 = arith.constant 0 : i32
      %dma_start3A_785 = tpu.memref_slice %arg20[%dma_start3A_783, %dma_start3A_784] : memref<5x128xi32, #tpu.memory_space<vmem>> -> memref<1x128xi32, #tpu.memory_space<vmem>>
      %dma_start3A_786 = tpu.memref_squeeze %dma_start3A_785 : memref<1x128xi32, #tpu.memory_space<vmem>> -> memref<128xi32, #tpu.memory_space<vmem>>
      %dma_start3A_787 = arith.constant 0 : i32
      %dma_start3A_788 = arith.constant 0 : i32
      %dma_start3A_789 = tpu.memref_slice %arg14[%dma_start3A_787, %dma_start3A_788] : memref<10240x16xf32, #tpu.memory_space<vmem_shared>> -> memref<10240x16xf32, #tpu.memory_space<vmem_shared>>
      tpu.enqueue_indirect_dma source(%arg25 : memref<128x16xf32, #tpu.memory_space<vmem>>) target(%dma_start3A_789 : memref<10240x16xf32, #tpu.memory_space<vmem_shared>>) offsets(%dma_start3A_786 : memref<128xi32, #tpu.memory_space<vmem>>) semaphore(%arg30 : memref<!tpu.dma_semaphore, #tpu.memory_space<semaphore_mem>>) {add = true}
      %dma_start3A_790 = arith.constant 2 : i32
      %dma_start3A_791 = arith.constant 256 : i32
      %dma_start3A_792 = arith.constant 0 : i32
      %dma_start3A_793 = tpu.memref_slice %arg22[%dma_start3A_791, %dma_start3A_792] : memref<640x64xf32, #tpu.memory_space<vmem>> -> memref<128x64xf32, #tpu.memory_space<vmem>>
      %dma_start3A_794 = arith.constant 0 : i32
      %dma_start3A_795 = tpu.memref_slice %arg18[%dma_start3A_790, %dma_start3A_794] : memref<5x128xi32, #tpu.memory_space<vmem>> -> memref<1x128xi32, #tpu.memory_space<vmem>>
      %dma_start3A_796 = tpu.memref_squeeze %dma_start3A_795 : memref<1x128xi32, #tpu.memory_space<vmem>> -> memref<128xi32, #tpu.memory_space<vmem>>
      %dma_start3A_797 = arith.constant 0 : i32
      %dma_start3A_798 = arith.constant 0 : i32
      %dma_start3A_799 = tpu.memref_slice %arg12[%dma_start3A_797, %dma_start3A_798] : memref<2560x64xf32, #tpu.memory_space<vmem_shared>> -> memref<2560x64xf32, #tpu.memory_space<vmem_shared>>
      tpu.enqueue_indirect_dma source(%dma_start3A_793 : memref<128x64xf32, #tpu.memory_space<vmem>>) target(%dma_start3A_799 : memref<2560x64xf32, #tpu.memory_space<vmem_shared>>) offsets(%dma_start3A_796 : memref<128xi32, #tpu.memory_space<vmem>>) semaphore(%arg30 : memref<!tpu.dma_semaphore, #tpu.memory_space<semaphore_mem>>) {add = true}
      %dma_start3A_800 = arith.constant 2 : i32
      %dma_start3A_801 = arith.constant 0 : i32
      %dma_start3A_802 = tpu.memref_slice %arg18[%dma_start3A_800, %dma_start3A_801] : memref<5x128xi32, #tpu.memory_space<vmem>> -> memref<1x128xi32, #tpu.memory_space<vmem>>
      %dma_start3A_803 = tpu.memref_squeeze %dma_start3A_802 : memref<1x128xi32, #tpu.memory_space<vmem>> -> memref<128xi32, #tpu.memory_space<vmem>>
      %dma_start3A_804 = arith.constant 0 : i32
      %dma_start3A_805 = arith.constant 0 : i32
      %dma_start3A_806 = tpu.memref_slice %arg13[%dma_start3A_804, %dma_start3A_805] : memref<2560x16xf32, #tpu.memory_space<vmem_shared>> -> memref<2560x16xf32, #tpu.memory_space<vmem_shared>>
      tpu.enqueue_indirect_dma source(%arg25 : memref<128x16xf32, #tpu.memory_space<vmem>>) target(%dma_start3A_806 : memref<2560x16xf32, #tpu.memory_space<vmem_shared>>) offsets(%dma_start3A_803 : memref<128xi32, #tpu.memory_space<vmem>>) semaphore(%arg30 : memref<!tpu.dma_semaphore, #tpu.memory_space<semaphore_mem>>) {add = true}
      %dma_start3A_807 = arith.constant 2 : i32
      %dma_start3A_808 = arith.constant 0 : i32
      %dma_start3A_809 = tpu.memref_slice %arg20[%dma_start3A_807, %dma_start3A_808] : memref<5x128xi32, #tpu.memory_space<vmem>> -> memref<1x128xi32, #tpu.memory_space<vmem>>
      %dma_start3A_810 = tpu.memref_squeeze %dma_start3A_809 : memref<1x128xi32, #tpu.memory_space<vmem>> -> memref<128xi32, #tpu.memory_space<vmem>>
      %dma_start3A_811 = arith.constant 0 : i32
      %dma_start3A_812 = arith.constant 0 : i32
      %dma_start3A_813 = tpu.memref_slice %arg14[%dma_start3A_811, %dma_start3A_812] : memref<10240x16xf32, #tpu.memory_space<vmem_shared>> -> memref<10240x16xf32, #tpu.memory_space<vmem_shared>>
      tpu.enqueue_indirect_dma source(%arg25 : memref<128x16xf32, #tpu.memory_space<vmem>>) target(%dma_start3A_813 : memref<10240x16xf32, #tpu.memory_space<vmem_shared>>) offsets(%dma_start3A_810 : memref<128xi32, #tpu.memory_space<vmem>>) semaphore(%arg30 : memref<!tpu.dma_semaphore, #tpu.memory_space<semaphore_mem>>) {add = true}
      %dma_start3A_814 = arith.constant 3 : i32
      %dma_start3A_815 = arith.constant 384 : i32
      %dma_start3A_816 = arith.constant 0 : i32
      %dma_start3A_817 = tpu.memref_slice %arg22[%dma_start3A_815, %dma_start3A_816] : memref<640x64xf32, #tpu.memory_space<vmem>> -> memref<128x64xf32, #tpu.memory_space<vmem>>
      %dma_start3A_818 = arith.constant 0 : i32
      %dma_start3A_819 = tpu.memref_slice %arg18[%dma_start3A_814, %dma_start3A_818] : memref<5x128xi32, #tpu.memory_space<vmem>> -> memref<1x128xi32, #tpu.memory_space<vmem>>
      %dma_start3A_820 = tpu.memref_squeeze %dma_start3A_819 : memref<1x128xi32, #tpu.memory_space<vmem>> -> memref<128xi32, #tpu.memory_space<vmem>>
      %dma_start3A_821 = arith.constant 0 : i32
      %dma_start3A_822 = arith.constant 0 : i32
      %dma_start3A_823 = tpu.memref_slice %arg12[%dma_start3A_821, %dma_start3A_822] : memref<2560x64xf32, #tpu.memory_space<vmem_shared>> -> memref<2560x64xf32, #tpu.memory_space<vmem_shared>>
      tpu.enqueue_indirect_dma source(%dma_start3A_817 : memref<128x64xf32, #tpu.memory_space<vmem>>) target(%dma_start3A_823 : memref<2560x64xf32, #tpu.memory_space<vmem_shared>>) offsets(%dma_start3A_820 : memref<128xi32, #tpu.memory_space<vmem>>) semaphore(%arg30 : memref<!tpu.dma_semaphore, #tpu.memory_space<semaphore_mem>>) {add = true}
      %dma_start3A_824 = arith.constant 3 : i32
      %dma_start3A_825 = arith.constant 0 : i32
      %dma_start3A_826 = tpu.memref_slice %arg18[%dma_start3A_824, %dma_start3A_825] : memref<5x128xi32, #tpu.memory_space<vmem>> -> memref<1x128xi32, #tpu.memory_space<vmem>>
      %dma_start3A_827 = tpu.memref_squeeze %dma_start3A_826 : memref<1x128xi32, #tpu.memory_space<vmem>> -> memref<128xi32, #tpu.memory_space<vmem>>
      %dma_start3A_828 = arith.constant 0 : i32
      %dma_start3A_829 = arith.constant 0 : i32
      %dma_start3A_830 = tpu.memref_slice %arg13[%dma_start3A_828, %dma_start3A_829] : memref<2560x16xf32, #tpu.memory_space<vmem_shared>> -> memref<2560x16xf32, #tpu.memory_space<vmem_shared>>
      tpu.enqueue_indirect_dma source(%arg25 : memref<128x16xf32, #tpu.memory_space<vmem>>) target(%dma_start3A_830 : memref<2560x16xf32, #tpu.memory_space<vmem_shared>>) offsets(%dma_start3A_827 : memref<128xi32, #tpu.memory_space<vmem>>) semaphore(%arg30 : memref<!tpu.dma_semaphore, #tpu.memory_space<semaphore_mem>>) {add = true}
      %dma_start3A_831 = arith.constant 3 : i32
      %dma_start3A_832 = arith.constant 0 : i32
      %dma_start3A_833 = tpu.memref_slice %arg20[%dma_start3A_831, %dma_start3A_832] : memref<5x128xi32, #tpu.memory_space<vmem>> -> memref<1x128xi32, #tpu.memory_space<vmem>>
      %dma_start3A_834 = tpu.memref_squeeze %dma_start3A_833 : memref<1x128xi32, #tpu.memory_space<vmem>> -> memref<128xi32, #tpu.memory_space<vmem>>
      %dma_start3A_835 = arith.constant 0 : i32
      %dma_start3A_836 = arith.constant 0 : i32
      %dma_start3A_837 = tpu.memref_slice %arg14[%dma_start3A_835, %dma_start3A_836] : memref<10240x16xf32, #tpu.memory_space<vmem_shared>> -> memref<10240x16xf32, #tpu.memory_space<vmem_shared>>
      tpu.enqueue_indirect_dma source(%arg25 : memref<128x16xf32, #tpu.memory_space<vmem>>) target(%dma_start3A_837 : memref<10240x16xf32, #tpu.memory_space<vmem_shared>>) offsets(%dma_start3A_834 : memref<128xi32, #tpu.memory_space<vmem>>) semaphore(%arg30 : memref<!tpu.dma_semaphore, #tpu.memory_space<semaphore_mem>>) {add = true}
      %dma_start3A_838 = arith.constant 4 : i32
      %dma_start3A_839 = arith.constant 512 : i32
      %dma_start3A_840 = arith.constant 0 : i32
      %dma_start3A_841 = tpu.memref_slice %arg22[%dma_start3A_839, %dma_start3A_840] : memref<640x64xf32, #tpu.memory_space<vmem>> -> memref<128x64xf32, #tpu.memory_space<vmem>>
      %dma_start3A_842 = arith.constant 0 : i32
      %dma_start3A_843 = tpu.memref_slice %arg18[%dma_start3A_838, %dma_start3A_842] : memref<5x128xi32, #tpu.memory_space<vmem>> -> memref<1x128xi32, #tpu.memory_space<vmem>>
      %dma_start3A_844 = tpu.memref_squeeze %dma_start3A_843 : memref<1x128xi32, #tpu.memory_space<vmem>> -> memref<128xi32, #tpu.memory_space<vmem>>
      %dma_start3A_845 = arith.constant 0 : i32
      %dma_start3A_846 = arith.constant 0 : i32
      %dma_start3A_847 = tpu.memref_slice %arg12[%dma_start3A_845, %dma_start3A_846] : memref<2560x64xf32, #tpu.memory_space<vmem_shared>> -> memref<2560x64xf32, #tpu.memory_space<vmem_shared>>
      tpu.enqueue_indirect_dma source(%dma_start3A_841 : memref<128x64xf32, #tpu.memory_space<vmem>>) target(%dma_start3A_847 : memref<2560x64xf32, #tpu.memory_space<vmem_shared>>) offsets(%dma_start3A_844 : memref<128xi32, #tpu.memory_space<vmem>>) semaphore(%arg30 : memref<!tpu.dma_semaphore, #tpu.memory_space<semaphore_mem>>) {add = true}
      %dma_start3A_848 = arith.constant 4 : i32
      %dma_start3A_849 = arith.constant 0 : i32
      %dma_start3A_850 = tpu.memref_slice %arg18[%dma_start3A_848, %dma_start3A_849] : memref<5x128xi32, #tpu.memory_space<vmem>> -> memref<1x128xi32, #tpu.memory_space<vmem>>
      %dma_start3A_851 = tpu.memref_squeeze %dma_start3A_850 : memref<1x128xi32, #tpu.memory_space<vmem>> -> memref<128xi32, #tpu.memory_space<vmem>>
      %dma_start3A_852 = arith.constant 0 : i32
      %dma_start3A_853 = arith.constant 0 : i32
      %dma_start3A_854 = tpu.memref_slice %arg13[%dma_start3A_852, %dma_start3A_853] : memref<2560x16xf32, #tpu.memory_space<vmem_shared>> -> memref<2560x16xf32, #tpu.memory_space<vmem_shared>>
      tpu.enqueue_indirect_dma source(%arg25 : memref<128x16xf32, #tpu.memory_space<vmem>>) target(%dma_start3A_854 : memref<2560x16xf32, #tpu.memory_space<vmem_shared>>) offsets(%dma_start3A_851 : memref<128xi32, #tpu.memory_space<vmem>>) semaphore(%arg30 : memref<!tpu.dma_semaphore, #tpu.memory_space<semaphore_mem>>) {add = true}
      %dma_start3A_855 = arith.constant 4 : i32
      %dma_start3A_856 = arith.constant 0 : i32
      %dma_start3A_857 = tpu.memref_slice %arg20[%dma_start3A_855, %dma_start3A_856] : memref<5x128xi32, #tpu.memory_space<vmem>> -> memref<1x128xi32, #tpu.memory_space<vmem>>
      %dma_start3A_858 = tpu.memref_squeeze %dma_start3A_857 : memref<1x128xi32, #tpu.memory_space<vmem>> -> memref<128xi32, #tpu.memory_space<vmem>>
      %dma_start3A_859 = arith.constant 0 : i32
      %dma_start3A_860 = arith.constant 0 : i32
      %dma_start3A_861 = tpu.memref_slice %arg14[%dma_start3A_859, %dma_start3A_860] : memref<10240x16xf32, #tpu.memory_space<vmem_shared>> -> memref<10240x16xf32, #tpu.memory_space<vmem_shared>>
      tpu.enqueue_indirect_dma source(%arg25 : memref<128x16xf32, #tpu.memory_space<vmem>>) target(%dma_start3A_861 : memref<10240x16xf32, #tpu.memory_space<vmem_shared>>) offsets(%dma_start3A_858 : memref<128xi32, #tpu.memory_space<vmem>>) semaphore(%arg30 : memref<!tpu.dma_semaphore, #tpu.memory_space<semaphore_mem>>) {add = true}
      %dma_wait3A_862 = arith.constant 0 : i32
      %dma_wait3A_863 = arith.constant 0 : i32
      %dma_wait3A_864 = arith.constant 0 : i32
      %dma_wait3A_865 = tpu.memref_slice %arg22[%dma_wait3A_863, %dma_wait3A_864] : memref<640x64xf32, #tpu.memory_space<vmem>> -> memref<128x64xf32, #tpu.memory_space<vmem>>
      %dma_wait3A_866 = arith.constant 0 : i32
      %dma_wait3A_867 = tpu.memref_slice %arg18[%dma_wait3A_862, %dma_wait3A_866] : memref<5x128xi32, #tpu.memory_space<vmem>> -> memref<1x128xi32, #tpu.memory_space<vmem>>
      %dma_wait3A_868 = tpu.memref_squeeze %dma_wait3A_867 : memref<1x128xi32, #tpu.memory_space<vmem>> -> memref<128xi32, #tpu.memory_space<vmem>>
      %dma_wait3A_869 = arith.constant 0 : i32
      %dma_wait3A_870 = arith.constant 0 : i32
      %dma_wait3A_871 = tpu.memref_slice %arg12[%dma_wait3A_869, %dma_wait3A_870] : memref<2560x64xf32, #tpu.memory_space<vmem_shared>> -> memref<2560x64xf32, #tpu.memory_space<vmem_shared>>
      tpu.wait_indirect_dma semaphore(%arg30 : memref<!tpu.dma_semaphore, #tpu.memory_space<semaphore_mem>>) src(%dma_wait3A_865 : memref<128x64xf32, #tpu.memory_space<vmem>>) dst(%dma_wait3A_871 : memref<2560x64xf32, #tpu.memory_space<vmem_shared>>)
      %dma_wait3A_872 = arith.constant 0 : i32
      %dma_wait3A_873 = arith.constant 0 : i32
      %dma_wait3A_874 = tpu.memref_slice %arg18[%dma_wait3A_872, %dma_wait3A_873] : memref<5x128xi32, #tpu.memory_space<vmem>> -> memref<1x128xi32, #tpu.memory_space<vmem>>
      %dma_wait3A_875 = tpu.memref_squeeze %dma_wait3A_874 : memref<1x128xi32, #tpu.memory_space<vmem>> -> memref<128xi32, #tpu.memory_space<vmem>>
      %dma_wait3A_876 = arith.constant 0 : i32
      %dma_wait3A_877 = arith.constant 0 : i32
      %dma_wait3A_878 = tpu.memref_slice %arg13[%dma_wait3A_876, %dma_wait3A_877] : memref<2560x16xf32, #tpu.memory_space<vmem_shared>> -> memref<2560x16xf32, #tpu.memory_space<vmem_shared>>
      tpu.wait_indirect_dma semaphore(%arg30 : memref<!tpu.dma_semaphore, #tpu.memory_space<semaphore_mem>>) src(%arg25 : memref<128x16xf32, #tpu.memory_space<vmem>>) dst(%dma_wait3A_878 : memref<2560x16xf32, #tpu.memory_space<vmem_shared>>)
      %dma_wait3A_879 = arith.constant 0 : i32
      %dma_wait3A_880 = arith.constant 0 : i32
      %dma_wait3A_881 = tpu.memref_slice %arg20[%dma_wait3A_879, %dma_wait3A_880] : memref<5x128xi32, #tpu.memory_space<vmem>> -> memref<1x128xi32, #tpu.memory_space<vmem>>
      %dma_wait3A_882 = tpu.memref_squeeze %dma_wait3A_881 : memref<1x128xi32, #tpu.memory_space<vmem>> -> memref<128xi32, #tpu.memory_space<vmem>>
      %dma_wait3A_883 = arith.constant 0 : i32
      %dma_wait3A_884 = arith.constant 0 : i32
      %dma_wait3A_885 = tpu.memref_slice %arg14[%dma_wait3A_883, %dma_wait3A_884] : memref<10240x16xf32, #tpu.memory_space<vmem_shared>> -> memref<10240x16xf32, #tpu.memory_space<vmem_shared>>
      tpu.wait_indirect_dma semaphore(%arg30 : memref<!tpu.dma_semaphore, #tpu.memory_space<semaphore_mem>>) src(%arg25 : memref<128x16xf32, #tpu.memory_space<vmem>>) dst(%dma_wait3A_885 : memref<10240x16xf32, #tpu.memory_space<vmem_shared>>)
      %dma_wait3A_886 = arith.constant 1 : i32
      %dma_wait3A_887 = arith.constant 128 : i32
      %dma_wait3A_888 = arith.constant 0 : i32
      %dma_wait3A_889 = tpu.memref_slice %arg22[%dma_wait3A_887, %dma_wait3A_888] : memref<640x64xf32, #tpu.memory_space<vmem>> -> memref<128x64xf32, #tpu.memory_space<vmem>>
      %dma_wait3A_890 = arith.constant 0 : i32
      %dma_wait3A_891 = tpu.memref_slice %arg18[%dma_wait3A_886, %dma_wait3A_890] : memref<5x128xi32, #tpu.memory_space<vmem>> -> memref<1x128xi32, #tpu.memory_space<vmem>>
      %dma_wait3A_892 = tpu.memref_squeeze %dma_wait3A_891 : memref<1x128xi32, #tpu.memory_space<vmem>> -> memref<128xi32, #tpu.memory_space<vmem>>
      %dma_wait3A_893 = arith.constant 0 : i32
      %dma_wait3A_894 = arith.constant 0 : i32
      %dma_wait3A_895 = tpu.memref_slice %arg12[%dma_wait3A_893, %dma_wait3A_894] : memref<2560x64xf32, #tpu.memory_space<vmem_shared>> -> memref<2560x64xf32, #tpu.memory_space<vmem_shared>>
      tpu.wait_indirect_dma semaphore(%arg30 : memref<!tpu.dma_semaphore, #tpu.memory_space<semaphore_mem>>) src(%dma_wait3A_889 : memref<128x64xf32, #tpu.memory_space<vmem>>) dst(%dma_wait3A_895 : memref<2560x64xf32, #tpu.memory_space<vmem_shared>>)
      %dma_wait3A_896 = arith.constant 1 : i32
      %dma_wait3A_897 = arith.constant 0 : i32
      %dma_wait3A_898 = tpu.memref_slice %arg18[%dma_wait3A_896, %dma_wait3A_897] : memref<5x128xi32, #tpu.memory_space<vmem>> -> memref<1x128xi32, #tpu.memory_space<vmem>>
      %dma_wait3A_899 = tpu.memref_squeeze %dma_wait3A_898 : memref<1x128xi32, #tpu.memory_space<vmem>> -> memref<128xi32, #tpu.memory_space<vmem>>
      %dma_wait3A_900 = arith.constant 0 : i32
      %dma_wait3A_901 = arith.constant 0 : i32
      %dma_wait3A_902 = tpu.memref_slice %arg13[%dma_wait3A_900, %dma_wait3A_901] : memref<2560x16xf32, #tpu.memory_space<vmem_shared>> -> memref<2560x16xf32, #tpu.memory_space<vmem_shared>>
      tpu.wait_indirect_dma semaphore(%arg30 : memref<!tpu.dma_semaphore, #tpu.memory_space<semaphore_mem>>) src(%arg25 : memref<128x16xf32, #tpu.memory_space<vmem>>) dst(%dma_wait3A_902 : memref<2560x16xf32, #tpu.memory_space<vmem_shared>>)
      %dma_wait3A_903 = arith.constant 1 : i32
      %dma_wait3A_904 = arith.constant 0 : i32
      %dma_wait3A_905 = tpu.memref_slice %arg20[%dma_wait3A_903, %dma_wait3A_904] : memref<5x128xi32, #tpu.memory_space<vmem>> -> memref<1x128xi32, #tpu.memory_space<vmem>>
      %dma_wait3A_906 = tpu.memref_squeeze %dma_wait3A_905 : memref<1x128xi32, #tpu.memory_space<vmem>> -> memref<128xi32, #tpu.memory_space<vmem>>
      %dma_wait3A_907 = arith.constant 0 : i32
      %dma_wait3A_908 = arith.constant 0 : i32
      %dma_wait3A_909 = tpu.memref_slice %arg14[%dma_wait3A_907, %dma_wait3A_908] : memref<10240x16xf32, #tpu.memory_space<vmem_shared>> -> memref<10240x16xf32, #tpu.memory_space<vmem_shared>>
      tpu.wait_indirect_dma semaphore(%arg30 : memref<!tpu.dma_semaphore, #tpu.memory_space<semaphore_mem>>) src(%arg25 : memref<128x16xf32, #tpu.memory_space<vmem>>) dst(%dma_wait3A_909 : memref<10240x16xf32, #tpu.memory_space<vmem_shared>>)
      %dma_wait3A_910 = arith.constant 2 : i32
      %dma_wait3A_911 = arith.constant 256 : i32
      %dma_wait3A_912 = arith.constant 0 : i32
      %dma_wait3A_913 = tpu.memref_slice %arg22[%dma_wait3A_911, %dma_wait3A_912] : memref<640x64xf32, #tpu.memory_space<vmem>> -> memref<128x64xf32, #tpu.memory_space<vmem>>
      %dma_wait3A_914 = arith.constant 0 : i32
      %dma_wait3A_915 = tpu.memref_slice %arg18[%dma_wait3A_910, %dma_wait3A_914] : memref<5x128xi32, #tpu.memory_space<vmem>> -> memref<1x128xi32, #tpu.memory_space<vmem>>
      %dma_wait3A_916 = tpu.memref_squeeze %dma_wait3A_915 : memref<1x128xi32, #tpu.memory_space<vmem>> -> memref<128xi32, #tpu.memory_space<vmem>>
      %dma_wait3A_917 = arith.constant 0 : i32
      %dma_wait3A_918 = arith.constant 0 : i32
      %dma_wait3A_919 = tpu.memref_slice %arg12[%dma_wait3A_917, %dma_wait3A_918] : memref<2560x64xf32, #tpu.memory_space<vmem_shared>> -> memref<2560x64xf32, #tpu.memory_space<vmem_shared>>
      tpu.wait_indirect_dma semaphore(%arg30 : memref<!tpu.dma_semaphore, #tpu.memory_space<semaphore_mem>>) src(%dma_wait3A_913 : memref<128x64xf32, #tpu.memory_space<vmem>>) dst(%dma_wait3A_919 : memref<2560x64xf32, #tpu.memory_space<vmem_shared>>)
      %dma_wait3A_920 = arith.constant 2 : i32
      %dma_wait3A_921 = arith.constant 0 : i32
      %dma_wait3A_922 = tpu.memref_slice %arg18[%dma_wait3A_920, %dma_wait3A_921] : memref<5x128xi32, #tpu.memory_space<vmem>> -> memref<1x128xi32, #tpu.memory_space<vmem>>
      %dma_wait3A_923 = tpu.memref_squeeze %dma_wait3A_922 : memref<1x128xi32, #tpu.memory_space<vmem>> -> memref<128xi32, #tpu.memory_space<vmem>>
      %dma_wait3A_924 = arith.constant 0 : i32
      %dma_wait3A_925 = arith.constant 0 : i32
      %dma_wait3A_926 = tpu.memref_slice %arg13[%dma_wait3A_924, %dma_wait3A_925] : memref<2560x16xf32, #tpu.memory_space<vmem_shared>> -> memref<2560x16xf32, #tpu.memory_space<vmem_shared>>
      tpu.wait_indirect_dma semaphore(%arg30 : memref<!tpu.dma_semaphore, #tpu.memory_space<semaphore_mem>>) src(%arg25 : memref<128x16xf32, #tpu.memory_space<vmem>>) dst(%dma_wait3A_926 : memref<2560x16xf32, #tpu.memory_space<vmem_shared>>)
      %dma_wait3A_927 = arith.constant 2 : i32
      %dma_wait3A_928 = arith.constant 0 : i32
      %dma_wait3A_929 = tpu.memref_slice %arg20[%dma_wait3A_927, %dma_wait3A_928] : memref<5x128xi32, #tpu.memory_space<vmem>> -> memref<1x128xi32, #tpu.memory_space<vmem>>
      %dma_wait3A_930 = tpu.memref_squeeze %dma_wait3A_929 : memref<1x128xi32, #tpu.memory_space<vmem>> -> memref<128xi32, #tpu.memory_space<vmem>>
      %dma_wait3A_931 = arith.constant 0 : i32
      %dma_wait3A_932 = arith.constant 0 : i32
      %dma_wait3A_933 = tpu.memref_slice %arg14[%dma_wait3A_931, %dma_wait3A_932] : memref<10240x16xf32, #tpu.memory_space<vmem_shared>> -> memref<10240x16xf32, #tpu.memory_space<vmem_shared>>
      tpu.wait_indirect_dma semaphore(%arg30 : memref<!tpu.dma_semaphore, #tpu.memory_space<semaphore_mem>>) src(%arg25 : memref<128x16xf32, #tpu.memory_space<vmem>>) dst(%dma_wait3A_933 : memref<10240x16xf32, #tpu.memory_space<vmem_shared>>)
      %dma_wait3A_934 = arith.constant 3 : i32
      %dma_wait3A_935 = arith.constant 384 : i32
      %dma_wait3A_936 = arith.constant 0 : i32
      %dma_wait3A_937 = tpu.memref_slice %arg22[%dma_wait3A_935, %dma_wait3A_936] : memref<640x64xf32, #tpu.memory_space<vmem>> -> memref<128x64xf32, #tpu.memory_space<vmem>>
      %dma_wait3A_938 = arith.constant 0 : i32
      %dma_wait3A_939 = tpu.memref_slice %arg18[%dma_wait3A_934, %dma_wait3A_938] : memref<5x128xi32, #tpu.memory_space<vmem>> -> memref<1x128xi32, #tpu.memory_space<vmem>>
      %dma_wait3A_940 = tpu.memref_squeeze %dma_wait3A_939 : memref<1x128xi32, #tpu.memory_space<vmem>> -> memref<128xi32, #tpu.memory_space<vmem>>
      %dma_wait3A_941 = arith.constant 0 : i32
      %dma_wait3A_942 = arith.constant 0 : i32
      %dma_wait3A_943 = tpu.memref_slice %arg12[%dma_wait3A_941, %dma_wait3A_942] : memref<2560x64xf32, #tpu.memory_space<vmem_shared>> -> memref<2560x64xf32, #tpu.memory_space<vmem_shared>>
      tpu.wait_indirect_dma semaphore(%arg30 : memref<!tpu.dma_semaphore, #tpu.memory_space<semaphore_mem>>) src(%dma_wait3A_937 : memref<128x64xf32, #tpu.memory_space<vmem>>) dst(%dma_wait3A_943 : memref<2560x64xf32, #tpu.memory_space<vmem_shared>>)
      %dma_wait3A_944 = arith.constant 3 : i32
      %dma_wait3A_945 = arith.constant 0 : i32
      %dma_wait3A_946 = tpu.memref_slice %arg18[%dma_wait3A_944, %dma_wait3A_945] : memref<5x128xi32, #tpu.memory_space<vmem>> -> memref<1x128xi32, #tpu.memory_space<vmem>>
      %dma_wait3A_947 = tpu.memref_squeeze %dma_wait3A_946 : memref<1x128xi32, #tpu.memory_space<vmem>> -> memref<128xi32, #tpu.memory_space<vmem>>
      %dma_wait3A_948 = arith.constant 0 : i32
      %dma_wait3A_949 = arith.constant 0 : i32
      %dma_wait3A_950 = tpu.memref_slice %arg13[%dma_wait3A_948, %dma_wait3A_949] : memref<2560x16xf32, #tpu.memory_space<vmem_shared>> -> memref<2560x16xf32, #tpu.memory_space<vmem_shared>>
      tpu.wait_indirect_dma semaphore(%arg30 : memref<!tpu.dma_semaphore, #tpu.memory_space<semaphore_mem>>) src(%arg25 : memref<128x16xf32, #tpu.memory_space<vmem>>) dst(%dma_wait3A_950 : memref<2560x16xf32, #tpu.memory_space<vmem_shared>>)
      %dma_wait3A_951 = arith.constant 3 : i32
      %dma_wait3A_952 = arith.constant 0 : i32
      %dma_wait3A_953 = tpu.memref_slice %arg20[%dma_wait3A_951, %dma_wait3A_952] : memref<5x128xi32, #tpu.memory_space<vmem>> -> memref<1x128xi32, #tpu.memory_space<vmem>>
      %dma_wait3A_954 = tpu.memref_squeeze %dma_wait3A_953 : memref<1x128xi32, #tpu.memory_space<vmem>> -> memref<128xi32, #tpu.memory_space<vmem>>
      %dma_wait3A_955 = arith.constant 0 : i32
      %dma_wait3A_956 = arith.constant 0 : i32
      %dma_wait3A_957 = tpu.memref_slice %arg14[%dma_wait3A_955, %dma_wait3A_956] : memref<10240x16xf32, #tpu.memory_space<vmem_shared>> -> memref<10240x16xf32, #tpu.memory_space<vmem_shared>>
      tpu.wait_indirect_dma semaphore(%arg30 : memref<!tpu.dma_semaphore, #tpu.memory_space<semaphore_mem>>) src(%arg25 : memref<128x16xf32, #tpu.memory_space<vmem>>) dst(%dma_wait3A_957 : memref<10240x16xf32, #tpu.memory_space<vmem_shared>>)
      %dma_wait3A_958 = arith.constant 4 : i32
      %dma_wait3A_959 = arith.constant 512 : i32
      %dma_wait3A_960 = arith.constant 0 : i32
      %dma_wait3A_961 = tpu.memref_slice %arg22[%dma_wait3A_959, %dma_wait3A_960] : memref<640x64xf32, #tpu.memory_space<vmem>> -> memref<128x64xf32, #tpu.memory_space<vmem>>
      %dma_wait3A_962 = arith.constant 0 : i32
      %dma_wait3A_963 = tpu.memref_slice %arg18[%dma_wait3A_958, %dma_wait3A_962] : memref<5x128xi32, #tpu.memory_space<vmem>> -> memref<1x128xi32, #tpu.memory_space<vmem>>
      %dma_wait3A_964 = tpu.memref_squeeze %dma_wait3A_963 : memref<1x128xi32, #tpu.memory_space<vmem>> -> memref<128xi32, #tpu.memory_space<vmem>>
      %dma_wait3A_965 = arith.constant 0 : i32
      %dma_wait3A_966 = arith.constant 0 : i32
      %dma_wait3A_967 = tpu.memref_slice %arg12[%dma_wait3A_965, %dma_wait3A_966] : memref<2560x64xf32, #tpu.memory_space<vmem_shared>> -> memref<2560x64xf32, #tpu.memory_space<vmem_shared>>
      tpu.wait_indirect_dma semaphore(%arg30 : memref<!tpu.dma_semaphore, #tpu.memory_space<semaphore_mem>>) src(%dma_wait3A_961 : memref<128x64xf32, #tpu.memory_space<vmem>>) dst(%dma_wait3A_967 : memref<2560x64xf32, #tpu.memory_space<vmem_shared>>)
      %dma_wait3A_968 = arith.constant 4 : i32
      %dma_wait3A_969 = arith.constant 0 : i32
      %dma_wait3A_970 = tpu.memref_slice %arg18[%dma_wait3A_968, %dma_wait3A_969] : memref<5x128xi32, #tpu.memory_space<vmem>> -> memref<1x128xi32, #tpu.memory_space<vmem>>
      %dma_wait3A_971 = tpu.memref_squeeze %dma_wait3A_970 : memref<1x128xi32, #tpu.memory_space<vmem>> -> memref<128xi32, #tpu.memory_space<vmem>>
      %dma_wait3A_972 = arith.constant 0 : i32
      %dma_wait3A_973 = arith.constant 0 : i32
      %dma_wait3A_974 = tpu.memref_slice %arg13[%dma_wait3A_972, %dma_wait3A_973] : memref<2560x16xf32, #tpu.memory_space<vmem_shared>> -> memref<2560x16xf32, #tpu.memory_space<vmem_shared>>
      tpu.wait_indirect_dma semaphore(%arg30 : memref<!tpu.dma_semaphore, #tpu.memory_space<semaphore_mem>>) src(%arg25 : memref<128x16xf32, #tpu.memory_space<vmem>>) dst(%dma_wait3A_974 : memref<2560x16xf32, #tpu.memory_space<vmem_shared>>)
      %dma_wait3A_975 = arith.constant 4 : i32
      %dma_wait3A_976 = arith.constant 0 : i32
      %dma_wait3A_977 = tpu.memref_slice %arg20[%dma_wait3A_975, %dma_wait3A_976] : memref<5x128xi32, #tpu.memory_space<vmem>> -> memref<1x128xi32, #tpu.memory_space<vmem>>
      %dma_wait3A_978 = tpu.memref_squeeze %dma_wait3A_977 : memref<1x128xi32, #tpu.memory_space<vmem>> -> memref<128xi32, #tpu.memory_space<vmem>>
      %dma_wait3A_979 = arith.constant 0 : i32
      %dma_wait3A_980 = arith.constant 0 : i32
      %dma_wait3A_981 = tpu.memref_slice %arg14[%dma_wait3A_979, %dma_wait3A_980] : memref<10240x16xf32, #tpu.memory_space<vmem_shared>> -> memref<10240x16xf32, #tpu.memory_space<vmem_shared>>
      tpu.wait_indirect_dma semaphore(%arg30 : memref<!tpu.dma_semaphore, #tpu.memory_space<semaphore_mem>>) src(%arg25 : memref<128x16xf32, #tpu.memory_space<vmem>>) dst(%dma_wait3A_981 : memref<10240x16xf32, #tpu.memory_space<vmem_shared>>)
    }
    %scan3A_87 = arith.constant 16 : i32
    %dma_wait3A = arith.constant 0 : i32
    %dma_wait3A_88 = arith.constant 0 : i32
    %dma_wait3A_89 = arith.constant 0 : i32
    %dma_wait3A_90 = tpu.memref_slice %arg21[%dma_wait3A_88, %dma_wait3A_89] : memref<640x64xf32, #tpu.memory_space<vmem>> -> memref<128x64xf32, #tpu.memory_space<vmem>>
    %dma_wait3A_91 = arith.constant 0 : i32
    %dma_wait3A_92 = tpu.memref_slice %arg15[%dma_wait3A, %dma_wait3A_91] : memref<5x128xi32, #tpu.memory_space<vmem>> -> memref<1x128xi32, #tpu.memory_space<vmem>>
    %dma_wait3A_93 = tpu.memref_squeeze %dma_wait3A_92 : memref<1x128xi32, #tpu.memory_space<vmem>> -> memref<128xi32, #tpu.memory_space<vmem>>
    %dma_wait3A_94 = arith.constant 0 : i32
    %dma_wait3A_95 = arith.constant 0 : i32
    %dma_wait3A_96 = tpu.memref_slice %arg2[%arg0, %dma_wait3A_94, %dma_wait3A_95] : memref<2x10240x64xf32, #tpu.memory_space<hbm>> -> memref<1x10240x64xf32, #tpu.memory_space<hbm>>
    %dma_wait3A_97 = tpu.memref_squeeze %dma_wait3A_96 : memref<1x10240x64xf32, #tpu.memory_space<hbm>> -> memref<10240x64xf32, #tpu.memory_space<hbm>>
    %dma_wait3A_98 = arith.constant 0 : i32
    %dma_wait3A_99 = arith.constant 0 : i32
    %dma_wait3A_100 = tpu.memref_slice %dma_wait3A_97[%dma_wait3A_98, %dma_wait3A_99] : memref<10240x64xf32, #tpu.memory_space<hbm>> -> memref<10240x64xf32, #tpu.memory_space<hbm>>
    tpu.wait_indirect_dma semaphore(%arg27 : memref<!tpu.dma_semaphore, #tpu.memory_space<semaphore_mem>>) src(%dma_wait3A_100 : memref<10240x64xf32, #tpu.memory_space<hbm>>) dst(%dma_wait3A_90 : memref<128x64xf32, #tpu.memory_space<vmem>>)
    %dma_wait3A_101 = arith.constant 1 : i32
    %dma_wait3A_102 = arith.constant 128 : i32
    %dma_wait3A_103 = arith.constant 0 : i32
    %dma_wait3A_104 = tpu.memref_slice %arg21[%dma_wait3A_102, %dma_wait3A_103] : memref<640x64xf32, #tpu.memory_space<vmem>> -> memref<128x64xf32, #tpu.memory_space<vmem>>
    %dma_wait3A_105 = arith.constant 0 : i32
    %dma_wait3A_106 = tpu.memref_slice %arg15[%dma_wait3A_101, %dma_wait3A_105] : memref<5x128xi32, #tpu.memory_space<vmem>> -> memref<1x128xi32, #tpu.memory_space<vmem>>
    %dma_wait3A_107 = tpu.memref_squeeze %dma_wait3A_106 : memref<1x128xi32, #tpu.memory_space<vmem>> -> memref<128xi32, #tpu.memory_space<vmem>>
    %dma_wait3A_108 = arith.constant 0 : i32
    %dma_wait3A_109 = arith.constant 0 : i32
    %dma_wait3A_110 = tpu.memref_slice %arg2[%arg0, %dma_wait3A_108, %dma_wait3A_109] : memref<2x10240x64xf32, #tpu.memory_space<hbm>> -> memref<1x10240x64xf32, #tpu.memory_space<hbm>>
    %dma_wait3A_111 = tpu.memref_squeeze %dma_wait3A_110 : memref<1x10240x64xf32, #tpu.memory_space<hbm>> -> memref<10240x64xf32, #tpu.memory_space<hbm>>
    %dma_wait3A_112 = arith.constant 0 : i32
    %dma_wait3A_113 = arith.constant 0 : i32
    %dma_wait3A_114 = tpu.memref_slice %dma_wait3A_111[%dma_wait3A_112, %dma_wait3A_113] : memref<10240x64xf32, #tpu.memory_space<hbm>> -> memref<10240x64xf32, #tpu.memory_space<hbm>>
    tpu.wait_indirect_dma semaphore(%arg27 : memref<!tpu.dma_semaphore, #tpu.memory_space<semaphore_mem>>) src(%dma_wait3A_114 : memref<10240x64xf32, #tpu.memory_space<hbm>>) dst(%dma_wait3A_104 : memref<128x64xf32, #tpu.memory_space<vmem>>)
    %dma_wait3A_115 = arith.constant 2 : i32
    %dma_wait3A_116 = arith.constant 256 : i32
    %dma_wait3A_117 = arith.constant 0 : i32
    %dma_wait3A_118 = tpu.memref_slice %arg21[%dma_wait3A_116, %dma_wait3A_117] : memref<640x64xf32, #tpu.memory_space<vmem>> -> memref<128x64xf32, #tpu.memory_space<vmem>>
    %dma_wait3A_119 = arith.constant 0 : i32
    %dma_wait3A_120 = tpu.memref_slice %arg15[%dma_wait3A_115, %dma_wait3A_119] : memref<5x128xi32, #tpu.memory_space<vmem>> -> memref<1x128xi32, #tpu.memory_space<vmem>>
    %dma_wait3A_121 = tpu.memref_squeeze %dma_wait3A_120 : memref<1x128xi32, #tpu.memory_space<vmem>> -> memref<128xi32, #tpu.memory_space<vmem>>
    %dma_wait3A_122 = arith.constant 0 : i32
    %dma_wait3A_123 = arith.constant 0 : i32
    %dma_wait3A_124 = tpu.memref_slice %arg2[%arg0, %dma_wait3A_122, %dma_wait3A_123] : memref<2x10240x64xf32, #tpu.memory_space<hbm>> -> memref<1x10240x64xf32, #tpu.memory_space<hbm>>
    %dma_wait3A_125 = tpu.memref_squeeze %dma_wait3A_124 : memref<1x10240x64xf32, #tpu.memory_space<hbm>> -> memref<10240x64xf32, #tpu.memory_space<hbm>>
    %dma_wait3A_126 = arith.constant 0 : i32
    %dma_wait3A_127 = arith.constant 0 : i32
    %dma_wait3A_128 = tpu.memref_slice %dma_wait3A_125[%dma_wait3A_126, %dma_wait3A_127] : memref<10240x64xf32, #tpu.memory_space<hbm>> -> memref<10240x64xf32, #tpu.memory_space<hbm>>
    tpu.wait_indirect_dma semaphore(%arg27 : memref<!tpu.dma_semaphore, #tpu.memory_space<semaphore_mem>>) src(%dma_wait3A_128 : memref<10240x64xf32, #tpu.memory_space<hbm>>) dst(%dma_wait3A_118 : memref<128x64xf32, #tpu.memory_space<vmem>>)
    %dma_wait3A_129 = arith.constant 3 : i32
    %dma_wait3A_130 = arith.constant 384 : i32
    %dma_wait3A_131 = arith.constant 0 : i32
    %dma_wait3A_132 = tpu.memref_slice %arg21[%dma_wait3A_130, %dma_wait3A_131] : memref<640x64xf32, #tpu.memory_space<vmem>> -> memref<128x64xf32, #tpu.memory_space<vmem>>
    %dma_wait3A_133 = arith.constant 0 : i32
    %dma_wait3A_134 = tpu.memref_slice %arg15[%dma_wait3A_129, %dma_wait3A_133] : memref<5x128xi32, #tpu.memory_space<vmem>> -> memref<1x128xi32, #tpu.memory_space<vmem>>
    %dma_wait3A_135 = tpu.memref_squeeze %dma_wait3A_134 : memref<1x128xi32, #tpu.memory_space<vmem>> -> memref<128xi32, #tpu.memory_space<vmem>>
    %dma_wait3A_136 = arith.constant 0 : i32
    %dma_wait3A_137 = arith.constant 0 : i32
    %dma_wait3A_138 = tpu.memref_slice %arg2[%arg0, %dma_wait3A_136, %dma_wait3A_137] : memref<2x10240x64xf32, #tpu.memory_space<hbm>> -> memref<1x10240x64xf32, #tpu.memory_space<hbm>>
    %dma_wait3A_139 = tpu.memref_squeeze %dma_wait3A_138 : memref<1x10240x64xf32, #tpu.memory_space<hbm>> -> memref<10240x64xf32, #tpu.memory_space<hbm>>
    %dma_wait3A_140 = arith.constant 0 : i32
    %dma_wait3A_141 = arith.constant 0 : i32
    %dma_wait3A_142 = tpu.memref_slice %dma_wait3A_139[%dma_wait3A_140, %dma_wait3A_141] : memref<10240x64xf32, #tpu.memory_space<hbm>> -> memref<10240x64xf32, #tpu.memory_space<hbm>>
    tpu.wait_indirect_dma semaphore(%arg27 : memref<!tpu.dma_semaphore, #tpu.memory_space<semaphore_mem>>) src(%dma_wait3A_142 : memref<10240x64xf32, #tpu.memory_space<hbm>>) dst(%dma_wait3A_132 : memref<128x64xf32, #tpu.memory_space<vmem>>)
    %dma_wait3A_143 = arith.constant 4 : i32
    %dma_wait3A_144 = arith.constant 512 : i32
    %dma_wait3A_145 = arith.constant 0 : i32
    %dma_wait3A_146 = tpu.memref_slice %arg21[%dma_wait3A_144, %dma_wait3A_145] : memref<640x64xf32, #tpu.memory_space<vmem>> -> memref<128x64xf32, #tpu.memory_space<vmem>>
    %dma_wait3A_147 = arith.constant 0 : i32
    %dma_wait3A_148 = tpu.memref_slice %arg15[%dma_wait3A_143, %dma_wait3A_147] : memref<5x128xi32, #tpu.memory_space<vmem>> -> memref<1x128xi32, #tpu.memory_space<vmem>>
    %dma_wait3A_149 = tpu.memref_squeeze %dma_wait3A_148 : memref<1x128xi32, #tpu.memory_space<vmem>> -> memref<128xi32, #tpu.memory_space<vmem>>
    %dma_wait3A_150 = arith.constant 0 : i32
    %dma_wait3A_151 = arith.constant 0 : i32
    %dma_wait3A_152 = tpu.memref_slice %arg2[%arg0, %dma_wait3A_150, %dma_wait3A_151] : memref<2x10240x64xf32, #tpu.memory_space<hbm>> -> memref<1x10240x64xf32, #tpu.memory_space<hbm>>
    %dma_wait3A_153 = tpu.memref_squeeze %dma_wait3A_152 : memref<1x10240x64xf32, #tpu.memory_space<hbm>> -> memref<10240x64xf32, #tpu.memory_space<hbm>>
    %dma_wait3A_154 = arith.constant 0 : i32
    %dma_wait3A_155 = arith.constant 0 : i32
    %dma_wait3A_156 = tpu.memref_slice %dma_wait3A_153[%dma_wait3A_154, %dma_wait3A_155] : memref<10240x64xf32, #tpu.memory_space<hbm>> -> memref<10240x64xf32, #tpu.memory_space<hbm>>
    tpu.wait_indirect_dma semaphore(%arg27 : memref<!tpu.dma_semaphore, #tpu.memory_space<semaphore_mem>>) src(%dma_wait3A_156 : memref<10240x64xf32, #tpu.memory_space<hbm>>) dst(%dma_wait3A_146 : memref<128x64xf32, #tpu.memory_space<vmem>>)
    %barrier3A_157 = arith.constant 0 : index
    tpu.barrier barrier_id(%barrier3A_157)
    %mul3A_158 = arith.constant 160 : i32
    %mul3A_159 = arith.muli %arg1, %mul3A_158 : i32
    "tpu.region"() ({
      %run_scoped3A = tpu.sem_alloc : memref<!tpu.dma_semaphore, #tpu.memory_space<semaphore_mem>>
      %dma_start3A_196 = arith.constant 0 : i32
      %dma_start3A_197 = tpu.memref_slice %arg13[%mul3A_159, %dma_start3A_196] : memref<2560x16xf32, #tpu.memory_space<vmem_shared>> -> memref<160x16xf32, #tpu.memory_space<vmem_shared>>
      %dma_start3A_198 = arith.constant 0 : i32
      %dma_start3A_199 = tpu.memref_slice %arg13[%mul3A_159, %dma_start3A_198] : memref<2560x16xf32, #tpu.memory_space<vmem_shared>> -> memref<160x16xf32, #tpu.memory_space<vmem_shared>>
      tpu.enqueue_dma source(%dma_start3A_199 : memref<160x16xf32, #tpu.memory_space<vmem_shared>>) target(%arg26 : memref<160x16xf32, #tpu.memory_space<vmem>>) target_semaphore(%run_scoped3A : memref<!tpu.dma_semaphore, #tpu.memory_space<semaphore_mem>>)
      %dma_wait3A_200 = arith.constant 0 : i32
      %dma_wait3A_201 = tpu.memref_slice %arg13[%mul3A_159, %dma_wait3A_200] : memref<2560x16xf32, #tpu.memory_space<vmem_shared>> -> memref<160x16xf32, #tpu.memory_space<vmem_shared>>
      %dma_wait3A_202 = arith.constant 0 : i32
      %dma_wait3A_203 = tpu.memref_slice %arg13[%mul3A_159, %dma_wait3A_202] : memref<2560x16xf32, #tpu.memory_space<vmem_shared>> -> memref<160x16xf32, #tpu.memory_space<vmem_shared>>
      tpu.wait_dma2 semaphore(%run_scoped3A : memref<!tpu.dma_semaphore, #tpu.memory_space<semaphore_mem>>) src(%dma_wait3A_203 : memref<160x16xf32, #tpu.memory_space<vmem_shared>>) dst(%arg26 : memref<160x16xf32, #tpu.memory_space<vmem>>)
      tpu.yield
    }) : () -> ()
    %mul3A_160 = arith.constant 160 : i32
    %mul3A_161 = arith.muli %arg1, %mul3A_160 : i32
    %add3A_162 = arith.constant 0 : i32
    %add3A_163 = arith.addi %mul3A_161, %add3A_162 : i32
    "tpu.region"() ({
      %run_scoped3A = tpu.sem_alloc : memref<!tpu.dma_semaphore, #tpu.memory_space<semaphore_mem>>
      %dma_start3A_196 = arith.constant 0 : i32
      %dma_start3A_197 = tpu.memref_slice %arg12[%add3A_163, %dma_start3A_196] : memref<2560x64xf32, #tpu.memory_space<vmem_shared>> -> memref<80x64xf32, #tpu.memory_space<vmem_shared>>
      %dma_start3A_198 = arith.constant 0 : i32
      %dma_start3A_199 = tpu.memref_slice %arg12[%add3A_163, %dma_start3A_198] : memref<2560x64xf32, #tpu.memory_space<vmem_shared>> -> memref<80x64xf32, #tpu.memory_space<vmem_shared>>
      tpu.enqueue_dma source(%dma_start3A_199 : memref<80x64xf32, #tpu.memory_space<vmem_shared>>) target(%arg23 : memref<80x64xf32, #tpu.memory_space<vmem>>) target_semaphore(%run_scoped3A : memref<!tpu.dma_semaphore, #tpu.memory_space<semaphore_mem>>)
      %dma_wait3A_200 = arith.constant 0 : i32
      %dma_wait3A_201 = tpu.memref_slice %arg12[%add3A_163, %dma_wait3A_200] : memref<2560x64xf32, #tpu.memory_space<vmem_shared>> -> memref<80x64xf32, #tpu.memory_space<vmem_shared>>
      %dma_wait3A_202 = arith.constant 0 : i32
      %dma_wait3A_203 = tpu.memref_slice %arg12[%add3A_163, %dma_wait3A_202] : memref<2560x64xf32, #tpu.memory_space<vmem_shared>> -> memref<80x64xf32, #tpu.memory_space<vmem_shared>>
      tpu.wait_dma2 semaphore(%run_scoped3A : memref<!tpu.dma_semaphore, #tpu.memory_space<semaphore_mem>>) src(%dma_wait3A_203 : memref<80x64xf32, #tpu.memory_space<vmem_shared>>) dst(%arg23 : memref<80x64xf32, #tpu.memory_space<vmem>>)
      tpu.yield
    }) : () -> ()
    %scan3A_164 = arith.constant 0 : i32
    %scan3A_165 = arith.constant 0 : i32
    %scan3A_166 = arith.constant 80 : i32
    %scan3A_167 = arith.addi %scan3A_165, %scan3A_166 : i32
    %scan3A_168 = arith.constant 1 : i32
    scf.for %scan3A_196 = %scan3A_165 to %scan3A_167 step %scan3A_168  : i32 {
      %add3A_197 = arith.constant 0 : i32
      %add3A_198 = arith.addi %add3A_197, %scan3A_196 : i32
      %get3A = arith.index_cast %add3A_198 : i32 to index
      %get3A_199 = arith.constant 0 : index
      %get3A_200 = tpu.vector_load %arg26[%get3A, %get3A_199] {strides = array<i32>} : memref<160x16xf32, #tpu.memory_space<vmem>>, vector<1x16xf32>,
      %get3A_201 = vector.shape_cast %get3A_200 : vector<1x16xf32> to vector<16xf32>
      %max3A = arith.constant 1.000000e+00 : f32
      %max3A_202 = vector.broadcast %max3A : f32 to vector<16xf32>
      %max3A_203 = arith.maximumf %get3A_201, %max3A_202 : vector<16xf32>
      %div3A = arith.constant 1.000000e+00 : f32
      %div3A_204 = vector.broadcast %div3A : f32 to vector<16xf32>
      %div3A_205 = arith.divf %div3A_204, %max3A_203 : vector<16xf32>
      %get3A_206 = arith.index_cast %scan3A_196 : i32 to index
      %get3A_207 = arith.constant 0 : index
      %get3A_208 = tpu.vector_load %arg23[%get3A_206, %get3A_207] {strides = array<i32>} : memref<80x64xf32, #tpu.memory_space<vmem>>, vector<1x16xf32>,
      %get3A_209 = vector.shape_cast %get3A_208 : vector<1x16xf32> to vector<16xf32>
      %mul3A_210 = arith.mulf %get3A_209, %div3A_205 : vector<16xf32>
      %swap3A = arith.index_cast %scan3A_196 : i32 to index
      %swap3A_211 = arith.constant 0 : index
      %swap3A_212 = tpu.vector_load %arg23[%swap3A, %swap3A_211] {strides = array<i32>} : memref<80x64xf32, #tpu.memory_space<vmem>>, vector<1x16xf32>,
      %swap3A_213 = vector.shape_cast %swap3A_212 : vector<1x16xf32> to vector<16xf32>
      %swap3A_214 = vector.shape_cast %mul3A_210 : vector<16xf32> to vector<1x16xf32>
      tpu.vector_store %arg23[%swap3A, %swap3A_211], %swap3A_214 {strides = array<i32>} : memref<80x64xf32, #tpu.memory_space<vmem>>, vector<1x16xf32>,
      %get3A_215 = arith.index_cast %scan3A_196 : i32 to index
      %get3A_216 = arith.constant 16 : index
      %get3A_217 = tpu.vector_load %arg23[%get3A_215, %get3A_216] {strides = array<i32>} : memref<80x64xf32, #tpu.memory_space<vmem>>, vector<1x16xf32>,
      %get3A_218 = vector.shape_cast %get3A_217 : vector<1x16xf32> to vector<16xf32>
      %mul3A_219 = arith.mulf %get3A_218, %div3A_205 : vector<16xf32>
      %swap3A_220 = arith.index_cast %scan3A_196 : i32 to index
      %swap3A_221 = arith.constant 16 : index
      %swap3A_222 = tpu.vector_load %arg23[%swap3A_220, %swap3A_221] {strides = array<i32>} : memref<80x64xf32, #tpu.memory_space<vmem>>, vector<1x16xf32>,
      %swap3A_223 = vector.shape_cast %swap3A_222 : vector<1x16xf32> to vector<16xf32>
      %swap3A_224 = vector.shape_cast %mul3A_219 : vector<16xf32> to vector<1x16xf32>
      tpu.vector_store %arg23[%swap3A_220, %swap3A_221], %swap3A_224 {strides = array<i32>} : memref<80x64xf32, #tpu.memory_space<vmem>>, vector<1x16xf32>,
      %get3A_225 = arith.index_cast %scan3A_196 : i32 to index
      %get3A_226 = arith.constant 32 : index
      %get3A_227 = tpu.vector_load %arg23[%get3A_225, %get3A_226] {strides = array<i32>} : memref<80x64xf32, #tpu.memory_space<vmem>>, vector<1x16xf32>,
      %get3A_228 = vector.shape_cast %get3A_227 : vector<1x16xf32> to vector<16xf32>
      %mul3A_229 = arith.mulf %get3A_228, %div3A_205 : vector<16xf32>
      %swap3A_230 = arith.index_cast %scan3A_196 : i32 to index
      %swap3A_231 = arith.constant 32 : index
      %swap3A_232 = tpu.vector_load %arg23[%swap3A_230, %swap3A_231] {strides = array<i32>} : memref<80x64xf32, #tpu.memory_space<vmem>>, vector<1x16xf32>,
      %swap3A_233 = vector.shape_cast %swap3A_232 : vector<1x16xf32> to vector<16xf32>
      %swap3A_234 = vector.shape_cast %mul3A_229 : vector<16xf32> to vector<1x16xf32>
      tpu.vector_store %arg23[%swap3A_230, %swap3A_231], %swap3A_234 {strides = array<i32>} : memref<80x64xf32, #tpu.memory_space<vmem>>, vector<1x16xf32>,
      %get3A_235 = arith.index_cast %scan3A_196 : i32 to index
      %get3A_236 = arith.constant 48 : index
      %get3A_237 = tpu.vector_load %arg23[%get3A_235, %get3A_236] {strides = array<i32>} : memref<80x64xf32, #tpu.memory_space<vmem>>, vector<1x16xf32>,
      %get3A_238 = vector.shape_cast %get3A_237 : vector<1x16xf32> to vector<16xf32>
      %mul3A_239 = arith.mulf %get3A_238, %div3A_205 : vector<16xf32>
      %swap3A_240 = arith.index_cast %scan3A_196 : i32 to index
      %swap3A_241 = arith.constant 48 : index
      %swap3A_242 = tpu.vector_load %arg23[%swap3A_240, %swap3A_241] {strides = array<i32>} : memref<80x64xf32, #tpu.memory_space<vmem>>, vector<1x16xf32>,
      %swap3A_243 = vector.shape_cast %swap3A_242 : vector<1x16xf32> to vector<16xf32>
      %swap3A_244 = vector.shape_cast %mul3A_239 : vector<16xf32> to vector<1x16xf32>
      tpu.vector_store %arg23[%swap3A_240, %swap3A_241], %swap3A_244 {strides = array<i32>} : memref<80x64xf32, #tpu.memory_space<vmem>>, vector<1x16xf32>,
    }
    %scan3A_169 = arith.constant 80 : i32
    %mul3A_170 = arith.constant 160 : i32
    %mul3A_171 = arith.muli %arg1, %mul3A_170 : i32
    %add3A_172 = arith.constant 0 : i32
    %add3A_173 = arith.addi %mul3A_171, %add3A_172 : i32
    "tpu.region"() ({
      %run_scoped3A = tpu.sem_alloc : memref<!tpu.dma_semaphore, #tpu.memory_space<semaphore_mem>>
      %dma_start3A_196 = arith.constant 0 : i32
      %dma_start3A_197 = tpu.memref_slice %arg9[%arg0, %add3A_173, %dma_start3A_196] : memref<2x2560x64xf32, #tpu.memory_space<hbm>> -> memref<1x80x64xf32, #tpu.memory_space<hbm>>
      %dma_start3A_198 = tpu.memref_squeeze %dma_start3A_197 : memref<1x80x64xf32, #tpu.memory_space<hbm>> -> memref<80x64xf32, #tpu.memory_space<hbm>>
      %dma_start3A_199 = arith.constant 0 : i32
      %dma_start3A_200 = tpu.memref_slice %arg9[%arg0, %add3A_173, %dma_start3A_199] : memref<2x2560x64xf32, #tpu.memory_space<hbm>> -> memref<1x80x64xf32, #tpu.memory_space<hbm>>
      %dma_start3A_201 = tpu.memref_squeeze %dma_start3A_200 : memref<1x80x64xf32, #tpu.memory_space<hbm>> -> memref<80x64xf32, #tpu.memory_space<hbm>>
      tpu.enqueue_dma source(%arg23 : memref<80x64xf32, #tpu.memory_space<vmem>>) target(%dma_start3A_201 : memref<80x64xf32, #tpu.memory_space<hbm>>) target_semaphore(%run_scoped3A : memref<!tpu.dma_semaphore, #tpu.memory_space<semaphore_mem>>)
      %dma_wait3A_202 = arith.constant 0 : i32
      %dma_wait3A_203 = tpu.memref_slice %arg9[%arg0, %add3A_173, %dma_wait3A_202] : memref<2x2560x64xf32, #tpu.memory_space<hbm>> -> memref<1x80x64xf32, #tpu.memory_space<hbm>>
      %dma_wait3A_204 = tpu.memref_squeeze %dma_wait3A_203 : memref<1x80x64xf32, #tpu.memory_space<hbm>> -> memref<80x64xf32, #tpu.memory_space<hbm>>
      %dma_wait3A_205 = arith.constant 0 : i32
      %dma_wait3A_206 = tpu.memref_slice %arg9[%arg0, %add3A_173, %dma_wait3A_205] : memref<2x2560x64xf32, #tpu.memory_space<hbm>> -> memref<1x80x64xf32, #tpu.memory_space<hbm>>
      %dma_wait3A_207 = tpu.memref_squeeze %dma_wait3A_206 : memref<1x80x64xf32, #tpu.memory_space<hbm>> -> memref<80x64xf32, #tpu.memory_space<hbm>>
      tpu.wait_dma2 semaphore(%run_scoped3A : memref<!tpu.dma_semaphore, #tpu.memory_space<semaphore_mem>>) src(%arg23 : memref<80x64xf32, #tpu.memory_space<vmem>>) dst(%dma_wait3A_207 : memref<80x64xf32, #tpu.memory_space<hbm>>)
      tpu.yield
    }) : () -> ()
    %mul3A_174 = arith.constant 160 : i32
    %mul3A_175 = arith.muli %arg1, %mul3A_174 : i32
    %add3A_176 = arith.constant 80 : i32
    %add3A_177 = arith.addi %mul3A_175, %add3A_176 : i32
    "tpu.region"() ({
      %run_scoped3A = tpu.sem_alloc : memref<!tpu.dma_semaphore, #tpu.memory_space<semaphore_mem>>
      %dma_start3A_196 = arith.constant 0 : i32
      %dma_start3A_197 = tpu.memref_slice %arg12[%add3A_177, %dma_start3A_196] : memref<2560x64xf32, #tpu.memory_space<vmem_shared>> -> memref<80x64xf32, #tpu.memory_space<vmem_shared>>
      %dma_start3A_198 = arith.constant 0 : i32
      %dma_start3A_199 = tpu.memref_slice %arg12[%add3A_177, %dma_start3A_198] : memref<2560x64xf32, #tpu.memory_space<vmem_shared>> -> memref<80x64xf32, #tpu.memory_space<vmem_shared>>
      tpu.enqueue_dma source(%dma_start3A_199 : memref<80x64xf32, #tpu.memory_space<vmem_shared>>) target(%arg23 : memref<80x64xf32, #tpu.memory_space<vmem>>) target_semaphore(%run_scoped3A : memref<!tpu.dma_semaphore, #tpu.memory_space<semaphore_mem>>)
      %dma_wait3A_200 = arith.constant 0 : i32
      %dma_wait3A_201 = tpu.memref_slice %arg12[%add3A_177, %dma_wait3A_200] : memref<2560x64xf32, #tpu.memory_space<vmem_shared>> -> memref<80x64xf32, #tpu.memory_space<vmem_shared>>
      %dma_wait3A_202 = arith.constant 0 : i32
      %dma_wait3A_203 = tpu.memref_slice %arg12[%add3A_177, %dma_wait3A_202] : memref<2560x64xf32, #tpu.memory_space<vmem_shared>> -> memref<80x64xf32, #tpu.memory_space<vmem_shared>>
      tpu.wait_dma2 semaphore(%run_scoped3A : memref<!tpu.dma_semaphore, #tpu.memory_space<semaphore_mem>>) src(%dma_wait3A_203 : memref<80x64xf32, #tpu.memory_space<vmem_shared>>) dst(%arg23 : memref<80x64xf32, #tpu.memory_space<vmem>>)
      tpu.yield
    }) : () -> ()
    %scan3A_178 = arith.constant 0 : i32
    %scan3A_179 = arith.constant 0 : i32
    %scan3A_180 = arith.constant 80 : i32
    %scan3A_181 = arith.addi %scan3A_179, %scan3A_180 : i32
    %scan3A_182 = arith.constant 1 : i32
    scf.for %scan3A_196 = %scan3A_179 to %scan3A_181 step %scan3A_182  : i32 {
      %add3A_197 = arith.constant 80 : i32
      %add3A_198 = arith.addi %add3A_197, %scan3A_196 : i32
      %get3A = arith.index_cast %add3A_198 : i32 to index
      %get3A_199 = arith.constant 0 : index
      %get3A_200 = tpu.vector_load %arg26[%get3A, %get3A_199] {strides = array<i32>} : memref<160x16xf32, #tpu.memory_space<vmem>>, vector<1x16xf32>,
      %get3A_201 = vector.shape_cast %get3A_200 : vector<1x16xf32> to vector<16xf32>
      %max3A = arith.constant 1.000000e+00 : f32
      %max3A_202 = vector.broadcast %max3A : f32 to vector<16xf32>
      %max3A_203 = arith.maximumf %get3A_201, %max3A_202 : vector<16xf32>
      %div3A = arith.constant 1.000000e+00 : f32
      %div3A_204 = vector.broadcast %div3A : f32 to vector<16xf32>
      %div3A_205 = arith.divf %div3A_204, %max3A_203 : vector<16xf32>
      %get3A_206 = arith.index_cast %scan3A_196 : i32 to index
      %get3A_207 = arith.constant 0 : index
      %get3A_208 = tpu.vector_load %arg23[%get3A_206, %get3A_207] {strides = array<i32>} : memref<80x64xf32, #tpu.memory_space<vmem>>, vector<1x16xf32>,
      %get3A_209 = vector.shape_cast %get3A_208 : vector<1x16xf32> to vector<16xf32>
      %mul3A_210 = arith.mulf %get3A_209, %div3A_205 : vector<16xf32>
      %swap3A = arith.index_cast %scan3A_196 : i32 to index
      %swap3A_211 = arith.constant 0 : index
      %swap3A_212 = tpu.vector_load %arg23[%swap3A, %swap3A_211] {strides = array<i32>} : memref<80x64xf32, #tpu.memory_space<vmem>>, vector<1x16xf32>,
      %swap3A_213 = vector.shape_cast %swap3A_212 : vector<1x16xf32> to vector<16xf32>
      %swap3A_214 = vector.shape_cast %mul3A_210 : vector<16xf32> to vector<1x16xf32>
      tpu.vector_store %arg23[%swap3A, %swap3A_211], %swap3A_214 {strides = array<i32>} : memref<80x64xf32, #tpu.memory_space<vmem>>, vector<1x16xf32>,
      %get3A_215 = arith.index_cast %scan3A_196 : i32 to index
      %get3A_216 = arith.constant 16 : index
      %get3A_217 = tpu.vector_load %arg23[%get3A_215, %get3A_216] {strides = array<i32>} : memref<80x64xf32, #tpu.memory_space<vmem>>, vector<1x16xf32>,
      %get3A_218 = vector.shape_cast %get3A_217 : vector<1x16xf32> to vector<16xf32>
      %mul3A_219 = arith.mulf %get3A_218, %div3A_205 : vector<16xf32>
      %swap3A_220 = arith.index_cast %scan3A_196 : i32 to index
      %swap3A_221 = arith.constant 16 : index
      %swap3A_222 = tpu.vector_load %arg23[%swap3A_220, %swap3A_221] {strides = array<i32>} : memref<80x64xf32, #tpu.memory_space<vmem>>, vector<1x16xf32>,
      %swap3A_223 = vector.shape_cast %swap3A_222 : vector<1x16xf32> to vector<16xf32>
      %swap3A_224 = vector.shape_cast %mul3A_219 : vector<16xf32> to vector<1x16xf32>
      tpu.vector_store %arg23[%swap3A_220, %swap3A_221], %swap3A_224 {strides = array<i32>} : memref<80x64xf32, #tpu.memory_space<vmem>>, vector<1x16xf32>,
      %get3A_225 = arith.index_cast %scan3A_196 : i32 to index
      %get3A_226 = arith.constant 32 : index
      %get3A_227 = tpu.vector_load %arg23[%get3A_225, %get3A_226] {strides = array<i32>} : memref<80x64xf32, #tpu.memory_space<vmem>>, vector<1x16xf32>,
      %get3A_228 = vector.shape_cast %get3A_227 : vector<1x16xf32> to vector<16xf32>
      %mul3A_229 = arith.mulf %get3A_228, %div3A_205 : vector<16xf32>
      %swap3A_230 = arith.index_cast %scan3A_196 : i32 to index
      %swap3A_231 = arith.constant 32 : index
      %swap3A_232 = tpu.vector_load %arg23[%swap3A_230, %swap3A_231] {strides = array<i32>} : memref<80x64xf32, #tpu.memory_space<vmem>>, vector<1x16xf32>,
      %swap3A_233 = vector.shape_cast %swap3A_232 : vector<1x16xf32> to vector<16xf32>
      %swap3A_234 = vector.shape_cast %mul3A_229 : vector<16xf32> to vector<1x16xf32>
      tpu.vector_store %arg23[%swap3A_230, %swap3A_231], %swap3A_234 {strides = array<i32>} : memref<80x64xf32, #tpu.memory_space<vmem>>, vector<1x16xf32>,
      %get3A_235 = arith.index_cast %scan3A_196 : i32 to index
      %get3A_236 = arith.constant 48 : index
      %get3A_237 = tpu.vector_load %arg23[%get3A_235, %get3A_236] {strides = array<i32>} : memref<80x64xf32, #tpu.memory_space<vmem>>, vector<1x16xf32>,
      %get3A_238 = vector.shape_cast %get3A_237 : vector<1x16xf32> to vector<16xf32>
      %mul3A_239 = arith.mulf %get3A_238, %div3A_205 : vector<16xf32>
      %swap3A_240 = arith.index_cast %scan3A_196 : i32 to index
      %swap3A_241 = arith.constant 48 : index
      %swap3A_242 = tpu.vector_load %arg23[%swap3A_240, %swap3A_241] {strides = array<i32>} : memref<80x64xf32, #tpu.memory_space<vmem>>, vector<1x16xf32>,
      %swap3A_243 = vector.shape_cast %swap3A_242 : vector<1x16xf32> to vector<16xf32>
      %swap3A_244 = vector.shape_cast %mul3A_239 : vector<16xf32> to vector<1x16xf32>
      tpu.vector_store %arg23[%swap3A_240, %swap3A_241], %swap3A_244 {strides = array<i32>} : memref<80x64xf32, #tpu.memory_space<vmem>>, vector<1x16xf32>,
    }
    %scan3A_183 = arith.constant 80 : i32
    %mul3A_184 = arith.constant 160 : i32
    %mul3A_185 = arith.muli %arg1, %mul3A_184 : i32
    %add3A_186 = arith.constant 80 : i32
    %add3A_187 = arith.addi %mul3A_185, %add3A_186 : i32
    "tpu.region"() ({
      %run_scoped3A = tpu.sem_alloc : memref<!tpu.dma_semaphore, #tpu.memory_space<semaphore_mem>>
      %dma_start3A_196 = arith.constant 0 : i32
      %dma_start3A_197 = tpu.memref_slice %arg9[%arg0, %add3A_187, %dma_start3A_196] : memref<2x2560x64xf32, #tpu.memory_space<hbm>> -> memref<1x80x64xf32, #tpu.memory_space<hbm>>
      %dma_start3A_198 = tpu.memref_squeeze %dma_start3A_197 : memref<1x80x64xf32, #tpu.memory_space<hbm>> -> memref<80x64xf32, #tpu.memory_space<hbm>>
      %dma_start3A_199 = arith.constant 0 : i32
      %dma_start3A_200 = tpu.memref_slice %arg9[%arg0, %add3A_187, %dma_start3A_199] : memref<2x2560x64xf32, #tpu.memory_space<hbm>> -> memref<1x80x64xf32, #tpu.memory_space<hbm>>
      %dma_start3A_201 = tpu.memref_squeeze %dma_start3A_200 : memref<1x80x64xf32, #tpu.memory_space<hbm>> -> memref<80x64xf32, #tpu.memory_space<hbm>>
      tpu.enqueue_dma source(%arg23 : memref<80x64xf32, #tpu.memory_space<vmem>>) target(%dma_start3A_201 : memref<80x64xf32, #tpu.memory_space<hbm>>) target_semaphore(%run_scoped3A : memref<!tpu.dma_semaphore, #tpu.memory_space<semaphore_mem>>)
      %dma_wait3A_202 = arith.constant 0 : i32
      %dma_wait3A_203 = tpu.memref_slice %arg9[%arg0, %add3A_187, %dma_wait3A_202] : memref<2x2560x64xf32, #tpu.memory_space<hbm>> -> memref<1x80x64xf32, #tpu.memory_space<hbm>>
      %dma_wait3A_204 = tpu.memref_squeeze %dma_wait3A_203 : memref<1x80x64xf32, #tpu.memory_space<hbm>> -> memref<80x64xf32, #tpu.memory_space<hbm>>
      %dma_wait3A_205 = arith.constant 0 : i32
      %dma_wait3A_206 = tpu.memref_slice %arg9[%arg0, %add3A_187, %dma_wait3A_205] : memref<2x2560x64xf32, #tpu.memory_space<hbm>> -> memref<1x80x64xf32, #tpu.memory_space<hbm>>
      %dma_wait3A_207 = tpu.memref_squeeze %dma_wait3A_206 : memref<1x80x64xf32, #tpu.memory_space<hbm>> -> memref<80x64xf32, #tpu.memory_space<hbm>>
      tpu.wait_dma2 semaphore(%run_scoped3A : memref<!tpu.dma_semaphore, #tpu.memory_space<semaphore_mem>>) src(%arg23 : memref<80x64xf32, #tpu.memory_space<vmem>>) dst(%dma_wait3A_207 : memref<80x64xf32, #tpu.memory_space<hbm>>)
      tpu.yield
    }) : () -> ()
    %mul3A_188 = arith.constant 160 : i32
    %mul3A_189 = arith.muli %arg1, %mul3A_188 : i32
    "tpu.region"() ({
      %run_scoped3A = tpu.sem_alloc : memref<!tpu.dma_semaphore, #tpu.memory_space<semaphore_mem>>
      %dma_start3A_196 = arith.constant 0 : i32
      %dma_start3A_197 = arith.constant 0 : i32
      %dma_start3A_198 = tpu.memref_slice %arg24[%dma_start3A_196, %dma_start3A_197] : memref<640x16xf32, #tpu.memory_space<vmem>> -> memref<160x16xf32, #tpu.memory_space<vmem>>
      %dma_start3A_199 = arith.constant 0 : i32
      %dma_start3A_200 = tpu.memref_slice %arg13[%mul3A_189, %dma_start3A_199] : memref<2560x16xf32, #tpu.memory_space<vmem_shared>> -> memref<160x16xf32, #tpu.memory_space<vmem_shared>>
      %dma_start3A_201 = arith.constant 0 : i32
      %dma_start3A_202 = arith.constant 0 : i32
      %dma_start3A_203 = tpu.memref_slice %arg24[%dma_start3A_201, %dma_start3A_202] : memref<640x16xf32, #tpu.memory_space<vmem>> -> memref<160x16xf32, #tpu.memory_space<vmem>>
      %dma_start3A_204 = arith.constant 0 : i32
      %dma_start3A_205 = tpu.memref_slice %arg13[%mul3A_189, %dma_start3A_204] : memref<2560x16xf32, #tpu.memory_space<vmem_shared>> -> memref<160x16xf32, #tpu.memory_space<vmem_shared>>
      tpu.enqueue_dma source(%dma_start3A_205 : memref<160x16xf32, #tpu.memory_space<vmem_shared>>) target(%dma_start3A_203 : memref<160x16xf32, #tpu.memory_space<vmem>>) target_semaphore(%run_scoped3A : memref<!tpu.dma_semaphore, #tpu.memory_space<semaphore_mem>>)
      %dma_wait3A_206 = arith.constant 0 : i32
      %dma_wait3A_207 = arith.constant 0 : i32
      %dma_wait3A_208 = tpu.memref_slice %arg24[%dma_wait3A_206, %dma_wait3A_207] : memref<640x16xf32, #tpu.memory_space<vmem>> -> memref<160x16xf32, #tpu.memory_space<vmem>>
      %dma_wait3A_209 = arith.constant 0 : i32
      %dma_wait3A_210 = tpu.memref_slice %arg13[%mul3A_189, %dma_wait3A_209] : memref<2560x16xf32, #tpu.memory_space<vmem_shared>> -> memref<160x16xf32, #tpu.memory_space<vmem_shared>>
      %dma_wait3A_211 = arith.constant 0 : i32
      %dma_wait3A_212 = arith.constant 0 : i32
      %dma_wait3A_213 = tpu.memref_slice %arg24[%dma_wait3A_211, %dma_wait3A_212] : memref<640x16xf32, #tpu.memory_space<vmem>> -> memref<160x16xf32, #tpu.memory_space<vmem>>
      %dma_wait3A_214 = arith.constant 0 : i32
      %dma_wait3A_215 = tpu.memref_slice %arg13[%mul3A_189, %dma_wait3A_214] : memref<2560x16xf32, #tpu.memory_space<vmem_shared>> -> memref<160x16xf32, #tpu.memory_space<vmem_shared>>
      tpu.wait_dma2 semaphore(%run_scoped3A : memref<!tpu.dma_semaphore, #tpu.memory_space<semaphore_mem>>) src(%dma_wait3A_215 : memref<160x16xf32, #tpu.memory_space<vmem_shared>>) dst(%dma_wait3A_213 : memref<160x16xf32, #tpu.memory_space<vmem>>)
      tpu.yield
    }) : () -> ()
    %mul3A_190 = arith.constant 160 : i32
    %mul3A_191 = arith.muli %arg1, %mul3A_190 : i32
    "tpu.region"() ({
      %run_scoped3A = tpu.sem_alloc : memref<!tpu.dma_semaphore, #tpu.memory_space<semaphore_mem>>
      %dma_start3A_196 = arith.constant 0 : i32
      %dma_start3A_197 = arith.constant 0 : i32
      %dma_start3A_198 = tpu.memref_slice %arg24[%dma_start3A_196, %dma_start3A_197] : memref<640x16xf32, #tpu.memory_space<vmem>> -> memref<160x16xf32, #tpu.memory_space<vmem>>
      %dma_start3A_199 = arith.constant 0 : i32
      %dma_start3A_200 = tpu.memref_slice %arg10[%arg0, %mul3A_191, %dma_start3A_199] : memref<2x2560x16xf32, #tpu.memory_space<hbm>> -> memref<1x160x16xf32, #tpu.memory_space<hbm>>
      %dma_start3A_201 = tpu.memref_squeeze %dma_start3A_200 : memref<1x160x16xf32, #tpu.memory_space<hbm>> -> memref<160x16xf32, #tpu.memory_space<hbm>>
      %dma_start3A_202 = arith.constant 0 : i32
      %dma_start3A_203 = tpu.memref_slice %arg10[%arg0, %mul3A_191, %dma_start3A_202] : memref<2x2560x16xf32, #tpu.memory_space<hbm>> -> memref<1x160x16xf32, #tpu.memory_space<hbm>>
      %dma_start3A_204 = tpu.memref_squeeze %dma_start3A_203 : memref<1x160x16xf32, #tpu.memory_space<hbm>> -> memref<160x16xf32, #tpu.memory_space<hbm>>
      %dma_start3A_205 = arith.constant 0 : i32
      %dma_start3A_206 = arith.constant 0 : i32
      %dma_start3A_207 = tpu.memref_slice %arg24[%dma_start3A_205, %dma_start3A_206] : memref<640x16xf32, #tpu.memory_space<vmem>> -> memref<160x16xf32, #tpu.memory_space<vmem>>
      tpu.enqueue_dma source(%dma_start3A_207 : memref<160x16xf32, #tpu.memory_space<vmem>>) target(%dma_start3A_204 : memref<160x16xf32, #tpu.memory_space<hbm>>) target_semaphore(%run_scoped3A : memref<!tpu.dma_semaphore, #tpu.memory_space<semaphore_mem>>)
      %dma_wait3A_208 = arith.constant 0 : i32
      %dma_wait3A_209 = arith.constant 0 : i32
      %dma_wait3A_210 = tpu.memref_slice %arg24[%dma_wait3A_208, %dma_wait3A_209] : memref<640x16xf32, #tpu.memory_space<vmem>> -> memref<160x16xf32, #tpu.memory_space<vmem>>
      %dma_wait3A_211 = arith.constant 0 : i32
      %dma_wait3A_212 = tpu.memref_slice %arg10[%arg0, %mul3A_191, %dma_wait3A_211] : memref<2x2560x16xf32, #tpu.memory_space<hbm>> -> memref<1x160x16xf32, #tpu.memory_space<hbm>>
      %dma_wait3A_213 = tpu.memref_squeeze %dma_wait3A_212 : memref<1x160x16xf32, #tpu.memory_space<hbm>> -> memref<160x16xf32, #tpu.memory_space<hbm>>
      %dma_wait3A_214 = arith.constant 0 : i32
      %dma_wait3A_215 = tpu.memref_slice %arg10[%arg0, %mul3A_191, %dma_wait3A_214] : memref<2x2560x16xf32, #tpu.memory_space<hbm>> -> memref<1x160x16xf32, #tpu.memory_space<hbm>>
      %dma_wait3A_216 = tpu.memref_squeeze %dma_wait3A_215 : memref<1x160x16xf32, #tpu.memory_space<hbm>> -> memref<160x16xf32, #tpu.memory_space<hbm>>
      %dma_wait3A_217 = arith.constant 0 : i32
      %dma_wait3A_218 = arith.constant 0 : i32
      %dma_wait3A_219 = tpu.memref_slice %arg24[%dma_wait3A_217, %dma_wait3A_218] : memref<640x16xf32, #tpu.memory_space<vmem>> -> memref<160x16xf32, #tpu.memory_space<vmem>>
      tpu.wait_dma2 semaphore(%run_scoped3A : memref<!tpu.dma_semaphore, #tpu.memory_space<semaphore_mem>>) src(%dma_wait3A_219 : memref<160x16xf32, #tpu.memory_space<vmem>>) dst(%dma_wait3A_216 : memref<160x16xf32, #tpu.memory_space<hbm>>)
      tpu.yield
    }) : () -> ()
    %mul3A_192 = arith.constant 640 : i32
    %mul3A_193 = arith.muli %arg1, %mul3A_192 : i32
    "tpu.region"() ({
      %run_scoped3A = tpu.sem_alloc : memref<!tpu.dma_semaphore, #tpu.memory_space<semaphore_mem>>
      %dma_start3A_196 = arith.constant 0 : i32
      %dma_start3A_197 = arith.constant 0 : i32
      %dma_start3A_198 = tpu.memref_slice %arg24[%dma_start3A_196, %dma_start3A_197] : memref<640x16xf32, #tpu.memory_space<vmem>> -> memref<640x16xf32, #tpu.memory_space<vmem>>
      %dma_start3A_199 = arith.constant 0 : i32
      %dma_start3A_200 = tpu.memref_slice %arg14[%mul3A_193, %dma_start3A_199] : memref<10240x16xf32, #tpu.memory_space<vmem_shared>> -> memref<640x16xf32, #tpu.memory_space<vmem_shared>>
      %dma_start3A_201 = arith.constant 0 : i32
      %dma_start3A_202 = arith.constant 0 : i32
      %dma_start3A_203 = tpu.memref_slice %arg24[%dma_start3A_201, %dma_start3A_202] : memref<640x16xf32, #tpu.memory_space<vmem>> -> memref<640x16xf32, #tpu.memory_space<vmem>>
      %dma_start3A_204 = arith.constant 0 : i32
      %dma_start3A_205 = tpu.memref_slice %arg14[%mul3A_193, %dma_start3A_204] : memref<10240x16xf32, #tpu.memory_space<vmem_shared>> -> memref<640x16xf32, #tpu.memory_space<vmem_shared>>
      tpu.enqueue_dma source(%dma_start3A_205 : memref<640x16xf32, #tpu.memory_space<vmem_shared>>) target(%dma_start3A_203 : memref<640x16xf32, #tpu.memory_space<vmem>>) target_semaphore(%run_scoped3A : memref<!tpu.dma_semaphore, #tpu.memory_space<semaphore_mem>>)
      %dma_wait3A_206 = arith.constant 0 : i32
      %dma_wait3A_207 = arith.constant 0 : i32
      %dma_wait3A_208 = tpu.memref_slice %arg24[%dma_wait3A_206, %dma_wait3A_207] : memref<640x16xf32, #tpu.memory_space<vmem>> -> memref<640x16xf32, #tpu.memory_space<vmem>>
      %dma_wait3A_209 = arith.constant 0 : i32
      %dma_wait3A_210 = tpu.memref_slice %arg14[%mul3A_193, %dma_wait3A_209] : memref<10240x16xf32, #tpu.memory_space<vmem_shared>> -> memref<640x16xf32, #tpu.memory_space<vmem_shared>>
      %dma_wait3A_211 = arith.constant 0 : i32
      %dma_wait3A_212 = arith.constant 0 : i32
      %dma_wait3A_213 = tpu.memref_slice %arg24[%dma_wait3A_211, %dma_wait3A_212] : memref<640x16xf32, #tpu.memory_space<vmem>> -> memref<640x16xf32, #tpu.memory_space<vmem>>
      %dma_wait3A_214 = arith.constant 0 : i32
      %dma_wait3A_215 = tpu.memref_slice %arg14[%mul3A_193, %dma_wait3A_214] : memref<10240x16xf32, #tpu.memory_space<vmem_shared>> -> memref<640x16xf32, #tpu.memory_space<vmem_shared>>
      tpu.wait_dma2 semaphore(%run_scoped3A : memref<!tpu.dma_semaphore, #tpu.memory_space<semaphore_mem>>) src(%dma_wait3A_215 : memref<640x16xf32, #tpu.memory_space<vmem_shared>>) dst(%dma_wait3A_213 : memref<640x16xf32, #tpu.memory_space<vmem>>)
      tpu.yield
    }) : () -> ()
    %mul3A_194 = arith.constant 640 : i32
    %mul3A_195 = arith.muli %arg1, %mul3A_194 : i32
    "tpu.region"() ({
      %run_scoped3A = tpu.sem_alloc : memref<!tpu.dma_semaphore, #tpu.memory_space<semaphore_mem>>
      %dma_start3A_196 = arith.constant 0 : i32
      %dma_start3A_197 = arith.constant 0 : i32
      %dma_start3A_198 = tpu.memref_slice %arg24[%dma_start3A_196, %dma_start3A_197] : memref<640x16xf32, #tpu.memory_space<vmem>> -> memref<640x16xf32, #tpu.memory_space<vmem>>
      %dma_start3A_199 = arith.constant 0 : i32
      %dma_start3A_200 = tpu.memref_slice %arg11[%arg0, %mul3A_195, %dma_start3A_199] : memref<2x10240x16xf32, #tpu.memory_space<hbm>> -> memref<1x640x16xf32, #tpu.memory_space<hbm>>
      %dma_start3A_201 = tpu.memref_squeeze %dma_start3A_200 : memref<1x640x16xf32, #tpu.memory_space<hbm>> -> memref<640x16xf32, #tpu.memory_space<hbm>>
      %dma_start3A_202 = arith.constant 0 : i32
      %dma_start3A_203 = tpu.memref_slice %arg11[%arg0, %mul3A_195, %dma_start3A_202] : memref<2x10240x16xf32, #tpu.memory_space<hbm>> -> memref<1x640x16xf32, #tpu.memory_space<hbm>>
      %dma_start3A_204 = tpu.memref_squeeze %dma_start3A_203 : memref<1x640x16xf32, #tpu.memory_space<hbm>> -> memref<640x16xf32, #tpu.memory_space<hbm>>
      %dma_start3A_205 = arith.constant 0 : i32
      %dma_start3A_206 = arith.constant 0 : i32
      %dma_start3A_207 = tpu.memref_slice %arg24[%dma_start3A_205, %dma_start3A_206] : memref<640x16xf32, #tpu.memory_space<vmem>> -> memref<640x16xf32, #tpu.memory_space<vmem>>
      tpu.enqueue_dma source(%dma_start3A_207 : memref<640x16xf32, #tpu.memory_space<vmem>>) target(%dma_start3A_204 : memref<640x16xf32, #tpu.memory_space<hbm>>) target_semaphore(%run_scoped3A : memref<!tpu.dma_semaphore, #tpu.memory_space<semaphore_mem>>)
      %dma_wait3A_208 = arith.constant 0 : i32
      %dma_wait3A_209 = arith.constant 0 : i32
      %dma_wait3A_210 = tpu.memref_slice %arg24[%dma_wait3A_208, %dma_wait3A_209] : memref<640x16xf32, #tpu.memory_space<vmem>> -> memref<640x16xf32, #tpu.memory_space<vmem>>
      %dma_wait3A_211 = arith.constant 0 : i32
      %dma_wait3A_212 = tpu.memref_slice %arg11[%arg0, %mul3A_195, %dma_wait3A_211] : memref<2x10240x16xf32, #tpu.memory_space<hbm>> -> memref<1x640x16xf32, #tpu.memory_space<hbm>>
      %dma_wait3A_213 = tpu.memref_squeeze %dma_wait3A_212 : memref<1x640x16xf32, #tpu.memory_space<hbm>> -> memref<640x16xf32, #tpu.memory_space<hbm>>
      %dma_wait3A_214 = arith.constant 0 : i32
      %dma_wait3A_215 = tpu.memref_slice %arg11[%arg0, %mul3A_195, %dma_wait3A_214] : memref<2x10240x16xf32, #tpu.memory_space<hbm>> -> memref<1x640x16xf32, #tpu.memory_space<hbm>>
      %dma_wait3A_216 = tpu.memref_squeeze %dma_wait3A_215 : memref<1x640x16xf32, #tpu.memory_space<hbm>> -> memref<640x16xf32, #tpu.memory_space<hbm>>
      %dma_wait3A_217 = arith.constant 0 : i32
      %dma_wait3A_218 = arith.constant 0 : i32
      %dma_wait3A_219 = tpu.memref_slice %arg24[%dma_wait3A_217, %dma_wait3A_218] : memref<640x16xf32, #tpu.memory_space<vmem>> -> memref<640x16xf32, #tpu.memory_space<vmem>>
      tpu.wait_dma2 semaphore(%run_scoped3A : memref<!tpu.dma_semaphore, #tpu.memory_space<semaphore_mem>>) src(%dma_wait3A_219 : memref<640x16xf32, #tpu.memory_space<vmem>>) dst(%dma_wait3A_216 : memref<640x16xf32, #tpu.memory_space<hbm>>)
      tpu.yield
    }) : () -> ()
    return
  }
}

module attributes {stable_mosaic.version = 14 : i64} {
  func.func @_finish_kernel(%arg0: i32, %arg1: memref<400x64xf32, #tpu.memory_space<vmem>>, %arg2: memref<400x64xf32, #tpu.memory_space<vmem>>, %arg3: memref<400x1xf32, #tpu.memory_space<vmem>>, %arg4: memref<128x128xf32, #tpu.memory_space<vmem>>, %arg5: memref<1x128xf32, #tpu.memory_space<vmem>>, %arg6: memref<400x128xf32, #tpu.memory_space<vmem>>) attributes {dimension_semantics = [#tpu.dimension_semantics<arbitrary>], iteration_bounds = array<i64: 25>, scalar_prefetch = 0 : i64, scratch_operands = 0 : i64, tpu.core_type = #tpu.core_type<tc>, window_params = [{transform_indices = @transform_0, window_bounds = array<i64: 400, 64>}, {transform_indices = @transform_1, window_bounds = array<i64: 400, 64>}, {transform_indices = @transform_2, window_bounds = array<i64: 400, 1>}, {pipeline_mode = #tpu.pipeline_mode<synchronous>, transform_indices = @transform_3, window_bounds = array<i64: 128, 128>}, {pipeline_mode = #tpu.pipeline_mode<synchronous>, transform_indices = @transform_4, window_bounds = array<i64: 1, 128>}, {transform_indices = @transform_5, window_bounds = array<i64: 400, 128>}]} {
    %get3A = arith.constant 0 : index
    %get3A_0 = arith.constant 0 : index
    %get3A_1 = vector.load %arg3[%get3A, %get3A_0] : memref<400x1xf32, #tpu.memory_space<vmem>>, vector<400x1xf32>
    %max3A = arith.constant 1.000000e+00 : f32
    %max3A_2 = vector.broadcast %max3A : f32 to vector<400x1xf32>
    %max3A_3 = arith.maximumf %get3A_1, %max3A_2 : vector<400x1xf32>
    %div3A = arith.constant 1.000000e+00 : f32
    %div3A_4 = vector.broadcast %div3A : f32 to vector<400x1xf32>
    %div3A_5 = arith.divf %div3A_4, %max3A_3 : vector<400x1xf32>
    %get3A_6 = arith.constant 0 : index
    %get3A_7 = arith.constant 0 : index
    %get3A_8 = vector.load %arg1[%get3A_6, %get3A_7] : memref<400x64xf32, #tpu.memory_space<vmem>>, vector<400x64xf32>
    %get3A_9 = arith.constant 0 : index
    %get3A_10 = arith.constant 0 : index
    %get3A_11 = vector.load %arg2[%get3A_9, %get3A_10] : memref<400x64xf32, #tpu.memory_space<vmem>>, vector<400x64xf32>
    %concatenate3A = tpu.concatenate %get3A_8, %get3A_11 in 1 : vector<400x64xf32>, vector<400x64xf32> -> vector<400x128xf32>
    %mul3A = vector.broadcast %div3A_5 : vector<400x1xf32> to vector<400x128xf32>
    %mul3A_12 = arith.mulf %concatenate3A, %mul3A : vector<400x128xf32>
    %get3A_13 = arith.constant 0 : index
    %get3A_14 = arith.constant 0 : index
    %get3A_15 = vector.load %arg4[%get3A_13, %get3A_14] : memref<128x128xf32, #tpu.memory_space<vmem>>, vector<128x128xf32>
    %dot_general3A = arith.constant dense<0.000000e+00> : vector<400x128xf32>
    %dot_general3A_16 = tpu.matmul %mul3A_12, %get3A_15, %dot_general3A {dimension_numbers = #tpu.dot_dimension_numbers<[1], [0], [0], [1], [0, 0, 1, 1], [], []>, transpose_lhs_hint = false} : vector<400x128xf32>, vector<128x128xf32>, vector<400x128xf32> -> vector<400x128xf32>
    %get3A_17 = arith.constant 0 : index
    %get3A_18 = arith.constant 0 : index
    %get3A_19 = vector.load %arg5[%get3A_17, %get3A_18] : memref<1x128xf32, #tpu.memory_space<vmem>>, vector<1x128xf32>
    %add3A = vector.broadcast %get3A_19 : vector<1x128xf32> to vector<400x128xf32>
    %add3A_20 = arith.addf %dot_general3A_16, %add3A : vector<400x128xf32>
    %swap3A = arith.constant 0 : index
    %swap3A_21 = arith.constant 0 : index
    %swap3A_22 = vector.load %arg6[%swap3A, %swap3A_21] : memref<400x128xf32, #tpu.memory_space<vmem>>, vector<400x128xf32>
    tpu.vector_store %arg6[%swap3A, %swap3A_21], %add3A_20 {strides = array<i32>} : memref<400x128xf32, #tpu.memory_space<vmem>>, vector<400x128xf32>,
    return
  }
  func.func @transform_0(%arg0: i32) -> (i32, i32) {
    %c0_i32 = arith.constant 0 : i32
    %c0_i32_0 = arith.constant 0 : i32
    return %arg0, %c0_i32 : i32, i32
  }
  func.func @transform_1(%arg0: i32) -> (i32, i32) {
    %c0_i32 = arith.constant 0 : i32
    %c0_i32_0 = arith.constant 0 : i32
    return %arg0, %c0_i32 : i32, i32
  }
  func.func @transform_2(%arg0: i32) -> (i32, i32) {
    %c0_i32 = arith.constant 0 : i32
    %c0_i32_0 = arith.constant 0 : i32
    return %arg0, %c0_i32 : i32, i32
  }
  func.func @transform_3(%arg0: i32) -> (i32, i32) {
    %c0_i32 = arith.constant 0 : i32
    %c0_i32_0 = arith.constant 0 : i32
    %c0_i32_1 = arith.constant 0 : i32
    return %c0_i32, %c0_i32_0 : i32, i32
  }
  func.func @transform_4(%arg0: i32) -> (i32, i32) {
    %c0_i32 = arith.constant 0 : i32
    %c0_i32_0 = arith.constant 0 : i32
    %c0_i32_1 = arith.constant 0 : i32
    return %c0_i32, %c0_i32_0 : i32, i32
  }
  func.func @transform_5(%arg0: i32) -> (i32, i32) {
    %c0_i32 = arith.constant 0 : i32
    %c0_i32_0 = arith.constant 0 : i32
    return %arg0, %c0_i32 : i32, i32
  }
}

</mosaic_0001>

<sc_bundles>
// kernel: kernel.5.cloned.1.call-start
scs
__scs_entry_jumppad:
0x0: {  	(pc) =	sbr.rel $0x88, $3  }
0x1: {  	(tag) =	ssettag $0x0;
	lr =	simm.s32 $0x1  }
0x2: {  	[smem:$0x3F9D] =	sst lr;
	_ =	strace $0xD0000000  }
0x3: {  	_ = 	snop  }
0x4: {  	_ = 	snop  }
0x5: {  	_ = 	snop  }
0x6: {  	_ = 	snop  }
0x7: {  	_ = 	snop  }
__scs_overlays_trampoline_lowered:
0x8: {  	[smem:$0x3FAC] =	sst s0  }
0x9: {  	[smem:$0x3FAD] =	sst s1  }
0xa: {  	[smem:$0x3FAE] =	sst s2  }
0xb: {  	[smem:$0x3FAF] =	sst s3  }
0xc: {  	[smem:$0x3FB0] =	sst s4  }
0xd: {  	[smem:$0x3FB1] =	sst s5  }
0xe: {  	[smem:$0x3FB2] =	sst s6  }
0xf: {  	[smem:$0x3FB3] =	sst s7  }
0x10: {  	[smem:$0x3FB4] =	sst s8  }
0x11: {  	[smem:$0x3FB5] =	sst s9;
	s0 =	simm.s32 @!p0 $0x0  }
0x12: {  	s1 =	sld [smem:$0x3F9B];
	s0 =	simm.s32 @p0 $0x1  }
0x13: {  	[smem:$0x3FB6] =	sst s0;
	s0 =	simm.s32 @!p1 $0x0  }
0x14: {  	s2 =	sld [smem:$0x3F9A];
	s0 =	simm.s32 @p1 $0x1  }
0x15: {  	[smem:$0x3FB7] =	sst s0;
	s0 =	simm.s32 @!p2 $0x0  }
0x16: {  	s3 =	sld [smem:$0x3FDB];
	s0 =	simm.s32 @p2 $0x1  }
0x17: {  	s4 =	simm.s32 $0x1BF5;
	[smem:$0x3FB9] =	sst s0  }
0x18: {  	s0 =	sld [smem:$0x3F9C];
	_ =	swait.ge [sflag:s4], $0x0  }
0x19: {  	s7 =	sld [smem:$0x3F9D]  }
0x1a: {  	s8 =	sadd.s32 $0xFFFFE003, lr  }
0x1b: {  	s9 =	sadd.s32 $0xFFFFFEF7, lr;
	s5 =	simm.s32 $0xFFFFFFFF;
	p2 =	slt.u32 s8, $0xFFFFF086  }
0x1c: {  	p1 =	slt.u32 s9, $0xF7A;
	s5 =	simm.s32 @!p2 $0x0  }
0x1d: {  	s5 =	simm.s32 @p1 $0x1;
	p0 =	seq.s32 s7, s2  }
0x1e: {  	s7 =	smul.u32 @!p0 $0xF7A, s2;
	p2 =	seq.s32 @!p0 s5, $0x0  }
0x1f: {  	s9 =	smul.u32 $0xF7A, s1;
	s8 =	simm.s32 @!p0 $0x1BF5;
	p2 =	por !p2, p0  }
0x20: {  	[sflag:s8] =	ssyncset.s32 @!p0 $0xFFFFF086;
	s6 =	sadd.s32 @!p0 s3, s7;
	s7 =	simm.s32 @!p0 $0x108  }
0x21: {  	s3 =	sadd.s32 s3, s9;
	s6 =	sadd.s32 @!p0 $0x88, s6;
	s7 =	simm.s32 @p2 $0x1082  }
0x22: {  	[simem:s7], [sflag:s8] =	dma.local @!p0 [hbm:s6], $0xF7A  }
0x23: {  	s9 =	sor.u32 $0xD0000000, s2;
	s6 =	simm.s32 $0x108;
	_ =	swait.ge @!p0 [sflag:s8], $0x0  }
0x24: {  	s3 =	sadd.s32 $0x88, s3;
	s6 =	simm.s32 @!p1 $0x1082;
	[sflag:s4] =	ssyncset.s32 $0xFFFFF086  }
0x25: {  	[simem:s6], [sflag:s4] =	dma.local [hbm:s3], $0xF7A  }
0x26: {  	[smem:$0x3F9D] =	sst s1;
	(tag) =	ssettag s2;
	_ =	strace s9  }
0x27: {  	s1 =	sld [smem:$0x3FAD]  }
0x28: {  	s2 =	sld [smem:$0x3FAE]  }
0x29: {  	s4 =	sld [smem:$0x3FB0]  }
0x2a: {  	p0 =	seq.s32 s5, $0x0;
	s5 =	sld [smem:$0x3FB1]  }
0x2b: {  	s6 =	sld [smem:$0x3FB2]  }
0x2c: {  	s7 =	sld [smem:$0x3FB3]  }
0x2d: {  	s3 =	simm.s32 $0x108;
	s8 =	sld [smem:$0x3FB4]  }
0x2e: {  	s3 =	simm.s32 @!p0 $0x1082;
	s9 =	sld [smem:$0x3FB5]  }
0x2f: {  	lr =	sadd.s32 s0, s3;
	s0 =	sld [smem:$0x3FAC]  }
0x30: {  	s3 =	sld [smem:$0x3FAF]  }
0x31: {  	[smem:$0x3FB8] =	sst s10  }
0x32: {  	s10 =	sld [smem:$0x3FB6];
	_ =	sdelay $0x3  }
0x33: {  	p0 =	seq.s32 s10, $0x1;
	s10 =	sld [smem:$0x3FB8];
	_ =	sdelay $0x3  }
0x34: {  	[smem:$0x3FB8] =	sst s10  }
0x35: {  	s10 =	sld [smem:$0x3FB7];
	_ =	sdelay $0x3  }
0x36: {  	p1 =	seq.s32 s10, $0x1;
	s10 =	sld [smem:$0x3FB8];
	_ =	sdelay $0x3  }
0x37: {  	[smem:$0x3FB8] =	sst s10  }
0x38: {  	s10 =	sld [smem:$0x3FB9]  }
0x39: {  	_ = 	snop;
	(pc) =	sbr.ind lr, $3  }
0x3a: {  	_ = 	snop  }
0x3b: {  	_ = 	snop  }
0x3c: {  	p2 =	seq.s32 s10, $0x1;
	s10 =	sld [smem:$0x3FB8]  }
0x3d: {  	_ =	shalt  }
0x3e: {  	_ =	shalt  }
0x3f: {  	_ =	shalt  }
0x40: {  	_ =	shalt  }
0x41: {  	_ =	shalt  }
0x42: {  	_ =	shalt  }
0x43: {  	_ =	shalt  }
0x44: {  	_ =	shalt  }
0x45: {  	_ =	shalt  }
0x46: {  	_ =	shalt  }
0x47: {  	_ =	shalt  }
0x48: {  	_ =	shalt  }
0x49: {  	_ =	shalt  }
0x4a: {  	_ =	shalt  }
0x4b: {  	_ =	shalt  }
0x4c: {  	_ =	shalt  }
0x4d: {  	_ =	shalt  }
0x4e: {  	_ =	shalt  }
0x4f: {  	_ =	shalt  }
0x50: {  	_ =	shalt  }
0x51: {  	_ =	shalt  }
0x52: {  	_ =	shalt  }
0x53: {  	_ =	shalt  }
0x54: {  	_ =	shalt  }
0x55: {  	_ =	shalt  }
0x56: {  	_ =	shalt  }
0x57: {  	_ =	shalt  }
0x58: {  	_ =	shalt  }
0x59: {  	_ =	shalt  }
0x5a: {  	_ =	shalt  }
0x5b: {  	_ =	shalt  }
0x5c: {  	_ =	shalt  }
0x5d: {  	_ =	shalt  }
0x5e: {  	_ =	shalt  }
0x5f: {  	_ =	shalt  }
0x60: {  	_ =	shalt  }
0x61: {  	_ =	shalt  }
0x62: {  	_ =	shalt  }
0x63: {  	_ =	shalt  }
0x64: {  	_ =	shalt  }
0x65: {  	_ =	shalt  }
0x66: {  	_ =	shalt  }
0x67: {  	_ =	shalt  }
0x68: {  	_ =	shalt  }
0x69: {  	_ =	shalt  }
0x6a: {  	_ =	shalt  }
0x6b: {  	_ =	shalt  }
0x6c: {  	_ =	shalt  }
0x6d: {  	_ =	shalt  }
0x6e: {  	_ =	shalt  }
0x6f: {  	_ =	shalt  }
0x70: {  	_ =	shalt  }
0x71: {  	_ =	shalt  }
0x72: {  	_ =	shalt  }
0x73: {  	_ =	shalt  }
0x74: {  	_ =	shalt  }
0x75: {  	_ =	shalt  }
0x76: {  	_ =	shalt  }
0x77: {  	_ =	shalt  }
0x78: {  	_ =	shalt  }
0x79: {  	_ =	shalt  }
0x7a: {  	_ =	shalt  }
0x7b: {  	_ =	shalt  }
0x7c: {  	_ =	shalt  }
0x7d: {  	_ =	shalt  }
0x7e: {  	_ =	shalt  }
0x7f: {  	_ =	shalt  }
0x80: {  	_ =	shalt  }
0x81: {  	_ =	shalt  }
0x82: {  	_ =	shalt  }
0x83: {  	_ =	shalt  }
0x84: {  	_ =	shalt  }
0x85: {  	_ =	shalt  }
0x86: {  	_ =	shalt  }
0x87: {  	_ =	shalt  }
.Lfunc_end0:
.L_simem_size_0:
called_computation_lowered:
.L_overlay_start_0:
0x88: {  	s2 =	sld [smem:$0x3FD9]  }
0x89: {  	s3 =	sld [smem:$0x3FFE];
	_ =	sdelay $0x1  }
0x8a: {  	s1 =	srdreg.scid  }
0x8b: {  	s0 =	sand.u32 $0x1, s1  }
0x8c: {  	s17 =	sshll.u32 s0, $0xA;
	s2 =	sadd.s32 s3, s2  }
0x8d: {  	s2 =	sadd.s32 s2, s17  }
0x8e: {  	[smem:$0x3FC4] =	sst s2  }
0x8f: {  	_ = 	snop  }
0x90: {  	s2 =	sld [smem:$0x3FD0];
	(tm) =	ssettm $0x1  }
0x91: {  	s18 =	sld [smem:$0x3FFB];
	_ =	sdelay $0x3  }
0x92: {  	_ =	strace s18  }
0x93: {  	s3 =	sld [smem:$0x3FFC];
	_ =	sdelay $0x3  }
0x94: {  	_ =	strace s3  }
0x95: {  	s3 =	sld [smem:$0x3FFD];
	_ =	sdelay $0x3  }
0x96: {  	_ =	strace s3  }
0x97: {  	_ =	strace $0x8FFFFFFF  }
0x98: {  	s19 =	sld [smem:$0x3FDB];
	_ =	sdelay $0x1  }
0x99: {  	s4 =	simm.s32 $_scs_section_size  }
0x9a: {  	s5 =	simm.s32 $_size__tile_overlayer_lowered;
	s6 =	simm.s32 $_tile_overlayer_lowered  }
0x9b: {  	s22 =	simm.s32 $0x1BFF;
	s21 =	sshll.u32 s6, $0x1;
	s3 =	sadd.s32 s4, s19  }
0x9c: {  	s7 =	simm.s32 $0x0;
	s20 =	sshll.u32 s5, $0x1;
	s5 =	sadd.s32 s21, s3  }
0x9d: {  	[timem:s7], [sflag:s22] =	dma.local [hbm:s5], s20  }
0x9e: {  	_ =	swait.ge [sflag:s22], s20  }
0x9f: {  	s4 =	ssub.s32 $0x0, s20;
	[sflag:s22] =	ssyncset.done $0x0  }
0xa0: {  	[sflag:s22] =	ssyncadd.s32 s4;
	_ =	sdelay $0x1  }
0xa1: {  	s23 =	simm.s32 $0x1B8B  }
0xa2: {  	_ =	swait.ge [sflag:s23], $0x1  }
0xa3: {  	[sflag:s23] =	ssyncset.done $0x0  }
0xa4: {  	s25 =	simm.s32 $0x1B8E;
	s24 =	sld [smem:$0x3FFE];
	[sflag:s23] =	ssyncadd.s32 $0xFFFFFFFF  }
0xa5: {  	s26 =	simm.s32 $execute0_lowered;
	[smem:$0x3FD2] =	sst s25  }
0xa6: {  	s5 =	sshll.u32 s26, $0x1;
	_ =	strace $0x80000046;
	[dreg:$0x1] =	wrdreg $0xFFFFFFFF  }
0xa7: {  	s28 =	simm.s32 $_size_execute0_lowered;
	s3 =	sadd.s32 s3, s5;
	[dreg:$0x0] =	wrdreg $0x0  }
0xa8: {  	s5 =	sshll.u32 s28, $0x1;
	[dreg:$0x2] =	wrdreg s3  }
0xa9: {  	[dreg:$0x3] =	wrdreg s5  }
0xaa: {  	[dreg:$0x4] =	wrdreg $0xC0  }
0xab: {  	_ =	task [dreg:s7], $0x5FFFF  }
0xac: {  	[dreg:$0x1] =	wrdreg $0xFFFFFFFF  }
0xad: {  	[dreg:$0x0] =	wrdreg $0x60  }
0xae: {  	[dreg:$0x2] =	wrdreg s24  }
0xaf: {  	[dreg:$0x3] =	wrdreg s2  }
0xb0: {  	[dreg:$0x4] =	wrdreg $0x0  }
0xb1: {  	[dreg:$0x5] =	wrdreg $0x28000  }
0xb2: {  	[dreg:$0x6] =	wrdreg $0x32000  }
0xb3: {  	[dreg:$0x7] =	wrdreg $0x9  }
0xb4: {  	_ =	task.clear_ibuf [dreg:s7], $0x8FFFF;
	_ =	strace $0x90000046  }
0xb5: {  	s29 =	simm.s32 $0x9;
	_ =	strace $0x80000048  }
0xb6: {  	_ =	swait.ge [sflag:s29], $0x1  }
0xb7: {  	[sflag:s29] =	ssyncadd.s32 $0xFFFFFFFF  }
0xb8: {  	_ =	strace $0x90000048  }
0xb9: {  	_ =	sfence  }
0xba: {  	s30 =	sld [smem:$0x0];
	_ =	sdelay $0x2  }
0xbb: {  	s31 =	sshll.u32 s1, $0xD;
	s1 =	sshrl.u32 s1, $0x2  }
0xbc: {  	s3 =	sand.u32 $0x4000, s31;
	s1 =	sadd.s32 s1, s30  }
0xbd: {  	s0 =	sor.u32 s3, s0;
	s1 =	sshll.u32 s1, $0x11  }
0xbe: {  	s0 =	sor.u32 s1, s0  }
0xbf: {  	s0 =	sadd.s32 $0x8F2B, s0  }
0xc0: {  	[sflag:s0] =	ssyncadd.remote.s32 $0x1  }
0xc1: {  	_ =	sfence.sel $0xFFFF  }
0xc2: {  	[dreg:$0x0] =	wrdreg $0xFFFFFFFF;
	(pc) =	sbr.abs _section_cstart, $3  }
0xc3: {  	[dreg:$0x1] =	wrdreg $0xFFFFFFFF  }
0xc4: {  	_ =	task.clear_ibuf [dreg:s7], $0x2FFFF;
	_ =	strace $0x9FFFFFFF  }
0xc5: {  	(tm) =	ssettm $0x7FFFFFFF  }
tec
execute0_lowered:
.L_overlay_start_1:
0x0: {  	(tag) =	ssettag $0x1  }
0x1: {  	s0 =	rddreg [dreg:$0x0]  }
0x2: {  	s23 =	rddreg [dreg:$0x1]  }
0x3: {  	s2 =	rddreg [dreg:$0x2]  }
0x4: {  	s3 =	rddreg [dreg:$0x3]  }
0x5: {  	s4 =	rddreg [dreg:$0x4];
	s1 =	srdreg.scid;
	s6 =	simm.s32 $0x0  }
0x6: {  	s14 =	stileid.u32;
	s21 =	simm.s32 $0x5D00;
	s22 =	simm.s32 $0x5D80  }
0x7: {  	s25 =	simm.s32 $0x5E00;
	s26 =	simm.s32 $0x5E80;
	s30 =	simm.s32 $0x6480  }
0x8: {  	[smem:$0x7FF] =	sst s6;
	s7 =	smul.u32 $0xA00, s14;
	s9 =	sadd.s32 $0x33000, s0  }
0x9: {  	s10 =	sadd.s32 $0x33400, s0;
	_ =	strace $0x80000047;
	[dreg:$0x13] =	wrdreg s9  }
0xa: {  	s19 =	smul.u32 $0x2800, s14;
	s11 =	sadd.s32 $0x32E00, s0;
	[dreg:$0x14] =	wrdreg s10  }
0xb: {  	s1 =	sand.u32 $0x1, s1;
	s14 =	smul.u32 $0xA0, s14;
	[dreg:$0x15] =	wrdreg s11  }
0xc: {  	s29 =	simm.s32 $0x1E500;
	s5 =	smul.u32 $0x14000, s1;
	[dreg:$0x7] =	wrdreg s21  }
0xd: {  	s28 =	simm.s32 $0x1;
	s8 =	smul.u32 $0xA000, s1;
	[dreg:$0x8] =	wrdreg s22  }
0xe: {  	s15 =	sadd.s32 $0x28E00, s0;
	s10 =	smul.u32 $0x28000, s1;
	[dreg:$0x9] =	wrdreg s25  }
0xf: {  	s11 =	sadd.s32 $0x40200, s0;
	s1 =	ssub.s32 $0x2, s1;
	[dreg:$0xa] =	wrdreg s26  }
0x10: {  	[dreg:$0xb] =	wrdreg s30;
	s22 =	simm.s32 $0x6780;
	s25 =	simm.s32 $0x6800  }
0x11: {  	s26 =	simm.s32 $0x6880;
	s13 =	sshrl.u32 s1, $0x1;
	s20 =	sadd.s32 s19, s2  }
0x12: {  	s14 =	sor.u32 $0xA, s14;
	s16 =	sadd.s32 s7, s3;
	[dreg:$0x10] =	wrdreg s22  }
0x13: {  	s9 =	sadd.s32 s19, s4;
	s18 =	sadd.s32 s23, s7;
	[dreg:$0x11] =	wrdreg s25  }
0x14: {  	[dreg:$0x12] =	wrdreg s26;
	s26 =	simm.s32 $0x5;
	s25 =	simm.s32 $0x5F80  }
0x15: {  	s8 =	sadd.s32 s7, s8;
	s12 =	sadd.s32 s19, s10;
	[dreg:$0x6] =	wrdreg s14  }
0x16: {  	s1 =	ssub.s32 s1, s13;
	s13 =	sadd.s32 $0x1400, s19;
	[dreg:$0x1a] =	wrdreg s18  }
0x17: {  	s19 =	sadd.s32 s15, s7;
	s7 =	simm.s32 $0x6500;
	[dreg:$0x16] =	wrdreg s20  }
0x18: {  	s22 =	simm.s32 $0x3;
	s14 =	smov.u32 s9;
	[dreg:$0xc] =	wrdreg s7  }
0x19: {  	s24 =	sadd.s32 s13, s2;
	s9 =	sadd.s32 s10, s13;
	[dreg:$0x1b] =	wrdreg s19  }
0x1a: {  	s13 =	smov.u32 s15;
	s10 =	simm.s32 $0x6580;
	[dreg:$0x19] =	wrdreg s14  }
0x1b: {  	s15 =	smov.u32 s16;
	s16 =	simm.s32 $0x6700;
	[dreg:$0xd] =	wrdreg s10  }
0x1c: {  	s5 =	sadd.s32 s5, s0;
	s1 =	smax.u32 s1, $0x1;
	[dreg:$0xf] =	wrdreg s16  }
0x1d: {  	s8 =	sshrl.u32 s8, $0x3;
	s30 =	sadd.s32 $0x50, s19;
	[smem:$0x7FB] =	sst s1  }
0x1e: {  	s12 =	sshrl.u32 s12, $0x3;
	s17 =	sadd.s32 $0xE00, s5;
	[smem:$0x7FC] =	sst s30  }
0x1f: {  	s5 =	simm.s32 $0x80;
	s8 =	sadd.s32 s8, s0;
	[dreg:$0x17] =	wrdreg s24  }
0x20: {  	s0 =	sadd.s32 s12, s0;
	s31 =	sadd.s32 s11, s12;
	[dreg:$0x18] =	wrdreg s15  }
0x21: {  	s7 =	sshrl.u32 s9, $0x3;
	s12 =	simm.s32 $0x6600;
	[dreg:$0x1c] =	wrdreg s31  }
0x22: {  	s19 =	simm.s32 $0x4;
	s7 =	sadd.s32 s11, s7;
	[dreg:$0xe] =	wrdreg s12  }
0x23: {  	s16 =	simm.s32 $0x1A900;
	s21 =	sadd.s32 $0x33A00, s8;
	[dreg:$0x1d] =	wrdreg s7  }
0x24: {  	s10 =	simm.s32 $0x16900;
	s0 =	sadd.s32 $0x36200, s0;
	[dreg:$0x1e] =	wrdreg s21  }
0x25: {  	s1 =	simm.s32 $0x0;
	s31 =	sadd.s32 $0x50, s18;
	[dreg:$0x1f] =	wrdreg s0  }
0x26: {  	s8 =	simm.s32 $0x14900;
	s12 =	simm.s32 $0x5F00;
	[smem:$0x7FD] =	sst s31  }
0x27: {  	s21 =	simm.s32 $0x1BD00;
	s0 =	simm.s32 $0x5F00;
	s7 =	simm.s32 $0x2  }
.LBB2_1:
0x28: {  	[smem:$0x7FA] =	sst s1  }
0x29: {  	s11 =	rddreg [dreg:$0x13]  }
0x2a: {  	[tilespmem:s16], [sflag:$0x5] =	stream.linear.gather [hbm4b:s11+s6], $0x1400, $0x38;
	[tilespmem:$0x1F700] =	vst v63  }
0x2b: {  	_ =	swait.ge [sflag:s26], $0x1400  }
0x2c: {  	[sflag:s26] =	ssyncset.done $0x0  }
0x2d: {  	[sflag:s26] =	ssyncadd.s32 $0xFFFFEC00  }
0x2e: {  	[spmem:s20] =	stream.linear.scatter [tilespmem:s16], [sflag:$0x5], $0x1400, $0x38;
	[tilespmem:$0x1F700] =	vst v63  }
0x2f: {  	_ =	swait.ge [sflag:s26], $0x1400  }
0x30: {  	[sflag:s26] =	ssyncset.done $0x0  }
0x31: {  	[sflag:s26] =	ssyncadd.s32 $0xFFFFEC00  }
0x32: {  	[spmem:s24] =	stream.linear.scatter [tilespmem:s16], [sflag:$0x5], $0x1400, $0x38;
	[tilespmem:$0x1F700] =	vst v63  }
0x33: {  	_ =	swait.ge [sflag:s26], $0x1400  }
0x34: {  	[sflag:s26] =	ssyncset.done $0x0  }
0x35: {  	s9 =	rddreg [dreg:$0x14];
	[sflag:s26] =	ssyncadd.s32 $0xFFFFEC00  }
0x36: {  	[tilespmem:s21], [sflag:$0x5] =	stream.linear.gather [hbm4b:s9+s6], $0x2800, $0x38;
	[tilespmem:$0x1F700] =	vst v63  }
0x37: {  	_ =	swait.ge [sflag:s26], $0x2800  }
0x38: {  	[sflag:s26] =	ssyncset.done $0x0  }
0x39: {  	[sflag:s26] =	ssyncadd.s32 $0xFFFFD800  }
0x3a: {  	[spmem:s15] =	stream.linear.scatter [tilespmem:s21], [sflag:$0x5], $0xA00, $0x38;
	[tilespmem:$0x1F700] =	vst v63  }
0x3b: {  	_ =	swait.ge [sflag:s26], $0xA00  }
0x3c: {  	[sflag:s26] =	ssyncset.done $0x0  }
0x3d: {  	[sflag:s26] =	ssyncadd.s32 $0xFFFFF600  }
0x3e: {  	[spmem:s14] =	stream.linear.scatter [tilespmem:s21], [sflag:$0x5], $0x2800, $0x38;
	[tilespmem:$0x1F700] =	vst v63  }
0x3f: {  	_ =	swait.ge [sflag:s26], $0x2800  }
0x40: {  	[sflag:s26] =	ssyncset.done $0x0  }
0x41: {  	s15 =	rddreg [dreg:$0x15];
	[sflag:s26] =	ssyncadd.s32 $0xFFFFD800  }
0x42: {  	[tilespmem:s29], [sflag:$0x5] =	stream.linear.gather [hbm4b:s15+s6], $0x800, $0x38;
	[tilespmem:$0x1F700] =	vst v63  }
0x43: {  	_ =	swait.ge [sflag:s26], $0x800  }
0x44: {  	[sflag:s26] =	ssyncset.done $0x0  }
0x45: {  	[sflag:s26] =	ssyncadd.s32 $0xFFFFF800  }
0x46: {  	[bflag:$0x0] =	sbarrier.arrive $0xFFFF  }
0x47: {  	s24 =	simm.s32 $0x5A00;
	s16 =	rddreg [dreg:$0x1a]  }
0x48: {  	[tilespmem:s24], [sflag:$0x5] =	stream.linear.gather [hbm4b:s16+s6], $0x280, $0x38;
	[tilespmem:$0x1F700] =	vst v63  }
0x49: {  	_ =	swait.ge [sflag:s26], $0x280  }
0x4a: {  	[sflag:s26] =	ssyncset.done $0x0  }
0x4b: {  	s18 =	rddreg [dreg:$0x1b];
	[sflag:s26] =	ssyncadd.s32 $0xFFFFFD80  }
0x4c: {  	[tilespmem:s0], [sflag:$0x5] =	stream.linear.gather [hbm4b:s18+s6], $0x280, $0x38;
	[tilespmem:$0x1F700] =	vst v63  }
0x4d: {  	_ =	swait.ge [sflag:s26], $0x280  }
0x4e: {  	[sflag:s26] =	ssyncset.done $0x0  }
0x4f: {  	s20 =	simm.s32 $0x6400;
	[sflag:s26] =	ssyncadd.s32 $0xFFFFFD80  }
0x50: {  	[tilespmem:s20], [sflag:$0x5] =	stream.linear.gather [hbm4b:s16+s6], $0x280, $0x38;
	[tilespmem:$0x1F700] =	vst v63  }
0x51: {  	_ =	swait.ge [sflag:s26], $0x280  }
0x52: {  	[sflag:s26] =	ssyncset.done $0x0  }
0x53: {  	s21 =	simm.s32 $0x6900;
	[sflag:s26] =	ssyncadd.s32 $0xFFFFFD80  }
0x54: {  	[tilespmem:s21], [sflag:$0x1] =	stream.indirect.gather [hbm4b:s17+s5], $0x40, s24, s5, $0xb8;
	[tilespmem:$0x1F700] =	vst v63  }
0x55: {  	s18 =	simm.s32 $0x8900;
	s0 =	simm.s32 $0x5A80  }
0x56: {  	[tilespmem:s18], [sflag:$0x1] =	stream.indirect.gather [hbm4b:s17+s5], $0x40, s0, s5, $0xb8;
	[tilespmem:$0x1F700] =	vst v63  }
0x57: {  	s11 =	simm.s32 $0x5B00;
	s0 =	simm.s32 $0xA900  }
0x58: {  	[tilespmem:s0], [sflag:$0x1] =	stream.indirect.gather [hbm4b:s17+s5], $0x40, s11, s5, $0xb8;
	[tilespmem:$0x1F700] =	vst v63  }
0x59: {  	s14 =	simm.s32 $0x5B80;
	s11 =	simm.s32 $0xC900  }
0x5a: {  	[tilespmem:s11], [sflag:$0x1] =	stream.indirect.gather [hbm4b:s17+s5], $0x40, s14, s5, $0xb8;
	[tilespmem:$0x1F700] =	vst v63  }
0x5b: {  	s15 =	simm.s32 $0x5C00;
	s11 =	simm.s32 $0xE900  }
0x5c: {  	[tilespmem:s11], [sflag:$0x1] =	stream.indirect.gather [hbm4b:s17+s5], $0x40, s15, s5, $0xb8;
	[tilespmem:$0x1F700] =	vst v63  }
0x5d: {  	s15 =	sld [smem:$0x7FD];
	_ =	sdelay $0x1  }
0x5e: {  	s0 =	simm.s32 $0x5C80  }
0x5f: {  	[tilespmem:s0], [sflag:$0x5] =	stream.linear.gather [hbm4b:s15+s6], $0x280, $0x38;
	[tilespmem:$0x1F700] =	vst v63  }
0x60: {  	_ =	swait.ge [sflag:s26], $0x280  }
0x61: {  	s14 =	sld [smem:$0x7FC]  }
0x62: {  	[sflag:s26] =	ssyncset.done $0x0  }
0x63: {  	s31 =	simm.s32 $0x6180;
	[sflag:s26] =	ssyncadd.s32 $0xFFFFFD80  }
0x64: {  	[tilespmem:s31], [sflag:$0x5] =	stream.linear.gather [hbm4b:s14+s6], $0x280, $0x38;
	[tilespmem:$0x1F700] =	vst v63  }
0x65: {  	_ =	swait.ge [sflag:s26], $0x280  }
0x66: {  	[sflag:s26] =	ssyncset.done $0x0  }
0x67: {  	s1 =	simm.s32 $0x6680;
	[sflag:s26] =	ssyncadd.s32 $0xFFFFFD80  }
0x68: {  	[tilespmem:s1], [sflag:$0x5] =	stream.linear.gather [hbm4b:s15+s6], $0x280, $0x38;
	[tilespmem:$0x1F700] =	vst v63  }
0x69: {  	_ =	swait.ge [sflag:s26], $0x280  }
0x6a: {  	[sflag:s26] =	ssyncset.done $0x0  }
0x6b: {  	s16 =	simm.s32 $0x10900;
	[sflag:s26] =	ssyncadd.s32 $0xFFFFFD80  }
0x6c: {  	[tilespmem:s16], [sflag:$0x2] =	stream.indirect.gather [hbm4b:s17+s5], $0x40, s0, s5, $0xb8;
	[tilespmem:$0x1F700] =	vst v63  }
0x6d: {  	s9 =	simm.s32 $0x12900;
	s31 =	smov.u32 s14;
	s14 =	rddreg [dreg:$0x7]  }
0x6e: {  	[tilespmem:s9], [sflag:$0x2] =	stream.indirect.gather [hbm4b:s17+s5], $0x40, s14, s5, $0xb8;
	[tilespmem:$0x1F700] =	vst v63  }
0x6f: {  	s1 =	rddreg [dreg:$0x8]  }
0x70: {  	[tilespmem:s8], [sflag:$0x2] =	stream.indirect.gather [hbm4b:s17+s5], $0x40, s1, s5, $0xb8;
	[tilespmem:$0x1F700] =	vst v63  }
0x71: {  	s9 =	rddreg [dreg:$0x9]  }
0x72: {  	[tilespmem:s10], [sflag:$0x2] =	stream.indirect.gather [hbm4b:s17+s5], $0x40, s9, s5, $0xb8;
	[tilespmem:$0x1F700] =	vst v63  }
0x73: {  	s20 =	simm.s32 $0x18900;
	s16 =	rddreg [dreg:$0xa]  }
0x74: {  	[tilespmem:s20], [sflag:$0x2] =	stream.indirect.gather [hbm4b:s17+s5], $0x40, s16, s5, $0xb8;
	[tilespmem:$0x1F700] =	vst v63  }
0x75: {  	_ =	swait.ge [sflag:s28], $0x2000  }
0x76: {  	[sflag:s28] =	ssyncset.done $0x0  }
0x77: {  	[sflag:s28] =	ssyncadd.s32 $0xFFFFE000  }
0x78: {  	_ =	swait.ge [sflag:s28], $0x2000  }
0x79: {  	[sflag:s28] =	ssyncset.done $0x0  }
0x7a: {  	[sflag:s28] =	ssyncadd.s32 $0xFFFFE000  }
0x7b: {  	_ =	swait.ge [sflag:s28], $0x2000  }
0x7c: {  	[sflag:s28] =	ssyncset.done $0x0  }
0x7d: {  	[sflag:s28] =	ssyncadd.s32 $0xFFFFE000  }
0x7e: {  	_ =	swait.ge [sflag:s28], $0x2000  }
0x7f: {  	[sflag:s28] =	ssyncset.done $0x0  }
0x80: {  	[sflag:s28] =	ssyncadd.s32 $0xFFFFE000  }
0x81: {  	_ =	swait.ge [sflag:s28], $0x2000  }
0x82: {  	[sflag:s28] =	ssyncset.done $0x0  }
0x83: {  	s21 =	simm.s32 $0x6900;
	[sflag:s28] =	ssyncadd.s32 $0xFFFFE000  }
0x84: {  	[spmem:s2] =	stream.indirect.scatter.add.f32 [tilespmem:s21], [sflag:$0x3], $0x40, s12, s5, $0xb8;
	[tilespmem:$0x1F700] =	vst v63  }
0x85: {  	_ = 	snop  }
0x86: {  	[spmem:s3] =	stream.indirect.scatter.add.f32 [tilespmem:s29], [sflag:$0x3], $0x10, s12, s5, $0xb8;
	[tilespmem:$0x1F700] =	vst v63  }
0x87: {  	s30 =	simm.s32 $0x6400  }
0x88: {  	[spmem:s4] =	stream.indirect.scatter.add.f32 [tilespmem:s29], [sflag:$0x3], $0x10, s30, s5, $0xb8;
	[tilespmem:$0x1F700] =	vst v63  }
0x89: {  	_ = 	snop  }
0x8a: {  	[spmem:s2] =	stream.indirect.scatter.add.f32 [tilespmem:s18], [sflag:$0x3], $0x40, s25, s5, $0xb8;
	[tilespmem:$0x1F700] =	vst v63  }
0x8b: {  	_ = 	snop  }
0x8c: {  	[spmem:s3] =	stream.indirect.scatter.add.f32 [tilespmem:s29], [sflag:$0x3], $0x10, s25, s5, $0xb8;
	[tilespmem:$0x1F700] =	vst v63  }
0x8d: {  	s30 =	rddreg [dreg:$0xb]  }
0x8e: {  	[spmem:s4] =	stream.indirect.scatter.add.f32 [tilespmem:s29], [sflag:$0x3], $0x10, s30, s5, $0xb8;
	[tilespmem:$0x1F700] =	vst v63  }
0x8f: {  	s11 =	simm.s32 $0x6000;
	s0 =	simm.s32 $0xA900  }
0x90: {  	[spmem:s2] =	stream.indirect.scatter.add.f32 [tilespmem:s0], [sflag:$0x3], $0x40, s11, s5, $0xb8;
	[tilespmem:$0x1F700] =	vst v63  }
0x91: {  	_ = 	snop  }
0x92: {  	[spmem:s3] =	stream.indirect.scatter.add.f32 [tilespmem:s29], [sflag:$0x3], $0x10, s11, s5, $0xb8;
	[tilespmem:$0x1F700] =	vst v63  }
0x93: {  	s14 =	rddreg [dreg:$0xc]  }
0x94: {  	[spmem:s4] =	stream.indirect.scatter.add.f32 [tilespmem:s29], [sflag:$0x3], $0x10, s14, s5, $0xb8;
	[tilespmem:$0x1F700] =	vst v63  }
0x95: {  	s25 =	simm.s32 $0xC900;
	s30 =	simm.s32 $0x6080  }
0x96: {  	[spmem:s2] =	stream.indirect.scatter.add.f32 [tilespmem:s25], [sflag:$0x3], $0x40, s30, s5, $0xb8;
	[tilespmem:$0x1F700] =	vst v63  }
0x97: {  	_ = 	snop  }
0x98: {  	[spmem:s3] =	stream.indirect.scatter.add.f32 [tilespmem:s29], [sflag:$0x3], $0x10, s30, s5, $0xb8;
	[tilespmem:$0x1F700] =	vst v63  }
0x99: {  	s1 =	rddreg [dreg:$0xd]  }
0x9a: {  	[spmem:s4] =	stream.indirect.scatter.add.f32 [tilespmem:s29], [sflag:$0x3], $0x10, s1, s5, $0xb8;
	[tilespmem:$0x1F700] =	vst v63  }
0x9b: {  	s0 =	simm.s32 $0x6100;
	s11 =	simm.s32 $0xE900  }
0x9c: {  	[spmem:s2] =	stream.indirect.scatter.add.f32 [tilespmem:s11], [sflag:$0x3], $0x40, s0, s5, $0xb8;
	[tilespmem:$0x1F700] =	vst v63  }
0x9d: {  	_ = 	snop  }
0x9e: {  	[spmem:s3] =	stream.indirect.scatter.add.f32 [tilespmem:s29], [sflag:$0x3], $0x10, s0, s5, $0xb8;
	[tilespmem:$0x1F700] =	vst v63  }
0x9f: {  	s14 =	rddreg [dreg:$0xe]  }
0xa0: {  	[spmem:s4] =	stream.indirect.scatter.add.f32 [tilespmem:s29], [sflag:$0x3], $0x10, s14, s5, $0xb8;
	[tilespmem:$0x1F700] =	vst v63  }
0xa1: {  	_ =	swait.ge [sflag:s22], $0x2000  }
0xa2: {  	[sflag:s22] =	ssyncset.done $0x0  }
0xa3: {  	[sflag:s22] =	ssyncadd.s32 $0xFFFFE000  }
0xa4: {  	_ =	swait.ge [sflag:s22], $0x800  }
0xa5: {  	[sflag:s22] =	ssyncset.done $0x0  }
0xa6: {  	[sflag:s22] =	ssyncadd.s32 $0xFFFFF800  }
0xa7: {  	_ =	swait.ge [sflag:s22], $0x800  }
0xa8: {  	[sflag:s22] =	ssyncset.done $0x0  }
0xa9: {  	[sflag:s22] =	ssyncadd.s32 $0xFFFFF800  }
0xaa: {  	_ =	swait.ge [sflag:s22], $0x2000  }
0xab: {  	[sflag:s22] =	ssyncset.done $0x0  }
0xac: {  	[sflag:s22] =	ssyncadd.s32 $0xFFFFE000  }
0xad: {  	_ =	swait.ge [sflag:s22], $0x800  }
0xae: {  	[sflag:s22] =	ssyncset.done $0x0  }
0xaf: {  	[sflag:s22] =	ssyncadd.s32 $0xFFFFF800  }
0xb0: {  	_ =	swait.ge [sflag:s22], $0x800  }
0xb1: {  	[sflag:s22] =	ssyncset.done $0x0  }
0xb2: {  	[sflag:s22] =	ssyncadd.s32 $0xFFFFF800  }
0xb3: {  	_ =	swait.ge [sflag:s22], $0x2000  }
0xb4: {  	[sflag:s22] =	ssyncset.done $0x0  }
0xb5: {  	[sflag:s22] =	ssyncadd.s32 $0xFFFFE000  }
0xb6: {  	_ =	swait.ge [sflag:s22], $0x800  }
0xb7: {  	[sflag:s22] =	ssyncset.done $0x0  }
0xb8: {  	[sflag:s22] =	ssyncadd.s32 $0xFFFFF800  }
0xb9: {  	_ =	swait.ge [sflag:s22], $0x800  }
0xba: {  	[sflag:s22] =	ssyncset.done $0x0  }
0xbb: {  	[sflag:s22] =	ssyncadd.s32 $0xFFFFF800  }
0xbc: {  	_ =	swait.ge [sflag:s22], $0x2000  }
0xbd: {  	[sflag:s22] =	ssyncset.done $0x0  }
0xbe: {  	[sflag:s22] =	ssyncadd.s32 $0xFFFFE000  }
0xbf: {  	_ =	swait.ge [sflag:s22], $0x800  }
0xc0: {  	[sflag:s22] =	ssyncset.done $0x0  }
0xc1: {  	[sflag:s22] =	ssyncadd.s32 $0xFFFFF800  }
0xc2: {  	_ =	swait.ge [sflag:s22], $0x800  }
0xc3: {  	[sflag:s22] =	ssyncset.done $0x0  }
0xc4: {  	[sflag:s22] =	ssyncadd.s32 $0xFFFFF800  }
0xc5: {  	_ =	swait.ge [sflag:s22], $0x2000  }
0xc6: {  	[sflag:s22] =	ssyncset.done $0x0  }
0xc7: {  	[sflag:s22] =	ssyncadd.s32 $0xFFFFE000  }
0xc8: {  	_ =	swait.ge [sflag:s22], $0x800  }
0xc9: {  	[sflag:s22] =	ssyncset.done $0x0  }
0xca: {  	s25 =	smin.u32 s6, $0x1D;
	[sflag:s22] =	ssyncadd.s32 $0xFFFFF800  }
0xcb: {  	s11 =	smul.u32 $0x5, s25;
	_ =	swait.ge [sflag:s22], $0x800  }
0xcc: {  	s30 =	rddreg [dreg:$0x6]  }
0xcd: {  	s11 =	sadd.s32 s11, s30  }
0xce: {  	[sflag:s22] =	ssyncset.done $0x0;
	s11 =	sshll.u32 s11, $0x4  }
0xcf: {  	[sflag:s22] =	ssyncadd.s32 $0xFFFFF800;
	s1 =	sadd.s32 s23, s11  }
0xd0: {  	[tilespmem:s24], [sflag:$0x5] =	stream.linear.gather [hbm4b:s1+s6], $0x280, $0x38;
	[tilespmem:$0x1F700] =	vst v63  }
0xd1: {  	_ =	swait.ge [sflag:s26], $0x280  }
0xd2: {  	[sflag:s26] =	ssyncset.done $0x0  }
0xd3: {  	s11 =	sadd.s32 s13, s11;
	[sflag:s26] =	ssyncadd.s32 $0xFFFFFD80  }
0xd4: {  	[tilespmem:s12], [sflag:$0x5] =	stream.linear.gather [hbm4b:s11+s6], $0x280, $0x38;
	[tilespmem:$0x1F700] =	vst v63  }
0xd5: {  	_ =	swait.ge [sflag:s26], $0x280  }
0xd6: {  	[sflag:s26] =	ssyncset.done $0x0  }
0xd7: {  	s21 =	simm.s32 $0x6400;
	[sflag:s26] =	ssyncadd.s32 $0xFFFFFD80  }
0xd8: {  	[tilespmem:s21], [sflag:$0x5] =	stream.linear.gather [hbm4b:s1+s6], $0x280, $0x38;
	[tilespmem:$0x1F700] =	vst v63  }
0xd9: {  	_ =	swait.ge [sflag:s26], $0x280  }
0xda: {  	[sflag:s26] =	ssyncset.done $0x0  }
0xdb: {  	s8 =	simm.s32 $0x6900;
	[sflag:s26] =	ssyncadd.s32 $0xFFFFFD80  }
0xdc: {  	[tilespmem:s8], [sflag:$0x1] =	stream.indirect.gather [hbm4b:s17+s5], $0x40, s24, s5, $0xb8;
	[tilespmem:$0x1F700] =	vst v63  }
0xdd: {  	s11 =	simm.s32 $0x5A80;
	s8 =	simm.s32 $0x8900  }
0xde: {  	[tilespmem:s8], [sflag:$0x1] =	stream.indirect.gather [hbm4b:s17+s5], $0x40, s11, s5, $0xb8;
	[tilespmem:$0x1F700] =	vst v63  }
0xdf: {  	s21 =	simm.s32 $0x5B00;
	s24 =	simm.s32 $0xA900  }
0xe0: {  	[tilespmem:s24], [sflag:$0x1] =	stream.indirect.gather [hbm4b:s17+s5], $0x40, s21, s5, $0xb8;
	[tilespmem:$0x1F700] =	vst v63  }
0xe1: {  	s25 =	simm.s32 $0x5B80;
	s30 =	simm.s32 $0xC900  }
0xe2: {  	[tilespmem:s30], [sflag:$0x1] =	stream.indirect.gather [hbm4b:s17+s5], $0x40, s25, s5, $0xb8;
	[tilespmem:$0x1F700] =	vst v63  }
0xe3: {  	s11 =	simm.s32 $0x5C00;
	s21 =	simm.s32 $0xE900  }
0xe4: {  	[tilespmem:s21], [sflag:$0x1] =	stream.indirect.gather [hbm4b:s17+s5], $0x40, s11, s5, $0xb8;
	[tilespmem:$0x1F700] =	vst v63  }
0xe5: {  	_ =	swait.ge [sflag:s7], $0x2000  }
0xe6: {  	[sflag:s7] =	ssyncset.done $0x0  }
0xe7: {  	[sflag:s7] =	ssyncadd.s32 $0xFFFFE000  }
0xe8: {  	_ =	swait.ge [sflag:s7], $0x2000  }
0xe9: {  	[sflag:s7] =	ssyncset.done $0x0  }
0xea: {  	[sflag:s7] =	ssyncadd.s32 $0xFFFFE000  }
0xeb: {  	_ =	swait.ge [sflag:s7], $0x2000  }
0xec: {  	[sflag:s7] =	ssyncset.done $0x0  }
0xed: {  	[sflag:s7] =	ssyncadd.s32 $0xFFFFE000  }
0xee: {  	_ =	swait.ge [sflag:s7], $0x2000  }
0xef: {  	[sflag:s7] =	ssyncset.done $0x0  }
0xf0: {  	[sflag:s7] =	ssyncadd.s32 $0xFFFFE000  }
0xf1: {  	_ =	swait.ge [sflag:s7], $0x2000  }
0xf2: {  	[sflag:s7] =	ssyncset.done $0x0  }
0xf3: {  	s9 =	simm.s32 $0x10900;
	s18 =	simm.s32 $0x6180;
	[sflag:s7] =	ssyncadd.s32 $0xFFFFE000  }
0xf4: {  	[spmem:s2] =	stream.indirect.scatter.add.f32 [tilespmem:s9], [sflag:$0x4], $0x40, s18, s5, $0xb8;
	[tilespmem:$0x1F700] =	vst v63  }
0xf5: {  	_ = 	snop  }
0xf6: {  	[spmem:s3] =	stream.indirect.scatter.add.f32 [tilespmem:s29], [sflag:$0x4], $0x10, s18, s5, $0xb8;
	[tilespmem:$0x1F700] =	vst v63  }
0xf7: {  	s1 =	simm.s32 $0x6680  }
0xf8: {  	[spmem:s4] =	stream.indirect.scatter.add.f32 [tilespmem:s29], [sflag:$0x4], $0x10, s1, s5, $0xb8;
	[tilespmem:$0x1F700] =	vst v63  }
0xf9: {  	s20 =	simm.s32 $0x6200;
	s14 =	simm.s32 $0x12900  }
0xfa: {  	[spmem:s2] =	stream.indirect.scatter.add.f32 [tilespmem:s14], [sflag:$0x4], $0x40, s20, s5, $0xb8;
	[tilespmem:$0x1F700] =	vst v63  }
0xfb: {  	_ = 	snop  }
0xfc: {  	[spmem:s3] =	stream.indirect.scatter.add.f32 [tilespmem:s29], [sflag:$0x4], $0x10, s20, s5, $0xb8;
	[tilespmem:$0x1F700] =	vst v63  }
0xfd: {  	s24 =	rddreg [dreg:$0xf]  }
0xfe: {  	[spmem:s4] =	stream.indirect.scatter.add.f32 [tilespmem:s29], [sflag:$0x4], $0x10, s24, s5, $0xb8;
	[tilespmem:$0x1F700] =	vst v63  }
0xff: {  	s8 =	simm.s32 $0x14900;
	s30 =	simm.s32 $0x6280  }
0x100: {  	[spmem:s2] =	stream.indirect.scatter.add.f32 [tilespmem:s8], [sflag:$0x4], $0x40, s30, s5, $0xb8;
	[tilespmem:$0x1F700] =	vst v63  }
0x101: {  	_ = 	snop  }
0x102: {  	[spmem:s3] =	stream.indirect.scatter.add.f32 [tilespmem:s29], [sflag:$0x4], $0x10, s30, s5, $0xb8;
	[tilespmem:$0x1F700] =	vst v63  }
0x103: {  	s21 =	rddreg [dreg:$0x10]  }
0x104: {  	[spmem:s4] =	stream.indirect.scatter.add.f32 [tilespmem:s29], [sflag:$0x4], $0x10, s21, s5, $0xb8;
	[tilespmem:$0x1F700] =	vst v63  }
0x105: {  	s25 =	simm.s32 $0x6300  }
0x106: {  	[spmem:s2] =	stream.indirect.scatter.add.f32 [tilespmem:s10], [sflag:$0x4], $0x40, s25, s5, $0xb8;
	[tilespmem:$0x1F700] =	vst v63  }
0x107: {  	_ = 	snop  }
0x108: {  	[spmem:s3] =	stream.indirect.scatter.add.f32 [tilespmem:s29], [sflag:$0x4], $0x10, s25, s5, $0xb8;
	[tilespmem:$0x1F700] =	vst v63  }
0x109: {  	s24 =	rddreg [dreg:$0x11]  }
0x10a: {  	[spmem:s4] =	stream.indirect.scatter.add.f32 [tilespmem:s29], [sflag:$0x4], $0x10, s24, s5, $0xb8;
	[tilespmem:$0x1F700] =	vst v63  }
0x10b: {  	s16 =	simm.s32 $0x18900;
	s25 =	simm.s32 $0x6380  }
0x10c: {  	[spmem:s2] =	stream.indirect.scatter.add.f32 [tilespmem:s16], [sflag:$0x4], $0x40, s25, s5, $0xb8;
	[tilespmem:$0x1F700] =	vst v63  }
0x10d: {  	_ = 	snop  }
0x10e: {  	[spmem:s3] =	stream.indirect.scatter.add.f32 [tilespmem:s29], [sflag:$0x4], $0x10, s25, s5, $0xb8;
	[tilespmem:$0x1F700] =	vst v63  }
0x10f: {  	s30 =	rddreg [dreg:$0x12]  }
0x110: {  	[spmem:s4] =	stream.indirect.scatter.add.f32 [tilespmem:s29], [sflag:$0x4], $0x10, s30, s5, $0xb8;
	[tilespmem:$0x1F700] =	vst v63  }
0x111: {  	_ =	swait.ge [sflag:s19], $0x2000  }
0x112: {  	[sflag:s19] =	ssyncset.done $0x0  }
0x113: {  	[sflag:s19] =	ssyncadd.s32 $0xFFFFE000  }
0x114: {  	_ =	swait.ge [sflag:s19], $0x800  }
0x115: {  	[sflag:s19] =	ssyncset.done $0x0  }
0x116: {  	[sflag:s19] =	ssyncadd.s32 $0xFFFFF800  }
0x117: {  	_ =	swait.ge [sflag:s19], $0x800  }
0x118: {  	[sflag:s19] =	ssyncset.done $0x0  }
0x119: {  	[sflag:s19] =	ssyncadd.s32 $0xFFFFF800  }
0x11a: {  	_ =	swait.ge [sflag:s19], $0x2000  }
0x11b: {  	[sflag:s19] =	ssyncset.done $0x0  }
0x11c: {  	[sflag:s19] =	ssyncadd.s32 $0xFFFFE000  }
0x11d: {  	_ =	swait.ge [sflag:s19], $0x800  }
0x11e: {  	[sflag:s19] =	ssyncset.done $0x0  }
0x11f: {  	[sflag:s19] =	ssyncadd.s32 $0xFFFFF800  }
0x120: {  	_ =	swait.ge [sflag:s19], $0x800  }
0x121: {  	[sflag:s19] =	ssyncset.done $0x0  }
0x122: {  	[sflag:s19] =	ssyncadd.s32 $0xFFFFF800  }
0x123: {  	_ =	swait.ge [sflag:s19], $0x2000  }
0x124: {  	[sflag:s19] =	ssyncset.done $0x0  }
0x125: {  	[sflag:s19] =	ssyncadd.s32 $0xFFFFE000  }
0x126: {  	_ =	swait.ge [sflag:s19], $0x800  }
0x127: {  	[sflag:s19] =	ssyncset.done $0x0  }
0x128: {  	[sflag:s19] =	ssyncadd.s32 $0xFFFFF800  }
0x129: {  	_ =	swait.ge [sflag:s19], $0x800  }
0x12a: {  	[sflag:s19] =	ssyncset.done $0x0  }
0x12b: {  	[sflag:s19] =	ssyncadd.s32 $0xFFFFF800  }
0x12c: {  	_ =	swait.ge [sflag:s19], $0x2000  }
0x12d: {  	[sflag:s19] =	ssyncset.done $0x0  }
0x12e: {  	[sflag:s19] =	ssyncadd.s32 $0xFFFFE000  }
0x12f: {  	_ =	swait.ge [sflag:s19], $0x800  }
0x130: {  	[sflag:s19] =	ssyncset.done $0x0  }
0x131: {  	[sflag:s19] =	ssyncadd.s32 $0xFFFFF800  }
0x132: {  	_ =	swait.ge [sflag:s19], $0x800  }
0x133: {  	[sflag:s19] =	ssyncset.done $0x0  }
0x134: {  	[sflag:s19] =	ssyncadd.s32 $0xFFFFF800  }
0x135: {  	_ =	swait.ge [sflag:s19], $0x2000  }
0x136: {  	[sflag:s19] =	ssyncset.done $0x0  }
0x137: {  	[sflag:s19] =	ssyncadd.s32 $0xFFFFE000  }
0x138: {  	_ =	swait.ge [sflag:s19], $0x800  }
0x139: {  	[sflag:s19] =	ssyncset.done $0x0  }
0x13a: {  	[sflag:s19] =	ssyncadd.s32 $0xFFFFF800  }
0x13b: {  	s11 =	smov.u32 s15;
	_ =	swait.ge [sflag:s19], $0x800  }
0x13c: {  	s21 =	simm.s32 $0x2;
	s16 =	smov.u32 s31;
	[sflag:s19] =	ssyncset.done $0x0  }
.LBB2_2:
0x13d: {  	[sflag:s19] =	ssyncadd.s32 $0xFFFFF800;
	s11 =	sadd.s32 $0xA0, s11;
	s8 =	simm.s32 $0x5C80  }
0x13e: {  	[tilespmem:s8], [sflag:$0x5] =	stream.linear.gather [hbm4b:s11+s6], $0x280, $0x38;
	[tilespmem:$0x1F700] =	vst v63  }
0x13f: {  	_ =	swait.ge [sflag:s26], $0x280  }
0x140: {  	[sflag:s26] =	ssyncset.done $0x0  }
0x141: {  	s16 =	sadd.s32 $0xA0, s16;
	[sflag:s26] =	ssyncadd.s32 $0xFFFFFD80  }
0x142: {  	[tilespmem:s18], [sflag:$0x5] =	stream.linear.gather [hbm4b:s16+s6], $0x280, $0x38;
	[tilespmem:$0x1F700] =	vst v63  }
0x143: {  	_ =	swait.ge [sflag:s26], $0x280  }
0x144: {  	[sflag:s26] =	ssyncset.done $0x0  }
0x145: {  	[sflag:s26] =	ssyncadd.s32 $0xFFFFFD80  }
0x146: {  	[tilespmem:s1], [sflag:$0x5] =	stream.linear.gather [hbm4b:s11+s6], $0x280, $0x38;
	[tilespmem:$0x1F700] =	vst v63  }
0x147: {  	_ =	swait.ge [sflag:s26], $0x280  }
0x148: {  	[sflag:s26] =	ssyncset.done $0x0  }
0x149: {  	[sflag:s26] =	ssyncadd.s32 $0xFFFFFD80  }
0x14a: {  	[tilespmem:s9], [sflag:$0x2] =	stream.indirect.gather [hbm4b:s17+s5], $0x40, s8, s5, $0xb8;
	[tilespmem:$0x1F700] =	vst v63  }
0x14b: {  	s10 =	simm.s32 $0x14900;
	s31 =	simm.s32 $0x12900;
	s15 =	rddreg [dreg:$0x7]  }
0x14c: {  	[tilespmem:s31], [sflag:$0x2] =	stream.indirect.gather [hbm4b:s17+s5], $0x40, s15, s5, $0xb8;
	[tilespmem:$0x1F700] =	vst v63  }
0x14d: {  	s24 =	smov.u32 s13;
	s13 =	smov.u32 s23;
	s23 =	rddreg [dreg:$0x8]  }
0x14e: {  	[tilespmem:s10], [sflag:$0x2] =	stream.indirect.gather [hbm4b:s17+s5], $0x40, s23, s5, $0xb8;
	[tilespmem:$0x1F700] =	vst v63  }
0x14f: {  	s31 =	rddreg [dreg:$0x9];
	s10 =	simm.s32 $0x16900  }
0x150: {  	[tilespmem:s10], [sflag:$0x2] =	stream.indirect.gather [hbm4b:s17+s5], $0x40, s31, s5, $0xb8;
	[tilespmem:$0x1F700] =	vst v63  }
0x151: {  	s25 =	simm.s32 $0x18900;
	s8 =	rddreg [dreg:$0xa]  }
0x152: {  	[tilespmem:s25], [sflag:$0x2] =	stream.indirect.gather [hbm4b:s17+s5], $0x40, s8, s5, $0xb8;
	[tilespmem:$0x1F700] =	vst v63  }
0x153: {  	_ =	swait.ge [sflag:s28], $0x2000  }
0x154: {  	[sflag:s28] =	ssyncset.done $0x0  }
0x155: {  	[sflag:s28] =	ssyncadd.s32 $0xFFFFE000  }
0x156: {  	_ =	swait.ge [sflag:s28], $0x2000  }
0x157: {  	[sflag:s28] =	ssyncset.done $0x0  }
0x158: {  	[sflag:s28] =	ssyncadd.s32 $0xFFFFE000  }
0x159: {  	_ =	swait.ge [sflag:s28], $0x2000  }
0x15a: {  	[sflag:s28] =	ssyncset.done $0x0  }
0x15b: {  	[sflag:s28] =	ssyncadd.s32 $0xFFFFE000  }
0x15c: {  	_ =	swait.ge [sflag:s28], $0x2000  }
0x15d: {  	[sflag:s28] =	ssyncset.done $0x0  }
0x15e: {  	[sflag:s28] =	ssyncadd.s32 $0xFFFFE000  }
0x15f: {  	_ =	swait.ge [sflag:s28], $0x2000  }
0x160: {  	[sflag:s28] =	ssyncset.done $0x0  }
0x161: {  	s1 =	simm.s32 $0x6900;
	[sflag:s28] =	ssyncadd.s32 $0xFFFFE000  }
0x162: {  	[spmem:s2] =	stream.indirect.scatter.add.f32 [tilespmem:s1], [sflag:$0x3], $0x40, s12, s5, $0xb8;
	[tilespmem:$0x1F700] =	vst v63  }
0x163: {  	_ = 	snop  }
0x164: {  	[spmem:s3] =	stream.indirect.scatter.add.f32 [tilespmem:s29], [sflag:$0x3], $0x10, s12, s5, $0xb8;
	[tilespmem:$0x1F700] =	vst v63  }
0x165: {  	s8 =	simm.s32 $0x6400  }
0x166: {  	[spmem:s4] =	stream.indirect.scatter.add.f32 [tilespmem:s29], [sflag:$0x3], $0x10, s8, s5, $0xb8;
	[tilespmem:$0x1F700] =	vst v63  }
0x167: {  	s9 =	simm.s32 $0x8900;
	s25 =	simm.s32 $0x5F80  }
0x168: {  	[spmem:s2] =	stream.indirect.scatter.add.f32 [tilespmem:s9], [sflag:$0x3], $0x40, s25, s5, $0xb8;
	[tilespmem:$0x1F700] =	vst v63  }
0x169: {  	_ = 	snop  }
0x16a: {  	[spmem:s3] =	stream.indirect.scatter.add.f32 [tilespmem:s29], [sflag:$0x3], $0x10, s25, s5, $0xb8;
	[tilespmem:$0x1F700] =	vst v63  }
0x16b: {  	s31 =	rddreg [dreg:$0xb]  }
0x16c: {  	[spmem:s4] =	stream.indirect.scatter.add.f32 [tilespmem:s29], [sflag:$0x3], $0x10, s31, s5, $0xb8;
	[tilespmem:$0x1F700] =	vst v63  }
0x16d: {  	s18 =	simm.s32 $0xA900;
	s31 =	simm.s32 $0x6000  }
0x16e: {  	[spmem:s2] =	stream.indirect.scatter.add.f32 [tilespmem:s18], [sflag:$0x3], $0x40, s31, s5, $0xb8;
	[tilespmem:$0x1F700] =	vst v63  }
0x16f: {  	_ = 	snop  }
0x170: {  	[spmem:s3] =	stream.indirect.scatter.add.f32 [tilespmem:s29], [sflag:$0x3], $0x10, s31, s5, $0xb8;
	[tilespmem:$0x1F700] =	vst v63  }
0x171: {  	s15 =	rddreg [dreg:$0xc]  }
0x172: {  	[spmem:s4] =	stream.indirect.scatter.add.f32 [tilespmem:s29], [sflag:$0x3], $0x10, s15, s5, $0xb8;
	[tilespmem:$0x1F700] =	vst v63  }
0x173: {  	s20 =	simm.s32 $0xC900;
	s31 =	simm.s32 $0x6080  }
0x174: {  	[spmem:s2] =	stream.indirect.scatter.add.f32 [tilespmem:s20], [sflag:$0x3], $0x40, s31, s5, $0xb8;
	[tilespmem:$0x1F700] =	vst v63  }
0x175: {  	_ = 	snop  }
0x176: {  	[spmem:s3] =	stream.indirect.scatter.add.f32 [tilespmem:s29], [sflag:$0x3], $0x10, s31, s5, $0xb8;
	[tilespmem:$0x1F700] =	vst v63  }
0x177: {  	s15 =	rddreg [dreg:$0xd]  }
0x178: {  	[spmem:s4] =	stream.indirect.scatter.add.f32 [tilespmem:s29], [sflag:$0x3], $0x10, s15, s5, $0xb8;
	[tilespmem:$0x1F700] =	vst v63  }
0x179: {  	s30 =	simm.s32 $0xE900  }
0x17a: {  	[spmem:s2] =	stream.indirect.scatter.add.f32 [tilespmem:s30], [sflag:$0x3], $0x40, s0, s5, $0xb8;
	[tilespmem:$0x1F700] =	vst v63  }
0x17b: {  	_ = 	snop  }
0x17c: {  	[spmem:s3] =	stream.indirect.scatter.add.f32 [tilespmem:s29], [sflag:$0x3], $0x10, s0, s5, $0xb8;
	[tilespmem:$0x1F700] =	vst v63  }
0x17d: {  	s31 =	rddreg [dreg:$0xe]  }
0x17e: {  	[spmem:s4] =	stream.indirect.scatter.add.f32 [tilespmem:s29], [sflag:$0x3], $0x10, s31, s5, $0xb8;
	[tilespmem:$0x1F700] =	vst v63  }
0x17f: {  	_ =	swait.ge [sflag:s22], $0x2000  }
0x180: {  	[sflag:s22] =	ssyncset.done $0x0  }
0x181: {  	[sflag:s22] =	ssyncadd.s32 $0xFFFFE000  }
0x182: {  	_ =	swait.ge [sflag:s22], $0x800  }
0x183: {  	[sflag:s22] =	ssyncset.done $0x0  }
0x184: {  	[sflag:s22] =	ssyncadd.s32 $0xFFFFF800  }
0x185: {  	_ =	swait.ge [sflag:s22], $0x800  }
0x186: {  	[sflag:s22] =	ssyncset.done $0x0  }
0x187: {  	[sflag:s22] =	ssyncadd.s32 $0xFFFFF800  }
0x188: {  	_ =	swait.ge [sflag:s22], $0x2000  }
0x189: {  	[sflag:s22] =	ssyncset.done $0x0  }
0x18a: {  	[sflag:s22] =	ssyncadd.s32 $0xFFFFE000  }
0x18b: {  	_ =	swait.ge [sflag:s22], $0x800  }
0x18c: {  	[sflag:s22] =	ssyncset.done $0x0  }
0x18d: {  	[sflag:s22] =	ssyncadd.s32 $0xFFFFF800  }
0x18e: {  	_ =	swait.ge [sflag:s22], $0x800  }
0x18f: {  	[sflag:s22] =	ssyncset.done $0x0  }
0x190: {  	[sflag:s22] =	ssyncadd.s32 $0xFFFFF800  }
0x191: {  	_ =	swait.ge [sflag:s22], $0x2000  }
0x192: {  	[sflag:s22] =	ssyncset.done $0x0  }
0x193: {  	[sflag:s22] =	ssyncadd.s32 $0xFFFFE000  }
0x194: {  	_ =	swait.ge [sflag:s22], $0x800  }
0x195: {  	[sflag:s22] =	ssyncset.done $0x0  }
0x196: {  	[sflag:s22] =	ssyncadd.s32 $0xFFFFF800  }
0x197: {  	_ =	swait.ge [sflag:s22], $0x800  }
0x198: {  	[sflag:s22] =	ssyncset.done $0x0  }
0x199: {  	[sflag:s22] =	ssyncadd.s32 $0xFFFFF800  }
0x19a: {  	_ =	swait.ge [sflag:s22], $0x2000  }
0x19b: {  	[sflag:s22] =	ssyncset.done $0x0  }
0x19c: {  	[sflag:s22] =	ssyncadd.s32 $0xFFFFE000  }
0x19d: {  	_ =	swait.ge [sflag:s22], $0x800  }
0x19e: {  	[sflag:s22] =	ssyncset.done $0x0  }
0x19f: {  	[sflag:s22] =	ssyncadd.s32 $0xFFFFF800  }
0x1a0: {  	_ =	swait.ge [sflag:s22], $0x800  }
0x1a1: {  	[sflag:s22] =	ssyncset.done $0x0  }
0x1a2: {  	[sflag:s22] =	ssyncadd.s32 $0xFFFFF800  }
0x1a3: {  	_ =	swait.ge [sflag:s22], $0x2000  }
0x1a4: {  	[sflag:s22] =	ssyncset.done $0x0  }
0x1a5: {  	[sflag:s22] =	ssyncadd.s32 $0xFFFFE000  }
0x1a6: {  	_ =	swait.ge [sflag:s22], $0x800  }
0x1a7: {  	s14 =	smov.u32 s21;
	[sflag:s22] =	ssyncset.done $0x0  }
0x1a8: {  	s14 =	smin.u32 s14, $0x1D;
	[sflag:s22] =	ssyncadd.s32 $0xFFFFF800  }
0x1a9: {  	s14 =	smul.u32 $0x5, s14;
	_ =	swait.ge [sflag:s22], $0x800  }
0x1aa: {  	s31 =	rddreg [dreg:$0x6]  }
0x1ab: {  	s23 =	smov.u32 s13;
	s14 =	sadd.s32 s14, s31  }
0x1ac: {  	s13 =	smov.u32 s24;
	[sflag:s22] =	ssyncset.done $0x0;
	s14 =	sshll.u32 s14, $0x4  }
0x1ad: {  	s24 =	simm.s32 $0x5A00;
	[sflag:s22] =	ssyncadd.s32 $0xFFFFF800;
	s31 =	sadd.s32 s23, s14  }
0x1ae: {  	[tilespmem:s24], [sflag:$0x5] =	stream.linear.gather [hbm4b:s31+s6], $0x280, $0x38;
	[tilespmem:$0x1F700] =	vst v63  }
0x1af: {  	_ =	swait.ge [sflag:s26], $0x280  }
0x1b0: {  	[sflag:s26] =	ssyncset.done $0x0  }
0x1b1: {  	s14 =	sadd.s32 s13, s14;
	[sflag:s26] =	ssyncadd.s32 $0xFFFFFD80  }
0x1b2: {  	[tilespmem:s12], [sflag:$0x5] =	stream.linear.gather [hbm4b:s14+s6], $0x280, $0x38;
	[tilespmem:$0x1F700] =	vst v63  }
0x1b3: {  	_ =	swait.ge [sflag:s26], $0x280  }
0x1b4: {  	[sflag:s26] =	ssyncset.done $0x0  }
0x1b5: {  	[sflag:s26] =	ssyncadd.s32 $0xFFFFFD80  }
0x1b6: {  	[tilespmem:s8], [sflag:$0x5] =	stream.linear.gather [hbm4b:s31+s6], $0x280, $0x38;
	[tilespmem:$0x1F700] =	vst v63  }
0x1b7: {  	_ =	swait.ge [sflag:s26], $0x280  }
0x1b8: {  	[sflag:s26] =	ssyncset.done $0x0  }
0x1b9: {  	[sflag:s26] =	ssyncadd.s32 $0xFFFFFD80  }
0x1ba: {  	[tilespmem:s1], [sflag:$0x1] =	stream.indirect.gather [hbm4b:s17+s5], $0x40, s24, s5, $0xb8;
	[tilespmem:$0x1F700] =	vst v63  }
0x1bb: {  	s24 =	simm.s32 $0x5A80  }
0x1bc: {  	[tilespmem:s9], [sflag:$0x1] =	stream.indirect.gather [hbm4b:s17+s5], $0x40, s24, s5, $0xb8;
	[tilespmem:$0x1F700] =	vst v63  }
0x1bd: {  	s31 =	simm.s32 $0x5B00  }
0x1be: {  	[tilespmem:s18], [sflag:$0x1] =	stream.indirect.gather [hbm4b:s17+s5], $0x40, s31, s5, $0xb8;
	[tilespmem:$0x1F700] =	vst v63  }
0x1bf: {  	s8 =	simm.s32 $0x5B80  }
0x1c0: {  	[tilespmem:s20], [sflag:$0x1] =	stream.indirect.gather [hbm4b:s17+s5], $0x40, s8, s5, $0xb8;
	[tilespmem:$0x1F700] =	vst v63  }
0x1c1: {  	s24 =	simm.s32 $0x5C00  }
0x1c2: {  	[tilespmem:s30], [sflag:$0x1] =	stream.indirect.gather [hbm4b:s17+s5], $0x40, s24, s5, $0xb8;
	[tilespmem:$0x1F700] =	vst v63  }
0x1c3: {  	_ =	swait.ge [sflag:s7], $0x2000  }
0x1c4: {  	[sflag:s7] =	ssyncset.done $0x0  }
0x1c5: {  	[sflag:s7] =	ssyncadd.s32 $0xFFFFE000  }
0x1c6: {  	_ =	swait.ge [sflag:s7], $0x2000  }
0x1c7: {  	[sflag:s7] =	ssyncset.done $0x0  }
0x1c8: {  	[sflag:s7] =	ssyncadd.s32 $0xFFFFE000  }
0x1c9: {  	_ =	swait.ge [sflag:s7], $0x2000  }
0x1ca: {  	[sflag:s7] =	ssyncset.done $0x0  }
0x1cb: {  	[sflag:s7] =	ssyncadd.s32 $0xFFFFE000  }
0x1cc: {  	_ =	swait.ge [sflag:s7], $0x2000  }
0x1cd: {  	[sflag:s7] =	ssyncset.done $0x0  }
0x1ce: {  	[sflag:s7] =	ssyncadd.s32 $0xFFFFE000  }
0x1cf: {  	_ =	swait.ge [sflag:s7], $0x2000  }
0x1d0: {  	[sflag:s7] =	ssyncset.done $0x0  }
0x1d1: {  	s9 =	simm.s32 $0x10900;
	s18 =	simm.s32 $0x6180;
	[sflag:s7] =	ssyncadd.s32 $0xFFFFE000  }
0x1d2: {  	[spmem:s2] =	stream.indirect.scatter.add.f32 [tilespmem:s9], [sflag:$0x4], $0x40, s18, s5, $0xb8;
	[tilespmem:$0x1F700] =	vst v63  }
0x1d3: {  	_ = 	snop  }
0x1d4: {  	[spmem:s3] =	stream.indirect.scatter.add.f32 [tilespmem:s29], [sflag:$0x4], $0x10, s18, s5, $0xb8;
	[tilespmem:$0x1F700] =	vst v63  }
0x1d5: {  	s1 =	simm.s32 $0x6680  }
0x1d6: {  	[spmem:s4] =	stream.indirect.scatter.add.f32 [tilespmem:s29], [sflag:$0x4], $0x10, s1, s5, $0xb8;
	[tilespmem:$0x1F700] =	vst v63  }
0x1d7: {  	s14 =	simm.s32 $0x12900;
	s20 =	simm.s32 $0x6200  }
0x1d8: {  	[spmem:s2] =	stream.indirect.scatter.add.f32 [tilespmem:s14], [sflag:$0x4], $0x40, s20, s5, $0xb8;
	[tilespmem:$0x1F700] =	vst v63  }
0x1d9: {  	_ = 	snop  }
0x1da: {  	[spmem:s3] =	stream.indirect.scatter.add.f32 [tilespmem:s29], [sflag:$0x4], $0x10, s20, s5, $0xb8;
	[tilespmem:$0x1F700] =	vst v63  }
0x1db: {  	s31 =	rddreg [dreg:$0xf]  }
0x1dc: {  	[spmem:s4] =	stream.indirect.scatter.add.f32 [tilespmem:s29], [sflag:$0x4], $0x10, s31, s5, $0xb8;
	[tilespmem:$0x1F700] =	vst v63  }
0x1dd: {  	s8 =	simm.s32 $0x14900;
	s24 =	simm.s32 $0x6280  }
0x1de: {  	[spmem:s2] =	stream.indirect.scatter.add.f32 [tilespmem:s8], [sflag:$0x4], $0x40, s24, s5, $0xb8;
	[tilespmem:$0x1F700] =	vst v63  }
0x1df: {  	_ = 	snop  }
0x1e0: {  	[spmem:s3] =	stream.indirect.scatter.add.f32 [tilespmem:s29], [sflag:$0x4], $0x10, s24, s5, $0xb8;
	[tilespmem:$0x1F700] =	vst v63  }
0x1e1: {  	s30 =	rddreg [dreg:$0x10]  }
0x1e2: {  	[spmem:s4] =	stream.indirect.scatter.add.f32 [tilespmem:s29], [sflag:$0x4], $0x10, s30, s5, $0xb8;
	[tilespmem:$0x1F700] =	vst v63  }
0x1e3: {  	s31 =	simm.s32 $0x6300  }
0x1e4: {  	[spmem:s2] =	stream.indirect.scatter.add.f32 [tilespmem:s10], [sflag:$0x4], $0x40, s31, s5, $0xb8;
	[tilespmem:$0x1F700] =	vst v63  }
0x1e5: {  	_ = 	snop  }
0x1e6: {  	[spmem:s3] =	stream.indirect.scatter.add.f32 [tilespmem:s29], [sflag:$0x4], $0x10, s31, s5, $0xb8;
	[tilespmem:$0x1F700] =	vst v63  }
0x1e7: {  	s24 =	rddreg [dreg:$0x11]  }
0x1e8: {  	[spmem:s4] =	stream.indirect.scatter.add.f32 [tilespmem:s29], [sflag:$0x4], $0x10, s24, s5, $0xb8;
	[tilespmem:$0x1F700] =	vst v63  }
0x1e9: {  	s15 =	simm.s32 $0x18900;
	s30 =	simm.s32 $0x6380  }
0x1ea: {  	[spmem:s2] =	stream.indirect.scatter.add.f32 [tilespmem:s15], [sflag:$0x4], $0x40, s30, s5, $0xb8;
	[tilespmem:$0x1F700] =	vst v63  }
0x1eb: {  	_ = 	snop  }
0x1ec: {  	[spmem:s3] =	stream.indirect.scatter.add.f32 [tilespmem:s29], [sflag:$0x4], $0x10, s30, s5, $0xb8;
	[tilespmem:$0x1F700] =	vst v63  }
0x1ed: {  	s31 =	rddreg [dreg:$0x12]  }
0x1ee: {  	[spmem:s4] =	stream.indirect.scatter.add.f32 [tilespmem:s29], [sflag:$0x4], $0x10, s31, s5, $0xb8;
	[tilespmem:$0x1F700] =	vst v63  }
0x1ef: {  	_ =	swait.ge [sflag:s19], $0x2000  }
0x1f0: {  	[sflag:s19] =	ssyncset.done $0x0  }
0x1f1: {  	[sflag:s19] =	ssyncadd.s32 $0xFFFFE000  }
0x1f2: {  	_ =	swait.ge [sflag:s19], $0x800  }
0x1f3: {  	[sflag:s19] =	ssyncset.done $0x0  }
0x1f4: {  	[sflag:s19] =	ssyncadd.s32 $0xFFFFF800  }
0x1f5: {  	_ =	swait.ge [sflag:s19], $0x800  }
0x1f6: {  	[sflag:s19] =	ssyncset.done $0x0  }
0x1f7: {  	[sflag:s19] =	ssyncadd.s32 $0xFFFFF800  }
0x1f8: {  	_ =	swait.ge [sflag:s19], $0x2000  }
0x1f9: {  	[sflag:s19] =	ssyncset.done $0x0  }
0x1fa: {  	[sflag:s19] =	ssyncadd.s32 $0xFFFFE000  }
0x1fb: {  	_ =	swait.ge [sflag:s19], $0x800  }
0x1fc: {  	[sflag:s19] =	ssyncset.done $0x0  }
0x1fd: {  	[sflag:s19] =	ssyncadd.s32 $0xFFFFF800  }
0x1fe: {  	_ =	swait.ge [sflag:s19], $0x800  }
0x1ff: {  	[sflag:s19] =	ssyncset.done $0x0  }
0x200: {  	[sflag:s19] =	ssyncadd.s32 $0xFFFFF800  }
0x201: {  	_ =	swait.ge [sflag:s19], $0x2000  }
0x202: {  	[sflag:s19] =	ssyncset.done $0x0  }
0x203: {  	[sflag:s19] =	ssyncadd.s32 $0xFFFFE000  }
0x204: {  	_ =	swait.ge [sflag:s19], $0x800  }
0x205: {  	[sflag:s19] =	ssyncset.done $0x0  }
0x206: {  	[sflag:s19] =	ssyncadd.s32 $0xFFFFF800  }
0x207: {  	_ =	swait.ge [sflag:s19], $0x800  }
0x208: {  	[sflag:s19] =	ssyncset.done $0x0  }
0x209: {  	[sflag:s19] =	ssyncadd.s32 $0xFFFFF800  }
0x20a: {  	_ =	swait.ge [sflag:s19], $0x2000  }
0x20b: {  	[sflag:s19] =	ssyncset.done $0x0  }
0x20c: {  	[sflag:s19] =	ssyncadd.s32 $0xFFFFE000  }
0x20d: {  	_ =	swait.ge [sflag:s19], $0x800  }
0x20e: {  	[sflag:s19] =	ssyncset.done $0x0  }
0x20f: {  	[sflag:s19] =	ssyncadd.s32 $0xFFFFF800  }
0x210: {  	_ =	swait.ge [sflag:s19], $0x800  }
0x211: {  	[sflag:s19] =	ssyncset.done $0x0  }
0x212: {  	[sflag:s19] =	ssyncadd.s32 $0xFFFFF800  }
0x213: {  	_ =	swait.ge [sflag:s19], $0x2000  }
0x214: {  	[sflag:s19] =	ssyncset.done $0x0  }
0x215: {  	p0 =	sne.s32 s21, $0x1E;
	[sflag:s19] =	ssyncadd.s32 $0xFFFFE000  }
.Ltmp0:
0x216: {  	_ =	swait.ge [sflag:s19], $0x800;
	(pc) =	sbr.rel @p0 .LBB2_2-.Ltmp0, $4  }
0x217: {  	[sflag:s19] =	ssyncset.done $0x0  }
0x218: {  	[sflag:s19] =	ssyncadd.s32 $0xFFFFF800  }
0x219: {  	_ =	swait.ge [sflag:s19], $0x800  }
0x21a: {  	s21 =	sadd.s32 $0x2, s21;
	[sflag:s19] =	ssyncset.done $0x0  }
0x21b: {  	[sflag:s19] =	ssyncadd.s32 $0xFFFFF800  }
0x21c: {  	_ =	swait.ge [sflag:s28], $0x2000  }
0x21d: {  	[sflag:s28] =	ssyncset.done $0x0  }
0x21e: {  	[sflag:s28] =	ssyncadd.s32 $0xFFFFE000  }
0x21f: {  	_ =	swait.ge [sflag:s28], $0x2000  }
0x220: {  	[sflag:s28] =	ssyncset.done $0x0  }
0x221: {  	[sflag:s28] =	ssyncadd.s32 $0xFFFFE000  }
0x222: {  	_ =	swait.ge [sflag:s28], $0x2000  }
0x223: {  	[sflag:s28] =	ssyncset.done $0x0  }
0x224: {  	[sflag:s28] =	ssyncadd.s32 $0xFFFFE000  }
0x225: {  	_ =	swait.ge [sflag:s28], $0x2000  }
0x226: {  	[sflag:s28] =	ssyncset.done $0x0  }
0x227: {  	[sflag:s28] =	ssyncadd.s32 $0xFFFFE000  }
0x228: {  	_ =	swait.ge [sflag:s28], $0x2000  }
0x229: {  	[sflag:s28] =	ssyncset.done $0x0  }
0x22a: {  	[sflag:s28] =	ssyncadd.s32 $0xFFFFE000  }
0x22b: {  	[bflag:$0x0] =	sbarrier.arrive $0xFFFF  }
0x22c: {  	s0 =	simm.s32 $0x1ED00;
	s15 =	rddreg [dreg:$0x18]  }
0x22d: {  	[tilespmem:s0], [sflag:$0x5] =	stream.linear.gather [spmem:s15], $0xA00, $0x38;
	[tilespmem:$0x1F700] =	vst v63  }
0x22e: {  	_ =	swait.ge [sflag:s26], $0xA00  }
0x22f: {  	[sflag:s26] =	ssyncset.done $0x0  }
0x230: {  	s11 =	simm.s32 $0x1A900;
	s20 =	rddreg [dreg:$0x16];
	[sflag:s26] =	ssyncadd.s32 $0xFFFFF600  }
0x231: {  	[tilespmem:s11], [sflag:$0x5] =	stream.linear.gather [spmem:s20], $0x1400, $0x38;
	[tilespmem:$0x1F700] =	vst v63  }
0x232: {  	_ =	swait.ge [sflag:s26], $0x1400  }
0x233: {  	[sflag:s26] =	ssyncset.done $0x0  }
0x234: {  	s31 =	simm.s32 $0x0;
	[sflag:s26] =	ssyncadd.s32 $0xFFFFEC00  }
0x235: {  	v0 =	vld [tilespmem:s31+$0x1ED00];
	_ =	sdelay $0x4  }
0x236: {  	v0 =	vmax.f32 v0, $1.000000000e+00  }
0x237: {  	(erf) = vrcp.f32 v0;
	_ =	sdelay $0x3  }
0x238: {  	s11 =	simm.s32 $0x1A920  }
0x239: {  	v62 =	vld [tilespmem:s11+$0xFFFFFFE0]  }
0x23a: {  	v1 =	vld [tilespmem:s11+$0xFFFFFFF0]  }
0x23b: {  	v2 =	vld [tilespmem:s11+$0x0]  }
0x23c: {  	v3 =	vld [tilespmem:s11+$0x10]  }
0x23d: {  	v4 =	vpop (erf)  }
0x23e: {  	v0 =	vmul.f32 v4, v62  }
0x23f: {  	v1 =	vmul.f32 v1, v4  }
0x240: {  	v2 =	vmul.f32 v2, v4;
	[tilespmem:s11+$0xFFFFFFE0] =	vst v0  }
0x241: {  	v63 =	vmul.f32 v3, v4;
	[tilespmem:s11+$0xFFFFFFF0] =	vst v1  }
0x242: {  	[tilespmem:s11+$0x0] =	vst v2  }
0x243: {  	s16 =	simm.s32 $0x10;
	s14 =	simm.s32 $0x80;
	[tilespmem:s11+$0x10] =	vst v63  }
.LBB2_4:
0x244: {  	p0 =	sne.s32 s14, $0x13C0;
	v0 =	vld [tilespmem:s16+$0x1ED00];
	_ =	sdelay $0x4  }
0x245: {  	v0 =	vmax.f32 v0, $1.000000000e+00  }
0x246: {  	(erf) = vrcp.f32 v0;
	_ =	sdelay $0x1  }
0x247: {  	s11 =	sadd.s32 $0x40, s11  }
0x248: {  	v0 =	vld [tilespmem:s11+$0xFFFFFFF0]  }
0x249: {  	v1 =	vld [tilespmem:s11+$0x10]  }
0x24a: {  	v2 =	vld [tilespmem:s11+$0xFFFFFFE0]  }
0x24b: {  	v3 =	vld [tilespmem:s11+$0x0];
	_ =	sdelay $0x2  }
0x24c: {  	v4 =	vpop (erf)  }
0x24d: {  	v2 =	vmul.f32 v4, v2;
	v0 =	vmul.f32 v0, v4  }
.Ltmp1:
0x24e: {  	v1 =	vmul.f32 v1, v4;
	v3 =	vmul.f32 v3, v4;
	(pc) =	sbr.rel @p0 .LBB2_4-.Ltmp1, $4  }
0x24f: {  	[tilespmem:s11+$0xFFFFFFE0] =	vst v2  }
0x250: {  	[tilespmem:s11+$0xFFFFFFF0] =	vst v0  }
0x251: {  	[tilespmem:s11+$0x0] =	vst v3  }
0x252: {  	s16 =	sshra.s32 s14, $0x2;
	s14 =	sadd.s32 $0x40, s14;
	[tilespmem:s11+$0x10] =	vst v1  }
0x253: {  	v0 =	vld [tilespmem:s16+$0x1ED00];
	_ =	sdelay $0x4  }
0x254: {  	v0 =	vmax.f32 v0, $1.000000000e+00  }
0x255: {  	(erf) = vrcp.f32 v0;
	_ =	sdelay $0x3  }
0x256: {  	s11 =	sadd.s32 $0x40, s11  }
0x257: {  	v55 =	vld [tilespmem:s11+$0xFFFFFFE0]  }
0x258: {  	v1 =	vld [tilespmem:s11+$0xFFFFFFF0]  }
0x259: {  	v2 =	vld [tilespmem:s11+$0x0]  }
0x25a: {  	v3 =	vld [tilespmem:s11+$0x10]  }
0x25b: {  	v4 =	vpop (erf)  }
0x25c: {  	v0 =	vmul.f32 v4, v55  }
0x25d: {  	v1 =	vmul.f32 v1, v4  }
0x25e: {  	v2 =	vmul.f32 v2, v4;
	[tilespmem:s11+$0xFFFFFFE0] =	vst v0  }
0x25f: {  	v56 =	vmul.f32 v3, v4;
	[tilespmem:s11+$0xFFFFFFF0] =	vst v1  }
0x260: {  	[tilespmem:s11+$0x0] =	vst v2  }
0x261: {  	s24 =	simm.s32 $0x0;
	s14 =	rddreg [dreg:$0x1c];
	s30 =	simm.s32 $0x1A900;
	[tilespmem:s11+$0x10] =	vst v56  }
0x262: {  	[hbm4b:s14+s24] =	stream.linear.scatter [tilespmem:s30], [sflag:$0x5], $0x1400, $0x38;
	[tilespmem:$0x1F700] =	vst v63  }
0x263: {  	_ =	swait.ge [sflag:s26], $0x1400  }
0x264: {  	[sflag:s26] =	ssyncset.done $0x0  }
0x265: {  	s24 =	rddreg [dreg:$0x17];
	[sflag:s26] =	ssyncadd.s32 $0xFFFFEC00  }
0x266: {  	[tilespmem:s30], [sflag:$0x5] =	stream.linear.gather [spmem:s24], $0x1400, $0x38;
	[tilespmem:$0x1F700] =	vst v63  }
0x267: {  	_ =	swait.ge [sflag:s26], $0x1400  }
0x268: {  	[sflag:s26] =	ssyncset.done $0x0  }
0x269: {  	s31 =	simm.s32 $0x0;
	[sflag:s26] =	ssyncadd.s32 $0xFFFFEC00  }
0x26a: {  	v57 =	vld [tilespmem:s31+$0x1F200];
	_ =	sdelay $0x4  }
0x26b: {  	v0 =	vmax.f32 v57, $1.000000000e+00  }
0x26c: {  	(erf) = vrcp.f32 v0;
	_ =	sdelay $0x3  }
0x26d: {  	s11 =	simm.s32 $0x1A920  }
0x26e: {  	v58 =	vld [tilespmem:s11+$0xFFFFFFE0]  }
0x26f: {  	v59 =	vld [tilespmem:s11+$0xFFFFFFF0]  }
0x270: {  	v60 =	vld [tilespmem:s11+$0x0]  }
0x271: {  	v61 =	vld [tilespmem:s11+$0x10]  }
0x272: {  	v62 =	vpop (erf)  }
0x273: {  	v0 =	vmul.f32 v62, v58  }
0x274: {  	v1 =	vmul.f32 v59, v62  }
0x275: {  	v2 =	vmul.f32 v60, v62;
	[tilespmem:s11+$0xFFFFFFE0] =	vst v0  }
0x276: {  	v63 =	vmul.f32 v61, v62;
	[tilespmem:s11+$0xFFFFFFF0] =	vst v1  }
0x277: {  	s16 =	simm.s32 $0x10;
	[tilespmem:s11+$0x0] =	vst v2  }
0x278: {  	s0 =	simm.s32 $0x5F00;
	s14 =	simm.s32 $0x80;
	s1 =	sld [smem:$0x7FA];
	[tilespmem:s11+$0x10] =	vst v63  }
.LBB2_6:
0x279: {  	p0 =	sne.s32 s14, $0x13C0;
	v0 =	vld [tilespmem:s16+$0x1F200];
	_ =	sdelay $0x4  }
0x27a: {  	v0 =	vmax.f32 v0, $1.000000000e+00  }
0x27b: {  	(erf) = vrcp.f32 v0;
	_ =	sdelay $0x1  }
0x27c: {  	s11 =	sadd.s32 $0x40, s11  }
0x27d: {  	v0 =	vld [tilespmem:s11+$0xFFFFFFF0]  }
0x27e: {  	v1 =	vld [tilespmem:s11+$0x10]  }
0x27f: {  	v2 =	vld [tilespmem:s11+$0xFFFFFFE0]  }
0x280: {  	v3 =	vld [tilespmem:s11+$0x0];
	_ =	sdelay $0x2  }
0x281: {  	v4 =	vpop (erf)  }
0x282: {  	v2 =	vmul.f32 v4, v2;
	v0 =	vmul.f32 v0, v4  }
.Ltmp2:
0x283: {  	v1 =	vmul.f32 v1, v4;
	v3 =	vmul.f32 v3, v4;
	(pc) =	sbr.rel @p0 .LBB2_6-.Ltmp2, $4  }
0x284: {  	[tilespmem:s11+$0xFFFFFFE0] =	vst v2  }
0x285: {  	[tilespmem:s11+$0xFFFFFFF0] =	vst v0  }
0x286: {  	[tilespmem:s11+$0x0] =	vst v3  }
0x287: {  	s16 =	sshra.s32 s14, $0x2;
	s14 =	sadd.s32 $0x40, s14;
	[tilespmem:s11+$0x10] =	vst v1  }
0x288: {  	v0 =	vld [tilespmem:s16+$0x1F200];
	_ =	sdelay $0x4  }
0x289: {  	v0 =	vmax.f32 v0, $1.000000000e+00  }
0x28a: {  	(erf) = vrcp.f32 v0;
	_ =	sdelay $0x3  }
0x28b: {  	s11 =	sadd.s32 $0x40, s11  }
0x28c: {  	v62 =	vld [tilespmem:s11+$0xFFFFFFE0]  }
0x28d: {  	v1 =	vld [tilespmem:s11+$0xFFFFFFF0]  }
0x28e: {  	v2 =	vld [tilespmem:s11+$0x0]  }
0x28f: {  	v3 =	vld [tilespmem:s11+$0x10]  }
0x290: {  	v4 =	vpop (erf)  }
0x291: {  	v0 =	vmul.f32 v4, v62  }
0x292: {  	v1 =	vmul.f32 v1, v4  }
0x293: {  	v2 =	vmul.f32 v2, v4;
	[tilespmem:s11+$0xFFFFFFE0] =	vst v0  }
0x294: {  	v63 =	vmul.f32 v3, v4;
	[tilespmem:s11+$0xFFFFFFF0] =	vst v1  }
0x295: {  	[tilespmem:s11+$0x0] =	vst v2  }
0x296: {  	s14 =	rddreg [dreg:$0x1d];
	s16 =	simm.s32 $0x1A900;
	[tilespmem:s11+$0x10] =	vst v63  }
0x297: {  	[hbm4b:s14+s6] =	stream.linear.scatter [tilespmem:s16], [sflag:$0x5], $0x1400, $0x38;
	[tilespmem:$0x1F700] =	vst v63  }
0x298: {  	_ =	swait.ge [sflag:s26], $0x1400  }
0x299: {  	[sflag:s26] =	ssyncset.done $0x0  }
0x29a: {  	s21 =	simm.s32 $0x1BD00;
	[sflag:s26] =	ssyncadd.s32 $0xFFFFEC00  }
0x29b: {  	[tilespmem:s21], [sflag:$0x5] =	stream.linear.gather [spmem:s15], $0xA00, $0x38;
	[tilespmem:$0x1F700] =	vst v63  }
0x29c: {  	_ =	swait.ge [sflag:s26], $0xA00  }
0x29d: {  	[sflag:s26] =	ssyncset.done $0x0  }
0x29e: {  	s18 =	rddreg [dreg:$0x1e];
	[sflag:s26] =	ssyncadd.s32 $0xFFFFF600  }
0x29f: {  	[hbm4b:s18+s6] =	stream.linear.scatter [tilespmem:s21], [sflag:$0x5], $0xA00, $0x38;
	[tilespmem:$0x1F700] =	vst v63  }
0x2a0: {  	_ =	swait.ge [sflag:s26], $0xA00  }
0x2a1: {  	[sflag:s26] =	ssyncset.done $0x0  }
0x2a2: {  	s14 =	rddreg [dreg:$0x19];
	[sflag:s26] =	ssyncadd.s32 $0xFFFFF600  }
0x2a3: {  	[tilespmem:s21], [sflag:$0x5] =	stream.linear.gather [spmem:s14], $0x2800, $0x38;
	[tilespmem:$0x1F700] =	vst v63  }
0x2a4: {  	_ =	swait.ge [sflag:s26], $0x2800  }
0x2a5: {  	[sflag:s26] =	ssyncset.done $0x0  }
0x2a6: {  	s30 =	rddreg [dreg:$0x1f];
	[sflag:s26] =	ssyncadd.s32 $0xFFFFD800  }
0x2a7: {  	[hbm4b:s30+s6] =	stream.linear.scatter [tilespmem:s21], [sflag:$0x5], $0x2800, $0x38;
	[tilespmem:$0x1F700] =	vst v63  }
0x2a8: {  	_ =	swait.ge [sflag:s26], $0x2800  }
0x2a9: {  	s31 =	sld [smem:$0x7FB];
	_ =	sdelay $0x1  }
0x2aa: {  	s1 =	sadd.s32 $0x1, s1  }
0x2ab: {  	p0 =	sne.s32 s1, s31  }
.Ltmp3:
0x2ac: {  	_ = 	snop;
	(pc) =	sbr.rel @p0 .LBB2_1-.Ltmp3, $3  }
0x2ad: {  	_ =	sdelay $0x1  }
0x2ae: {  	[sflag:s26] =	ssyncset.done $0x0  }
0x2af: {  	[sflag:s26] =	ssyncadd.s32 $0xFFFFD800  }
0x2b0: {  	_ =	sfence.sel $0x180000  }
0x2b1: {  	[bflag:$0x0] =	sbarrier.arrive $0xFFFF  }
0x2b2: {  	_ =	strace $0x90000047  }
0x2b3: {  	s0 =	stileid.u32;
	[bflag:$0x2] =	sbarrier.arrive $0xFFFF  }
0x2b4: {  	p0 =	sne.s32 s0, $0x0;
	s0 =	rddreg [dreg:$0x5]  }
0x2b5: {  	s0 =	sadd.s32 @!p0 $0x100000, s0  }
0x2b6: {  	[sflag:s0] =	ssyncadd.tile.s32 @!p0 $0x1;
	_ =	shalt  }
.Lfunc_end2:
_tile_overlayer_lowered:
.L_overlay_start_2:
0x2b7: {  	(tag) =	ssettag $0x2  }
0x2b8: {  	s0 =	rddreg [dreg:$0x0];
	s2 =	stileid.u32  }
0x2b9: {  	s1 =	rddreg [dreg:$0x1];
	p0 =	sne.s32 s2, $0x0  }
0x2ba: {  	s3 =	rddreg [dreg:$0x2];
	[bflag:$0x3] =	sbarrier.arrive $0xFFFF;
	s2 =	simm.s32 @!p0 $0x1C05  }
0x2bb: {  	[timem:s3], [sflag:s2] =	dma.local @!p0 [hbm:s0], s1  }
0x2bc: {  	s0 =	simm.s32 @!p0 $0x5  }
0x2bd: {  	_ =	swait.ge @!p0 [sflag:s0], s1  }
0x2be: {  	s1 =	ssub.s32 @!p0 $0x0, s1;
	[sflag:s0] =	ssyncset.done @!p0 $0x0  }
0x2bf: {  	[sflag:s0] =	ssyncadd.s32 @!p0 s1  }
0x2c0: {  	[bflag:$0x3] =	sbarrier.arrive $0xFFFF  }
0x2c1: {  	_ =	shalt  }

// kernel: kernel.8.cloned.1.call-start
scs
__scs_entry_jumppad:
0x0: {  	(pc) =	sbr.rel $0x88, $3  }
0x1: {  	(tag) =	ssettag $0x0;
	lr =	simm.s32 $0x1  }
0x2: {  	[smem:$0x3F9D] =	sst lr;
	_ =	strace $0xD0000000  }
0x3: {  	_ = 	snop  }
0x4: {  	_ = 	snop  }
0x5: {  	_ = 	snop  }
0x6: {  	_ = 	snop  }
0x7: {  	_ = 	snop  }
__scs_overlays_trampoline_lowered:
0x8: {  	[smem:$0x3FAC] =	sst s0  }
0x9: {  	[smem:$0x3FAD] =	sst s1  }
0xa: {  	[smem:$0x3FAE] =	sst s2  }
0xb: {  	[smem:$0x3FAF] =	sst s3  }
0xc: {  	[smem:$0x3FB0] =	sst s4  }
0xd: {  	[smem:$0x3FB1] =	sst s5  }
0xe: {  	[smem:$0x3FB2] =	sst s6  }
0xf: {  	[smem:$0x3FB3] =	sst s7  }
0x10: {  	[smem:$0x3FB4] =	sst s8  }
0x11: {  	[smem:$0x3FB5] =	sst s9;
	s0 =	simm.s32 @!p0 $0x0  }
0x12: {  	s1 =	sld [smem:$0x3F9B];
	s0 =	simm.s32 @p0 $0x1  }
0x13: {  	[smem:$0x3FB6] =	sst s0;
	s0 =	simm.s32 @!p1 $0x0  }
0x14: {  	s2 =	sld [smem:$0x3F9A];
	s0 =	simm.s32 @p1 $0x1  }
0x15: {  	[smem:$0x3FB7] =	sst s0;
	s0 =	simm.s32 @!p2 $0x0  }
0x16: {  	s3 =	sld [smem:$0x3FDB];
	s0 =	simm.s32 @p2 $0x1  }
0x17: {  	s4 =	simm.s32 $0x1BF5;
	[smem:$0x3FB9] =	sst s0  }
0x18: {  	s0 =	sld [smem:$0x3F9C];
	_ =	swait.ge [sflag:s4], $0x0  }
0x19: {  	s7 =	sld [smem:$0x3F9D]  }
0x1a: {  	s8 =	sadd.s32 $0xFFFFE003, lr  }
0x1b: {  	s9 =	sadd.s32 $0xFFFFFEF7, lr;
	s5 =	simm.s32 $0xFFFFFFFF;
	p2 =	slt.u32 s8, $0xFFFFF086  }
0x1c: {  	p1 =	slt.u32 s9, $0xF7A;
	s5 =	simm.s32 @!p2 $0x0  }
0x1d: {  	s5 =	simm.s32 @p1 $0x1;
	p0 =	seq.s32 s7, s2  }
0x1e: {  	s7 =	smul.u32 @!p0 $0xF7A, s2;
	p2 =	seq.s32 @!p0 s5, $0x0  }
0x1f: {  	s9 =	smul.u32 $0xF7A, s1;
	s8 =	simm.s32 @!p0 $0x1BF5;
	p2 =	por !p2, p0  }
0x20: {  	[sflag:s8] =	ssyncset.s32 @!p0 $0xFFFFF086;
	s6 =	sadd.s32 @!p0 s3, s7;
	s7 =	simm.s32 @!p0 $0x108  }
0x21: {  	s3 =	sadd.s32 s3, s9;
	s6 =	sadd.s32 @!p0 $0x88, s6;
	s7 =	simm.s32 @p2 $0x1082  }
0x22: {  	[simem:s7], [sflag:s8] =	dma.local @!p0 [hbm:s6], $0xF7A  }
0x23: {  	s9 =	sor.u32 $0xD0000000, s2;
	s6 =	simm.s32 $0x108;
	_ =	swait.ge @!p0 [sflag:s8], $0x0  }
0x24: {  	s3 =	sadd.s32 $0x88, s3;
	s6 =	simm.s32 @!p1 $0x1082;
	[sflag:s4] =	ssyncset.s32 $0xFFFFF086  }
0x25: {  	[simem:s6], [sflag:s4] =	dma.local [hbm:s3], $0xF7A  }
0x26: {  	[smem:$0x3F9D] =	sst s1;
	(tag) =	ssettag s2;
	_ =	strace s9  }
0x27: {  	s1 =	sld [smem:$0x3FAD]  }
0x28: {  	s2 =	sld [smem:$0x3FAE]  }
0x29: {  	s4 =	sld [smem:$0x3FB0]  }
0x2a: {  	p0 =	seq.s32 s5, $0x0;
	s5 =	sld [smem:$0x3FB1]  }
0x2b: {  	s6 =	sld [smem:$0x3FB2]  }
0x2c: {  	s7 =	sld [smem:$0x3FB3]  }
0x2d: {  	s3 =	simm.s32 $0x108;
	s8 =	sld [smem:$0x3FB4]  }
0x2e: {  	s3 =	simm.s32 @!p0 $0x1082;
	s9 =	sld [smem:$0x3FB5]  }
0x2f: {  	lr =	sadd.s32 s0, s3;
	s0 =	sld [smem:$0x3FAC]  }
0x30: {  	s3 =	sld [smem:$0x3FAF]  }
0x31: {  	[smem:$0x3FB8] =	sst s10  }
0x32: {  	s10 =	sld [smem:$0x3FB6];
	_ =	sdelay $0x3  }
0x33: {  	p0 =	seq.s32 s10, $0x1;
	s10 =	sld [smem:$0x3FB8];
	_ =	sdelay $0x3  }
0x34: {  	[smem:$0x3FB8] =	sst s10  }
0x35: {  	s10 =	sld [smem:$0x3FB7];
	_ =	sdelay $0x3  }
0x36: {  	p1 =	seq.s32 s10, $0x1;
	s10 =	sld [smem:$0x3FB8];
	_ =	sdelay $0x3  }
0x37: {  	[smem:$0x3FB8] =	sst s10  }
0x38: {  	s10 =	sld [smem:$0x3FB9]  }
0x39: {  	_ = 	snop;
	(pc) =	sbr.ind lr, $3  }
0x3a: {  	_ = 	snop  }
0x3b: {  	_ = 	snop  }
0x3c: {  	p2 =	seq.s32 s10, $0x1;
	s10 =	sld [smem:$0x3FB8]  }
0x3d: {  	_ =	shalt  }
0x3e: {  	_ =	shalt  }
0x3f: {  	_ =	shalt  }
0x40: {  	_ =	shalt  }
0x41: {  	_ =	shalt  }
0x42: {  	_ =	shalt  }
0x43: {  	_ =	shalt  }
0x44: {  	_ =	shalt  }
0x45: {  	_ =	shalt  }
0x46: {  	_ =	shalt  }
0x47: {  	_ =	shalt  }
0x48: {  	_ =	shalt  }
0x49: {  	_ =	shalt  }
0x4a: {  	_ =	shalt  }
0x4b: {  	_ =	shalt  }
0x4c: {  	_ =	shalt  }
0x4d: {  	_ =	shalt  }
0x4e: {  	_ =	shalt  }
0x4f: {  	_ =	shalt  }
0x50: {  	_ =	shalt  }
0x51: {  	_ =	shalt  }
0x52: {  	_ =	shalt  }
0x53: {  	_ =	shalt  }
0x54: {  	_ =	shalt  }
0x55: {  	_ =	shalt  }
0x56: {  	_ =	shalt  }
0x57: {  	_ =	shalt  }
0x58: {  	_ =	shalt  }
0x59: {  	_ =	shalt  }
0x5a: {  	_ =	shalt  }
0x5b: {  	_ =	shalt  }
0x5c: {  	_ =	shalt  }
0x5d: {  	_ =	shalt  }
0x5e: {  	_ =	shalt  }
0x5f: {  	_ =	shalt  }
0x60: {  	_ =	shalt  }
0x61: {  	_ =	shalt  }
0x62: {  	_ =	shalt  }
0x63: {  	_ =	shalt  }
0x64: {  	_ =	shalt  }
0x65: {  	_ =	shalt  }
0x66: {  	_ =	shalt  }
0x67: {  	_ =	shalt  }
0x68: {  	_ =	shalt  }
0x69: {  	_ =	shalt  }
0x6a: {  	_ =	shalt  }
0x6b: {  	_ =	shalt  }
0x6c: {  	_ =	shalt  }
0x6d: {  	_ =	shalt  }
0x6e: {  	_ =	shalt  }
0x6f: {  	_ =	shalt  }
0x70: {  	_ =	shalt  }
0x71: {  	_ =	shalt  }
0x72: {  	_ =	shalt  }
0x73: {  	_ =	shalt  }
0x74: {  	_ =	shalt  }
0x75: {  	_ =	shalt  }
0x76: {  	_ =	shalt  }
0x77: {  	_ =	shalt  }
0x78: {  	_ =	shalt  }
0x79: {  	_ =	shalt  }
0x7a: {  	_ =	shalt  }
0x7b: {  	_ =	shalt  }
0x7c: {  	_ =	shalt  }
0x7d: {  	_ =	shalt  }
0x7e: {  	_ =	shalt  }
0x7f: {  	_ =	shalt  }
0x80: {  	_ =	shalt  }
0x81: {  	_ =	shalt  }
0x82: {  	_ =	shalt  }
0x83: {  	_ =	shalt  }
0x84: {  	_ =	shalt  }
0x85: {  	_ =	shalt  }
0x86: {  	_ =	shalt  }
0x87: {  	_ =	shalt  }
.Lfunc_end0:
.L_simem_size_0:
called_computation.1_lowered:
.L_overlay_start_0:
0x88: {  	s2 =	sld [smem:$0x3FD9]  }
0x89: {  	s3 =	sld [smem:$0x3FFE];
	_ =	sdelay $0x1  }
0x8a: {  	s1 =	srdreg.scid  }
0x8b: {  	s0 =	sand.u32 $0x1, s1  }
0x8c: {  	s17 =	sshll.u32 s0, $0xA;
	s2 =	sadd.s32 s3, s2  }
0x8d: {  	s2 =	sadd.s32 s2, s17  }
0x8e: {  	[smem:$0x3FC4] =	sst s2  }
0x8f: {  	_ = 	snop  }
0x90: {  	s2 =	sld [smem:$0x3FD0];
	(tm) =	ssettm $0x1  }
0x91: {  	s18 =	sld [smem:$0x3FFB];
	_ =	sdelay $0x3  }
0x92: {  	_ =	strace s18  }
0x93: {  	s3 =	sld [smem:$0x3FFC];
	_ =	sdelay $0x3  }
0x94: {  	_ =	strace s3  }
0x95: {  	s3 =	sld [smem:$0x3FFD];
	_ =	sdelay $0x3  }
0x96: {  	_ =	strace s3  }
0x97: {  	_ =	strace $0x8FFFFFFF  }
0x98: {  	s19 =	sld [smem:$0x3FDB];
	_ =	sdelay $0x1  }
0x99: {  	s4 =	simm.s32 $_scs_section_size  }
0x9a: {  	s5 =	simm.s32 $_size__tile_overlayer_lowered;
	s6 =	simm.s32 $_tile_overlayer_lowered  }
0x9b: {  	s22 =	simm.s32 $0x1BFF;
	s21 =	sshll.u32 s6, $0x1;
	s3 =	sadd.s32 s4, s19  }
0x9c: {  	s7 =	simm.s32 $0x0;
	s20 =	sshll.u32 s5, $0x1;
	s5 =	sadd.s32 s21, s3  }
0x9d: {  	[timem:s7], [sflag:s22] =	dma.local [hbm:s5], s20  }
0x9e: {  	_ =	swait.ge [sflag:s22], s20  }
0x9f: {  	s4 =	ssub.s32 $0x0, s20;
	[sflag:s22] =	ssyncset.done $0x0  }
0xa0: {  	[sflag:s22] =	ssyncadd.s32 s4;
	_ =	sdelay $0x1  }
0xa1: {  	s23 =	simm.s32 $0x1B8B  }
0xa2: {  	_ =	swait.ge [sflag:s23], $0x1  }
0xa3: {  	[sflag:s23] =	ssyncset.done $0x0  }
0xa4: {  	s25 =	simm.s32 $0x1B8E;
	s24 =	sld [smem:$0x3FFE];
	[sflag:s23] =	ssyncadd.s32 $0xFFFFFFFF  }
0xa5: {  	s26 =	simm.s32 $execute0_lowered;
	[smem:$0x3FD2] =	sst s25  }
0xa6: {  	s5 =	sshll.u32 s26, $0x1;
	_ =	strace $0x80000049;
	[dreg:$0x1] =	wrdreg $0xFFFFFFFF  }
0xa7: {  	s28 =	simm.s32 $_size_execute0_lowered;
	s3 =	sadd.s32 s3, s5;
	[dreg:$0x0] =	wrdreg $0x0  }
0xa8: {  	s5 =	sshll.u32 s28, $0x1;
	[dreg:$0x2] =	wrdreg s3  }
0xa9: {  	[dreg:$0x3] =	wrdreg s5  }
0xaa: {  	[dreg:$0x4] =	wrdreg $0xC0  }
0xab: {  	_ =	task [dreg:s7], $0x5FFFF  }
0xac: {  	[dreg:$0x1] =	wrdreg $0xFFFFFFFF  }
0xad: {  	[dreg:$0x0] =	wrdreg $0x60  }
0xae: {  	[dreg:$0x2] =	wrdreg s24  }
0xaf: {  	[dreg:$0x3] =	wrdreg s2  }
0xb0: {  	[dreg:$0x4] =	wrdreg $0x0  }
0xb1: {  	[dreg:$0x5] =	wrdreg $0x9  }
0xb2: {  	_ =	task.clear_ibuf [dreg:s7], $0x6FFFF;
	_ =	strace $0x90000049  }
0xb3: {  	s29 =	simm.s32 $0x9;
	_ =	strace $0x8000004B  }
0xb4: {  	_ =	swait.ge [sflag:s29], $0x1  }
0xb5: {  	[sflag:s29] =	ssyncadd.s32 $0xFFFFFFFF  }
0xb6: {  	_ =	strace $0x9000004B  }
0xb7: {  	_ =	sfence  }
0xb8: {  	s30 =	sld [smem:$0x0];
	_ =	sdelay $0x2  }
0xb9: {  	s31 =	sshll.u32 s1, $0xD;
	s1 =	sshrl.u32 s1, $0x2  }
0xba: {  	s3 =	sand.u32 $0x4000, s31;
	s1 =	sadd.s32 s1, s30  }
0xbb: {  	s0 =	sor.u32 s3, s0;
	s1 =	sshll.u32 s1, $0x11  }
0xbc: {  	s0 =	sor.u32 s1, s0  }
0xbd: {  	s0 =	sadd.s32 $0x8F2B, s0  }
0xbe: {  	[sflag:s0] =	ssyncadd.remote.s32 $0x1  }
0xbf: {  	_ =	sfence.sel $0xFFFF  }
0xc0: {  	[dreg:$0x0] =	wrdreg $0xFFFFFFFF;
	(pc) =	sbr.abs _section_cstart, $3  }
0xc1: {  	[dreg:$0x1] =	wrdreg $0xFFFFFFFF  }
0xc2: {  	_ =	task.clear_ibuf [dreg:s7], $0x2FFFF;
	_ =	strace $0x9FFFFFFF  }
0xc3: {  	(tm) =	ssettm $0x7FFFFFFF  }
tec
execute0_lowered:
.L_overlay_start_1:
0x0: {  	(tag) =	ssettag $0x1  }
0x1: {  	s4 =	rddreg [dreg:$0x0]  }
0x2: {  	s18 =	rddreg [dreg:$0x1]  }
0x3: {  	s2 =	rddreg [dreg:$0x2];
	s3 =	simm.s32 $0x0  }
0x4: {  	s0 =	srdreg.scid;
	s19 =	stileid.u32;
	s30 =	simm.s32 $0x1EA00  }
0x5: {  	s31 =	simm.s32 $0x5;
	s28 =	simm.s32 $0x4;
	s7 =	smul.u32 $0xA000, s19  }
0x6: {  	[smem:$0x7FF] =	sst s3;
	s5 =	sand.u32 $0x1, s0;
	s10 =	smul.u32 $0xA0, s19  }
0x7: {  	s8 =	sadd.s32 $0xE00, s4;
	s0 =	smul.u32 $0x5000, s5;
	s1 =	ssub.s32 $0x2, s5  }
0x8: {  	_ =	strace $0x8000004A;
	s5 =	smul.u32 $0xA0000, s5;
	s6 =	sshrl.u32 s1, $0x1  }
0x9: {  	s9 =	sadd.s32 $0x2800, s7;
	s11 =	sadd.s32 $0x3C00, s7;
	s12 =	sadd.s32 $0x5000, s7  }
0xa: {  	s14 =	sadd.s32 $0x6400, s7;
	s15 =	sadd.s32 $0x7800, s7;
	s10 =	sor.u32 $0xA, s10  }
0xb: {  	s16 =	sadd.s32 $0x8C00, s7;
	[dreg:$0x4] =	wrdreg s10;
	s20 =	sadd.s32 s7, s5  }
0xc: {  	s17 =	sadd.s32 s5, s9;
	s25 =	sadd.s32 s5, s12;
	s9 =	sadd.s32 s9, s2  }
0xd: {  	s29 =	sadd.s32 s15, s2;
	s10 =	sshrl.u32 s20, $0x3;
	[dreg:$0x1c] =	wrdreg s9  }
0xe: {  	s20 =	sshrl.u32 s25, $0x3;
	s25 =	simm.s32 $0xA380;
	[smem:$0x7FC] =	sst s29  }
0xf: {  	s22 =	sshrl.u32 s17, $0x3;
	s17 =	simm.s32 $0xA480;
	[dreg:$0x6] =	wrdreg s25  }
0x10: {  	s0 =	sadd.s32 s0, s4;
	s9 =	sadd.s32 s16, s2;
	[dreg:$0x8] =	wrdreg s17  }
0x11: {  	s1 =	ssub.s32 s1, s6;
	s10 =	sadd.s32 s8, s10;
	[smem:$0x7FD] =	sst s9  }
0x12: {  	s6 =	sor.u32 $0x1400, s7;
	s23 =	sadd.s32 s8, s22;
	[dreg:$0x11] =	wrdreg s10  }
0x13: {  	s24 =	sadd.s32 s5, s11;
	s25 =	sadd.s32 s7, s2;
	[dreg:$0x13] =	wrdreg s23  }
0x14: {  	s13 =	sadd.s32 s5, s6;
	s7 =	sadd.s32 s6, s2;
	[dreg:$0x1a] =	wrdreg s25  }
0x15: {  	s21 =	sshrl.u32 s13, $0x3;
	s17 =	sadd.s32 s11, s2;
	[dreg:$0x1b] =	wrdreg s7  }
0x16: {  	s26 =	sadd.s32 s5, s14;
	s10 =	sadd.s32 s8, s21;
	[dreg:$0x1d] =	wrdreg s17  }
0x17: {  	s11 =	smov.u32 s18;
	s23 =	simm.s32 $0xA300;
	[dreg:$0x12] =	wrdreg s10  }
0x18: {  	s21 =	sshrl.u32 s26, $0x3;
	s26 =	simm.s32 $0xA400;
	[dreg:$0x5] =	wrdreg s23  }
0x19: {  	s6 =	simm.s32 $0xAA00;
	s7 =	sadd.s32 s14, s2;
	[dreg:$0x7] =	wrdreg s26  }
0x1a: {  	s25 =	sadd.s32 $0x40200, s0;
	s22 =	sadd.s32 s8, s21;
	[dreg:$0x1f] =	wrdreg s7  }
0x1b: {  	s0 =	simm.s32 $0xA000;
	s21 =	simm.s32 $0xA600;
	[dreg:$0x16] =	wrdreg s22  }
0x1c: {  	s17 =	simm.s32 $0x18A00;
	s23 =	simm.s32 $0xA700;
	[dreg:$0xa] =	wrdreg s21  }
0x1d: {  	s10 =	sshrl.u32 s24, $0x3;
	s26 =	simm.s32 $0xA880;
	[dreg:$0xc] =	wrdreg s23  }
0x1e: {  	s24 =	sadd.s32 s5, s15;
	s10 =	sadd.s32 s8, s10;
	[dreg:$0xe] =	wrdreg s26  }
0x1f: {  	s5 =	sadd.s32 s5, s16;
	s22 =	simm.s32 $0xA680;
	[dreg:$0x14] =	wrdreg s10  }
0x20: {  	s13 =	sshrl.u32 s24, $0x3;
	s24 =	simm.s32 $0xA800;
	[dreg:$0xb] =	wrdreg s22  }
0x21: {  	s15 =	simm.s32 $0x14A00;
	s23 =	smax.u32 s1, $0x1;
	[dreg:$0xd] =	wrdreg s24  }
0x22: {  	s16 =	simm.s32 $0x16A00;
	s1 =	simm.s32 $0x0;
	[smem:$0x7F6] =	sst s23  }
0x23: {  	s5 =	sshrl.u32 s5, $0x3;
	s10 =	sadd.s32 s8, s20;
	[smem:$0x7FB] =	sst s1  }
0x24: {  	s21 =	sadd.s32 s12, s2;
	s13 =	sadd.s32 s8, s13;
	[dreg:$0x15] =	wrdreg s10  }
0x25: {  	s12 =	simm.s32 $0x10A00;
	s20 =	simm.s32 $0xA580;
	[dreg:$0x17] =	wrdreg s13  }
0x26: {  	s5 =	sadd.s32 s8, s5;
	s8 =	simm.s32 $0xA900;
	[dreg:$0x9] =	wrdreg s20  }
0x27: {  	s14 =	smov.u32 s21;
	s23 =	simm.s32 $0xA280;
	[dreg:$0x18] =	wrdreg s5  }
0x28: {  	s21 =	simm.s32 $0x3;
	s13 =	sadd.s32 $0x28E00, s4;
	[dreg:$0xf] =	wrdreg s8  }
0x29: {  	s4 =	sadd.s32 $0x33000, s4;
	s10 =	simm.s32 $0xA980;
	[dreg:$0x1e] =	wrdreg s14  }
0x2a: {  	s20 =	smul.u32 $0xA00, s19;
	s5 =	simm.s32 $0x80;
	[dreg:$0x19] =	wrdreg s4  }
0x2b: {  	s8 =	simm.s32 $0xCA00;
	s19 =	simm.s32 $0x1CA00;
	[dreg:$0x10] =	wrdreg s10  }
0x2c: {  	s10 =	simm.s32 $0xEA00;
	s22 =	sadd.s32 s13, s20;
	s4 =	sadd.s32 s18, s20  }
0x2d: {  	s18 =	simm.s32 $0x1AA00;
	s20 =	simm.s32 $0x1;
	[smem:$0x7F7] =	sst s4  }
0x2e: {  	s24 =	sadd.s32 $0x50, s4;
	[smem:$0x7F9] =	sst s22;
	s26 =	sadd.s32 $0x50, s22  }
0x2f: {  	s4 =	simm.s32 $0xA500;
	s22 =	simm.s32 $0x2;
	[smem:$0x7F8] =	sst s24  }
0x30: {  	[smem:$0x7FA] =	sst s26;
	s26 =	simm.s32 $0x12A00;
	s24 =	simm.s32 $0xA780  }
.LBB2_1:
0x31: {  	s1 =	rddreg [dreg:$0x19]  }
0x32: {  	[tilespmem:s30], [sflag:$0x5] =	stream.linear.gather [hbm4b:s1+s3], $0x1400, $0x38;
	[tilespmem:$0x1FE00] =	vst v63  }
0x33: {  	_ =	swait.ge [sflag:s31], $0x1400  }
0x34: {  	[sflag:s31] =	ssyncset.done $0x0  }
0x35: {  	s1 =	rddreg [dreg:$0x1a];
	[sflag:s31] =	ssyncadd.s32 $0xFFFFEC00  }
0x36: {  	[spmem:s1] =	stream.linear.scatter [tilespmem:s30], [sflag:$0x5], $0x1400, $0x38;
	[tilespmem:$0x1FE00] =	vst v63  }
0x37: {  	_ =	swait.ge [sflag:s31], $0x1400  }
0x38: {  	[sflag:s31] =	ssyncset.done $0x0  }
0x39: {  	s1 =	rddreg [dreg:$0x1b];
	[sflag:s31] =	ssyncadd.s32 $0xFFFFEC00  }
0x3a: {  	[spmem:s1] =	stream.linear.scatter [tilespmem:s30], [sflag:$0x5], $0x1400, $0x38;
	[tilespmem:$0x1FE00] =	vst v63  }
0x3b: {  	_ =	swait.ge [sflag:s31], $0x1400  }
0x3c: {  	[sflag:s31] =	ssyncset.done $0x0  }
0x3d: {  	s1 =	rddreg [dreg:$0x1c];
	[sflag:s31] =	ssyncadd.s32 $0xFFFFEC00  }
0x3e: {  	[spmem:s1] =	stream.linear.scatter [tilespmem:s30], [sflag:$0x5], $0x1400, $0x38;
	[tilespmem:$0x1FE00] =	vst v63  }
0x3f: {  	_ =	swait.ge [sflag:s31], $0x1400  }
0x40: {  	[sflag:s31] =	ssyncset.done $0x0  }
0x41: {  	s1 =	rddreg [dreg:$0x1d];
	[sflag:s31] =	ssyncadd.s32 $0xFFFFEC00  }
0x42: {  	[spmem:s1] =	stream.linear.scatter [tilespmem:s30], [sflag:$0x5], $0x1400, $0x38;
	[tilespmem:$0x1FE00] =	vst v63  }
0x43: {  	_ =	swait.ge [sflag:s31], $0x1400  }
0x44: {  	[sflag:s31] =	ssyncset.done $0x0  }
0x45: {  	[sflag:s31] =	ssyncadd.s32 $0xFFFFEC00  }
0x46: {  	[spmem:s14] =	stream.linear.scatter [tilespmem:s30], [sflag:$0x5], $0x1400, $0x38;
	[tilespmem:$0x1FE00] =	vst v63  }
0x47: {  	_ =	swait.ge [sflag:s31], $0x1400  }
0x48: {  	[sflag:s31] =	ssyncset.done $0x0  }
0x49: {  	[sflag:s31] =	ssyncadd.s32 $0xFFFFEC00  }
0x4a: {  	[spmem:s7] =	stream.linear.scatter [tilespmem:s30], [sflag:$0x5], $0x1400, $0x38;
	[tilespmem:$0x1FE00] =	vst v63  }
0x4b: {  	_ =	swait.ge [sflag:s31], $0x1400  }
0x4c: {  	[sflag:s31] =	ssyncset.done $0x0  }
0x4d: {  	[sflag:s31] =	ssyncadd.s32 $0xFFFFEC00  }
0x4e: {  	[spmem:s29] =	stream.linear.scatter [tilespmem:s30], [sflag:$0x5], $0x1400, $0x38;
	[tilespmem:$0x1FE00] =	vst v63  }
0x4f: {  	_ =	swait.ge [sflag:s31], $0x1400  }
0x50: {  	[sflag:s31] =	ssyncset.done $0x0  }
0x51: {  	[sflag:s31] =	ssyncadd.s32 $0xFFFFEC00  }
0x52: {  	[spmem:s9] =	stream.linear.scatter [tilespmem:s30], [sflag:$0x5], $0x1400, $0x38;
	[tilespmem:$0x1FE00] =	vst v63  }
0x53: {  	_ =	swait.ge [sflag:s31], $0x1400  }
0x54: {  	[sflag:s31] =	ssyncset.done $0x0  }
0x55: {  	[sflag:s31] =	ssyncadd.s32 $0xFFFFEC00  }
0x56: {  	[bflag:$0x0] =	sbarrier.arrive $0xFFFF  }
0x57: {  	s9 =	sld [smem:$0x7F9];
	_ =	sdelay $0x2  }
0x58: {  	[tilespmem:s0], [sflag:$0x5] =	stream.linear.gather [hbm4b:s9+s3], $0x280, $0x38;
	[tilespmem:$0x1FE00] =	vst v63  }
0x59: {  	_ =	swait.ge [sflag:s31], $0x280  }
0x5a: {  	s14 =	sld [smem:$0x7F7]  }
0x5b: {  	[sflag:s31] =	ssyncset.done $0x0  }
0x5c: {  	[sflag:s31] =	ssyncadd.s32 $0xFFFFFD80  }
0x5d: {  	[tilespmem:s4], [sflag:$0x5] =	stream.linear.gather [hbm4b:s14+s3], $0x280, $0x38;
	[tilespmem:$0x1FE00] =	vst v63  }
0x5e: {  	_ =	swait.ge [sflag:s31], $0x280  }
0x5f: {  	[sflag:s31] =	ssyncset.done $0x0  }
0x60: {  	[sflag:s31] =	ssyncadd.s32 $0xFFFFFD80  }
0x61: {  	[tilespmem:s6], [sflag:$0x1] =	stream.indirect.gather [hbm4b:s25+s5], $0x40, s0, s5, $0xb8;
	[tilespmem:$0x1FE00] =	vst v63  }
0x62: {  	s14 =	simm.s32 $0xA080  }
0x63: {  	[tilespmem:s8], [sflag:$0x1] =	stream.indirect.gather [hbm4b:s25+s5], $0x40, s14, s5, $0xb8;
	[tilespmem:$0x1FE00] =	vst v63  }
0x64: {  	s29 =	simm.s32 $0xA100  }
0x65: {  	[tilespmem:s10], [sflag:$0x1] =	stream.indirect.gather [hbm4b:s25+s5], $0x40, s29, s5, $0xb8;
	[tilespmem:$0x1FE00] =	vst v63  }
0x66: {  	s7 =	simm.s32 $0xA180  }
0x67: {  	[tilespmem:s12], [sflag:$0x1] =	stream.indirect.gather [hbm4b:s25+s5], $0x40, s7, s5, $0xb8;
	[tilespmem:$0x1FE00] =	vst v63  }
0x68: {  	s9 =	simm.s32 $0xA200  }
0x69: {  	[tilespmem:s26], [sflag:$0x1] =	stream.indirect.gather [hbm4b:s25+s5], $0x40, s9, s5, $0xb8;
	[tilespmem:$0x1FE00] =	vst v63  }
0x6a: {  	s9 =	sld [smem:$0x7FA];
	_ =	sdelay $0x2  }
0x6b: {  	[tilespmem:s23], [sflag:$0x5] =	stream.linear.gather [hbm4b:s9+s3], $0x280, $0x38;
	[tilespmem:$0x1FE00] =	vst v63  }
0x6c: {  	_ =	swait.ge [sflag:s31], $0x280  }
0x6d: {  	s30 =	sld [smem:$0x7F8]  }
0x6e: {  	[sflag:s31] =	ssyncset.done $0x0  }
0x6f: {  	[sflag:s31] =	ssyncadd.s32 $0xFFFFFD80  }
0x70: {  	[tilespmem:s24], [sflag:$0x5] =	stream.linear.gather [hbm4b:s30+s3], $0x280, $0x38;
	[tilespmem:$0x1FE00] =	vst v63  }
0x71: {  	_ =	swait.ge [sflag:s31], $0x280  }
0x72: {  	[sflag:s31] =	ssyncset.done $0x0  }
0x73: {  	[sflag:s31] =	ssyncadd.s32 $0xFFFFFD80  }
0x74: {  	[tilespmem:s15], [sflag:$0x2] =	stream.indirect.gather [hbm4b:s25+s5], $0x40, s23, s5, $0xb8;
	[tilespmem:$0x1FE00] =	vst v63  }
0x75: {  	s1 =	rddreg [dreg:$0x5]  }
0x76: {  	[tilespmem:s16], [sflag:$0x2] =	stream.indirect.gather [hbm4b:s25+s5], $0x40, s1, s5, $0xb8;
	[tilespmem:$0x1FE00] =	vst v63  }
0x77: {  	s7 =	rddreg [dreg:$0x6]  }
0x78: {  	[tilespmem:s17], [sflag:$0x2] =	stream.indirect.gather [hbm4b:s25+s5], $0x40, s7, s5, $0xb8;
	[tilespmem:$0x1FE00] =	vst v63  }
0x79: {  	s1 =	rddreg [dreg:$0x7]  }
0x7a: {  	[tilespmem:s18], [sflag:$0x2] =	stream.indirect.gather [hbm4b:s25+s5], $0x40, s1, s5, $0xb8;
	[tilespmem:$0x1FE00] =	vst v63  }
0x7b: {  	s7 =	rddreg [dreg:$0x8]  }
0x7c: {  	[tilespmem:s19], [sflag:$0x2] =	stream.indirect.gather [hbm4b:s25+s5], $0x40, s7, s5, $0xb8;
	[tilespmem:$0x1FE00] =	vst v63  }
0x7d: {  	_ =	swait.ge [sflag:s20], $0x2000  }
0x7e: {  	[sflag:s20] =	ssyncset.done $0x0  }
0x7f: {  	[sflag:s20] =	ssyncadd.s32 $0xFFFFE000  }
0x80: {  	_ =	swait.ge [sflag:s20], $0x2000  }
0x81: {  	[sflag:s20] =	ssyncset.done $0x0  }
0x82: {  	[sflag:s20] =	ssyncadd.s32 $0xFFFFE000  }
0x83: {  	_ =	swait.ge [sflag:s20], $0x2000  }
0x84: {  	[sflag:s20] =	ssyncset.done $0x0  }
0x85: {  	[sflag:s20] =	ssyncadd.s32 $0xFFFFE000  }
0x86: {  	_ =	swait.ge [sflag:s20], $0x2000  }
0x87: {  	[sflag:s20] =	ssyncset.done $0x0  }
0x88: {  	[sflag:s20] =	ssyncadd.s32 $0xFFFFE000  }
0x89: {  	_ =	swait.ge [sflag:s20], $0x2000  }
0x8a: {  	[sflag:s20] =	ssyncset.done $0x0  }
0x8b: {  	[sflag:s20] =	ssyncadd.s32 $0xFFFFE000  }
0x8c: {  	[spmem:s2] =	stream.indirect.scatter.add.f32 [tilespmem:s6], [sflag:$0x3], $0x40, s4, s5, $0xb8;
	[tilespmem:$0x1FE00] =	vst v63  }
0x8d: {  	s1 =	rddreg [dreg:$0x9]  }
0x8e: {  	[spmem:s2] =	stream.indirect.scatter.add.f32 [tilespmem:s8], [sflag:$0x3], $0x40, s1, s5, $0xb8;
	[tilespmem:$0x1FE00] =	vst v63  }
0x8f: {  	s7 =	rddreg [dreg:$0xa]  }
0x90: {  	[spmem:s2] =	stream.indirect.scatter.add.f32 [tilespmem:s10], [sflag:$0x3], $0x40, s7, s5, $0xb8;
	[tilespmem:$0x1FE00] =	vst v63  }
0x91: {  	s1 =	rddreg [dreg:$0xb]  }
0x92: {  	[spmem:s2] =	stream.indirect.scatter.add.f32 [tilespmem:s12], [sflag:$0x3], $0x40, s1, s5, $0xb8;
	[tilespmem:$0x1FE00] =	vst v63  }
0x93: {  	s7 =	rddreg [dreg:$0xc]  }
0x94: {  	[spmem:s2] =	stream.indirect.scatter.add.f32 [tilespmem:s26], [sflag:$0x3], $0x40, s7, s5, $0xb8;
	[tilespmem:$0x1FE00] =	vst v63  }
0x95: {  	_ =	swait.ge [sflag:s21], $0x2000  }
0x96: {  	[sflag:s21] =	ssyncset.done $0x0  }
0x97: {  	[sflag:s21] =	ssyncadd.s32 $0xFFFFE000  }
0x98: {  	_ =	swait.ge [sflag:s21], $0x2000  }
0x99: {  	[sflag:s21] =	ssyncset.done $0x0  }
0x9a: {  	[sflag:s21] =	ssyncadd.s32 $0xFFFFE000  }
0x9b: {  	_ =	swait.ge [sflag:s21], $0x2000  }
0x9c: {  	[sflag:s21] =	ssyncset.done $0x0  }
0x9d: {  	[sflag:s21] =	ssyncadd.s32 $0xFFFFE000  }
0x9e: {  	_ =	swait.ge [sflag:s21], $0x2000  }
0x9f: {  	[sflag:s21] =	ssyncset.done $0x0  }
0xa0: {  	s1 =	smin.u32 s3, $0x1D;
	[sflag:s21] =	ssyncadd.s32 $0xFFFFE000  }
0xa1: {  	s1 =	smul.u32 $0x5, s1;
	_ =	swait.ge [sflag:s21], $0x2000  }
0xa2: {  	s7 =	rddreg [dreg:$0x4]  }
0xa3: {  	s1 =	sadd.s32 s1, s7  }
0xa4: {  	[sflag:s21] =	ssyncset.done $0x0;
	s1 =	sshll.u32 s1, $0x4  }
0xa5: {  	[sflag:s21] =	ssyncadd.s32 $0xFFFFE000;
	s7 =	sadd.s32 s13, s1  }
0xa6: {  	[tilespmem:s0], [sflag:$0x5] =	stream.linear.gather [hbm4b:s7+s3], $0x280, $0x38;
	[tilespmem:$0x1FE00] =	vst v63  }
0xa7: {  	_ =	swait.ge [sflag:s31], $0x280  }
0xa8: {  	[sflag:s31] =	ssyncset.done $0x0  }
0xa9: {  	s1 =	sadd.s32 s11, s1;
	[sflag:s31] =	ssyncadd.s32 $0xFFFFFD80  }
0xaa: {  	[tilespmem:s4], [sflag:$0x5] =	stream.linear.gather [hbm4b:s1+s3], $0x280, $0x38;
	[tilespmem:$0x1FE00] =	vst v63  }
0xab: {  	_ =	swait.ge [sflag:s31], $0x280  }
0xac: {  	[sflag:s31] =	ssyncset.done $0x0  }
0xad: {  	[sflag:s31] =	ssyncadd.s32 $0xFFFFFD80  }
0xae: {  	[tilespmem:s6], [sflag:$0x1] =	stream.indirect.gather [hbm4b:s25+s5], $0x40, s0, s5, $0xb8;
	[tilespmem:$0x1FE00] =	vst v63  }
0xaf: {  	_ = 	snop  }
0xb0: {  	[tilespmem:s8], [sflag:$0x1] =	stream.indirect.gather [hbm4b:s25+s5], $0x40, s14, s5, $0xb8;
	[tilespmem:$0x1FE00] =	vst v63  }
0xb1: {  	_ = 	snop  }
0xb2: {  	[tilespmem:s10], [sflag:$0x1] =	stream.indirect.gather [hbm4b:s25+s5], $0x40, s29, s5, $0xb8;
	[tilespmem:$0x1FE00] =	vst v63  }
0xb3: {  	s7 =	simm.s32 $0xA180  }
0xb4: {  	[tilespmem:s12], [sflag:$0x1] =	stream.indirect.gather [hbm4b:s25+s5], $0x40, s7, s5, $0xb8;
	[tilespmem:$0x1FE00] =	vst v63  }
0xb5: {  	s14 =	simm.s32 $0xA200  }
0xb6: {  	[tilespmem:s26], [sflag:$0x1] =	stream.indirect.gather [hbm4b:s25+s5], $0x40, s14, s5, $0xb8;
	[tilespmem:$0x1FE00] =	vst v63  }
0xb7: {  	_ =	swait.ge [sflag:s22], $0x2000  }
0xb8: {  	[sflag:s22] =	ssyncset.done $0x0  }
0xb9: {  	[sflag:s22] =	ssyncadd.s32 $0xFFFFE000  }
0xba: {  	_ =	swait.ge [sflag:s22], $0x2000  }
0xbb: {  	[sflag:s22] =	ssyncset.done $0x0  }
0xbc: {  	[sflag:s22] =	ssyncadd.s32 $0xFFFFE000  }
0xbd: {  	_ =	swait.ge [sflag:s22], $0x2000  }
0xbe: {  	[sflag:s22] =	ssyncset.done $0x0  }
0xbf: {  	[sflag:s22] =	ssyncadd.s32 $0xFFFFE000  }
0xc0: {  	_ =	swait.ge [sflag:s22], $0x2000  }
0xc1: {  	[sflag:s22] =	ssyncset.done $0x0  }
0xc2: {  	[sflag:s22] =	ssyncadd.s32 $0xFFFFE000  }
0xc3: {  	_ =	swait.ge [sflag:s22], $0x2000  }
0xc4: {  	[sflag:s22] =	ssyncset.done $0x0  }
0xc5: {  	[sflag:s22] =	ssyncadd.s32 $0xFFFFE000  }
0xc6: {  	[spmem:s2] =	stream.indirect.scatter.add.f32 [tilespmem:s15], [sflag:$0x4], $0x40, s24, s5, $0xb8;
	[tilespmem:$0x1FE00] =	vst v63  }
0xc7: {  	s7 =	rddreg [dreg:$0xd]  }
0xc8: {  	[spmem:s2] =	stream.indirect.scatter.add.f32 [tilespmem:s16], [sflag:$0x4], $0x40, s7, s5, $0xb8;
	[tilespmem:$0x1FE00] =	vst v63  }
0xc9: {  	s14 =	rddreg [dreg:$0xe]  }
0xca: {  	[spmem:s2] =	stream.indirect.scatter.add.f32 [tilespmem:s17], [sflag:$0x4], $0x40, s14, s5, $0xb8;
	[tilespmem:$0x1FE00] =	vst v63  }
0xcb: {  	s1 =	rddreg [dreg:$0xf]  }
0xcc: {  	[spmem:s2] =	stream.indirect.scatter.add.f32 [tilespmem:s18], [sflag:$0x4], $0x40, s1, s5, $0xb8;
	[tilespmem:$0x1FE00] =	vst v63  }
0xcd: {  	s14 =	rddreg [dreg:$0x10]  }
0xce: {  	[spmem:s2] =	stream.indirect.scatter.add.f32 [tilespmem:s19], [sflag:$0x4], $0x40, s14, s5, $0xb8;
	[tilespmem:$0x1FE00] =	vst v63  }
0xcf: {  	_ =	swait.ge [sflag:s28], $0x2000  }
0xd0: {  	[sflag:s28] =	ssyncset.done $0x0  }
0xd1: {  	[sflag:s28] =	ssyncadd.s32 $0xFFFFE000  }
0xd2: {  	_ =	swait.ge [sflag:s28], $0x2000  }
0xd3: {  	[sflag:s28] =	ssyncset.done $0x0  }
0xd4: {  	[sflag:s28] =	ssyncadd.s32 $0xFFFFE000  }
0xd5: {  	_ =	swait.ge [sflag:s28], $0x2000  }
0xd6: {  	[sflag:s28] =	ssyncset.done $0x0  }
0xd7: {  	[sflag:s28] =	ssyncadd.s32 $0xFFFFE000  }
0xd8: {  	_ =	swait.ge [sflag:s28], $0x2000  }
0xd9: {  	[sflag:s28] =	ssyncset.done $0x0  }
0xda: {  	[sflag:s28] =	ssyncadd.s32 $0xFFFFE000  }
0xdb: {  	_ =	swait.ge [sflag:s28], $0x2000  }
0xdc: {  	s29 =	simm.s32 $0x2;
	s1 =	smov.u32 s9;
	[sflag:s28] =	ssyncset.done $0x0  }
.LBB2_2:
0xdd: {  	[sflag:s28] =	ssyncadd.s32 $0xFFFFE000;
	s1 =	sadd.s32 $0xA0, s1  }
0xde: {  	[tilespmem:s23], [sflag:$0x5] =	stream.linear.gather [hbm4b:s1+s3], $0x280, $0x38;
	[tilespmem:$0x1FE00] =	vst v63  }
0xdf: {  	_ =	swait.ge [sflag:s31], $0x280  }
0xe0: {  	[sflag:s31] =	ssyncset.done $0x0  }
0xe1: {  	s30 =	sadd.s32 $0xA0, s30;
	[sflag:s31] =	ssyncadd.s32 $0xFFFFFD80  }
0xe2: {  	[tilespmem:s24], [sflag:$0x5] =	stream.linear.gather [hbm4b:s30+s3], $0x280, $0x38;
	[tilespmem:$0x1FE00] =	vst v63  }
0xe3: {  	_ =	swait.ge [sflag:s31], $0x280  }
0xe4: {  	[sflag:s31] =	ssyncset.done $0x0  }
0xe5: {  	[sflag:s31] =	ssyncadd.s32 $0xFFFFFD80  }
0xe6: {  	[tilespmem:s15], [sflag:$0x2] =	stream.indirect.gather [hbm4b:s25+s5], $0x40, s23, s5, $0xb8;
	[tilespmem:$0x1FE00] =	vst v63  }
0xe7: {  	s9 =	rddreg [dreg:$0x5]  }
0xe8: {  	[tilespmem:s16], [sflag:$0x2] =	stream.indirect.gather [hbm4b:s25+s5], $0x40, s9, s5, $0xb8;
	[tilespmem:$0x1FE00] =	vst v63  }
0xe9: {  	s14 =	smov.u32 s11;
	s11 =	rddreg [dreg:$0x6]  }
0xea: {  	[tilespmem:s17], [sflag:$0x2] =	stream.indirect.gather [hbm4b:s25+s5], $0x40, s11, s5, $0xb8;
	[tilespmem:$0x1FE00] =	vst v63  }
0xeb: {  	s9 =	rddreg [dreg:$0x7]  }
0xec: {  	[tilespmem:s18], [sflag:$0x2] =	stream.indirect.gather [hbm4b:s25+s5], $0x40, s9, s5, $0xb8;
	[tilespmem:$0x1FE00] =	vst v63  }
0xed: {  	s11 =	rddreg [dreg:$0x8]  }
0xee: {  	[tilespmem:s19], [sflag:$0x2] =	stream.indirect.gather [hbm4b:s25+s5], $0x40, s11, s5, $0xb8;
	[tilespmem:$0x1FE00] =	vst v63  }
0xef: {  	_ =	swait.ge [sflag:s20], $0x2000  }
0xf0: {  	[sflag:s20] =	ssyncset.done $0x0  }
0xf1: {  	[sflag:s20] =	ssyncadd.s32 $0xFFFFE000  }
0xf2: {  	_ =	swait.ge [sflag:s20], $0x2000  }
0xf3: {  	[sflag:s20] =	ssyncset.done $0x0  }
0xf4: {  	[sflag:s20] =	ssyncadd.s32 $0xFFFFE000  }
0xf5: {  	_ =	swait.ge [sflag:s20], $0x2000  }
0xf6: {  	[sflag:s20] =	ssyncset.done $0x0  }
0xf7: {  	[sflag:s20] =	ssyncadd.s32 $0xFFFFE000  }
0xf8: {  	_ =	swait.ge [sflag:s20], $0x2000  }
0xf9: {  	[sflag:s20] =	ssyncset.done $0x0  }
0xfa: {  	[sflag:s20] =	ssyncadd.s32 $0xFFFFE000  }
0xfb: {  	_ =	swait.ge [sflag:s20], $0x2000  }
0xfc: {  	[sflag:s20] =	ssyncset.done $0x0  }
0xfd: {  	[sflag:s20] =	ssyncadd.s32 $0xFFFFE000  }
0xfe: {  	[spmem:s2] =	stream.indirect.scatter.add.f32 [tilespmem:s6], [sflag:$0x3], $0x40, s4, s5, $0xb8;
	[tilespmem:$0x1FE00] =	vst v63  }
0xff: {  	s9 =	rddreg [dreg:$0x9]  }
0x100: {  	[spmem:s2] =	stream.indirect.scatter.add.f32 [tilespmem:s8], [sflag:$0x3], $0x40, s9, s5, $0xb8;
	[tilespmem:$0x1FE00] =	vst v63  }
0x101: {  	s11 =	rddreg [dreg:$0xa]  }
0x102: {  	[spmem:s2] =	stream.indirect.scatter.add.f32 [tilespmem:s10], [sflag:$0x3], $0x40, s11, s5, $0xb8;
	[tilespmem:$0x1FE00] =	vst v63  }
0x103: {  	s9 =	rddreg [dreg:$0xb]  }
0x104: {  	[spmem:s2] =	stream.indirect.scatter.add.f32 [tilespmem:s12], [sflag:$0x3], $0x40, s9, s5, $0xb8;
	[tilespmem:$0x1FE00] =	vst v63  }
0x105: {  	s11 =	rddreg [dreg:$0xc]  }
0x106: {  	[spmem:s2] =	stream.indirect.scatter.add.f32 [tilespmem:s26], [sflag:$0x3], $0x40, s11, s5, $0xb8;
	[tilespmem:$0x1FE00] =	vst v63  }
0x107: {  	_ =	swait.ge [sflag:s21], $0x2000  }
0x108: {  	[sflag:s21] =	ssyncset.done $0x0  }
0x109: {  	[sflag:s21] =	ssyncadd.s32 $0xFFFFE000  }
0x10a: {  	_ =	swait.ge [sflag:s21], $0x2000  }
0x10b: {  	[sflag:s21] =	ssyncset.done $0x0  }
0x10c: {  	[sflag:s21] =	ssyncadd.s32 $0xFFFFE000  }
0x10d: {  	_ =	swait.ge [sflag:s21], $0x2000  }
0x10e: {  	[sflag:s21] =	ssyncset.done $0x0  }
0x10f: {  	[sflag:s21] =	ssyncadd.s32 $0xFFFFE000  }
0x110: {  	_ =	swait.ge [sflag:s21], $0x2000  }
0x111: {  	s7 =	smov.u32 s29;
	[sflag:s21] =	ssyncset.done $0x0  }
0x112: {  	s7 =	smin.u32 s7, $0x1D;
	[sflag:s21] =	ssyncadd.s32 $0xFFFFE000  }
0x113: {  	s7 =	smul.u32 $0x5, s7;
	_ =	swait.ge [sflag:s21], $0x2000  }
0x114: {  	s9 =	rddreg [dreg:$0x4]  }
0x115: {  	s7 =	sadd.s32 s7, s9  }
0x116: {  	[sflag:s21] =	ssyncset.done $0x0;
	s7 =	sshll.u32 s7, $0x4  }
0x117: {  	[sflag:s21] =	ssyncadd.s32 $0xFFFFE000;
	s9 =	sadd.s32 s13, s7  }
0x118: {  	[tilespmem:s0], [sflag:$0x5] =	stream.linear.gather [hbm4b:s9+s3], $0x280, $0x38;
	[tilespmem:$0x1FE00] =	vst v63  }
0x119: {  	_ =	swait.ge [sflag:s31], $0x280  }
0x11a: {  	[sflag:s31] =	ssyncset.done $0x0  }
0x11b: {  	s7 =	sadd.s32 s14, s7;
	[sflag:s31] =	ssyncadd.s32 $0xFFFFFD80  }
0x11c: {  	[tilespmem:s4], [sflag:$0x5] =	stream.linear.gather [hbm4b:s7+s3], $0x280, $0x38;
	[tilespmem:$0x1FE00] =	vst v63  }
0x11d: {  	_ =	swait.ge [sflag:s31], $0x280  }
0x11e: {  	[sflag:s31] =	ssyncset.done $0x0  }
0x11f: {  	[sflag:s31] =	ssyncadd.s32 $0xFFFFFD80  }
0x120: {  	[tilespmem:s6], [sflag:$0x1] =	stream.indirect.gather [hbm4b:s25+s5], $0x40, s0, s5, $0xb8;
	[tilespmem:$0x1FE00] =	vst v63  }
0x121: {  	s9 =	simm.s32 $0xA080  }
0x122: {  	[tilespmem:s8], [sflag:$0x1] =	stream.indirect.gather [hbm4b:s25+s5], $0x40, s9, s5, $0xb8;
	[tilespmem:$0x1FE00] =	vst v63  }
0x123: {  	s11 =	smov.u32 s14;
	s14 =	simm.s32 $0xA100  }
0x124: {  	[tilespmem:s10], [sflag:$0x1] =	stream.indirect.gather [hbm4b:s25+s5], $0x40, s14, s5, $0xb8;
	[tilespmem:$0x1FE00] =	vst v63  }
0x125: {  	s9 =	simm.s32 $0xA180  }
0x126: {  	[tilespmem:s12], [sflag:$0x1] =	stream.indirect.gather [hbm4b:s25+s5], $0x40, s9, s5, $0xb8;
	[tilespmem:$0x1FE00] =	vst v63  }
0x127: {  	s14 =	simm.s32 $0xA200  }
0x128: {  	[tilespmem:s26], [sflag:$0x1] =	stream.indirect.gather [hbm4b:s25+s5], $0x40, s14, s5, $0xb8;
	[tilespmem:$0x1FE00] =	vst v63  }
0x129: {  	_ =	swait.ge [sflag:s22], $0x2000  }
0x12a: {  	[sflag:s22] =	ssyncset.done $0x0  }
0x12b: {  	[sflag:s22] =	ssyncadd.s32 $0xFFFFE000  }
0x12c: {  	_ =	swait.ge [sflag:s22], $0x2000  }
0x12d: {  	[sflag:s22] =	ssyncset.done $0x0  }
0x12e: {  	[sflag:s22] =	ssyncadd.s32 $0xFFFFE000  }
0x12f: {  	_ =	swait.ge [sflag:s22], $0x2000  }
0x130: {  	[sflag:s22] =	ssyncset.done $0x0  }
0x131: {  	[sflag:s22] =	ssyncadd.s32 $0xFFFFE000  }
0x132: {  	_ =	swait.ge [sflag:s22], $0x2000  }
0x133: {  	[sflag:s22] =	ssyncset.done $0x0  }
0x134: {  	[sflag:s22] =	ssyncadd.s32 $0xFFFFE000  }
0x135: {  	_ =	swait.ge [sflag:s22], $0x2000  }
0x136: {  	[sflag:s22] =	ssyncset.done $0x0  }
0x137: {  	[sflag:s22] =	ssyncadd.s32 $0xFFFFE000  }
0x138: {  	[spmem:s2] =	stream.indirect.scatter.add.f32 [tilespmem:s15], [sflag:$0x4], $0x40, s24, s5, $0xb8;
	[tilespmem:$0x1FE00] =	vst v63  }
0x139: {  	s9 =	rddreg [dreg:$0xd]  }
0x13a: {  	[spmem:s2] =	stream.indirect.scatter.add.f32 [tilespmem:s16], [sflag:$0x4], $0x40, s9, s5, $0xb8;
	[tilespmem:$0x1FE00] =	vst v63  }
0x13b: {  	s14 =	rddreg [dreg:$0xe]  }
0x13c: {  	[spmem:s2] =	stream.indirect.scatter.add.f32 [tilespmem:s17], [sflag:$0x4], $0x40, s14, s5, $0xb8;
	[tilespmem:$0x1FE00] =	vst v63  }
0x13d: {  	s7 =	rddreg [dreg:$0xf]  }
0x13e: {  	[spmem:s2] =	stream.indirect.scatter.add.f32 [tilespmem:s18], [sflag:$0x4], $0x40, s7, s5, $0xb8;
	[tilespmem:$0x1FE00] =	vst v63  }
0x13f: {  	s14 =	rddreg [dreg:$0x10]  }
0x140: {  	[spmem:s2] =	stream.indirect.scatter.add.f32 [tilespmem:s19], [sflag:$0x4], $0x40, s14, s5, $0xb8;
	[tilespmem:$0x1FE00] =	vst v63  }
0x141: {  	_ =	swait.ge [sflag:s28], $0x2000  }
0x142: {  	[sflag:s28] =	ssyncset.done $0x0  }
0x143: {  	[sflag:s28] =	ssyncadd.s32 $0xFFFFE000  }
0x144: {  	_ =	swait.ge [sflag:s28], $0x2000  }
0x145: {  	[sflag:s28] =	ssyncset.done $0x0  }
0x146: {  	[sflag:s28] =	ssyncadd.s32 $0xFFFFE000  }
0x147: {  	_ =	swait.ge [sflag:s28], $0x2000  }
0x148: {  	[sflag:s28] =	ssyncset.done $0x0  }
0x149: {  	p0 =	sne.s32 s29, $0x1E;
	[sflag:s28] =	ssyncadd.s32 $0xFFFFE000  }
.Ltmp0:
0x14a: {  	_ =	swait.ge [sflag:s28], $0x2000;
	(pc) =	sbr.rel @p0 .LBB2_2-.Ltmp0, $4  }
0x14b: {  	[sflag:s28] =	ssyncset.done $0x0  }
0x14c: {  	[sflag:s28] =	ssyncadd.s32 $0xFFFFE000  }
0x14d: {  	_ =	swait.ge [sflag:s28], $0x2000  }
0x14e: {  	s29 =	sadd.s32 $0x2, s29;
	[sflag:s28] =	ssyncset.done $0x0  }
0x14f: {  	[sflag:s28] =	ssyncadd.s32 $0xFFFFE000  }
0x150: {  	_ =	swait.ge [sflag:s20], $0x2000  }
0x151: {  	[sflag:s20] =	ssyncset.done $0x0  }
0x152: {  	[sflag:s20] =	ssyncadd.s32 $0xFFFFE000  }
0x153: {  	_ =	swait.ge [sflag:s20], $0x2000  }
0x154: {  	[sflag:s20] =	ssyncset.done $0x0  }
0x155: {  	[sflag:s20] =	ssyncadd.s32 $0xFFFFE000  }
0x156: {  	_ =	swait.ge [sflag:s20], $0x2000  }
0x157: {  	[sflag:s20] =	ssyncset.done $0x0  }
0x158: {  	[sflag:s20] =	ssyncadd.s32 $0xFFFFE000  }
0x159: {  	_ =	swait.ge [sflag:s20], $0x2000  }
0x15a: {  	[sflag:s20] =	ssyncset.done $0x0  }
0x15b: {  	[sflag:s20] =	ssyncadd.s32 $0xFFFFE000  }
0x15c: {  	_ =	swait.ge [sflag:s20], $0x2000  }
0x15d: {  	[sflag:s20] =	ssyncset.done $0x0  }
0x15e: {  	[sflag:s20] =	ssyncadd.s32 $0xFFFFE000  }
0x15f: {  	[bflag:$0x0] =	sbarrier.arrive $0xFFFF  }
0x160: {  	s30 =	simm.s32 $0x1EA00;
	s1 =	rddreg [dreg:$0x1a]  }
0x161: {  	[tilespmem:s30], [sflag:$0x5] =	stream.linear.gather [spmem:s1], $0x1400, $0x38;
	[tilespmem:$0x1FE00] =	vst v63  }
0x162: {  	_ =	swait.ge [sflag:s31], $0x1400  }
0x163: {  	[sflag:s31] =	ssyncset.done $0x0  }
0x164: {  	s14 =	rddreg [dreg:$0x11];
	[sflag:s31] =	ssyncadd.s32 $0xFFFFEC00  }
0x165: {  	[hbm4b:s14+s3] =	stream.linear.scatter [tilespmem:s30], [sflag:$0x5], $0x1400, $0x38;
	[tilespmem:$0x1FE00] =	vst v63  }
0x166: {  	_ =	swait.ge [sflag:s31], $0x1400  }
0x167: {  	[sflag:s31] =	ssyncset.done $0x0  }
0x168: {  	s7 =	rddreg [dreg:$0x1b];
	[sflag:s31] =	ssyncadd.s32 $0xFFFFEC00  }
0x169: {  	[tilespmem:s30], [sflag:$0x5] =	stream.linear.gather [spmem:s7], $0x1400, $0x38;
	[tilespmem:$0x1FE00] =	vst v63  }
0x16a: {  	_ =	swait.ge [sflag:s31], $0x1400  }
0x16b: {  	[sflag:s31] =	ssyncset.done $0x0  }
0x16c: {  	s9 =	rddreg [dreg:$0x12];
	[sflag:s31] =	ssyncadd.s32 $0xFFFFEC00  }
0x16d: {  	[hbm4b:s9+s3] =	stream.linear.scatter [tilespmem:s30], [sflag:$0x5], $0x1400, $0x38;
	[tilespmem:$0x1FE00] =	vst v63  }
0x16e: {  	_ =	swait.ge [sflag:s31], $0x1400  }
0x16f: {  	[sflag:s31] =	ssyncset.done $0x0  }
0x170: {  	s14 =	rddreg [dreg:$0x1c];
	[sflag:s31] =	ssyncadd.s32 $0xFFFFEC00  }
0x171: {  	[tilespmem:s30], [sflag:$0x5] =	stream.linear.gather [spmem:s14], $0x1400, $0x38;
	[tilespmem:$0x1FE00] =	vst v63  }
0x172: {  	_ =	swait.ge [sflag:s31], $0x1400  }
0x173: {  	[sflag:s31] =	ssyncset.done $0x0  }
0x174: {  	s7 =	rddreg [dreg:$0x13];
	[sflag:s31] =	ssyncadd.s32 $0xFFFFEC00  }
0x175: {  	[hbm4b:s7+s3] =	stream.linear.scatter [tilespmem:s30], [sflag:$0x5], $0x1400, $0x38;
	[tilespmem:$0x1FE00] =	vst v63  }
0x176: {  	_ =	swait.ge [sflag:s31], $0x1400  }
0x177: {  	[sflag:s31] =	ssyncset.done $0x0  }
0x178: {  	s9 =	rddreg [dreg:$0x1d];
	[sflag:s31] =	ssyncadd.s32 $0xFFFFEC00  }
0x179: {  	[tilespmem:s30], [sflag:$0x5] =	stream.linear.gather [spmem:s9], $0x1400, $0x38;
	[tilespmem:$0x1FE00] =	vst v63  }
0x17a: {  	_ =	swait.ge [sflag:s31], $0x1400  }
0x17b: {  	[sflag:s31] =	ssyncset.done $0x0  }
0x17c: {  	s14 =	rddreg [dreg:$0x14];
	[sflag:s31] =	ssyncadd.s32 $0xFFFFEC00  }
0x17d: {  	[hbm4b:s14+s3] =	stream.linear.scatter [tilespmem:s30], [sflag:$0x5], $0x1400, $0x38;
	[tilespmem:$0x1FE00] =	vst v63  }
0x17e: {  	_ =	swait.ge [sflag:s31], $0x1400  }
0x17f: {  	[sflag:s31] =	ssyncset.done $0x0  }
0x180: {  	s7 =	rddreg [dreg:$0x1e];
	[sflag:s31] =	ssyncadd.s32 $0xFFFFEC00  }
0x181: {  	[tilespmem:s30], [sflag:$0x5] =	stream.linear.gather [spmem:s7], $0x1400, $0x38;
	[tilespmem:$0x1FE00] =	vst v63  }
0x182: {  	_ =	swait.ge [sflag:s31], $0x1400  }
0x183: {  	[sflag:s31] =	ssyncset.done $0x0  }
0x184: {  	s9 =	rddreg [dreg:$0x15];
	[sflag:s31] =	ssyncadd.s32 $0xFFFFEC00  }
0x185: {  	[hbm4b:s9+s3] =	stream.linear.scatter [tilespmem:s30], [sflag:$0x5], $0x1400, $0x38;
	[tilespmem:$0x1FE00] =	vst v63  }
0x186: {  	_ =	swait.ge [sflag:s31], $0x1400  }
0x187: {  	[sflag:s31] =	ssyncset.done $0x0  }
0x188: {  	s7 =	rddreg [dreg:$0x1f];
	[sflag:s31] =	ssyncadd.s32 $0xFFFFEC00  }
0x189: {  	[tilespmem:s30], [sflag:$0x5] =	stream.linear.gather [spmem:s7], $0x1400, $0x38;
	[tilespmem:$0x1FE00] =	vst v63  }
0x18a: {  	_ =	swait.ge [sflag:s31], $0x1400  }
0x18b: {  	[sflag:s31] =	ssyncset.done $0x0  }
0x18c: {  	s14 =	rddreg [dreg:$0x16];
	[sflag:s31] =	ssyncadd.s32 $0xFFFFEC00  }
0x18d: {  	[hbm4b:s14+s3] =	stream.linear.scatter [tilespmem:s30], [sflag:$0x5], $0x1400, $0x38;
	[tilespmem:$0x1FE00] =	vst v63  }
0x18e: {  	_ =	swait.ge [sflag:s31], $0x1400  }
0x18f: {  	s29 =	sld [smem:$0x7FC]  }
0x190: {  	[sflag:s31] =	ssyncset.done $0x0  }
0x191: {  	[sflag:s31] =	ssyncadd.s32 $0xFFFFEC00  }
0x192: {  	[tilespmem:s30], [sflag:$0x5] =	stream.linear.gather [spmem:s29], $0x1400, $0x38;
	[tilespmem:$0x1FE00] =	vst v63  }
0x193: {  	_ =	swait.ge [sflag:s31], $0x1400  }
0x194: {  	[sflag:s31] =	ssyncset.done $0x0  }
0x195: {  	s9 =	rddreg [dreg:$0x17];
	[sflag:s31] =	ssyncadd.s32 $0xFFFFEC00  }
0x196: {  	[hbm4b:s9+s3] =	stream.linear.scatter [tilespmem:s30], [sflag:$0x5], $0x1400, $0x38;
	[tilespmem:$0x1FE00] =	vst v63  }
0x197: {  	_ =	swait.ge [sflag:s31], $0x1400  }
0x198: {  	s9 =	sld [smem:$0x7FD]  }
0x199: {  	[sflag:s31] =	ssyncset.done $0x0  }
0x19a: {  	[sflag:s31] =	ssyncadd.s32 $0xFFFFEC00  }
0x19b: {  	[tilespmem:s30], [sflag:$0x5] =	stream.linear.gather [spmem:s9], $0x1400, $0x38;
	[tilespmem:$0x1FE00] =	vst v63  }
0x19c: {  	_ =	swait.ge [sflag:s31], $0x1400  }
0x19d: {  	[sflag:s31] =	ssyncset.done $0x0  }
0x19e: {  	s14 =	rddreg [dreg:$0x18];
	[sflag:s31] =	ssyncadd.s32 $0xFFFFEC00  }
0x19f: {  	[hbm4b:s14+s3] =	stream.linear.scatter [tilespmem:s30], [sflag:$0x5], $0x1400, $0x38;
	[tilespmem:$0x1FE00] =	vst v63  }
0x1a0: {  	_ =	swait.ge [sflag:s31], $0x1400  }
0x1a1: {  	s14 =	sld [smem:$0x7FB]  }
0x1a2: {  	s1 =	sld [smem:$0x7F6];
	_ =	sdelay $0x1  }
0x1a3: {  	s14 =	sadd.s32 $0x1, s14  }
0x1a4: {  	p0 =	sne.s32 s14, s1  }
.Ltmp1:
0x1a5: {  	_ = 	snop;
	(pc) =	sbr.rel @p0 .LBB2_1-.Ltmp1, $3  }
0x1a6: {  	_ =	sdelay $0x1  }
0x1a7: {  	[sflag:s31] =	ssyncset.done $0x0;
	[smem:$0x7FB] =	sst s14  }
0x1a8: {  	[sflag:s31] =	ssyncadd.s32 $0xFFFFEC00;
	s14 =	rddreg [dreg:$0x1e]  }
0x1a9: {  	_ =	sfence.sel $0x180000  }
0x1aa: {  	[bflag:$0x0] =	sbarrier.arrive $0xFFFF  }
0x1ab: {  	_ =	strace $0x9000004A  }
0x1ac: {  	s0 =	stileid.u32;
	[bflag:$0x2] =	sbarrier.arrive $0xFFFF  }
0x1ad: {  	p0 =	sne.s32 s0, $0x0;
	s0 =	rddreg [dreg:$0x3]  }
0x1ae: {  	s0 =	sadd.s32 @!p0 $0x100000, s0  }
0x1af: {  	[sflag:s0] =	ssyncadd.tile.s32 @!p0 $0x1;
	_ =	shalt  }
.Lfunc_end2:
_tile_overlayer_lowered:
.L_overlay_start_2:
0x1b0: {  	(tag) =	ssettag $0x2  }
0x1b1: {  	s0 =	rddreg [dreg:$0x0];
	s2 =	stileid.u32  }
0x1b2: {  	s1 =	rddreg [dreg:$0x1];
	p0 =	sne.s32 s2, $0x0  }
0x1b3: {  	s3 =	rddreg [dreg:$0x2];
	[bflag:$0x3] =	sbarrier.arrive $0xFFFF;
	s2 =	simm.s32 @!p0 $0x1C05  }
0x1b4: {  	[timem:s3], [sflag:s2] =	dma.local @!p0 [hbm:s0], s1  }
0x1b5: {  	s0 =	simm.s32 @!p0 $0x5  }
0x1b6: {  	_ =	swait.ge @!p0 [sflag:s0], s1  }
0x1b7: {  	s1 =	ssub.s32 @!p0 $0x0, s1;
	[sflag:s0] =	ssyncset.done @!p0 $0x0  }
0x1b8: {  	[sflag:s0] =	ssyncadd.s32 @!p0 s1  }
0x1b9: {  	[bflag:$0x3] =	sbarrier.arrive $0xFFFF  }
0x1ba: {  	_ =	shalt  }

</sc_bundles>
